<compile_context>
chip_gen: v7x
topology: tpu7x:2x2x1
jax: 0.10.2.dev20260603
libtpu: 0.0.44.dev20260713+nightly
codegen_flags: <defaults>
</compile_context>

<pallas_src>
import dataclasses
import functools
import math

import jax
import jax.numpy as jnp
from jax import lax
from jax.experimental import pallas as pl
from jax.experimental.pallas import tpu as pltpu
from jax.experimental.pallas import tpu_sc as plsc

N = 10000
E = 320000
R = 8
D = 128
DK = 256
DA = 136

NC = 2
NS = 16
L = 16

BN_ = 1000
NB = N // BN_

B = 80
NBLK = N // B
KMAX = -(-NBLK // NS)

E_PER_SC = E // NC
E_PER_TILE_B = E_PER_SC // NS
E_PER_TILE_C = E // NS

_mesh = plsc.VectorSubcoreMesh(core_axis_name="c", subcore_axis_name="s")

_sc_params = pltpu.CompilerParams()
if "needs_layout_passes" in pltpu.CompilerParams.__dataclass_fields__:
    _sc_params = dataclasses.replace(_sc_params, needs_layout_passes=False)

_INV_SQRT_D = 1.0 / math.sqrt(float(D))


def _iota16():
    return lax.iota(jnp.int32, L)


def _tc1_body(nf_ref, w_ref, out_ref):
    out_ref[0] = jnp.dot(nf_ref[...], w_ref[0],
                         preferred_element_type=jnp.float32,
                         precision=lax.Precision.HIGHEST)


def _tc_hall(nf, rgcn_weight):
    return pl.pallas_call(
        _tc1_body,
        grid=(R, NB),
        in_specs=[
            pl.BlockSpec((BN_, D), lambda r, i: (i, 0)),
            pl.BlockSpec((1, D, D), lambda r, i: (r, 0, 0)),
        ],
        out_specs=pl.BlockSpec((1, BN_, D), lambda r, i: (r, i, 0)),
        out_shape=jax.ShapeDtypeStruct((R, N, D), jnp.float32),
    )(nf, rgcn_weight)


def _sc_count_body(widx_hbm, w_hbm,
                   sem, widx_v, dstv, oh_v, ibuf, crows, wfull, cnt_sp):
    c = lax.axis_index("c")
    t = lax.axis_index("s")
    iota = _iota16()
    zeros16 = jnp.zeros((L,), jnp.float32)

    @pl.loop(0, B)
    def _(r):
        oh_v[r] = zeros16

    @pl.loop(0, KMAX)
    def _(k):
        b = t + k * NS

        @pl.when(b < NBLK)
        def _():
            pltpu.sync_copy(oh_v, cnt_sp.at[pl.ds(b * B, B)])

    plsc.subcore_barrier()

    cbase = t * E_PER_TILE_C

    @pl.loop(0, E_PER_TILE_C // B)
    def _(bi):
        eb = cbase + bi * B
        pltpu.sync_copy(widx_hbm.at[pl.ds(eb, B)], widx_v)

        @pl.loop(0, B // L)
        def _(g):
            w16 = widx_v[pl.ds(g * L, L)]
            dstv[pl.ds(g * L, L)] = lax.shift_right_logical(w16, 3)
            etv = lax.bitwise_and(w16, 7)
            for l in range(L):
                oh_v[g * L + l] = jnp.where(
                    iota == jnp.broadcast_to(etv[l], (L,)), 1.0, 0.0)

        pltpu.sync_copy(oh_v, cnt_sp.at[dstv], add=True)

    plsc.subcore_barrier()

    @pl.loop(0, KMAX)
    def _(k):
        b = t + k * NS

        @pl.when(b < NBLK)
        def _():
            pltpu.sync_copy(cnt_sp.at[pl.ds(b * B, B)], ibuf)

            @pl.loop(0, B)
            def _(rr):
                ibuf[rr] = 1.0 / jnp.maximum(ibuf[rr], 1.0)

            pltpu.sync_copy(ibuf, cnt_sp.at[pl.ds(b * B, B)])

    plsc.subcore_barrier()

    wbase = c * E_PER_SC + t * E_PER_TILE_B

    @pl.loop(0, E_PER_TILE_B // B)
    def _(bi):
        eb = wbase + bi * B
        pltpu.sync_copy(widx_hbm.at[pl.ds(eb, B)], widx_v)

        @pl.loop(0, B // L)
        def _(g):
            w16 = widx_v[pl.ds(g * L, L)]
            dstv[pl.ds(g * L, L)] = lax.shift_right_logical(w16, 3)

        pltpu.async_copy(cnt_sp.at[dstv], crows, sem).wait()

        @pl.loop(0, B // L)
        def _(g):
            w16 = widx_v[pl.ds(g * L, L)]
            etv = lax.bitwise_and(w16, 7)
            wvec = zeros16
            for l in range(L):
                sel = jnp.where(
                    iota == jnp.broadcast_to(etv[l], (L,)), 1.0, 0.0)
                wl = jnp.sum(crows[g * L + l] * sel)
                wvec = wvec + jnp.where(iota == l, 1.0, 0.0) * wl
            wfull[pl.ds(g * L, L)] = wvec

        pltpu.sync_copy(wfull, w_hbm.at[pl.ds(eb, B)])


def _sc_count(widx):
    k = functools.partial(
        pl.kernel,
        mesh=_mesh,
        compiler_params=_sc_params,
        out_type=jax.ShapeDtypeStruct((E,), jnp.float32),
        scratch_types=[
            pltpu.SemaphoreType.DMA,
            pltpu.VMEM((B,), jnp.int32),
            pltpu.VMEM((B,), jnp.int32),
            pltpu.VMEM((B, L), jnp.float32),
            pltpu.VMEM((B, L), jnp.float32),
            pltpu.VMEM((B, L), jnp.float32),
            pltpu.VMEM((B,), jnp.float32),
            pltpu.VMEM_SHARED((N, L), jnp.float32),
        ],
    )(_sc_count_body)
    return k(widx)


def _sc_rgcn_body(hall_hbm, gidx_hbm, widx_hbm, w_hbm, aggp_hbm,
                  sem, rows_v, gidx_v, widx_v, dstv, wbuf, agg_sp):
    c = lax.axis_index("c")
    t = lax.axis_index("s")
    zeros16 = jnp.zeros((L,), jnp.float32)

    @pl.loop(0, B)
    def _(r):
        for cc in range(D // L):
            rows_v[r, pl.ds(cc * L, L)] = zeros16

    @pl.loop(0, KMAX)
    def _(k):
        b = t + k * NS

        @pl.when(b < NBLK)
        def _():
            pltpu.sync_copy(rows_v, agg_sp.at[pl.ds(b * B, B)])

    plsc.subcore_barrier()

    gbase = c * E_PER_SC + t * E_PER_TILE_B

    @pl.loop(0, E_PER_TILE_B // B)
    def _(bi):
        eb = gbase + bi * B
        pltpu.sync_copy(gidx_hbm.at[pl.ds(eb, B)], gidx_v)
        pltpu.sync_copy(widx_hbm.at[pl.ds(eb, B)], widx_v)
        pltpu.sync_copy(w_hbm.at[pl.ds(eb, B)], wbuf)
        pltpu.async_copy(hall_hbm.at[gidx_v], rows_v, sem).wait()

        @pl.loop(0, B // L)
        def _(g):
            w16 = widx_v[pl.ds(g * L, L)]
            dstv[pl.ds(g * L, L)] = lax.shift_right_logical(w16, 3)

        @pl.loop(0, B // L)
        def _(g):
            w16 = wbuf[pl.ds(g * L, L)]
            for l in range(L):
                wspl = jnp.broadcast_to(w16[l], (L,))
                for cc in range(D // L):
                    rows_v[g * L + l, pl.ds(cc * L, L)] = (
                        rows_v[g * L + l, pl.ds(cc * L, L)] * wspl)

        pltpu.sync_copy(rows_v, agg_sp.at[dstv], add=True)

    plsc.subcore_barrier()

    @pl.loop(0, KMAX)
    def _(k):
        b = t + k * NS

        @pl.when(b < NBLK)
        def _():
            pltpu.sync_copy(agg_sp.at[pl.ds(b * B, B)], rows_v)
            pltpu.sync_copy(rows_v, aggp_hbm.at[c, pl.ds(b * B, B)])


def _sc_rgcn(hall2, gidx, widx, w):
    k = functools.partial(
        pl.kernel,
        mesh=_mesh,
        compiler_params=_sc_params,
        out_type=jax.ShapeDtypeStruct((NC, N, D), jnp.float32),
        scratch_types=[
            pltpu.SemaphoreType.DMA,
            pltpu.VMEM((B, D), jnp.float32),
            pltpu.VMEM((B,), jnp.int32),
            pltpu.VMEM((B,), jnp.int32),
            pltpu.VMEM((B,), jnp.int32),
            pltpu.VMEM((B,), jnp.float32),
            pltpu.VMEM_SHARED((N, D), jnp.float32),
        ],
    )(_sc_rgcn_body)
    return k(hall2, gidx, widx, w)


def _tc2_body(aggp_ref, nf_ref, root_ref, bias_ref, wq_ref, bq_ref,
              wk_ref, bk_ref, wv_ref, bv_ref, ws_ref, bs_ref,
              q_ref, k_ref, v_ref, skip_ref):
    dot = functools.partial(jnp.dot, preferred_element_type=jnp.float32,
                            precision=lax.Precision.HIGHEST)
    x = (aggp_ref[0] + aggp_ref[1] + dot(nf_ref[...], root_ref[...])
         + bias_ref[...])
    q_ref[...] = dot(x, wq_ref[...]) + bq_ref[...]
    k_ref[...] = dot(x, wk_ref[...]) + bk_ref[...]
    v_ref[...] = dot(x, wv_ref[...]) + bv_ref[...]
    skip_ref[...] = dot(x, ws_ref[...]) + bs_ref[...]


def _tc_qkv(aggp, nf, root, bias, Wq, bq, Wk, bk, Wv, bv, Ws, bs):
    full = pl.BlockSpec((D, D), lambda i: (0, 0))
    vec = pl.BlockSpec((1, D), lambda i: (0, 0))
    blk = pl.BlockSpec((BN_, D), lambda i: (i, 0))
    return pl.pallas_call(
        _tc2_body,
        grid=(NB,),
        in_specs=[pl.BlockSpec((NC, BN_, D), lambda i: (0, i, 0)),
                  blk, full, vec, full, vec, full, vec, full, vec, full, vec],
        out_specs=[blk, blk, blk, blk],
        out_shape=[jax.ShapeDtypeStruct((N, D), jnp.float32),
                   jax.ShapeDtypeStruct((N, D), jnp.float32),
                   jax.ShapeDtypeStruct((N, D), jnp.float32),
                   jax.ShapeDtypeStruct((N, D), jnp.float32)],
    )(aggp, nf, root, bias.reshape(1, D), Wq, bq.reshape(1, D),
      Wk, bk.reshape(1, D), Wv, bv.reshape(1, D), Ws, bs.reshape(1, D))


def _sc_attn_body(q_hbm, k_hbm, v_hbm, src_hbm, dst_hbm,
                  nump_hbm, denp_hbm,
                  sem, sem2, qrows, krows, esb, srcv, dstv,
                  num_sp, den_sp):
    c = lax.axis_index("c")
    t = lax.axis_index("s")
    iota = _iota16()
    oh0 = jnp.where(iota == 0, 1.0, 0.0).astype(jnp.float32)
    zeros16 = jnp.zeros((L,), jnp.float32)

    @pl.loop(0, B)
    def _(r):
        esb[r] = zeros16
        for cc in range(D // L):
            qrows[r, pl.ds(cc * L, L)] = zeros16

    @pl.loop(0, KMAX)
    def _(k):
        b = t + k * NS

        @pl.when(b < NBLK)
        def _():
            pltpu.sync_copy(qrows, num_sp.at[pl.ds(b * B, B)])
            pltpu.sync_copy(esb, den_sp.at[pl.ds(b * B, B)])

    plsc.subcore_barrier()

    ebase = c * E_PER_SC + t * E_PER_TILE_B

    @pl.loop(0, E_PER_TILE_B // B)
    def _(bi):
        eb = ebase + bi * B
        pltpu.sync_copy(src_hbm.at[pl.ds(eb, B)], srcv)
        pltpu.sync_copy(dst_hbm.at[pl.ds(eb, B)], dstv)
        cp1 = pltpu.async_copy(q_hbm.at[dstv], qrows, sem)
        cp2 = pltpu.async_copy(k_hbm.at[srcv], krows, sem2)
        cp1.wait()
        cp2.wait()

        @pl.loop(0, B)
        def _(e):
            acc = qrows[e, pl.ds(0, L)] * krows[e, pl.ds(0, L)]
            for cc in range(1, D // L):
                acc = acc + (qrows[e, pl.ds(cc * L, L)]
                             * krows[e, pl.ds(cc * L, L)])
            s = jnp.sum(acc) * _INV_SQRT_D
            esb[e] = jnp.exp(jnp.broadcast_to(s, (L,))) * oh0

        pltpu.async_copy(v_hbm.at[srcv], krows, sem2).wait()

        @pl.loop(0, B)
        def _(e):
            espl = jnp.broadcast_to(esb[e][0], (L,))
            for cc in range(D // L):
                krows[e, pl.ds(cc * L, L)] = (
                    krows[e, pl.ds(cc * L, L)] * espl)

        pltpu.sync_copy(krows, num_sp.at[dstv], add=True)
        pltpu.sync_copy(esb, den_sp.at[dstv], add=True)

    plsc.subcore_barrier()

    @pl.loop(0, KMAX)
    def _(k):
        b = t + k * NS

        @pl.when(b < NBLK)
        def _():
            pltpu.sync_copy(num_sp.at[pl.ds(b * B, B)], qrows)
            pltpu.sync_copy(qrows, nump_hbm.at[c, pl.ds(b * B, B)])
            pltpu.sync_copy(den_sp.at[pl.ds(b * B, B)], esb)
            pltpu.sync_copy(esb, denp_hbm.at[c, pl.ds(b * B, B)])


def _sc_attn(q, kk, vv, src, dst):
    k = functools.partial(
        pl.kernel,
        mesh=_mesh,
        compiler_params=_sc_params,
        out_type=(jax.ShapeDtypeStruct((NC, N, D), jnp.float32),
                  jax.ShapeDtypeStruct((NC, N, L), jnp.float32)),
        scratch_types=[
            pltpu.SemaphoreType.DMA,
            pltpu.SemaphoreType.DMA,
            pltpu.VMEM((B, D), jnp.float32),
            pltpu.VMEM((B, D), jnp.float32),
            pltpu.VMEM((B, L), jnp.float32),
            pltpu.VMEM((B,), jnp.int32),
            pltpu.VMEM((B,), jnp.int32),
            pltpu.VMEM_SHARED((N, D), jnp.float32),
            pltpu.VMEM_SHARED((N, L), jnp.float32),
        ],
    )(_sc_attn_body)
    return k(q, kk, vv, src, dst)


def _tc3_body(nump_ref, denp_ref, skip_ref, pre_ref, stats_ref):
    s = nump_ref[0] + nump_ref[1]
    den = jnp.maximum(denp_ref[0, :, 0:1] + denp_ref[1, :, 0:1], 1e-16)
    pre = s / den + skip_ref[...]
    pre_ref[...] = pre
    stats_ref[0, 0] = jnp.sum(pre, axis=0)
    stats_ref[0, 1] = jnp.sum(pre * pre, axis=0)


def _tc_pre(nump, denp, skip):
    return pl.pallas_call(
        _tc3_body,
        grid=(NB,),
        in_specs=[pl.BlockSpec((NC, BN_, D), lambda i: (0, i, 0)),
                  pl.BlockSpec((NC, BN_, L), lambda i: (0, i, 0)),
                  pl.BlockSpec((BN_, D), lambda i: (i, 0))],
        out_specs=[pl.BlockSpec((BN_, D), lambda i: (i, 0)),
                   pl.BlockSpec((1, 2, D), lambda i: (i, 0, 0))],
        out_shape=[jax.ShapeDtypeStruct((N, D), jnp.float32),
                   jax.ShapeDtypeStruct((NB, 2, D), jnp.float32)],
    )(nump, denp, skip)


def _tc4_body(stats_ref, pre_ref, g_ref, b_ref, out_ref):
    mu = jnp.sum(stats_ref[:, 0, :], axis=0) * (1.0 / N)
    msq = jnp.sum(stats_ref[:, 1, :], axis=0) * (1.0 / N)
    var = msq - mu * mu
    rstd = lax.rsqrt(var + 1e-5)
    y = (pre_ref[...] - mu) * (rstd * g_ref[...]) + b_ref[...]
    out_ref[...] = jnp.where(y >= 0, y, 0.01 * y)


def _tc_bn(pre, stats, gamma, beta):
    return pl.pallas_call(
        _tc4_body,
        grid=(NB,),
        in_specs=[pl.BlockSpec((NB, 2, D), lambda i: (0, 0, 0)),
                  pl.BlockSpec((BN_, D), lambda i: (i, 0)),
                  pl.BlockSpec((1, D), lambda i: (0, 0)),
                  pl.BlockSpec((1, D), lambda i: (0, 0))],
        out_specs=pl.BlockSpec((BN_, D), lambda i: (i, 0)),
        out_shape=jax.ShapeDtypeStruct((N, D), jnp.float32),
    )(stats, pre, gamma.reshape(1, D), beta.reshape(1, D))


def kernel(node_features, edge_index, edge_type, rgcn_weight, rgcn_root,
           rgcn_bias, Wq, bq, Wk, bk, Wv, bv, Wskip, bskip,
           bn_gamma, bn_beta):
    src = edge_index[0].astype(jnp.int32)
    dst = edge_index[1].astype(jnp.int32)
    et = edge_type.astype(jnp.int32)
    gidx = et * N + src
    widx = dst * 8 + et

    w = _sc_count(widx)
    hall = _tc_hall(node_features, rgcn_weight).reshape(R * N, D)
    agg = jnp.zeros((N, D), jnp.float32).at[dst].add(hall[gidx] * w[:, None])
    aggp = jnp.stack([agg, jnp.zeros((N, D), jnp.float32)])
    q, kk, vv, skip = _tc_qkv(aggp, node_features, rgcn_root, rgcn_bias,
                              Wq, bq, Wk, bk, Wv, bv, Wskip, bskip)
    s_ = (q[dst] * kk[src]).sum(-1) * _INV_SQRT_D
    es = jnp.exp(s_)
    num = jnp.zeros((N, D), jnp.float32).at[dst].add(es[:, None] * vv[src])
    den = jnp.zeros((N,), jnp.float32).at[dst].add(es)
    nump = jnp.stack([num, jnp.zeros((N, D), jnp.float32)])
    denp = jnp.zeros((NC, N, L), jnp.float32).at[0, :, 0].set(den)
    pre, stats = _tc_pre(nump, denp, skip)
    return _tc_bn(pre, stats, bn_gamma, bn_beta)

# --- scband reference (transcript-rebuilt; emitter-appended) ---
"""Pipeline reference for scband-gnn-29764123361492 (READ-ONLY COPY).

The authoritative reference and input builder live on the scoring server;
editing this copy changes nothing except your own understanding.
"""

import jax, jax.numpy as jnp
import numpy as np

N = 10000
E = 320000
R = 8          # num_relations = 2 * n_speakers**2
G = 128        # g_dim
H1 = 128       # h1_dim
H2 = 128       # h2_dim * gnn_nheads (heads=1, concat)


def setup_inputs(seed: int = 0) -> dict:
    key = jax.random.key(seed)
    ks = jax.random.split(key, 16)
    node_features = jax.random.normal(ks[0], (N, G), dtype=jnp.float32)
    edge_index = jax.random.randint(ks[1], (2, E), 0, N)
    edge_type = jax.random.randint(ks[2], (E,), 0, R)
    s = 0.05
    params = {
        'rgcn_weight': jax.random.normal(ks[3], (R, G, H1), jnp.float32) * s,
        'rgcn_root':   jax.random.normal(ks[4], (G, H1), jnp.float32) * s,
        'rgcn_bias':   jnp.zeros((H1,), jnp.float32),
        'Wq': jax.random.normal(ks[5], (H1, H2), jnp.float32) * s,
        'bq': jnp.zeros((H2,), jnp.float32),
        'Wk': jax.random.normal(ks[6], (H1, H2), jnp.float32) * s,
        'bk': jnp.zeros((H2,), jnp.float32),
        'Wv': jax.random.normal(ks[7], (H1, H2), jnp.float32) * s,
        'bv': jnp.zeros((H2,), jnp.float32),
        'Wskip': jax.random.normal(ks[8], (H1, H2), jnp.float32) * s,
        'bskip': jnp.zeros((H2,), jnp.float32),
        'bn_gamma': jnp.ones((H2,), jnp.float32),
        'bn_beta':  jnp.zeros((H2,), jnp.float32),
    }
    return {'node_features': node_features, 'edge_index': edge_index, 'edge_type': edge_type, **params}


def reference(node_features, edge_index, edge_type, rgcn_weight, rgcn_root, rgcn_bias,
              Wq, bq, Wk, bk, Wv, bv, Wskip, bskip, bn_gamma, bn_beta):
    src = edge_index[0]
    dst = edge_index[1]

    # ---- RGCNConv (per-relation mean aggregation + root weight + bias) ----
    h_all = jnp.einsum('nf,rfh->rnh', node_features, rgcn_weight)  # [R, N, H1]
    msg = h_all[edge_type, src]                                    # [E, H1] gather
    seg = dst * R + edge_type                                      # composite (node, relation) segments
    sums = jax.ops.segment_sum(msg, seg, num_segments=N * R)
    cnts = jax.ops.segment_sum(jnp.ones((E, 1), jnp.float32), seg, num_segments=N * R)
    mean = jnp.where(cnts > 0, sums / jnp.maximum(cnts, 1.0), 0.0)
    agg = mean.reshape(N, R, H1).sum(axis=1)
    x = agg + node_features @ rgcn_root + rgcn_bias                # [N, H1]

    # ---- TransformerConv (heads=1, concat=True, root_weight=True) ----
    q = x @ Wq + bq
    k = x @ Wk + bk
    v = x @ Wv + bv
    score = (q[dst] * k[src]).sum(axis=-1) / jnp.sqrt(jnp.float32(H2))  # [E]
    m = jax.ops.segment_max(score, dst, num_segments=N)
    ex = jnp.exp(score - m[dst])
    denom = jax.ops.segment_sum(ex, dst, num_segments=N)
    alpha = ex / jnp.maximum(denom[dst], 1e-16)
    out = jax.ops.segment_sum(alpha[:, None] * v[src], dst, num_segments=N)
    out = out + x @ Wskip + bskip                                  # [N, H2]

    # ---- BatchNorm1d (training-mode batch stats, eps=1e-5) ----
    mu = out.mean(axis=0)
    var = out.var(axis=0)
    out = (out - mu) / jnp.sqrt(var + 1e-5) * bn_gamma + bn_beta

    # ---- LeakyReLU (negative_slope=0.01) ----
    return jnp.where(out >= 0, out, 0.01 * out)

if __name__ == "__main__":
    import jax
    _d = setup_inputs()
    print(jax.jit(kernel)(*tuple(_d.values())))

</pallas_src>

<mosaic_0001>
#map = affine_map<(d0, d1) -> (0)>
module attributes {stable_mosaic.version = 14 : i64} {
  func.func @_sc_count_body(%arg0: i32, %arg1: i32, %arg2: memref<320000xi32, #tpu.memory_space<hbm>>, %arg3: memref<320000xf32, #tpu.memory_space<hbm>>, %arg4: memref<!tpu.dma_semaphore, #tpu.memory_space<semaphore_mem>>, %arg5: memref<80xi32, #tpu.memory_space<vmem>>, %arg6: memref<80xi32, #tpu.memory_space<vmem>>, %arg7: memref<80x16xf32, #tpu.memory_space<vmem>>, %arg8: memref<80x16xf32, #tpu.memory_space<vmem>>, %arg9: memref<80x16xf32, #tpu.memory_space<vmem>>, %arg10: memref<80xf32, #tpu.memory_space<vmem>>, %arg11: memref<10000x16xf32, #tpu.memory_space<vmem_shared>>) attributes {dimension_semantics = [#tpu.dimension_semantics<core_parallel>, #tpu.dimension_semantics<subcore_parallel>], iteration_bounds = array<i64: 2, 16>, scalar_prefetch = 0 : i64, scratch_operands = 8 : i64, tpu.core_type = #tpu.core_type<sc_vector_subcore>, window_params = [{transform_indices = #map}, {transform_indices = #map}]} {
    %iota3A = tpu.iota {dimensions = array<i32: 0>} : vector<16xi32>
    %broadcast_in_dim3A = arith.constant 0.000000e+00 : f32
    %broadcast_in_dim3A_0 = vector.broadcast %broadcast_in_dim3A : f32 to vector<16xf32>
    %scan3A = arith.constant 0 : i32
    %scan3A_1 = arith.constant 80 : i32
    %scan3A_2 = arith.addi %scan3A, %scan3A_1 : i32
    %scan3A_3 = arith.constant 1 : i32
    scf.for %scan3A_32 = %scan3A to %scan3A_2 step %scan3A_3  : i32 {
      %mul3A_33 = arith.constant 1 : i32
      %mul3A_34 = arith.muli %scan3A_32, %mul3A_33 : i32
      %add3A_35 = arith.constant 0 : i32
      %add3A_36 = arith.addi %add3A_35, %mul3A_34 : i32
      %swap3A = arith.index_cast %add3A_36 : i32 to index
      %swap3A_37 = arith.constant 0 : index
      %swap3A_38 = tpu.vector_load %arg7[%swap3A, %swap3A_37] {strides = array<i32>} : memref<80x16xf32, #tpu.memory_space<vmem>>, vector<16xf32>,
      tpu.vector_store %arg7[%swap3A, %swap3A_37], %broadcast_in_dim3A_0 {strides = array<i32>} : memref<80x16xf32, #tpu.memory_space<vmem>>, vector<16xf32>,
    }
    %scan3A_4 = arith.constant 80 : i32
    %scan3A_5 = arith.constant 0 : i32
    %scan3A_6 = arith.constant 8 : i32
    %scan3A_7 = arith.addi %scan3A_5, %scan3A_6 : i32
    %scan3A_8 = arith.constant 1 : i32
    scf.for %scan3A_32 = %scan3A_5 to %scan3A_7 step %scan3A_8  : i32 {
      %mul3A_33 = arith.constant 1 : i32
      %mul3A_34 = arith.muli %scan3A_32, %mul3A_33 : i32
      %add3A_35 = arith.constant 0 : i32
      %add3A_36 = arith.addi %add3A_35, %mul3A_34 : i32
      %mul3A_37 = arith.constant 16 : i32
      %mul3A_38 = arith.muli %add3A_36, %mul3A_37 : i32
      %add3A_39 = arith.addi %arg1, %mul3A_38 : i32
      %lt3A = arith.constant 125 : i32
      %lt3A_40 = arith.cmpi slt, %add3A_39, %lt3A : i32
      %convert_element_type3A = arith.extui %lt3A_40 : i1 to i32
      %cond3A = arith.constant 0 : i32
      %cond3A_41 = arith.cmpi ne, %convert_element_type3A, %cond3A : i32
      scf.if %cond3A_41 {
        %mul3A_42 = arith.constant 80 : i32
        %mul3A_43 = arith.muli %add3A_39, %mul3A_42 : i32
        "tpu.region"() ({
          %run_scoped3A = tpu.sem_alloc : memref<!tpu.dma_semaphore, #tpu.memory_space<semaphore_mem>>
          %dma_start3A = arith.constant 0 : i32
          %dma_start3A_44 = tpu.memref_slice %arg11[%mul3A_43, %dma_start3A] : memref<10000x16xf32, #tpu.memory_space<vmem_shared>> -> memref<80x16xf32, #tpu.memory_space<vmem_shared>>
          %dma_start3A_45 = arith.constant 0 : i32
          %dma_start3A_46 = tpu.memref_slice %arg11[%mul3A_43, %dma_start3A_45] : memref<10000x16xf32, #tpu.memory_space<vmem_shared>> -> memref<80x16xf32, #tpu.memory_space<vmem_shared>>
          tpu.enqueue_dma source(%arg7 : memref<80x16xf32, #tpu.memory_space<vmem>>) target(%dma_start3A_46 : memref<80x16xf32, #tpu.memory_space<vmem_shared>>) target_semaphore(%run_scoped3A : memref<!tpu.dma_semaphore, #tpu.memory_space<semaphore_mem>>)
          %dma_wait3A = arith.constant 0 : i32
          %dma_wait3A_47 = tpu.memref_slice %arg11[%mul3A_43, %dma_wait3A] : memref<10000x16xf32, #tpu.memory_space<vmem_shared>> -> memref<80x16xf32, #tpu.memory_space<vmem_shared>>
          %dma_wait3A_48 = arith.constant 0 : i32
          %dma_wait3A_49 = tpu.memref_slice %arg11[%mul3A_43, %dma_wait3A_48] : memref<10000x16xf32, #tpu.memory_space<vmem_shared>> -> memref<80x16xf32, #tpu.memory_space<vmem_shared>>
          tpu.wait_dma2 semaphore(%run_scoped3A : memref<!tpu.dma_semaphore, #tpu.memory_space<semaphore_mem>>) src(%arg7 : memref<80x16xf32, #tpu.memory_space<vmem>>) dst(%dma_wait3A_49 : memref<80x16xf32, #tpu.memory_space<vmem_shared>>)
          tpu.yield
        }) : () -> ()
      } else {
      }
    }
    %scan3A_9 = arith.constant 8 : i32
    %barrier3A = arith.constant 0 : index
    tpu.barrier barrier_id(%barrier3A)
    %mul3A = arith.constant 20000 : i32
    %mul3A_10 = arith.muli %arg1, %mul3A : i32
    %scan3A_11 = arith.constant 0 : i32
    %scan3A_12 = arith.constant 250 : i32
    %scan3A_13 = arith.addi %scan3A_11, %scan3A_12 : i32
    %scan3A_14 = arith.constant 1 : i32
    scf.for %scan3A_32 = %scan3A_11 to %scan3A_13 step %scan3A_14  : i32 {
      %mul3A_33 = arith.constant 1 : i32
      %mul3A_34 = arith.muli %scan3A_32, %mul3A_33 : i32
      %add3A_35 = arith.constant 0 : i32
      %add3A_36 = arith.addi %add3A_35, %mul3A_34 : i32
      %mul3A_37 = arith.constant 80 : i32
      %mul3A_38 = arith.muli %add3A_36, %mul3A_37 : i32
      %add3A_39 = arith.addi %mul3A_10, %mul3A_38 : i32
      "tpu.region"() ({
        %run_scoped3A = tpu.sem_alloc : memref<!tpu.dma_semaphore, #tpu.memory_space<semaphore_mem>>
        %dma_start3A = tpu.memref_slice %arg2[%add3A_39] : memref<320000xi32, #tpu.memory_space<hbm>> -> memref<80xi32, #tpu.memory_space<hbm>>
        %dma_start3A_45 = tpu.memref_slice %arg2[%add3A_39] : memref<320000xi32, #tpu.memory_space<hbm>> -> memref<80xi32, #tpu.memory_space<hbm>>
        tpu.enqueue_dma source(%dma_start3A_45 : memref<80xi32, #tpu.memory_space<hbm>>) target(%arg5 : memref<80xi32, #tpu.memory_space<vmem>>) target_semaphore(%run_scoped3A : memref<!tpu.dma_semaphore, #tpu.memory_space<semaphore_mem>>)
        %dma_wait3A = tpu.memref_slice %arg2[%add3A_39] : memref<320000xi32, #tpu.memory_space<hbm>> -> memref<80xi32, #tpu.memory_space<hbm>>
        %dma_wait3A_46 = tpu.memref_slice %arg2[%add3A_39] : memref<320000xi32, #tpu.memory_space<hbm>> -> memref<80xi32, #tpu.memory_space<hbm>>
        tpu.wait_dma2 semaphore(%run_scoped3A : memref<!tpu.dma_semaphore, #tpu.memory_space<semaphore_mem>>) src(%dma_wait3A_46 : memref<80xi32, #tpu.memory_space<hbm>>) dst(%arg5 : memref<80xi32, #tpu.memory_space<vmem>>)
        tpu.yield
      }) : () -> ()
      %scan3A_40 = arith.constant 0 : i32
      %scan3A_41 = arith.constant 5 : i32
      %scan3A_42 = arith.addi %scan3A_40, %scan3A_41 : i32
      %scan3A_43 = arith.constant 1 : i32
      scf.for %scan3A_45 = %scan3A_40 to %scan3A_42 step %scan3A_43  : i32 {
        %mul3A_46 = arith.constant 1 : i32
        %mul3A_47 = arith.muli %scan3A_45, %mul3A_46 : i32
        %add3A_48 = arith.constant 0 : i32
        %add3A_49 = arith.addi %add3A_48, %mul3A_47 : i32
        %mul3A_50 = arith.constant 16 : i32
        %mul3A_51 = arith.muli %add3A_49, %mul3A_50 : i32
        %get3A = arith.index_cast %mul3A_51 : i32 to index
        %get3A_52 = tpu.vector_load %arg5[%get3A] {strides = array<i32>} : memref<80xi32, #tpu.memory_space<vmem>>, vector<16xi32>,
        %shift_right_logical3A = arith.constant 3 : i32
        %shift_right_logical3A_53 = vector.broadcast %shift_right_logical3A : i32 to vector<16xi32>
        %shift_right_logical3A_54 = arith.shrui %get3A_52, %shift_right_logical3A_53 : vector<16xi32>
        %mul3A_55 = arith.constant 16 : i32
        %mul3A_56 = arith.muli %add3A_49, %mul3A_55 : i32
        %swap3A = arith.index_cast %mul3A_56 : i32 to index
        %swap3A_57 = tpu.vector_load %arg6[%swap3A] {strides = array<i32>} : memref<80xi32, #tpu.memory_space<vmem>>, vector<16xi32>,
        tpu.vector_store %arg6[%swap3A], %shift_right_logical3A_54 {strides = array<i32>} : memref<80xi32, #tpu.memory_space<vmem>>, vector<16xi32>,
        %and3A = arith.constant 7 : i32
        %and3A_58 = vector.broadcast %and3A : i32 to vector<16xi32>
        %and3A_59 = arith.andi %get3A_52, %and3A_58 : vector<16xi32>
        %slice3A = vector.extract_strided_slice %and3A_59 {offsets = [0], sizes = [1], strides = [1]} : vector<16xi32> to vector<1xi32>
        %squeeze3A = vector.extract %slice3A[0] : i32 from vector<1xi32>
        %broadcast_in_dim3A_60 = vector.broadcast %squeeze3A : i32 to vector<16xi32>
        %eq3A = arith.cmpi eq, %iota3A, %broadcast_in_dim3A_60 : vector<16xi32>
        %jit3A = arith.constant 1.000000e+00 : f32
        %jit3A_61 = arith.constant 0.000000e+00 : f32
        %broadcast_in_dim3A_62 = vector.broadcast %jit3A : f32 to vector<16xf32>
        %broadcast_in_dim3A_63 = vector.broadcast %jit3A_61 : f32 to vector<16xf32>
        %select_n3A = arith.select %eq3A, %broadcast_in_dim3A_62, %broadcast_in_dim3A_63 : vector<16xi1>, vector<16xf32>
        %mul3A_64 = arith.constant 16 : i32
        %mul3A_65 = arith.muli %add3A_49, %mul3A_64 : i32
        %add3A_66 = arith.constant 0 : i32
        %add3A_67 = arith.addi %mul3A_65, %add3A_66 : i32
        %swap3A_68 = arith.index_cast %add3A_67 : i32 to index
        %swap3A_69 = arith.constant 0 : index
        %swap3A_70 = tpu.vector_load %arg7[%swap3A_68, %swap3A_69] {strides = array<i32>} : memref<80x16xf32, #tpu.memory_space<vmem>>, vector<16xf32>,
        tpu.vector_store %arg7[%swap3A_68, %swap3A_69], %select_n3A {strides = array<i32>} : memref<80x16xf32, #tpu.memory_space<vmem>>, vector<16xf32>,
        %slice3A_71 = vector.extract_strided_slice %and3A_59 {offsets = [1], sizes = [1], strides = [1]} : vector<16xi32> to vector<1xi32>
        %squeeze3A_72 = vector.extract %slice3A_71[0] : i32 from vector<1xi32>
        %broadcast_in_dim3A_73 = vector.broadcast %squeeze3A_72 : i32 to vector<16xi32>
        %eq3A_74 = arith.cmpi eq, %iota3A, %broadcast_in_dim3A_73 : vector<16xi32>
        %jit3A_75 = arith.constant 1.000000e+00 : f32
        %jit3A_76 = arith.constant 0.000000e+00 : f32
        %broadcast_in_dim3A_77 = vector.broadcast %jit3A_75 : f32 to vector<16xf32>
        %broadcast_in_dim3A_78 = vector.broadcast %jit3A_76 : f32 to vector<16xf32>
        %select_n3A_79 = arith.select %eq3A_74, %broadcast_in_dim3A_77, %broadcast_in_dim3A_78 : vector<16xi1>, vector<16xf32>
        %mul3A_80 = arith.constant 16 : i32
        %mul3A_81 = arith.muli %add3A_49, %mul3A_80 : i32
        %add3A_82 = arith.constant 1 : i32
        %add3A_83 = arith.addi %mul3A_81, %add3A_82 : i32
        %swap3A_84 = arith.index_cast %add3A_83 : i32 to index
        %swap3A_85 = arith.constant 0 : index
        %swap3A_86 = tpu.vector_load %arg7[%swap3A_84, %swap3A_85] {strides = array<i32>} : memref<80x16xf32, #tpu.memory_space<vmem>>, vector<16xf32>,
        tpu.vector_store %arg7[%swap3A_84, %swap3A_85], %select_n3A_79 {strides = array<i32>} : memref<80x16xf32, #tpu.memory_space<vmem>>, vector<16xf32>,
        %slice3A_87 = vector.extract_strided_slice %and3A_59 {offsets = [2], sizes = [1], strides = [1]} : vector<16xi32> to vector<1xi32>
        %squeeze3A_88 = vector.extract %slice3A_87[0] : i32 from vector<1xi32>
        %broadcast_in_dim3A_89 = vector.broadcast %squeeze3A_88 : i32 to vector<16xi32>
        %eq3A_90 = arith.cmpi eq, %iota3A, %broadcast_in_dim3A_89 : vector<16xi32>
        %jit3A_91 = arith.constant 1.000000e+00 : f32
        %jit3A_92 = arith.constant 0.000000e+00 : f32
        %broadcast_in_dim3A_93 = vector.broadcast %jit3A_91 : f32 to vector<16xf32>
        %broadcast_in_dim3A_94 = vector.broadcast %jit3A_92 : f32 to vector<16xf32>
        %select_n3A_95 = arith.select %eq3A_90, %broadcast_in_dim3A_93, %broadcast_in_dim3A_94 : vector<16xi1>, vector<16xf32>
        %mul3A_96 = arith.constant 16 : i32
        %mul3A_97 = arith.muli %add3A_49, %mul3A_96 : i32
        %add3A_98 = arith.constant 2 : i32
        %add3A_99 = arith.addi %mul3A_97, %add3A_98 : i32
        %swap3A_100 = arith.index_cast %add3A_99 : i32 to index
        %swap3A_101 = arith.constant 0 : index
        %swap3A_102 = tpu.vector_load %arg7[%swap3A_100, %swap3A_101] {strides = array<i32>} : memref<80x16xf32, #tpu.memory_space<vmem>>, vector<16xf32>,
        tpu.vector_store %arg7[%swap3A_100, %swap3A_101], %select_n3A_95 {strides = array<i32>} : memref<80x16xf32, #tpu.memory_space<vmem>>, vector<16xf32>,
        %slice3A_103 = vector.extract_strided_slice %and3A_59 {offsets = [3], sizes = [1], strides = [1]} : vector<16xi32> to vector<1xi32>
        %squeeze3A_104 = vector.extract %slice3A_103[0] : i32 from vector<1xi32>
        %broadcast_in_dim3A_105 = vector.broadcast %squeeze3A_104 : i32 to vector<16xi32>
        %eq3A_106 = arith.cmpi eq, %iota3A, %broadcast_in_dim3A_105 : vector<16xi32>
        %jit3A_107 = arith.constant 1.000000e+00 : f32
        %jit3A_108 = arith.constant 0.000000e+00 : f32
        %broadcast_in_dim3A_109 = vector.broadcast %jit3A_107 : f32 to vector<16xf32>
        %broadcast_in_dim3A_110 = vector.broadcast %jit3A_108 : f32 to vector<16xf32>
        %select_n3A_111 = arith.select %eq3A_106, %broadcast_in_dim3A_109, %broadcast_in_dim3A_110 : vector<16xi1>, vector<16xf32>
        %mul3A_112 = arith.constant 16 : i32
        %mul3A_113 = arith.muli %add3A_49, %mul3A_112 : i32
        %add3A_114 = arith.constant 3 : i32
        %add3A_115 = arith.addi %mul3A_113, %add3A_114 : i32
        %swap3A_116 = arith.index_cast %add3A_115 : i32 to index
        %swap3A_117 = arith.constant 0 : index
        %swap3A_118 = tpu.vector_load %arg7[%swap3A_116, %swap3A_117] {strides = array<i32>} : memref<80x16xf32, #tpu.memory_space<vmem>>, vector<16xf32>,
        tpu.vector_store %arg7[%swap3A_116, %swap3A_117], %select_n3A_111 {strides = array<i32>} : memref<80x16xf32, #tpu.memory_space<vmem>>, vector<16xf32>,
        %slice3A_119 = vector.extract_strided_slice %and3A_59 {offsets = [4], sizes = [1], strides = [1]} : vector<16xi32> to vector<1xi32>
        %squeeze3A_120 = vector.extract %slice3A_119[0] : i32 from vector<1xi32>
        %broadcast_in_dim3A_121 = vector.broadcast %squeeze3A_120 : i32 to vector<16xi32>
        %eq3A_122 = arith.cmpi eq, %iota3A, %broadcast_in_dim3A_121 : vector<16xi32>
        %jit3A_123 = arith.constant 1.000000e+00 : f32
        %jit3A_124 = arith.constant 0.000000e+00 : f32
        %broadcast_in_dim3A_125 = vector.broadcast %jit3A_123 : f32 to vector<16xf32>
        %broadcast_in_dim3A_126 = vector.broadcast %jit3A_124 : f32 to vector<16xf32>
        %select_n3A_127 = arith.select %eq3A_122, %broadcast_in_dim3A_125, %broadcast_in_dim3A_126 : vector<16xi1>, vector<16xf32>
        %mul3A_128 = arith.constant 16 : i32
        %mul3A_129 = arith.muli %add3A_49, %mul3A_128 : i32
        %add3A_130 = arith.constant 4 : i32
        %add3A_131 = arith.addi %mul3A_129, %add3A_130 : i32
        %swap3A_132 = arith.index_cast %add3A_131 : i32 to index
        %swap3A_133 = arith.constant 0 : index
        %swap3A_134 = tpu.vector_load %arg7[%swap3A_132, %swap3A_133] {strides = array<i32>} : memref<80x16xf32, #tpu.memory_space<vmem>>, vector<16xf32>,
        tpu.vector_store %arg7[%swap3A_132, %swap3A_133], %select_n3A_127 {strides = array<i32>} : memref<80x16xf32, #tpu.memory_space<vmem>>, vector<16xf32>,
        %slice3A_135 = vector.extract_strided_slice %and3A_59 {offsets = [5], sizes = [1], strides = [1]} : vector<16xi32> to vector<1xi32>
        %squeeze3A_136 = vector.extract %slice3A_135[0] : i32 from vector<1xi32>
        %broadcast_in_dim3A_137 = vector.broadcast %squeeze3A_136 : i32 to vector<16xi32>
        %eq3A_138 = arith.cmpi eq, %iota3A, %broadcast_in_dim3A_137 : vector<16xi32>
        %jit3A_139 = arith.constant 1.000000e+00 : f32
        %jit3A_140 = arith.constant 0.000000e+00 : f32
        %broadcast_in_dim3A_141 = vector.broadcast %jit3A_139 : f32 to vector<16xf32>
        %broadcast_in_dim3A_142 = vector.broadcast %jit3A_140 : f32 to vector<16xf32>
        %select_n3A_143 = arith.select %eq3A_138, %broadcast_in_dim3A_141, %broadcast_in_dim3A_142 : vector<16xi1>, vector<16xf32>
        %mul3A_144 = arith.constant 16 : i32
        %mul3A_145 = arith.muli %add3A_49, %mul3A_144 : i32
        %add3A_146 = arith.constant 5 : i32
        %add3A_147 = arith.addi %mul3A_145, %add3A_146 : i32
        %swap3A_148 = arith.index_cast %add3A_147 : i32 to index
        %swap3A_149 = arith.constant 0 : index
        %swap3A_150 = tpu.vector_load %arg7[%swap3A_148, %swap3A_149] {strides = array<i32>} : memref<80x16xf32, #tpu.memory_space<vmem>>, vector<16xf32>,
        tpu.vector_store %arg7[%swap3A_148, %swap3A_149], %select_n3A_143 {strides = array<i32>} : memref<80x16xf32, #tpu.memory_space<vmem>>, vector<16xf32>,
        %slice3A_151 = vector.extract_strided_slice %and3A_59 {offsets = [6], sizes = [1], strides = [1]} : vector<16xi32> to vector<1xi32>
        %squeeze3A_152 = vector.extract %slice3A_151[0] : i32 from vector<1xi32>
        %broadcast_in_dim3A_153 = vector.broadcast %squeeze3A_152 : i32 to vector<16xi32>
        %eq3A_154 = arith.cmpi eq, %iota3A, %broadcast_in_dim3A_153 : vector<16xi32>
        %jit3A_155 = arith.constant 1.000000e+00 : f32
        %jit3A_156 = arith.constant 0.000000e+00 : f32
        %broadcast_in_dim3A_157 = vector.broadcast %jit3A_155 : f32 to vector<16xf32>
        %broadcast_in_dim3A_158 = vector.broadcast %jit3A_156 : f32 to vector<16xf32>
        %select_n3A_159 = arith.select %eq3A_154, %broadcast_in_dim3A_157, %broadcast_in_dim3A_158 : vector<16xi1>, vector<16xf32>
        %mul3A_160 = arith.constant 16 : i32
        %mul3A_161 = arith.muli %add3A_49, %mul3A_160 : i32
        %add3A_162 = arith.constant 6 : i32
        %add3A_163 = arith.addi %mul3A_161, %add3A_162 : i32
        %swap3A_164 = arith.index_cast %add3A_163 : i32 to index
        %swap3A_165 = arith.constant 0 : index
        %swap3A_166 = tpu.vector_load %arg7[%swap3A_164, %swap3A_165] {strides = array<i32>} : memref<80x16xf32, #tpu.memory_space<vmem>>, vector<16xf32>,
        tpu.vector_store %arg7[%swap3A_164, %swap3A_165], %select_n3A_159 {strides = array<i32>} : memref<80x16xf32, #tpu.memory_space<vmem>>, vector<16xf32>,
        %slice3A_167 = vector.extract_strided_slice %and3A_59 {offsets = [7], sizes = [1], strides = [1]} : vector<16xi32> to vector<1xi32>
        %squeeze3A_168 = vector.extract %slice3A_167[0] : i32 from vector<1xi32>
        %broadcast_in_dim3A_169 = vector.broadcast %squeeze3A_168 : i32 to vector<16xi32>
        %eq3A_170 = arith.cmpi eq, %iota3A, %broadcast_in_dim3A_169 : vector<16xi32>
        %jit3A_171 = arith.constant 1.000000e+00 : f32
        %jit3A_172 = arith.constant 0.000000e+00 : f32
        %broadcast_in_dim3A_173 = vector.broadcast %jit3A_171 : f32 to vector<16xf32>
        %broadcast_in_dim3A_174 = vector.broadcast %jit3A_172 : f32 to vector<16xf32>
        %select_n3A_175 = arith.select %eq3A_170, %broadcast_in_dim3A_173, %broadcast_in_dim3A_174 : vector<16xi1>, vector<16xf32>
        %mul3A_176 = arith.constant 16 : i32
        %mul3A_177 = arith.muli %add3A_49, %mul3A_176 : i32
        %add3A_178 = arith.constant 7 : i32
        %add3A_179 = arith.addi %mul3A_177, %add3A_178 : i32
        %swap3A_180 = arith.index_cast %add3A_179 : i32 to index
        %swap3A_181 = arith.constant 0 : index
        %swap3A_182 = tpu.vector_load %arg7[%swap3A_180, %swap3A_181] {strides = array<i32>} : memref<80x16xf32, #tpu.memory_space<vmem>>, vector<16xf32>,
        tpu.vector_store %arg7[%swap3A_180, %swap3A_181], %select_n3A_175 {strides = array<i32>} : memref<80x16xf32, #tpu.memory_space<vmem>>, vector<16xf32>,
        %slice3A_183 = vector.extract_strided_slice %and3A_59 {offsets = [8], sizes = [1], strides = [1]} : vector<16xi32> to vector<1xi32>
        %squeeze3A_184 = vector.extract %slice3A_183[0] : i32 from vector<1xi32>
        %broadcast_in_dim3A_185 = vector.broadcast %squeeze3A_184 : i32 to vector<16xi32>
        %eq3A_186 = arith.cmpi eq, %iota3A, %broadcast_in_dim3A_185 : vector<16xi32>
        %jit3A_187 = arith.constant 1.000000e+00 : f32
        %jit3A_188 = arith.constant 0.000000e+00 : f32
        %broadcast_in_dim3A_189 = vector.broadcast %jit3A_187 : f32 to vector<16xf32>
        %broadcast_in_dim3A_190 = vector.broadcast %jit3A_188 : f32 to vector<16xf32>
        %select_n3A_191 = arith.select %eq3A_186, %broadcast_in_dim3A_189, %broadcast_in_dim3A_190 : vector<16xi1>, vector<16xf32>
        %mul3A_192 = arith.constant 16 : i32
        %mul3A_193 = arith.muli %add3A_49, %mul3A_192 : i32
        %add3A_194 = arith.constant 8 : i32
        %add3A_195 = arith.addi %mul3A_193, %add3A_194 : i32
        %swap3A_196 = arith.index_cast %add3A_195 : i32 to index
        %swap3A_197 = arith.constant 0 : index
        %swap3A_198 = tpu.vector_load %arg7[%swap3A_196, %swap3A_197] {strides = array<i32>} : memref<80x16xf32, #tpu.memory_space<vmem>>, vector<16xf32>,
        tpu.vector_store %arg7[%swap3A_196, %swap3A_197], %select_n3A_191 {strides = array<i32>} : memref<80x16xf32, #tpu.memory_space<vmem>>, vector<16xf32>,
        %slice3A_199 = vector.extract_strided_slice %and3A_59 {offsets = [9], sizes = [1], strides = [1]} : vector<16xi32> to vector<1xi32>
        %squeeze3A_200 = vector.extract %slice3A_199[0] : i32 from vector<1xi32>
        %broadcast_in_dim3A_201 = vector.broadcast %squeeze3A_200 : i32 to vector<16xi32>
        %eq3A_202 = arith.cmpi eq, %iota3A, %broadcast_in_dim3A_201 : vector<16xi32>
        %jit3A_203 = arith.constant 1.000000e+00 : f32
        %jit3A_204 = arith.constant 0.000000e+00 : f32
        %broadcast_in_dim3A_205 = vector.broadcast %jit3A_203 : f32 to vector<16xf32>
        %broadcast_in_dim3A_206 = vector.broadcast %jit3A_204 : f32 to vector<16xf32>
        %select_n3A_207 = arith.select %eq3A_202, %broadcast_in_dim3A_205, %broadcast_in_dim3A_206 : vector<16xi1>, vector<16xf32>
        %mul3A_208 = arith.constant 16 : i32
        %mul3A_209 = arith.muli %add3A_49, %mul3A_208 : i32
        %add3A_210 = arith.constant 9 : i32
        %add3A_211 = arith.addi %mul3A_209, %add3A_210 : i32
        %swap3A_212 = arith.index_cast %add3A_211 : i32 to index
        %swap3A_213 = arith.constant 0 : index
        %swap3A_214 = tpu.vector_load %arg7[%swap3A_212, %swap3A_213] {strides = array<i32>} : memref<80x16xf32, #tpu.memory_space<vmem>>, vector<16xf32>,
        tpu.vector_store %arg7[%swap3A_212, %swap3A_213], %select_n3A_207 {strides = array<i32>} : memref<80x16xf32, #tpu.memory_space<vmem>>, vector<16xf32>,
        %slice3A_215 = vector.extract_strided_slice %and3A_59 {offsets = [10], sizes = [1], strides = [1]} : vector<16xi32> to vector<1xi32>
        %squeeze3A_216 = vector.extract %slice3A_215[0] : i32 from vector<1xi32>
        %broadcast_in_dim3A_217 = vector.broadcast %squeeze3A_216 : i32 to vector<16xi32>
        %eq3A_218 = arith.cmpi eq, %iota3A, %broadcast_in_dim3A_217 : vector<16xi32>
        %jit3A_219 = arith.constant 1.000000e+00 : f32
        %jit3A_220 = arith.constant 0.000000e+00 : f32
        %broadcast_in_dim3A_221 = vector.broadcast %jit3A_219 : f32 to vector<16xf32>
        %broadcast_in_dim3A_222 = vector.broadcast %jit3A_220 : f32 to vector<16xf32>
        %select_n3A_223 = arith.select %eq3A_218, %broadcast_in_dim3A_221, %broadcast_in_dim3A_222 : vector<16xi1>, vector<16xf32>
        %mul3A_224 = arith.constant 16 : i32
        %mul3A_225 = arith.muli %add3A_49, %mul3A_224 : i32
        %add3A_226 = arith.constant 10 : i32
        %add3A_227 = arith.addi %mul3A_225, %add3A_226 : i32
        %swap3A_228 = arith.index_cast %add3A_227 : i32 to index
        %swap3A_229 = arith.constant 0 : index
        %swap3A_230 = tpu.vector_load %arg7[%swap3A_228, %swap3A_229] {strides = array<i32>} : memref<80x16xf32, #tpu.memory_space<vmem>>, vector<16xf32>,
        tpu.vector_store %arg7[%swap3A_228, %swap3A_229], %select_n3A_223 {strides = array<i32>} : memref<80x16xf32, #tpu.memory_space<vmem>>, vector<16xf32>,
        %slice3A_231 = vector.extract_strided_slice %and3A_59 {offsets = [11], sizes = [1], strides = [1]} : vector<16xi32> to vector<1xi32>
        %squeeze3A_232 = vector.extract %slice3A_231[0] : i32 from vector<1xi32>
        %broadcast_in_dim3A_233 = vector.broadcast %squeeze3A_232 : i32 to vector<16xi32>
        %eq3A_234 = arith.cmpi eq, %iota3A, %broadcast_in_dim3A_233 : vector<16xi32>
        %jit3A_235 = arith.constant 1.000000e+00 : f32
        %jit3A_236 = arith.constant 0.000000e+00 : f32
        %broadcast_in_dim3A_237 = vector.broadcast %jit3A_235 : f32 to vector<16xf32>
        %broadcast_in_dim3A_238 = vector.broadcast %jit3A_236 : f32 to vector<16xf32>
        %select_n3A_239 = arith.select %eq3A_234, %broadcast_in_dim3A_237, %broadcast_in_dim3A_238 : vector<16xi1>, vector<16xf32>
        %mul3A_240 = arith.constant 16 : i32
        %mul3A_241 = arith.muli %add3A_49, %mul3A_240 : i32
        %add3A_242 = arith.constant 11 : i32
        %add3A_243 = arith.addi %mul3A_241, %add3A_242 : i32
        %swap3A_244 = arith.index_cast %add3A_243 : i32 to index
        %swap3A_245 = arith.constant 0 : index
        %swap3A_246 = tpu.vector_load %arg7[%swap3A_244, %swap3A_245] {strides = array<i32>} : memref<80x16xf32, #tpu.memory_space<vmem>>, vector<16xf32>,
        tpu.vector_store %arg7[%swap3A_244, %swap3A_245], %select_n3A_239 {strides = array<i32>} : memref<80x16xf32, #tpu.memory_space<vmem>>, vector<16xf32>,
        %slice3A_247 = vector.extract_strided_slice %and3A_59 {offsets = [12], sizes = [1], strides = [1]} : vector<16xi32> to vector<1xi32>
        %squeeze3A_248 = vector.extract %slice3A_247[0] : i32 from vector<1xi32>
        %broadcast_in_dim3A_249 = vector.broadcast %squeeze3A_248 : i32 to vector<16xi32>
        %eq3A_250 = arith.cmpi eq, %iota3A, %broadcast_in_dim3A_249 : vector<16xi32>
        %jit3A_251 = arith.constant 1.000000e+00 : f32
        %jit3A_252 = arith.constant 0.000000e+00 : f32
        %broadcast_in_dim3A_253 = vector.broadcast %jit3A_251 : f32 to vector<16xf32>
        %broadcast_in_dim3A_254 = vector.broadcast %jit3A_252 : f32 to vector<16xf32>
        %select_n3A_255 = arith.select %eq3A_250, %broadcast_in_dim3A_253, %broadcast_in_dim3A_254 : vector<16xi1>, vector<16xf32>
        %mul3A_256 = arith.constant 16 : i32
        %mul3A_257 = arith.muli %add3A_49, %mul3A_256 : i32
        %add3A_258 = arith.constant 12 : i32
        %add3A_259 = arith.addi %mul3A_257, %add3A_258 : i32
        %swap3A_260 = arith.index_cast %add3A_259 : i32 to index
        %swap3A_261 = arith.constant 0 : index
        %swap3A_262 = tpu.vector_load %arg7[%swap3A_260, %swap3A_261] {strides = array<i32>} : memref<80x16xf32, #tpu.memory_space<vmem>>, vector<16xf32>,
        tpu.vector_store %arg7[%swap3A_260, %swap3A_261], %select_n3A_255 {strides = array<i32>} : memref<80x16xf32, #tpu.memory_space<vmem>>, vector<16xf32>,
        %slice3A_263 = vector.extract_strided_slice %and3A_59 {offsets = [13], sizes = [1], strides = [1]} : vector<16xi32> to vector<1xi32>
        %squeeze3A_264 = vector.extract %slice3A_263[0] : i32 from vector<1xi32>
        %broadcast_in_dim3A_265 = vector.broadcast %squeeze3A_264 : i32 to vector<16xi32>
        %eq3A_266 = arith.cmpi eq, %iota3A, %broadcast_in_dim3A_265 : vector<16xi32>
        %jit3A_267 = arith.constant 1.000000e+00 : f32
        %jit3A_268 = arith.constant 0.000000e+00 : f32
        %broadcast_in_dim3A_269 = vector.broadcast %jit3A_267 : f32 to vector<16xf32>
        %broadcast_in_dim3A_270 = vector.broadcast %jit3A_268 : f32 to vector<16xf32>
        %select_n3A_271 = arith.select %eq3A_266, %broadcast_in_dim3A_269, %broadcast_in_dim3A_270 : vector<16xi1>, vector<16xf32>
        %mul3A_272 = arith.constant 16 : i32
        %mul3A_273 = arith.muli %add3A_49, %mul3A_272 : i32
        %add3A_274 = arith.constant 13 : i32
        %add3A_275 = arith.addi %mul3A_273, %add3A_274 : i32
        %swap3A_276 = arith.index_cast %add3A_275 : i32 to index
        %swap3A_277 = arith.constant 0 : index
        %swap3A_278 = tpu.vector_load %arg7[%swap3A_276, %swap3A_277] {strides = array<i32>} : memref<80x16xf32, #tpu.memory_space<vmem>>, vector<16xf32>,
        tpu.vector_store %arg7[%swap3A_276, %swap3A_277], %select_n3A_271 {strides = array<i32>} : memref<80x16xf32, #tpu.memory_space<vmem>>, vector<16xf32>,
        %slice3A_279 = vector.extract_strided_slice %and3A_59 {offsets = [14], sizes = [1], strides = [1]} : vector<16xi32> to vector<1xi32>
        %squeeze3A_280 = vector.extract %slice3A_279[0] : i32 from vector<1xi32>
        %broadcast_in_dim3A_281 = vector.broadcast %squeeze3A_280 : i32 to vector<16xi32>
        %eq3A_282 = arith.cmpi eq, %iota3A, %broadcast_in_dim3A_281 : vector<16xi32>
        %jit3A_283 = arith.constant 1.000000e+00 : f32
        %jit3A_284 = arith.constant 0.000000e+00 : f32
        %broadcast_in_dim3A_285 = vector.broadcast %jit3A_283 : f32 to vector<16xf32>
        %broadcast_in_dim3A_286 = vector.broadcast %jit3A_284 : f32 to vector<16xf32>
        %select_n3A_287 = arith.select %eq3A_282, %broadcast_in_dim3A_285, %broadcast_in_dim3A_286 : vector<16xi1>, vector<16xf32>
        %mul3A_288 = arith.constant 16 : i32
        %mul3A_289 = arith.muli %add3A_49, %mul3A_288 : i32
        %add3A_290 = arith.constant 14 : i32
        %add3A_291 = arith.addi %mul3A_289, %add3A_290 : i32
        %swap3A_292 = arith.index_cast %add3A_291 : i32 to index
        %swap3A_293 = arith.constant 0 : index
        %swap3A_294 = tpu.vector_load %arg7[%swap3A_292, %swap3A_293] {strides = array<i32>} : memref<80x16xf32, #tpu.memory_space<vmem>>, vector<16xf32>,
        tpu.vector_store %arg7[%swap3A_292, %swap3A_293], %select_n3A_287 {strides = array<i32>} : memref<80x16xf32, #tpu.memory_space<vmem>>, vector<16xf32>,
        %slice3A_295 = vector.extract_strided_slice %and3A_59 {offsets = [15], sizes = [1], strides = [1]} : vector<16xi32> to vector<1xi32>
        %squeeze3A_296 = vector.extract %slice3A_295[0] : i32 from vector<1xi32>
        %broadcast_in_dim3A_297 = vector.broadcast %squeeze3A_296 : i32 to vector<16xi32>
        %eq3A_298 = arith.cmpi eq, %iota3A, %broadcast_in_dim3A_297 : vector<16xi32>
        %jit3A_299 = arith.constant 1.000000e+00 : f32
        %jit3A_300 = arith.constant 0.000000e+00 : f32
        %broadcast_in_dim3A_301 = vector.broadcast %jit3A_299 : f32 to vector<16xf32>
        %broadcast_in_dim3A_302 = vector.broadcast %jit3A_300 : f32 to vector<16xf32>
        %select_n3A_303 = arith.select %eq3A_298, %broadcast_in_dim3A_301, %broadcast_in_dim3A_302 : vector<16xi1>, vector<16xf32>
        %mul3A_304 = arith.constant 16 : i32
        %mul3A_305 = arith.muli %add3A_49, %mul3A_304 : i32
        %add3A_306 = arith.constant 15 : i32
        %add3A_307 = arith.addi %mul3A_305, %add3A_306 : i32
        %swap3A_308 = arith.index_cast %add3A_307 : i32 to index
        %swap3A_309 = arith.constant 0 : index
        %swap3A_310 = tpu.vector_load %arg7[%swap3A_308, %swap3A_309] {strides = array<i32>} : memref<80x16xf32, #tpu.memory_space<vmem>>, vector<16xf32>,
        tpu.vector_store %arg7[%swap3A_308, %swap3A_309], %select_n3A_303 {strides = array<i32>} : memref<80x16xf32, #tpu.memory_space<vmem>>, vector<16xf32>,
      }
      %scan3A_44 = arith.constant 5 : i32
      "tpu.region"() ({
        %run_scoped3A = tpu.sem_alloc : memref<!tpu.dma_semaphore, #tpu.memory_space<semaphore_mem>>
        %dma_start3A = arith.constant 0 : i32
        %dma_start3A_45 = arith.constant 0 : i32
        %dma_start3A_46 = tpu.memref_slice %arg11[%dma_start3A, %dma_start3A_45] : memref<10000x16xf32, #tpu.memory_space<vmem_shared>> -> memref<10000x16xf32, #tpu.memory_space<vmem_shared>>
        tpu.enqueue_indirect_dma source(%arg7 : memref<80x16xf32, #tpu.memory_space<vmem>>) target(%dma_start3A_46 : memref<10000x16xf32, #tpu.memory_space<vmem_shared>>) offsets(%arg6 : memref<80xi32, #tpu.memory_space<vmem>>) semaphore(%run_scoped3A : memref<!tpu.dma_semaphore, #tpu.memory_space<semaphore_mem>>) {add = true}
        %dma_wait3A = arith.constant 0 : i32
        %dma_wait3A_47 = arith.constant 0 : i32
        %dma_wait3A_48 = tpu.memref_slice %arg11[%dma_wait3A, %dma_wait3A_47] : memref<10000x16xf32, #tpu.memory_space<vmem_shared>> -> memref<10000x16xf32, #tpu.memory_space<vmem_shared>>
        tpu.wait_indirect_dma semaphore(%run_scoped3A : memref<!tpu.dma_semaphore, #tpu.memory_space<semaphore_mem>>) src(%arg7 : memref<80x16xf32, #tpu.memory_space<vmem>>) dst(%dma_wait3A_48 : memref<10000x16xf32, #tpu.memory_space<vmem_shared>>)
        tpu.yield
      }) : () -> ()
    }
    %scan3A_15 = arith.constant 250 : i32
    %barrier3A_16 = arith.constant 0 : index
    tpu.barrier barrier_id(%barrier3A_16)
    %scan3A_17 = arith.constant 0 : i32
    %scan3A_18 = arith.constant 8 : i32
    %scan3A_19 = arith.addi %scan3A_17, %scan3A_18 : i32
    %scan3A_20 = arith.constant 1 : i32
    scf.for %scan3A_32 = %scan3A_17 to %scan3A_19 step %scan3A_20  : i32 {
      %mul3A_33 = arith.constant 1 : i32
      %mul3A_34 = arith.muli %scan3A_32, %mul3A_33 : i32
      %add3A_35 = arith.constant 0 : i32
      %add3A_36 = arith.addi %add3A_35, %mul3A_34 : i32
      %mul3A_37 = arith.constant 16 : i32
      %mul3A_38 = arith.muli %add3A_36, %mul3A_37 : i32
      %add3A_39 = arith.addi %arg1, %mul3A_38 : i32
      %lt3A = arith.constant 125 : i32
      %lt3A_40 = arith.cmpi slt, %add3A_39, %lt3A : i32
      %convert_element_type3A = arith.extui %lt3A_40 : i1 to i32
      %cond3A = arith.constant 0 : i32
      %cond3A_41 = arith.cmpi ne, %convert_element_type3A, %cond3A : i32
      scf.if %cond3A_41 {
        %mul3A_42 = arith.constant 80 : i32
        %mul3A_43 = arith.muli %add3A_39, %mul3A_42 : i32
        "tpu.region"() ({
          %run_scoped3A = tpu.sem_alloc : memref<!tpu.dma_semaphore, #tpu.memory_space<semaphore_mem>>
          %dma_start3A = arith.constant 0 : i32
          %dma_start3A_51 = tpu.memref_slice %arg11[%mul3A_43, %dma_start3A] : memref<10000x16xf32, #tpu.memory_space<vmem_shared>> -> memref<80x16xf32, #tpu.memory_space<vmem_shared>>
          %dma_start3A_52 = arith.constant 0 : i32
          %dma_start3A_53 = tpu.memref_slice %arg11[%mul3A_43, %dma_start3A_52] : memref<10000x16xf32, #tpu.memory_space<vmem_shared>> -> memref<80x16xf32, #tpu.memory_space<vmem_shared>>
          tpu.enqueue_dma source(%dma_start3A_53 : memref<80x16xf32, #tpu.memory_space<vmem_shared>>) target(%arg8 : memref<80x16xf32, #tpu.memory_space<vmem>>) target_semaphore(%run_scoped3A : memref<!tpu.dma_semaphore, #tpu.memory_space<semaphore_mem>>)
          %dma_wait3A = arith.constant 0 : i32
          %dma_wait3A_54 = tpu.memref_slice %arg11[%mul3A_43, %dma_wait3A] : memref<10000x16xf32, #tpu.memory_space<vmem_shared>> -> memref<80x16xf32, #tpu.memory_space<vmem_shared>>
          %dma_wait3A_55 = arith.constant 0 : i32
          %dma_wait3A_56 = tpu.memref_slice %arg11[%mul3A_43, %dma_wait3A_55] : memref<10000x16xf32, #tpu.memory_space<vmem_shared>> -> memref<80x16xf32, #tpu.memory_space<vmem_shared>>
          tpu.wait_dma2 semaphore(%run_scoped3A : memref<!tpu.dma_semaphore, #tpu.memory_space<semaphore_mem>>) src(%dma_wait3A_56 : memref<80x16xf32, #tpu.memory_space<vmem_shared>>) dst(%arg8 : memref<80x16xf32, #tpu.memory_space<vmem>>)
          tpu.yield
        }) : () -> ()
        %scan3A_44 = arith.constant 0 : i32
        %scan3A_45 = arith.constant 80 : i32
        %scan3A_46 = arith.addi %scan3A_44, %scan3A_45 : i32
        %scan3A_47 = arith.constant 1 : i32
        scf.for %scan3A_51 = %scan3A_44 to %scan3A_46 step %scan3A_47  : i32 {
          %mul3A_52 = arith.constant 1 : i32
          %mul3A_53 = arith.muli %scan3A_51, %mul3A_52 : i32
          %add3A_54 = arith.constant 0 : i32
          %add3A_55 = arith.addi %add3A_54, %mul3A_53 : i32
          %get3A = arith.index_cast %add3A_55 : i32 to index
          %get3A_56 = arith.constant 0 : index
          %get3A_57 = tpu.vector_load %arg8[%get3A, %get3A_56] {strides = array<i32>} : memref<80x16xf32, #tpu.memory_space<vmem>>, vector<16xf32>,
          %max3A = arith.constant 1.000000e+00 : f32
          %max3A_58 = vector.broadcast %max3A : f32 to vector<16xf32>
          %max3A_59 = arith.maximumf %get3A_57, %max3A_58 : vector<16xf32>
          %div3A = arith.constant 1.000000e+00 : f32
          %div3A_60 = vector.broadcast %div3A : f32 to vector<16xf32>
          %div3A_61 = arith.divf %div3A_60, %max3A_59 : vector<16xf32>
          %swap3A = arith.index_cast %add3A_55 : i32 to index
          %swap3A_62 = arith.constant 0 : index
          %swap3A_63 = tpu.vector_load %arg8[%swap3A, %swap3A_62] {strides = array<i32>} : memref<80x16xf32, #tpu.memory_space<vmem>>, vector<16xf32>,
          tpu.vector_store %arg8[%swap3A, %swap3A_62], %div3A_61 {strides = array<i32>} : memref<80x16xf32, #tpu.memory_space<vmem>>, vector<16xf32>,
        }
        %scan3A_48 = arith.constant 80 : i32
        %mul3A_49 = arith.constant 80 : i32
        %mul3A_50 = arith.muli %add3A_39, %mul3A_49 : i32
        "tpu.region"() ({
          %run_scoped3A = tpu.sem_alloc : memref<!tpu.dma_semaphore, #tpu.memory_space<semaphore_mem>>
          %dma_start3A = arith.constant 0 : i32
          %dma_start3A_51 = tpu.memref_slice %arg11[%mul3A_50, %dma_start3A] : memref<10000x16xf32, #tpu.memory_space<vmem_shared>> -> memref<80x16xf32, #tpu.memory_space<vmem_shared>>
          %dma_start3A_52 = arith.constant 0 : i32
          %dma_start3A_53 = tpu.memref_slice %arg11[%mul3A_50, %dma_start3A_52] : memref<10000x16xf32, #tpu.memory_space<vmem_shared>> -> memref<80x16xf32, #tpu.memory_space<vmem_shared>>
          tpu.enqueue_dma source(%arg8 : memref<80x16xf32, #tpu.memory_space<vmem>>) target(%dma_start3A_53 : memref<80x16xf32, #tpu.memory_space<vmem_shared>>) target_semaphore(%run_scoped3A : memref<!tpu.dma_semaphore, #tpu.memory_space<semaphore_mem>>)
          %dma_wait3A = arith.constant 0 : i32
          %dma_wait3A_54 = tpu.memref_slice %arg11[%mul3A_50, %dma_wait3A] : memref<10000x16xf32, #tpu.memory_space<vmem_shared>> -> memref<80x16xf32, #tpu.memory_space<vmem_shared>>
          %dma_wait3A_55 = arith.constant 0 : i32
          %dma_wait3A_56 = tpu.memref_slice %arg11[%mul3A_50, %dma_wait3A_55] : memref<10000x16xf32, #tpu.memory_space<vmem_shared>> -> memref<80x16xf32, #tpu.memory_space<vmem_shared>>
          tpu.wait_dma2 semaphore(%run_scoped3A : memref<!tpu.dma_semaphore, #tpu.memory_space<semaphore_mem>>) src(%arg8 : memref<80x16xf32, #tpu.memory_space<vmem>>) dst(%dma_wait3A_56 : memref<80x16xf32, #tpu.memory_space<vmem_shared>>)
          tpu.yield
        }) : () -> ()
      } else {
      }
    }
    %scan3A_21 = arith.constant 8 : i32
    %barrier3A_22 = arith.constant 0 : index
    tpu.barrier barrier_id(%barrier3A_22)
    %mul3A_23 = arith.constant 160000 : i32
    %mul3A_24 = arith.muli %arg0, %mul3A_23 : i32
    %mul3A_25 = arith.constant 10000 : i32
    %mul3A_26 = arith.muli %arg1, %mul3A_25 : i32
    %add3A = arith.addi %mul3A_24, %mul3A_26 : i32
    %scan3A_27 = arith.constant 0 : i32
    %scan3A_28 = arith.constant 125 : i32
    %scan3A_29 = arith.addi %scan3A_27, %scan3A_28 : i32
    %scan3A_30 = arith.constant 1 : i32
    scf.for %scan3A_32 = %scan3A_27 to %scan3A_29 step %scan3A_30  : i32 {
      %mul3A_33 = arith.constant 1 : i32
      %mul3A_34 = arith.muli %scan3A_32, %mul3A_33 : i32
      %add3A_35 = arith.constant 0 : i32
      %add3A_36 = arith.addi %add3A_35, %mul3A_34 : i32
      %mul3A_37 = arith.constant 80 : i32
      %mul3A_38 = arith.muli %add3A_36, %mul3A_37 : i32
      %add3A_39 = arith.addi %add3A, %mul3A_38 : i32
      "tpu.region"() ({
        %run_scoped3A = tpu.sem_alloc : memref<!tpu.dma_semaphore, #tpu.memory_space<semaphore_mem>>
        %dma_start3A_54 = tpu.memref_slice %arg2[%add3A_39] : memref<320000xi32, #tpu.memory_space<hbm>> -> memref<80xi32, #tpu.memory_space<hbm>>
        %dma_start3A_55 = tpu.memref_slice %arg2[%add3A_39] : memref<320000xi32, #tpu.memory_space<hbm>> -> memref<80xi32, #tpu.memory_space<hbm>>
        tpu.enqueue_dma source(%dma_start3A_55 : memref<80xi32, #tpu.memory_space<hbm>>) target(%arg5 : memref<80xi32, #tpu.memory_space<vmem>>) target_semaphore(%run_scoped3A : memref<!tpu.dma_semaphore, #tpu.memory_space<semaphore_mem>>)
        %dma_wait3A_56 = tpu.memref_slice %arg2[%add3A_39] : memref<320000xi32, #tpu.memory_space<hbm>> -> memref<80xi32, #tpu.memory_space<hbm>>
        %dma_wait3A_57 = tpu.memref_slice %arg2[%add3A_39] : memref<320000xi32, #tpu.memory_space<hbm>> -> memref<80xi32, #tpu.memory_space<hbm>>
        tpu.wait_dma2 semaphore(%run_scoped3A : memref<!tpu.dma_semaphore, #tpu.memory_space<semaphore_mem>>) src(%dma_wait3A_57 : memref<80xi32, #tpu.memory_space<hbm>>) dst(%arg5 : memref<80xi32, #tpu.memory_space<vmem>>)
        tpu.yield
      }) : () -> ()
      %scan3A_40 = arith.constant 0 : i32
      %scan3A_41 = arith.constant 5 : i32
      %scan3A_42 = arith.addi %scan3A_40, %scan3A_41 : i32
      %scan3A_43 = arith.constant 1 : i32
      scf.for %scan3A_54 = %scan3A_40 to %scan3A_42 step %scan3A_43  : i32 {
        %mul3A_55 = arith.constant 1 : i32
        %mul3A_56 = arith.muli %scan3A_54, %mul3A_55 : i32
        %add3A_57 = arith.constant 0 : i32
        %add3A_58 = arith.addi %add3A_57, %mul3A_56 : i32
        %mul3A_59 = arith.constant 16 : i32
        %mul3A_60 = arith.muli %add3A_58, %mul3A_59 : i32
        %get3A = arith.index_cast %mul3A_60 : i32 to index
        %get3A_61 = tpu.vector_load %arg5[%get3A] {strides = array<i32>} : memref<80xi32, #tpu.memory_space<vmem>>, vector<16xi32>,
        %shift_right_logical3A = arith.constant 3 : i32
        %shift_right_logical3A_62 = vector.broadcast %shift_right_logical3A : i32 to vector<16xi32>
        %shift_right_logical3A_63 = arith.shrui %get3A_61, %shift_right_logical3A_62 : vector<16xi32>
        %mul3A_64 = arith.constant 16 : i32
        %mul3A_65 = arith.muli %add3A_58, %mul3A_64 : i32
        %swap3A = arith.index_cast %mul3A_65 : i32 to index
        %swap3A_66 = tpu.vector_load %arg6[%swap3A] {strides = array<i32>} : memref<80xi32, #tpu.memory_space<vmem>>, vector<16xi32>,
        tpu.vector_store %arg6[%swap3A], %shift_right_logical3A_63 {strides = array<i32>} : memref<80xi32, #tpu.memory_space<vmem>>, vector<16xi32>,
      }
      %scan3A_44 = arith.constant 5 : i32
      %dma_start3A = arith.constant 0 : i32
      %dma_start3A_45 = arith.constant 0 : i32
      %dma_start3A_46 = tpu.memref_slice %arg11[%dma_start3A, %dma_start3A_45] : memref<10000x16xf32, #tpu.memory_space<vmem_shared>> -> memref<10000x16xf32, #tpu.memory_space<vmem_shared>>
      tpu.enqueue_indirect_dma source(%dma_start3A_46 : memref<10000x16xf32, #tpu.memory_space<vmem_shared>>) target(%arg9 : memref<80x16xf32, #tpu.memory_space<vmem>>) offsets(%arg6 : memref<80xi32, #tpu.memory_space<vmem>>) semaphore(%arg4 : memref<!tpu.dma_semaphore, #tpu.memory_space<semaphore_mem>>)
      %dma_wait3A = arith.constant 0 : i32
      %dma_wait3A_47 = arith.constant 0 : i32
      %dma_wait3A_48 = tpu.memref_slice %arg11[%dma_wait3A, %dma_wait3A_47] : memref<10000x16xf32, #tpu.memory_space<vmem_shared>> -> memref<10000x16xf32, #tpu.memory_space<vmem_shared>>
      tpu.wait_indirect_dma semaphore(%arg4 : memref<!tpu.dma_semaphore, #tpu.memory_space<semaphore_mem>>) src(%dma_wait3A_48 : memref<10000x16xf32, #tpu.memory_space<vmem_shared>>) dst(%arg9 : memref<80x16xf32, #tpu.memory_space<vmem>>)
      %scan3A_49 = arith.constant 0 : i32
      %scan3A_50 = arith.constant 5 : i32
      %scan3A_51 = arith.addi %scan3A_49, %scan3A_50 : i32
      %scan3A_52 = arith.constant 1 : i32
      scf.for %scan3A_54 = %scan3A_49 to %scan3A_51 step %scan3A_52  : i32 {
        %mul3A_55 = arith.constant 1 : i32
        %mul3A_56 = arith.muli %scan3A_54, %mul3A_55 : i32
        %add3A_57 = arith.constant 0 : i32
        %add3A_58 = arith.addi %add3A_57, %mul3A_56 : i32
        %mul3A_59 = arith.constant 16 : i32
        %mul3A_60 = arith.muli %add3A_58, %mul3A_59 : i32
        %get3A = arith.index_cast %mul3A_60 : i32 to index
        %get3A_61 = tpu.vector_load %arg5[%get3A] {strides = array<i32>} : memref<80xi32, #tpu.memory_space<vmem>>, vector<16xi32>,
        %and3A = arith.constant 7 : i32
        %and3A_62 = vector.broadcast %and3A : i32 to vector<16xi32>
        %and3A_63 = arith.andi %get3A_61, %and3A_62 : vector<16xi32>
        %slice3A = vector.extract_strided_slice %and3A_63 {offsets = [0], sizes = [1], strides = [1]} : vector<16xi32> to vector<1xi32>
        %squeeze3A = vector.extract %slice3A[0] : i32 from vector<1xi32>
        %broadcast_in_dim3A_64 = vector.broadcast %squeeze3A : i32 to vector<16xi32>
        %eq3A = arith.cmpi eq, %iota3A, %broadcast_in_dim3A_64 : vector<16xi32>
        %jit3A = arith.constant 1.000000e+00 : f32
        %jit3A_65 = arith.constant 0.000000e+00 : f32
        %broadcast_in_dim3A_66 = vector.broadcast %jit3A : f32 to vector<16xf32>
        %broadcast_in_dim3A_67 = vector.broadcast %jit3A_65 : f32 to vector<16xf32>
        %select_n3A = arith.select %eq3A, %broadcast_in_dim3A_66, %broadcast_in_dim3A_67 : vector<16xi1>, vector<16xf32>
        %mul3A_68 = arith.constant 16 : i32
        %mul3A_69 = arith.muli %add3A_58, %mul3A_68 : i32
        %add3A_70 = arith.constant 0 : i32
        %add3A_71 = arith.addi %mul3A_69, %add3A_70 : i32
        %get3A_72 = arith.index_cast %add3A_71 : i32 to index
        %get3A_73 = arith.constant 0 : index
        %get3A_74 = tpu.vector_load %arg9[%get3A_72, %get3A_73] {strides = array<i32>} : memref<80x16xf32, #tpu.memory_space<vmem>>, vector<16xf32>,
        %mul3A_75 = arith.mulf %get3A_74, %select_n3A : vector<16xf32>
        %reduce_sum3A = arith.constant true
        %reduce_sum3A_76 = vector.broadcast %reduce_sum3A : i1 to vector<16xi1>
        %reduce_sum3A_77 = tpu.scan <sum>, %mul3A_75 masked %reduce_sum3A_76 : vector<16xf32>, vector<16xi1> -> vector<16xf32>
        %reduce_sum3A_78 = vector.extract %reduce_sum3A_77[15] : f32 from vector<16xf32>
        %eq3A_79 = arith.constant 0 : i32
        %eq3A_80 = vector.broadcast %eq3A_79 : i32 to vector<16xi32>
        %eq3A_81 = arith.cmpi eq, %iota3A, %eq3A_80 : vector<16xi32>
        %jit3A_82 = arith.constant 1.000000e+00 : f32
        %jit3A_83 = arith.constant 0.000000e+00 : f32
        %broadcast_in_dim3A_84 = vector.broadcast %jit3A_82 : f32 to vector<16xf32>
        %broadcast_in_dim3A_85 = vector.broadcast %jit3A_83 : f32 to vector<16xf32>
        %select_n3A_86 = arith.select %eq3A_81, %broadcast_in_dim3A_84, %broadcast_in_dim3A_85 : vector<16xi1>, vector<16xf32>
        %mul3A_87 = vector.broadcast %reduce_sum3A_78 : f32 to vector<16xf32>
        %mul3A_88 = arith.mulf %select_n3A_86, %mul3A_87 : vector<16xf32>
        %add3A_89 = arith.addf %broadcast_in_dim3A_0, %mul3A_88 : vector<16xf32>
        %slice3A_90 = vector.extract_strided_slice %and3A_63 {offsets = [1], sizes = [1], strides = [1]} : vector<16xi32> to vector<1xi32>
        %squeeze3A_91 = vector.extract %slice3A_90[0] : i32 from vector<1xi32>
        %broadcast_in_dim3A_92 = vector.broadcast %squeeze3A_91 : i32 to vector<16xi32>
        %eq3A_93 = arith.cmpi eq, %iota3A, %broadcast_in_dim3A_92 : vector<16xi32>
        %jit3A_94 = arith.constant 1.000000e+00 : f32
        %jit3A_95 = arith.constant 0.000000e+00 : f32
        %broadcast_in_dim3A_96 = vector.broadcast %jit3A_94 : f32 to vector<16xf32>
        %broadcast_in_dim3A_97 = vector.broadcast %jit3A_95 : f32 to vector<16xf32>
        %select_n3A_98 = arith.select %eq3A_93, %broadcast_in_dim3A_96, %broadcast_in_dim3A_97 : vector<16xi1>, vector<16xf32>
        %mul3A_99 = arith.constant 16 : i32
        %mul3A_100 = arith.muli %add3A_58, %mul3A_99 : i32
        %add3A_101 = arith.constant 1 : i32
        %add3A_102 = arith.addi %mul3A_100, %add3A_101 : i32
        %get3A_103 = arith.index_cast %add3A_102 : i32 to index
        %get3A_104 = arith.constant 0 : index
        %get3A_105 = tpu.vector_load %arg9[%get3A_103, %get3A_104] {strides = array<i32>} : memref<80x16xf32, #tpu.memory_space<vmem>>, vector<16xf32>,
        %mul3A_106 = arith.mulf %get3A_105, %select_n3A_98 : vector<16xf32>
        %reduce_sum3A_107 = arith.constant true
        %reduce_sum3A_108 = vector.broadcast %reduce_sum3A_107 : i1 to vector<16xi1>
        %reduce_sum3A_109 = tpu.scan <sum>, %mul3A_106 masked %reduce_sum3A_108 : vector<16xf32>, vector<16xi1> -> vector<16xf32>
        %reduce_sum3A_110 = vector.extract %reduce_sum3A_109[15] : f32 from vector<16xf32>
        %eq3A_111 = arith.constant 1 : i32
        %eq3A_112 = vector.broadcast %eq3A_111 : i32 to vector<16xi32>
        %eq3A_113 = arith.cmpi eq, %iota3A, %eq3A_112 : vector<16xi32>
        %jit3A_114 = arith.constant 1.000000e+00 : f32
        %jit3A_115 = arith.constant 0.000000e+00 : f32
        %broadcast_in_dim3A_116 = vector.broadcast %jit3A_114 : f32 to vector<16xf32>
        %broadcast_in_dim3A_117 = vector.broadcast %jit3A_115 : f32 to vector<16xf32>
        %select_n3A_118 = arith.select %eq3A_113, %broadcast_in_dim3A_116, %broadcast_in_dim3A_117 : vector<16xi1>, vector<16xf32>
        %mul3A_119 = vector.broadcast %reduce_sum3A_110 : f32 to vector<16xf32>
        %mul3A_120 = arith.mulf %select_n3A_118, %mul3A_119 : vector<16xf32>
        %add3A_121 = arith.addf %add3A_89, %mul3A_120 : vector<16xf32>
        %slice3A_122 = vector.extract_strided_slice %and3A_63 {offsets = [2], sizes = [1], strides = [1]} : vector<16xi32> to vector<1xi32>
        %squeeze3A_123 = vector.extract %slice3A_122[0] : i32 from vector<1xi32>
        %broadcast_in_dim3A_124 = vector.broadcast %squeeze3A_123 : i32 to vector<16xi32>
        %eq3A_125 = arith.cmpi eq, %iota3A, %broadcast_in_dim3A_124 : vector<16xi32>
        %jit3A_126 = arith.constant 1.000000e+00 : f32
        %jit3A_127 = arith.constant 0.000000e+00 : f32
        %broadcast_in_dim3A_128 = vector.broadcast %jit3A_126 : f32 to vector<16xf32>
        %broadcast_in_dim3A_129 = vector.broadcast %jit3A_127 : f32 to vector<16xf32>
        %select_n3A_130 = arith.select %eq3A_125, %broadcast_in_dim3A_128, %broadcast_in_dim3A_129 : vector<16xi1>, vector<16xf32>
        %mul3A_131 = arith.constant 16 : i32
        %mul3A_132 = arith.muli %add3A_58, %mul3A_131 : i32
        %add3A_133 = arith.constant 2 : i32
        %add3A_134 = arith.addi %mul3A_132, %add3A_133 : i32
        %get3A_135 = arith.index_cast %add3A_134 : i32 to index
        %get3A_136 = arith.constant 0 : index
        %get3A_137 = tpu.vector_load %arg9[%get3A_135, %get3A_136] {strides = array<i32>} : memref<80x16xf32, #tpu.memory_space<vmem>>, vector<16xf32>,
        %mul3A_138 = arith.mulf %get3A_137, %select_n3A_130 : vector<16xf32>
        %reduce_sum3A_139 = arith.constant true
        %reduce_sum3A_140 = vector.broadcast %reduce_sum3A_139 : i1 to vector<16xi1>
        %reduce_sum3A_141 = tpu.scan <sum>, %mul3A_138 masked %reduce_sum3A_140 : vector<16xf32>, vector<16xi1> -> vector<16xf32>
        %reduce_sum3A_142 = vector.extract %reduce_sum3A_141[15] : f32 from vector<16xf32>
        %eq3A_143 = arith.constant 2 : i32
        %eq3A_144 = vector.broadcast %eq3A_143 : i32 to vector<16xi32>
        %eq3A_145 = arith.cmpi eq, %iota3A, %eq3A_144 : vector<16xi32>
        %jit3A_146 = arith.constant 1.000000e+00 : f32
        %jit3A_147 = arith.constant 0.000000e+00 : f32
        %broadcast_in_dim3A_148 = vector.broadcast %jit3A_146 : f32 to vector<16xf32>
        %broadcast_in_dim3A_149 = vector.broadcast %jit3A_147 : f32 to vector<16xf32>
        %select_n3A_150 = arith.select %eq3A_145, %broadcast_in_dim3A_148, %broadcast_in_dim3A_149 : vector<16xi1>, vector<16xf32>
        %mul3A_151 = vector.broadcast %reduce_sum3A_142 : f32 to vector<16xf32>
        %mul3A_152 = arith.mulf %select_n3A_150, %mul3A_151 : vector<16xf32>
        %add3A_153 = arith.addf %add3A_121, %mul3A_152 : vector<16xf32>
        %slice3A_154 = vector.extract_strided_slice %and3A_63 {offsets = [3], sizes = [1], strides = [1]} : vector<16xi32> to vector<1xi32>
        %squeeze3A_155 = vector.extract %slice3A_154[0] : i32 from vector<1xi32>
        %broadcast_in_dim3A_156 = vector.broadcast %squeeze3A_155 : i32 to vector<16xi32>
        %eq3A_157 = arith.cmpi eq, %iota3A, %broadcast_in_dim3A_156 : vector<16xi32>
        %jit3A_158 = arith.constant 1.000000e+00 : f32
        %jit3A_159 = arith.constant 0.000000e+00 : f32
        %broadcast_in_dim3A_160 = vector.broadcast %jit3A_158 : f32 to vector<16xf32>
        %broadcast_in_dim3A_161 = vector.broadcast %jit3A_159 : f32 to vector<16xf32>
        %select_n3A_162 = arith.select %eq3A_157, %broadcast_in_dim3A_160, %broadcast_in_dim3A_161 : vector<16xi1>, vector<16xf32>
        %mul3A_163 = arith.constant 16 : i32
        %mul3A_164 = arith.muli %add3A_58, %mul3A_163 : i32
        %add3A_165 = arith.constant 3 : i32
        %add3A_166 = arith.addi %mul3A_164, %add3A_165 : i32
        %get3A_167 = arith.index_cast %add3A_166 : i32 to index
        %get3A_168 = arith.constant 0 : index
        %get3A_169 = tpu.vector_load %arg9[%get3A_167, %get3A_168] {strides = array<i32>} : memref<80x16xf32, #tpu.memory_space<vmem>>, vector<16xf32>,
        %mul3A_170 = arith.mulf %get3A_169, %select_n3A_162 : vector<16xf32>
        %reduce_sum3A_171 = arith.constant true
        %reduce_sum3A_172 = vector.broadcast %reduce_sum3A_171 : i1 to vector<16xi1>
        %reduce_sum3A_173 = tpu.scan <sum>, %mul3A_170 masked %reduce_sum3A_172 : vector<16xf32>, vector<16xi1> -> vector<16xf32>
        %reduce_sum3A_174 = vector.extract %reduce_sum3A_173[15] : f32 from vector<16xf32>
        %eq3A_175 = arith.constant 3 : i32
        %eq3A_176 = vector.broadcast %eq3A_175 : i32 to vector<16xi32>
        %eq3A_177 = arith.cmpi eq, %iota3A, %eq3A_176 : vector<16xi32>
        %jit3A_178 = arith.constant 1.000000e+00 : f32
        %jit3A_179 = arith.constant 0.000000e+00 : f32
        %broadcast_in_dim3A_180 = vector.broadcast %jit3A_178 : f32 to vector<16xf32>
        %broadcast_in_dim3A_181 = vector.broadcast %jit3A_179 : f32 to vector<16xf32>
        %select_n3A_182 = arith.select %eq3A_177, %broadcast_in_dim3A_180, %broadcast_in_dim3A_181 : vector<16xi1>, vector<16xf32>
        %mul3A_183 = vector.broadcast %reduce_sum3A_174 : f32 to vector<16xf32>
        %mul3A_184 = arith.mulf %select_n3A_182, %mul3A_183 : vector<16xf32>
        %add3A_185 = arith.addf %add3A_153, %mul3A_184 : vector<16xf32>
        %slice3A_186 = vector.extract_strided_slice %and3A_63 {offsets = [4], sizes = [1], strides = [1]} : vector<16xi32> to vector<1xi32>
        %squeeze3A_187 = vector.extract %slice3A_186[0] : i32 from vector<1xi32>
        %broadcast_in_dim3A_188 = vector.broadcast %squeeze3A_187 : i32 to vector<16xi32>
        %eq3A_189 = arith.cmpi eq, %iota3A, %broadcast_in_dim3A_188 : vector<16xi32>
        %jit3A_190 = arith.constant 1.000000e+00 : f32
        %jit3A_191 = arith.constant 0.000000e+00 : f32
        %broadcast_in_dim3A_192 = vector.broadcast %jit3A_190 : f32 to vector<16xf32>
        %broadcast_in_dim3A_193 = vector.broadcast %jit3A_191 : f32 to vector<16xf32>
        %select_n3A_194 = arith.select %eq3A_189, %broadcast_in_dim3A_192, %broadcast_in_dim3A_193 : vector<16xi1>, vector<16xf32>
        %mul3A_195 = arith.constant 16 : i32
        %mul3A_196 = arith.muli %add3A_58, %mul3A_195 : i32
        %add3A_197 = arith.constant 4 : i32
        %add3A_198 = arith.addi %mul3A_196, %add3A_197 : i32
        %get3A_199 = arith.index_cast %add3A_198 : i32 to index
        %get3A_200 = arith.constant 0 : index
        %get3A_201 = tpu.vector_load %arg9[%get3A_199, %get3A_200] {strides = array<i32>} : memref<80x16xf32, #tpu.memory_space<vmem>>, vector<16xf32>,
        %mul3A_202 = arith.mulf %get3A_201, %select_n3A_194 : vector<16xf32>
        %reduce_sum3A_203 = arith.constant true
        %reduce_sum3A_204 = vector.broadcast %reduce_sum3A_203 : i1 to vector<16xi1>
        %reduce_sum3A_205 = tpu.scan <sum>, %mul3A_202 masked %reduce_sum3A_204 : vector<16xf32>, vector<16xi1> -> vector<16xf32>
        %reduce_sum3A_206 = vector.extract %reduce_sum3A_205[15] : f32 from vector<16xf32>
        %eq3A_207 = arith.constant 4 : i32
        %eq3A_208 = vector.broadcast %eq3A_207 : i32 to vector<16xi32>
        %eq3A_209 = arith.cmpi eq, %iota3A, %eq3A_208 : vector<16xi32>
        %jit3A_210 = arith.constant 1.000000e+00 : f32
        %jit3A_211 = arith.constant 0.000000e+00 : f32
        %broadcast_in_dim3A_212 = vector.broadcast %jit3A_210 : f32 to vector<16xf32>
        %broadcast_in_dim3A_213 = vector.broadcast %jit3A_211 : f32 to vector<16xf32>
        %select_n3A_214 = arith.select %eq3A_209, %broadcast_in_dim3A_212, %broadcast_in_dim3A_213 : vector<16xi1>, vector<16xf32>
        %mul3A_215 = vector.broadcast %reduce_sum3A_206 : f32 to vector<16xf32>
        %mul3A_216 = arith.mulf %select_n3A_214, %mul3A_215 : vector<16xf32>
        %add3A_217 = arith.addf %add3A_185, %mul3A_216 : vector<16xf32>
        %slice3A_218 = vector.extract_strided_slice %and3A_63 {offsets = [5], sizes = [1], strides = [1]} : vector<16xi32> to vector<1xi32>
        %squeeze3A_219 = vector.extract %slice3A_218[0] : i32 from vector<1xi32>
        %broadcast_in_dim3A_220 = vector.broadcast %squeeze3A_219 : i32 to vector<16xi32>
        %eq3A_221 = arith.cmpi eq, %iota3A, %broadcast_in_dim3A_220 : vector<16xi32>
        %jit3A_222 = arith.constant 1.000000e+00 : f32
        %jit3A_223 = arith.constant 0.000000e+00 : f32
        %broadcast_in_dim3A_224 = vector.broadcast %jit3A_222 : f32 to vector<16xf32>
        %broadcast_in_dim3A_225 = vector.broadcast %jit3A_223 : f32 to vector<16xf32>
        %select_n3A_226 = arith.select %eq3A_221, %broadcast_in_dim3A_224, %broadcast_in_dim3A_225 : vector<16xi1>, vector<16xf32>
        %mul3A_227 = arith.constant 16 : i32
        %mul3A_228 = arith.muli %add3A_58, %mul3A_227 : i32
        %add3A_229 = arith.constant 5 : i32
        %add3A_230 = arith.addi %mul3A_228, %add3A_229 : i32
        %get3A_231 = arith.index_cast %add3A_230 : i32 to index
        %get3A_232 = arith.constant 0 : index
        %get3A_233 = tpu.vector_load %arg9[%get3A_231, %get3A_232] {strides = array<i32>} : memref<80x16xf32, #tpu.memory_space<vmem>>, vector<16xf32>,
        %mul3A_234 = arith.mulf %get3A_233, %select_n3A_226 : vector<16xf32>
        %reduce_sum3A_235 = arith.constant true
        %reduce_sum3A_236 = vector.broadcast %reduce_sum3A_235 : i1 to vector<16xi1>
        %reduce_sum3A_237 = tpu.scan <sum>, %mul3A_234 masked %reduce_sum3A_236 : vector<16xf32>, vector<16xi1> -> vector<16xf32>
        %reduce_sum3A_238 = vector.extract %reduce_sum3A_237[15] : f32 from vector<16xf32>
        %eq3A_239 = arith.constant 5 : i32
        %eq3A_240 = vector.broadcast %eq3A_239 : i32 to vector<16xi32>
        %eq3A_241 = arith.cmpi eq, %iota3A, %eq3A_240 : vector<16xi32>
        %jit3A_242 = arith.constant 1.000000e+00 : f32
        %jit3A_243 = arith.constant 0.000000e+00 : f32
        %broadcast_in_dim3A_244 = vector.broadcast %jit3A_242 : f32 to vector<16xf32>
        %broadcast_in_dim3A_245 = vector.broadcast %jit3A_243 : f32 to vector<16xf32>
        %select_n3A_246 = arith.select %eq3A_241, %broadcast_in_dim3A_244, %broadcast_in_dim3A_245 : vector<16xi1>, vector<16xf32>
        %mul3A_247 = vector.broadcast %reduce_sum3A_238 : f32 to vector<16xf32>
        %mul3A_248 = arith.mulf %select_n3A_246, %mul3A_247 : vector<16xf32>
        %add3A_249 = arith.addf %add3A_217, %mul3A_248 : vector<16xf32>
        %slice3A_250 = vector.extract_strided_slice %and3A_63 {offsets = [6], sizes = [1], strides = [1]} : vector<16xi32> to vector<1xi32>
        %squeeze3A_251 = vector.extract %slice3A_250[0] : i32 from vector<1xi32>
        %broadcast_in_dim3A_252 = vector.broadcast %squeeze3A_251 : i32 to vector<16xi32>
        %eq3A_253 = arith.cmpi eq, %iota3A, %broadcast_in_dim3A_252 : vector<16xi32>
        %jit3A_254 = arith.constant 1.000000e+00 : f32
        %jit3A_255 = arith.constant 0.000000e+00 : f32
        %broadcast_in_dim3A_256 = vector.broadcast %jit3A_254 : f32 to vector<16xf32>
        %broadcast_in_dim3A_257 = vector.broadcast %jit3A_255 : f32 to vector<16xf32>
        %select_n3A_258 = arith.select %eq3A_253, %broadcast_in_dim3A_256, %broadcast_in_dim3A_257 : vector<16xi1>, vector<16xf32>
        %mul3A_259 = arith.constant 16 : i32
        %mul3A_260 = arith.muli %add3A_58, %mul3A_259 : i32
        %add3A_261 = arith.constant 6 : i32
        %add3A_262 = arith.addi %mul3A_260, %add3A_261 : i32
        %get3A_263 = arith.index_cast %add3A_262 : i32 to index
        %get3A_264 = arith.constant 0 : index
        %get3A_265 = tpu.vector_load %arg9[%get3A_263, %get3A_264] {strides = array<i32>} : memref<80x16xf32, #tpu.memory_space<vmem>>, vector<16xf32>,
        %mul3A_266 = arith.mulf %get3A_265, %select_n3A_258 : vector<16xf32>
        %reduce_sum3A_267 = arith.constant true
        %reduce_sum3A_268 = vector.broadcast %reduce_sum3A_267 : i1 to vector<16xi1>
        %reduce_sum3A_269 = tpu.scan <sum>, %mul3A_266 masked %reduce_sum3A_268 : vector<16xf32>, vector<16xi1> -> vector<16xf32>
        %reduce_sum3A_270 = vector.extract %reduce_sum3A_269[15] : f32 from vector<16xf32>
        %eq3A_271 = arith.constant 6 : i32
        %eq3A_272 = vector.broadcast %eq3A_271 : i32 to vector<16xi32>
        %eq3A_273 = arith.cmpi eq, %iota3A, %eq3A_272 : vector<16xi32>
        %jit3A_274 = arith.constant 1.000000e+00 : f32
        %jit3A_275 = arith.constant 0.000000e+00 : f32
        %broadcast_in_dim3A_276 = vector.broadcast %jit3A_274 : f32 to vector<16xf32>
        %broadcast_in_dim3A_277 = vector.broadcast %jit3A_275 : f32 to vector<16xf32>
        %select_n3A_278 = arith.select %eq3A_273, %broadcast_in_dim3A_276, %broadcast_in_dim3A_277 : vector<16xi1>, vector<16xf32>
        %mul3A_279 = vector.broadcast %reduce_sum3A_270 : f32 to vector<16xf32>
        %mul3A_280 = arith.mulf %select_n3A_278, %mul3A_279 : vector<16xf32>
        %add3A_281 = arith.addf %add3A_249, %mul3A_280 : vector<16xf32>
        %slice3A_282 = vector.extract_strided_slice %and3A_63 {offsets = [7], sizes = [1], strides = [1]} : vector<16xi32> to vector<1xi32>
        %squeeze3A_283 = vector.extract %slice3A_282[0] : i32 from vector<1xi32>
        %broadcast_in_dim3A_284 = vector.broadcast %squeeze3A_283 : i32 to vector<16xi32>
        %eq3A_285 = arith.cmpi eq, %iota3A, %broadcast_in_dim3A_284 : vector<16xi32>
        %jit3A_286 = arith.constant 1.000000e+00 : f32
        %jit3A_287 = arith.constant 0.000000e+00 : f32
        %broadcast_in_dim3A_288 = vector.broadcast %jit3A_286 : f32 to vector<16xf32>
        %broadcast_in_dim3A_289 = vector.broadcast %jit3A_287 : f32 to vector<16xf32>
        %select_n3A_290 = arith.select %eq3A_285, %broadcast_in_dim3A_288, %broadcast_in_dim3A_289 : vector<16xi1>, vector<16xf32>
        %mul3A_291 = arith.constant 16 : i32
        %mul3A_292 = arith.muli %add3A_58, %mul3A_291 : i32
        %add3A_293 = arith.constant 7 : i32
        %add3A_294 = arith.addi %mul3A_292, %add3A_293 : i32
        %get3A_295 = arith.index_cast %add3A_294 : i32 to index
        %get3A_296 = arith.constant 0 : index
        %get3A_297 = tpu.vector_load %arg9[%get3A_295, %get3A_296] {strides = array<i32>} : memref<80x16xf32, #tpu.memory_space<vmem>>, vector<16xf32>,
        %mul3A_298 = arith.mulf %get3A_297, %select_n3A_290 : vector<16xf32>
        %reduce_sum3A_299 = arith.constant true
        %reduce_sum3A_300 = vector.broadcast %reduce_sum3A_299 : i1 to vector<16xi1>
        %reduce_sum3A_301 = tpu.scan <sum>, %mul3A_298 masked %reduce_sum3A_300 : vector<16xf32>, vector<16xi1> -> vector<16xf32>
        %reduce_sum3A_302 = vector.extract %reduce_sum3A_301[15] : f32 from vector<16xf32>
        %eq3A_303 = arith.constant 7 : i32
        %eq3A_304 = vector.broadcast %eq3A_303 : i32 to vector<16xi32>
        %eq3A_305 = arith.cmpi eq, %iota3A, %eq3A_304 : vector<16xi32>
        %jit3A_306 = arith.constant 1.000000e+00 : f32
        %jit3A_307 = arith.constant 0.000000e+00 : f32
        %broadcast_in_dim3A_308 = vector.broadcast %jit3A_306 : f32 to vector<16xf32>
        %broadcast_in_dim3A_309 = vector.broadcast %jit3A_307 : f32 to vector<16xf32>
        %select_n3A_310 = arith.select %eq3A_305, %broadcast_in_dim3A_308, %broadcast_in_dim3A_309 : vector<16xi1>, vector<16xf32>
        %mul3A_311 = vector.broadcast %reduce_sum3A_302 : f32 to vector<16xf32>
        %mul3A_312 = arith.mulf %select_n3A_310, %mul3A_311 : vector<16xf32>
        %add3A_313 = arith.addf %add3A_281, %mul3A_312 : vector<16xf32>
        %slice3A_314 = vector.extract_strided_slice %and3A_63 {offsets = [8], sizes = [1], strides = [1]} : vector<16xi32> to vector<1xi32>
        %squeeze3A_315 = vector.extract %slice3A_314[0] : i32 from vector<1xi32>
        %broadcast_in_dim3A_316 = vector.broadcast %squeeze3A_315 : i32 to vector<16xi32>
        %eq3A_317 = arith.cmpi eq, %iota3A, %broadcast_in_dim3A_316 : vector<16xi32>
        %jit3A_318 = arith.constant 1.000000e+00 : f32
        %jit3A_319 = arith.constant 0.000000e+00 : f32
        %broadcast_in_dim3A_320 = vector.broadcast %jit3A_318 : f32 to vector<16xf32>
        %broadcast_in_dim3A_321 = vector.broadcast %jit3A_319 : f32 to vector<16xf32>
        %select_n3A_322 = arith.select %eq3A_317, %broadcast_in_dim3A_320, %broadcast_in_dim3A_321 : vector<16xi1>, vector<16xf32>
        %mul3A_323 = arith.constant 16 : i32
        %mul3A_324 = arith.muli %add3A_58, %mul3A_323 : i32
        %add3A_325 = arith.constant 8 : i32
        %add3A_326 = arith.addi %mul3A_324, %add3A_325 : i32
        %get3A_327 = arith.index_cast %add3A_326 : i32 to index
        %get3A_328 = arith.constant 0 : index
        %get3A_329 = tpu.vector_load %arg9[%get3A_327, %get3A_328] {strides = array<i32>} : memref<80x16xf32, #tpu.memory_space<vmem>>, vector<16xf32>,
        %mul3A_330 = arith.mulf %get3A_329, %select_n3A_322 : vector<16xf32>
        %reduce_sum3A_331 = arith.constant true
        %reduce_sum3A_332 = vector.broadcast %reduce_sum3A_331 : i1 to vector<16xi1>
        %reduce_sum3A_333 = tpu.scan <sum>, %mul3A_330 masked %reduce_sum3A_332 : vector<16xf32>, vector<16xi1> -> vector<16xf32>
        %reduce_sum3A_334 = vector.extract %reduce_sum3A_333[15] : f32 from vector<16xf32>
        %eq3A_335 = arith.constant 8 : i32
        %eq3A_336 = vector.broadcast %eq3A_335 : i32 to vector<16xi32>
        %eq3A_337 = arith.cmpi eq, %iota3A, %eq3A_336 : vector<16xi32>
        %jit3A_338 = arith.constant 1.000000e+00 : f32
        %jit3A_339 = arith.constant 0.000000e+00 : f32
        %broadcast_in_dim3A_340 = vector.broadcast %jit3A_338 : f32 to vector<16xf32>
        %broadcast_in_dim3A_341 = vector.broadcast %jit3A_339 : f32 to vector<16xf32>
        %select_n3A_342 = arith.select %eq3A_337, %broadcast_in_dim3A_340, %broadcast_in_dim3A_341 : vector<16xi1>, vector<16xf32>
        %mul3A_343 = vector.broadcast %reduce_sum3A_334 : f32 to vector<16xf32>
        %mul3A_344 = arith.mulf %select_n3A_342, %mul3A_343 : vector<16xf32>
        %add3A_345 = arith.addf %add3A_313, %mul3A_344 : vector<16xf32>
        %slice3A_346 = vector.extract_strided_slice %and3A_63 {offsets = [9], sizes = [1], strides = [1]} : vector<16xi32> to vector<1xi32>
        %squeeze3A_347 = vector.extract %slice3A_346[0] : i32 from vector<1xi32>
        %broadcast_in_dim3A_348 = vector.broadcast %squeeze3A_347 : i32 to vector<16xi32>
        %eq3A_349 = arith.cmpi eq, %iota3A, %broadcast_in_dim3A_348 : vector<16xi32>
        %jit3A_350 = arith.constant 1.000000e+00 : f32
        %jit3A_351 = arith.constant 0.000000e+00 : f32
        %broadcast_in_dim3A_352 = vector.broadcast %jit3A_350 : f32 to vector<16xf32>
        %broadcast_in_dim3A_353 = vector.broadcast %jit3A_351 : f32 to vector<16xf32>
        %select_n3A_354 = arith.select %eq3A_349, %broadcast_in_dim3A_352, %broadcast_in_dim3A_353 : vector<16xi1>, vector<16xf32>
        %mul3A_355 = arith.constant 16 : i32
        %mul3A_356 = arith.muli %add3A_58, %mul3A_355 : i32
        %add3A_357 = arith.constant 9 : i32
        %add3A_358 = arith.addi %mul3A_356, %add3A_357 : i32
        %get3A_359 = arith.index_cast %add3A_358 : i32 to index
        %get3A_360 = arith.constant 0 : index
        %get3A_361 = tpu.vector_load %arg9[%get3A_359, %get3A_360] {strides = array<i32>} : memref<80x16xf32, #tpu.memory_space<vmem>>, vector<16xf32>,
        %mul3A_362 = arith.mulf %get3A_361, %select_n3A_354 : vector<16xf32>
        %reduce_sum3A_363 = arith.constant true
        %reduce_sum3A_364 = vector.broadcast %reduce_sum3A_363 : i1 to vector<16xi1>
        %reduce_sum3A_365 = tpu.scan <sum>, %mul3A_362 masked %reduce_sum3A_364 : vector<16xf32>, vector<16xi1> -> vector<16xf32>
        %reduce_sum3A_366 = vector.extract %reduce_sum3A_365[15] : f32 from vector<16xf32>
        %eq3A_367 = arith.constant 9 : i32
        %eq3A_368 = vector.broadcast %eq3A_367 : i32 to vector<16xi32>
        %eq3A_369 = arith.cmpi eq, %iota3A, %eq3A_368 : vector<16xi32>
        %jit3A_370 = arith.constant 1.000000e+00 : f32
        %jit3A_371 = arith.constant 0.000000e+00 : f32
        %broadcast_in_dim3A_372 = vector.broadcast %jit3A_370 : f32 to vector<16xf32>
        %broadcast_in_dim3A_373 = vector.broadcast %jit3A_371 : f32 to vector<16xf32>
        %select_n3A_374 = arith.select %eq3A_369, %broadcast_in_dim3A_372, %broadcast_in_dim3A_373 : vector<16xi1>, vector<16xf32>
        %mul3A_375 = vector.broadcast %reduce_sum3A_366 : f32 to vector<16xf32>
        %mul3A_376 = arith.mulf %select_n3A_374, %mul3A_375 : vector<16xf32>
        %add3A_377 = arith.addf %add3A_345, %mul3A_376 : vector<16xf32>
        %slice3A_378 = vector.extract_strided_slice %and3A_63 {offsets = [10], sizes = [1], strides = [1]} : vector<16xi32> to vector<1xi32>
        %squeeze3A_379 = vector.extract %slice3A_378[0] : i32 from vector<1xi32>
        %broadcast_in_dim3A_380 = vector.broadcast %squeeze3A_379 : i32 to vector<16xi32>
        %eq3A_381 = arith.cmpi eq, %iota3A, %broadcast_in_dim3A_380 : vector<16xi32>
        %jit3A_382 = arith.constant 1.000000e+00 : f32
        %jit3A_383 = arith.constant 0.000000e+00 : f32
        %broadcast_in_dim3A_384 = vector.broadcast %jit3A_382 : f32 to vector<16xf32>
        %broadcast_in_dim3A_385 = vector.broadcast %jit3A_383 : f32 to vector<16xf32>
        %select_n3A_386 = arith.select %eq3A_381, %broadcast_in_dim3A_384, %broadcast_in_dim3A_385 : vector<16xi1>, vector<16xf32>
        %mul3A_387 = arith.constant 16 : i32
        %mul3A_388 = arith.muli %add3A_58, %mul3A_387 : i32
        %add3A_389 = arith.constant 10 : i32
        %add3A_390 = arith.addi %mul3A_388, %add3A_389 : i32
        %get3A_391 = arith.index_cast %add3A_390 : i32 to index
        %get3A_392 = arith.constant 0 : index
        %get3A_393 = tpu.vector_load %arg9[%get3A_391, %get3A_392] {strides = array<i32>} : memref<80x16xf32, #tpu.memory_space<vmem>>, vector<16xf32>,
        %mul3A_394 = arith.mulf %get3A_393, %select_n3A_386 : vector<16xf32>
        %reduce_sum3A_395 = arith.constant true
        %reduce_sum3A_396 = vector.broadcast %reduce_sum3A_395 : i1 to vector<16xi1>
        %reduce_sum3A_397 = tpu.scan <sum>, %mul3A_394 masked %reduce_sum3A_396 : vector<16xf32>, vector<16xi1> -> vector<16xf32>
        %reduce_sum3A_398 = vector.extract %reduce_sum3A_397[15] : f32 from vector<16xf32>
        %eq3A_399 = arith.constant 10 : i32
        %eq3A_400 = vector.broadcast %eq3A_399 : i32 to vector<16xi32>
        %eq3A_401 = arith.cmpi eq, %iota3A, %eq3A_400 : vector<16xi32>
        %jit3A_402 = arith.constant 1.000000e+00 : f32
        %jit3A_403 = arith.constant 0.000000e+00 : f32
        %broadcast_in_dim3A_404 = vector.broadcast %jit3A_402 : f32 to vector<16xf32>
        %broadcast_in_dim3A_405 = vector.broadcast %jit3A_403 : f32 to vector<16xf32>
        %select_n3A_406 = arith.select %eq3A_401, %broadcast_in_dim3A_404, %broadcast_in_dim3A_405 : vector<16xi1>, vector<16xf32>
        %mul3A_407 = vector.broadcast %reduce_sum3A_398 : f32 to vector<16xf32>
        %mul3A_408 = arith.mulf %select_n3A_406, %mul3A_407 : vector<16xf32>
        %add3A_409 = arith.addf %add3A_377, %mul3A_408 : vector<16xf32>
        %slice3A_410 = vector.extract_strided_slice %and3A_63 {offsets = [11], sizes = [1], strides = [1]} : vector<16xi32> to vector<1xi32>
        %squeeze3A_411 = vector.extract %slice3A_410[0] : i32 from vector<1xi32>
        %broadcast_in_dim3A_412 = vector.broadcast %squeeze3A_411 : i32 to vector<16xi32>
        %eq3A_413 = arith.cmpi eq, %iota3A, %broadcast_in_dim3A_412 : vector<16xi32>
        %jit3A_414 = arith.constant 1.000000e+00 : f32
        %jit3A_415 = arith.constant 0.000000e+00 : f32
        %broadcast_in_dim3A_416 = vector.broadcast %jit3A_414 : f32 to vector<16xf32>
        %broadcast_in_dim3A_417 = vector.broadcast %jit3A_415 : f32 to vector<16xf32>
        %select_n3A_418 = arith.select %eq3A_413, %broadcast_in_dim3A_416, %broadcast_in_dim3A_417 : vector<16xi1>, vector<16xf32>
        %mul3A_419 = arith.constant 16 : i32
        %mul3A_420 = arith.muli %add3A_58, %mul3A_419 : i32
        %add3A_421 = arith.constant 11 : i32
        %add3A_422 = arith.addi %mul3A_420, %add3A_421 : i32
        %get3A_423 = arith.index_cast %add3A_422 : i32 to index
        %get3A_424 = arith.constant 0 : index
        %get3A_425 = tpu.vector_load %arg9[%get3A_423, %get3A_424] {strides = array<i32>} : memref<80x16xf32, #tpu.memory_space<vmem>>, vector<16xf32>,
        %mul3A_426 = arith.mulf %get3A_425, %select_n3A_418 : vector<16xf32>
        %reduce_sum3A_427 = arith.constant true
        %reduce_sum3A_428 = vector.broadcast %reduce_sum3A_427 : i1 to vector<16xi1>
        %reduce_sum3A_429 = tpu.scan <sum>, %mul3A_426 masked %reduce_sum3A_428 : vector<16xf32>, vector<16xi1> -> vector<16xf32>
        %reduce_sum3A_430 = vector.extract %reduce_sum3A_429[15] : f32 from vector<16xf32>
        %eq3A_431 = arith.constant 11 : i32
        %eq3A_432 = vector.broadcast %eq3A_431 : i32 to vector<16xi32>
        %eq3A_433 = arith.cmpi eq, %iota3A, %eq3A_432 : vector<16xi32>
        %jit3A_434 = arith.constant 1.000000e+00 : f32
        %jit3A_435 = arith.constant 0.000000e+00 : f32
        %broadcast_in_dim3A_436 = vector.broadcast %jit3A_434 : f32 to vector<16xf32>
        %broadcast_in_dim3A_437 = vector.broadcast %jit3A_435 : f32 to vector<16xf32>
        %select_n3A_438 = arith.select %eq3A_433, %broadcast_in_dim3A_436, %broadcast_in_dim3A_437 : vector<16xi1>, vector<16xf32>
        %mul3A_439 = vector.broadcast %reduce_sum3A_430 : f32 to vector<16xf32>
        %mul3A_440 = arith.mulf %select_n3A_438, %mul3A_439 : vector<16xf32>
        %add3A_441 = arith.addf %add3A_409, %mul3A_440 : vector<16xf32>
        %slice3A_442 = vector.extract_strided_slice %and3A_63 {offsets = [12], sizes = [1], strides = [1]} : vector<16xi32> to vector<1xi32>
        %squeeze3A_443 = vector.extract %slice3A_442[0] : i32 from vector<1xi32>
        %broadcast_in_dim3A_444 = vector.broadcast %squeeze3A_443 : i32 to vector<16xi32>
        %eq3A_445 = arith.cmpi eq, %iota3A, %broadcast_in_dim3A_444 : vector<16xi32>
        %jit3A_446 = arith.constant 1.000000e+00 : f32
        %jit3A_447 = arith.constant 0.000000e+00 : f32
        %broadcast_in_dim3A_448 = vector.broadcast %jit3A_446 : f32 to vector<16xf32>
        %broadcast_in_dim3A_449 = vector.broadcast %jit3A_447 : f32 to vector<16xf32>
        %select_n3A_450 = arith.select %eq3A_445, %broadcast_in_dim3A_448, %broadcast_in_dim3A_449 : vector<16xi1>, vector<16xf32>
        %mul3A_451 = arith.constant 16 : i32
        %mul3A_452 = arith.muli %add3A_58, %mul3A_451 : i32
        %add3A_453 = arith.constant 12 : i32
        %add3A_454 = arith.addi %mul3A_452, %add3A_453 : i32
        %get3A_455 = arith.index_cast %add3A_454 : i32 to index
        %get3A_456 = arith.constant 0 : index
        %get3A_457 = tpu.vector_load %arg9[%get3A_455, %get3A_456] {strides = array<i32>} : memref<80x16xf32, #tpu.memory_space<vmem>>, vector<16xf32>,
        %mul3A_458 = arith.mulf %get3A_457, %select_n3A_450 : vector<16xf32>
        %reduce_sum3A_459 = arith.constant true
        %reduce_sum3A_460 = vector.broadcast %reduce_sum3A_459 : i1 to vector<16xi1>
        %reduce_sum3A_461 = tpu.scan <sum>, %mul3A_458 masked %reduce_sum3A_460 : vector<16xf32>, vector<16xi1> -> vector<16xf32>
        %reduce_sum3A_462 = vector.extract %reduce_sum3A_461[15] : f32 from vector<16xf32>
        %eq3A_463 = arith.constant 12 : i32
        %eq3A_464 = vector.broadcast %eq3A_463 : i32 to vector<16xi32>
        %eq3A_465 = arith.cmpi eq, %iota3A, %eq3A_464 : vector<16xi32>
        %jit3A_466 = arith.constant 1.000000e+00 : f32
        %jit3A_467 = arith.constant 0.000000e+00 : f32
        %broadcast_in_dim3A_468 = vector.broadcast %jit3A_466 : f32 to vector<16xf32>
        %broadcast_in_dim3A_469 = vector.broadcast %jit3A_467 : f32 to vector<16xf32>
        %select_n3A_470 = arith.select %eq3A_465, %broadcast_in_dim3A_468, %broadcast_in_dim3A_469 : vector<16xi1>, vector<16xf32>
        %mul3A_471 = vector.broadcast %reduce_sum3A_462 : f32 to vector<16xf32>
        %mul3A_472 = arith.mulf %select_n3A_470, %mul3A_471 : vector<16xf32>
        %add3A_473 = arith.addf %add3A_441, %mul3A_472 : vector<16xf32>
        %slice3A_474 = vector.extract_strided_slice %and3A_63 {offsets = [13], sizes = [1], strides = [1]} : vector<16xi32> to vector<1xi32>
        %squeeze3A_475 = vector.extract %slice3A_474[0] : i32 from vector<1xi32>
        %broadcast_in_dim3A_476 = vector.broadcast %squeeze3A_475 : i32 to vector<16xi32>
        %eq3A_477 = arith.cmpi eq, %iota3A, %broadcast_in_dim3A_476 : vector<16xi32>
        %jit3A_478 = arith.constant 1.000000e+00 : f32
        %jit3A_479 = arith.constant 0.000000e+00 : f32
        %broadcast_in_dim3A_480 = vector.broadcast %jit3A_478 : f32 to vector<16xf32>
        %broadcast_in_dim3A_481 = vector.broadcast %jit3A_479 : f32 to vector<16xf32>
        %select_n3A_482 = arith.select %eq3A_477, %broadcast_in_dim3A_480, %broadcast_in_dim3A_481 : vector<16xi1>, vector<16xf32>
        %mul3A_483 = arith.constant 16 : i32
        %mul3A_484 = arith.muli %add3A_58, %mul3A_483 : i32
        %add3A_485 = arith.constant 13 : i32
        %add3A_486 = arith.addi %mul3A_484, %add3A_485 : i32
        %get3A_487 = arith.index_cast %add3A_486 : i32 to index
        %get3A_488 = arith.constant 0 : index
        %get3A_489 = tpu.vector_load %arg9[%get3A_487, %get3A_488] {strides = array<i32>} : memref<80x16xf32, #tpu.memory_space<vmem>>, vector<16xf32>,
        %mul3A_490 = arith.mulf %get3A_489, %select_n3A_482 : vector<16xf32>
        %reduce_sum3A_491 = arith.constant true
        %reduce_sum3A_492 = vector.broadcast %reduce_sum3A_491 : i1 to vector<16xi1>
        %reduce_sum3A_493 = tpu.scan <sum>, %mul3A_490 masked %reduce_sum3A_492 : vector<16xf32>, vector<16xi1> -> vector<16xf32>
        %reduce_sum3A_494 = vector.extract %reduce_sum3A_493[15] : f32 from vector<16xf32>
        %eq3A_495 = arith.constant 13 : i32
        %eq3A_496 = vector.broadcast %eq3A_495 : i32 to vector<16xi32>
        %eq3A_497 = arith.cmpi eq, %iota3A, %eq3A_496 : vector<16xi32>
        %jit3A_498 = arith.constant 1.000000e+00 : f32
        %jit3A_499 = arith.constant 0.000000e+00 : f32
        %broadcast_in_dim3A_500 = vector.broadcast %jit3A_498 : f32 to vector<16xf32>
        %broadcast_in_dim3A_501 = vector.broadcast %jit3A_499 : f32 to vector<16xf32>
        %select_n3A_502 = arith.select %eq3A_497, %broadcast_in_dim3A_500, %broadcast_in_dim3A_501 : vector<16xi1>, vector<16xf32>
        %mul3A_503 = vector.broadcast %reduce_sum3A_494 : f32 to vector<16xf32>
        %mul3A_504 = arith.mulf %select_n3A_502, %mul3A_503 : vector<16xf32>
        %add3A_505 = arith.addf %add3A_473, %mul3A_504 : vector<16xf32>
        %slice3A_506 = vector.extract_strided_slice %and3A_63 {offsets = [14], sizes = [1], strides = [1]} : vector<16xi32> to vector<1xi32>
        %squeeze3A_507 = vector.extract %slice3A_506[0] : i32 from vector<1xi32>
        %broadcast_in_dim3A_508 = vector.broadcast %squeeze3A_507 : i32 to vector<16xi32>
        %eq3A_509 = arith.cmpi eq, %iota3A, %broadcast_in_dim3A_508 : vector<16xi32>
        %jit3A_510 = arith.constant 1.000000e+00 : f32
        %jit3A_511 = arith.constant 0.000000e+00 : f32
        %broadcast_in_dim3A_512 = vector.broadcast %jit3A_510 : f32 to vector<16xf32>
        %broadcast_in_dim3A_513 = vector.broadcast %jit3A_511 : f32 to vector<16xf32>
        %select_n3A_514 = arith.select %eq3A_509, %broadcast_in_dim3A_512, %broadcast_in_dim3A_513 : vector<16xi1>, vector<16xf32>
        %mul3A_515 = arith.constant 16 : i32
        %mul3A_516 = arith.muli %add3A_58, %mul3A_515 : i32
        %add3A_517 = arith.constant 14 : i32
        %add3A_518 = arith.addi %mul3A_516, %add3A_517 : i32
        %get3A_519 = arith.index_cast %add3A_518 : i32 to index
        %get3A_520 = arith.constant 0 : index
        %get3A_521 = tpu.vector_load %arg9[%get3A_519, %get3A_520] {strides = array<i32>} : memref<80x16xf32, #tpu.memory_space<vmem>>, vector<16xf32>,
        %mul3A_522 = arith.mulf %get3A_521, %select_n3A_514 : vector<16xf32>
        %reduce_sum3A_523 = arith.constant true
        %reduce_sum3A_524 = vector.broadcast %reduce_sum3A_523 : i1 to vector<16xi1>
        %reduce_sum3A_525 = tpu.scan <sum>, %mul3A_522 masked %reduce_sum3A_524 : vector<16xf32>, vector<16xi1> -> vector<16xf32>
        %reduce_sum3A_526 = vector.extract %reduce_sum3A_525[15] : f32 from vector<16xf32>
        %eq3A_527 = arith.constant 14 : i32
        %eq3A_528 = vector.broadcast %eq3A_527 : i32 to vector<16xi32>
        %eq3A_529 = arith.cmpi eq, %iota3A, %eq3A_528 : vector<16xi32>
        %jit3A_530 = arith.constant 1.000000e+00 : f32
        %jit3A_531 = arith.constant 0.000000e+00 : f32
        %broadcast_in_dim3A_532 = vector.broadcast %jit3A_530 : f32 to vector<16xf32>
        %broadcast_in_dim3A_533 = vector.broadcast %jit3A_531 : f32 to vector<16xf32>
        %select_n3A_534 = arith.select %eq3A_529, %broadcast_in_dim3A_532, %broadcast_in_dim3A_533 : vector<16xi1>, vector<16xf32>
        %mul3A_535 = vector.broadcast %reduce_sum3A_526 : f32 to vector<16xf32>
        %mul3A_536 = arith.mulf %select_n3A_534, %mul3A_535 : vector<16xf32>
        %add3A_537 = arith.addf %add3A_505, %mul3A_536 : vector<16xf32>
        %slice3A_538 = vector.extract_strided_slice %and3A_63 {offsets = [15], sizes = [1], strides = [1]} : vector<16xi32> to vector<1xi32>
        %squeeze3A_539 = vector.extract %slice3A_538[0] : i32 from vector<1xi32>
        %broadcast_in_dim3A_540 = vector.broadcast %squeeze3A_539 : i32 to vector<16xi32>
        %eq3A_541 = arith.cmpi eq, %iota3A, %broadcast_in_dim3A_540 : vector<16xi32>
        %jit3A_542 = arith.constant 1.000000e+00 : f32
        %jit3A_543 = arith.constant 0.000000e+00 : f32
        %broadcast_in_dim3A_544 = vector.broadcast %jit3A_542 : f32 to vector<16xf32>
        %broadcast_in_dim3A_545 = vector.broadcast %jit3A_543 : f32 to vector<16xf32>
        %select_n3A_546 = arith.select %eq3A_541, %broadcast_in_dim3A_544, %broadcast_in_dim3A_545 : vector<16xi1>, vector<16xf32>
        %mul3A_547 = arith.constant 16 : i32
        %mul3A_548 = arith.muli %add3A_58, %mul3A_547 : i32
        %add3A_549 = arith.constant 15 : i32
        %add3A_550 = arith.addi %mul3A_548, %add3A_549 : i32
        %get3A_551 = arith.index_cast %add3A_550 : i32 to index
        %get3A_552 = arith.constant 0 : index
        %get3A_553 = tpu.vector_load %arg9[%get3A_551, %get3A_552] {strides = array<i32>} : memref<80x16xf32, #tpu.memory_space<vmem>>, vector<16xf32>,
        %mul3A_554 = arith.mulf %get3A_553, %select_n3A_546 : vector<16xf32>
        %reduce_sum3A_555 = arith.constant true
        %reduce_sum3A_556 = vector.broadcast %reduce_sum3A_555 : i1 to vector<16xi1>
        %reduce_sum3A_557 = tpu.scan <sum>, %mul3A_554 masked %reduce_sum3A_556 : vector<16xf32>, vector<16xi1> -> vector<16xf32>
        %reduce_sum3A_558 = vector.extract %reduce_sum3A_557[15] : f32 from vector<16xf32>
        %eq3A_559 = arith.constant 15 : i32
        %eq3A_560 = vector.broadcast %eq3A_559 : i32 to vector<16xi32>
        %eq3A_561 = arith.cmpi eq, %iota3A, %eq3A_560 : vector<16xi32>
        %jit3A_562 = arith.constant 1.000000e+00 : f32
        %jit3A_563 = arith.constant 0.000000e+00 : f32
        %broadcast_in_dim3A_564 = vector.broadcast %jit3A_562 : f32 to vector<16xf32>
        %broadcast_in_dim3A_565 = vector.broadcast %jit3A_563 : f32 to vector<16xf32>
        %select_n3A_566 = arith.select %eq3A_561, %broadcast_in_dim3A_564, %broadcast_in_dim3A_565 : vector<16xi1>, vector<16xf32>
        %mul3A_567 = vector.broadcast %reduce_sum3A_558 : f32 to vector<16xf32>
        %mul3A_568 = arith.mulf %select_n3A_566, %mul3A_567 : vector<16xf32>
        %add3A_569 = arith.addf %add3A_537, %mul3A_568 : vector<16xf32>
        %mul3A_570 = arith.constant 16 : i32
        %mul3A_571 = arith.muli %add3A_58, %mul3A_570 : i32
        %swap3A = arith.index_cast %mul3A_571 : i32 to index
        %swap3A_572 = tpu.vector_load %arg10[%swap3A] {strides = array<i32>} : memref<80xf32, #tpu.memory_space<vmem>>, vector<16xf32>,
        tpu.vector_store %arg10[%swap3A], %add3A_569 {strides = array<i32>} : memref<80xf32, #tpu.memory_space<vmem>>, vector<16xf32>,
      }
      %scan3A_53 = arith.constant 5 : i32
      "tpu.region"() ({
        %run_scoped3A = tpu.sem_alloc : memref<!tpu.dma_semaphore, #tpu.memory_space<semaphore_mem>>
        %dma_start3A_54 = tpu.memref_slice %arg3[%add3A_39] : memref<320000xf32, #tpu.memory_space<hbm>> -> memref<80xf32, #tpu.memory_space<hbm>>
        %dma_start3A_55 = tpu.memref_slice %arg3[%add3A_39] : memref<320000xf32, #tpu.memory_space<hbm>> -> memref<80xf32, #tpu.memory_space<hbm>>
        tpu.enqueue_dma source(%arg10 : memref<80xf32, #tpu.memory_space<vmem>>) target(%dma_start3A_55 : memref<80xf32, #tpu.memory_space<hbm>>) target_semaphore(%run_scoped3A : memref<!tpu.dma_semaphore, #tpu.memory_space<semaphore_mem>>)
        %dma_wait3A_56 = tpu.memref_slice %arg3[%add3A_39] : memref<320000xf32, #tpu.memory_space<hbm>> -> memref<80xf32, #tpu.memory_space<hbm>>
        %dma_wait3A_57 = tpu.memref_slice %arg3[%add3A_39] : memref<320000xf32, #tpu.memory_space<hbm>> -> memref<80xf32, #tpu.memory_space<hbm>>
        tpu.wait_dma2 semaphore(%run_scoped3A : memref<!tpu.dma_semaphore, #tpu.memory_space<semaphore_mem>>) src(%arg10 : memref<80xf32, #tpu.memory_space<vmem>>) dst(%dma_wait3A_57 : memref<80xf32, #tpu.memory_space<hbm>>)
        tpu.yield
      }) : () -> ()
    }
    %scan3A_31 = arith.constant 125 : i32
    return
  }
}

module attributes {stable_mosaic.version = 14 : i64} {
  func.func @_tc1_body(%arg0: i32, %arg1: i32, %arg2: memref<1000x128xf32, #tpu.memory_space<vmem>>, %arg3: memref<1x128x128xf32, #tpu.memory_space<vmem>>, %arg4: memref<1x1000x128xf32, #tpu.memory_space<vmem>>) attributes {dimension_semantics = [#tpu.dimension_semantics<arbitrary>, #tpu.dimension_semantics<arbitrary>], iteration_bounds = array<i64: 8, 10>, scalar_prefetch = 0 : i64, scratch_operands = 0 : i64, tpu.core_type = #tpu.core_type<tc>, window_params = [{transform_indices = @transform_0, window_bounds = array<i64: 1000, 128>}, {transform_indices = @transform_1, window_bounds = array<i64: 1, 128, 128>}, {transform_indices = @transform_2, window_bounds = array<i64: 1, 1000, 128>}]} {
    %get3A = arith.constant 0 : index
    %get3A_0 = arith.constant 0 : index
    %get3A_1 = vector.load %arg2[%get3A, %get3A_0] : memref<1000x128xf32, #tpu.memory_space<vmem>>, vector<1000x128xf32>
    %get3A_2 = arith.constant 0 : index
    %get3A_3 = arith.constant 0 : index
    %get3A_4 = arith.constant 0 : index
    %get3A_5 = vector.load %arg3[%get3A_2, %get3A_3, %get3A_4] : memref<1x128x128xf32, #tpu.memory_space<vmem>>, vector<1x128x128xf32>
    %get3A_6 = vector.shape_cast %get3A_5 : vector<1x128x128xf32> to vector<128x128xf32>
    %dot_general3A = arith.constant dense<0.000000e+00> : vector<1000x128xf32>
    %dot_general3A_7 = tpu.matmul %get3A_1, %get3A_6, %dot_general3A {dimension_numbers = #tpu.dot_dimension_numbers<[1], [0], [0], [1], [0, 0, 1, 1], [], []>, precision = #tpu.contract_precision<fp32>, transpose_lhs_hint = false} : vector<1000x128xf32>, vector<128x128xf32>, vector<1000x128xf32> -> vector<1000x128xf32>
    %swap3A = arith.constant 0 : index
    %swap3A_8 = arith.constant 0 : index
    %swap3A_9 = arith.constant 0 : index
    %swap3A_10 = vector.load %arg4[%swap3A, %swap3A_8, %swap3A_9] : memref<1x1000x128xf32, #tpu.memory_space<vmem>>, vector<1x1000x128xf32>
    %swap3A_11 = vector.shape_cast %swap3A_10 : vector<1x1000x128xf32> to vector<1000x128xf32>
    %swap3A_12 = vector.shape_cast %dot_general3A_7 : vector<1000x128xf32> to vector<1x1000x128xf32>
    tpu.vector_store %arg4[%swap3A, %swap3A_8, %swap3A_9], %swap3A_12 {strides = array<i32>} : memref<1x1000x128xf32, #tpu.memory_space<vmem>>, vector<1x1000x128xf32>,
    return
  }
  func.func @transform_0(%arg0: i32, %arg1: i32) -> (i32, i32) {
    %c0_i32 = arith.constant 0 : i32
    %c0_i32_0 = arith.constant 0 : i32
    return %arg1, %c0_i32 : i32, i32
  }
  func.func @transform_1(%arg0: i32, %arg1: i32) -> (i32, i32, i32) {
    %c0_i32 = arith.constant 0 : i32
    %c0_i32_0 = arith.constant 0 : i32
    %c0_i32_1 = arith.constant 0 : i32
    return %arg0, %c0_i32, %c0_i32_0 : i32, i32, i32
  }
  func.func @transform_2(%arg0: i32, %arg1: i32) -> (i32, i32, i32) {
    %c0_i32 = arith.constant 0 : i32
    %c0_i32_0 = arith.constant 0 : i32
    return %arg0, %arg1, %c0_i32 : i32, i32, i32
  }
}

module attributes {stable_mosaic.version = 14 : i64} {
  func.func @_tc2_body(%arg0: i32, %arg1: memref<2x1000x128xf32, #tpu.memory_space<vmem>>, %arg2: memref<1000x128xf32, #tpu.memory_space<vmem>>, %arg3: memref<128x128xf32, #tpu.memory_space<vmem>>, %arg4: memref<1x128xf32, #tpu.memory_space<vmem>>, %arg5: memref<128x128xf32, #tpu.memory_space<vmem>>, %arg6: memref<1x128xf32, #tpu.memory_space<vmem>>, %arg7: memref<128x128xf32, #tpu.memory_space<vmem>>, %arg8: memref<1x128xf32, #tpu.memory_space<vmem>>, %arg9: memref<128x128xf32, #tpu.memory_space<vmem>>, %arg10: memref<1x128xf32, #tpu.memory_space<vmem>>, %arg11: memref<128x128xf32, #tpu.memory_space<vmem>>, %arg12: memref<1x128xf32, #tpu.memory_space<vmem>>, %arg13: memref<1000x128xf32, #tpu.memory_space<vmem>>, %arg14: memref<1000x128xf32, #tpu.memory_space<vmem>>, %arg15: memref<1000x128xf32, #tpu.memory_space<vmem>>, %arg16: memref<1000x128xf32, #tpu.memory_space<vmem>>) attributes {dimension_semantics = [#tpu.dimension_semantics<arbitrary>], iteration_bounds = array<i64: 10>, scalar_prefetch = 0 : i64, scratch_operands = 0 : i64, tpu.core_type = #tpu.core_type<tc>, window_params = [{transform_indices = @transform_0, window_bounds = array<i64: 2, 1000, 128>}, {transform_indices = @transform_1, window_bounds = array<i64: 1000, 128>}, {pipeline_mode = #tpu.pipeline_mode<synchronous>, transform_indices = @transform_2, window_bounds = array<i64: 128, 128>}, {pipeline_mode = #tpu.pipeline_mode<synchronous>, transform_indices = @transform_3, window_bounds = array<i64: 1, 128>}, {pipeline_mode = #tpu.pipeline_mode<synchronous>, transform_indices = @transform_4, window_bounds = array<i64: 128, 128>}, {pipeline_mode = #tpu.pipeline_mode<synchronous>, transform_indices = @transform_5, window_bounds = array<i64: 1, 128>}, {pipeline_mode = #tpu.pipeline_mode<synchronous>, transform_indices = @transform_6, window_bounds = array<i64: 128, 128>}, {pipeline_mode = #tpu.pipeline_mode<synchronous>, transform_indices = @transform_7, window_bounds = array<i64: 1, 128>}, {pipeline_mode = #tpu.pipeline_mode<synchronous>, transform_indices = @transform_8, window_bounds = array<i64: 128, 128>}, {pipeline_mode = #tpu.pipeline_mode<synchronous>, transform_indices = @transform_9, window_bounds = array<i64: 1, 128>}, {pipeline_mode = #tpu.pipeline_mode<synchronous>, transform_indices = @transform_10, window_bounds = array<i64: 128, 128>}, {pipeline_mode = #tpu.pipeline_mode<synchronous>, transform_indices = @transform_11, window_bounds = array<i64: 1, 128>}, {transform_indices = @transform_12, window_bounds = array<i64: 1000, 128>}, {transform_indices = @transform_13, window_bounds = array<i64: 1000, 128>}, {transform_indices = @transform_14, window_bounds = array<i64: 1000, 128>}, {transform_indices = @transform_15, window_bounds = array<i64: 1000, 128>}]} {
    %get3A = arith.constant 0 : index
    %get3A_0 = arith.constant 0 : index
    %get3A_1 = arith.constant 0 : index
    %get3A_2 = vector.load %arg1[%get3A, %get3A_0, %get3A_1] : memref<2x1000x128xf32, #tpu.memory_space<vmem>>, vector<1x1000x128xf32>
    %get3A_3 = vector.shape_cast %get3A_2 : vector<1x1000x128xf32> to vector<1000x128xf32>
    %get3A_4 = arith.constant 1 : index
    %get3A_5 = arith.constant 0 : index
    %get3A_6 = arith.constant 0 : index
    %get3A_7 = vector.load %arg1[%get3A_4, %get3A_5, %get3A_6] : memref<2x1000x128xf32, #tpu.memory_space<vmem>>, vector<1x1000x128xf32>
    %get3A_8 = vector.shape_cast %get3A_7 : vector<1x1000x128xf32> to vector<1000x128xf32>
    %add3A = arith.addf %get3A_3, %get3A_8 : vector<1000x128xf32>
    %get3A_9 = arith.constant 0 : index
    %get3A_10 = arith.constant 0 : index
    %get3A_11 = vector.load %arg2[%get3A_9, %get3A_10] : memref<1000x128xf32, #tpu.memory_space<vmem>>, vector<1000x128xf32>
    %get3A_12 = arith.constant 0 : index
    %get3A_13 = arith.constant 0 : index
    %get3A_14 = vector.load %arg3[%get3A_12, %get3A_13] : memref<128x128xf32, #tpu.memory_space<vmem>>, vector<128x128xf32>
    %dot_general3A = arith.constant dense<0.000000e+00> : vector<1000x128xf32>
    %dot_general3A_15 = tpu.matmul %get3A_11, %get3A_14, %dot_general3A {dimension_numbers = #tpu.dot_dimension_numbers<[1], [0], [0], [1], [0, 0, 1, 1], [], []>, precision = #tpu.contract_precision<fp32>, transpose_lhs_hint = false} : vector<1000x128xf32>, vector<128x128xf32>, vector<1000x128xf32> -> vector<1000x128xf32>
    %add3A_16 = arith.addf %add3A, %dot_general3A_15 : vector<1000x128xf32>
    %get3A_17 = arith.constant 0 : index
    %get3A_18 = arith.constant 0 : index
    %get3A_19 = vector.load %arg4[%get3A_17, %get3A_18] : memref<1x128xf32, #tpu.memory_space<vmem>>, vector<1x128xf32>
    %add3A_20 = vector.broadcast %get3A_19 : vector<1x128xf32> to vector<1000x128xf32>
    %add3A_21 = arith.addf %add3A_16, %add3A_20 : vector<1000x128xf32>
    %get3A_22 = arith.constant 0 : index
    %get3A_23 = arith.constant 0 : index
    %get3A_24 = vector.load %arg5[%get3A_22, %get3A_23] : memref<128x128xf32, #tpu.memory_space<vmem>>, vector<128x128xf32>
    %dot_general3A_25 = arith.constant dense<0.000000e+00> : vector<1000x128xf32>
    %dot_general3A_26 = tpu.matmul %add3A_21, %get3A_24, %dot_general3A_25 {dimension_numbers = #tpu.dot_dimension_numbers<[1], [0], [0], [1], [0, 0, 1, 1], [], []>, precision = #tpu.contract_precision<fp32>, transpose_lhs_hint = false} : vector<1000x128xf32>, vector<128x128xf32>, vector<1000x128xf32> -> vector<1000x128xf32>
    %get3A_27 = arith.constant 0 : index
    %get3A_28 = arith.constant 0 : index
    %get3A_29 = vector.load %arg6[%get3A_27, %get3A_28] : memref<1x128xf32, #tpu.memory_space<vmem>>, vector<1x128xf32>
    %add3A_30 = vector.broadcast %get3A_29 : vector<1x128xf32> to vector<1000x128xf32>
    %add3A_31 = arith.addf %dot_general3A_26, %add3A_30 : vector<1000x128xf32>
    %swap3A = arith.constant 0 : index
    %swap3A_32 = arith.constant 0 : index
    %swap3A_33 = vector.load %arg13[%swap3A, %swap3A_32] : memref<1000x128xf32, #tpu.memory_space<vmem>>, vector<1000x128xf32>
    tpu.vector_store %arg13[%swap3A, %swap3A_32], %add3A_31 {strides = array<i32>} : memref<1000x128xf32, #tpu.memory_space<vmem>>, vector<1000x128xf32>,
    %get3A_34 = arith.constant 0 : index
    %get3A_35 = arith.constant 0 : index
    %get3A_36 = vector.load %arg7[%get3A_34, %get3A_35] : memref<128x128xf32, #tpu.memory_space<vmem>>, vector<128x128xf32>
    %dot_general3A_37 = arith.constant dense<0.000000e+00> : vector<1000x128xf32>
    %dot_general3A_38 = tpu.matmul %add3A_21, %get3A_36, %dot_general3A_37 {dimension_numbers = #tpu.dot_dimension_numbers<[1], [0], [0], [1], [0, 0, 1, 1], [], []>, precision = #tpu.contract_precision<fp32>, transpose_lhs_hint = false} : vector<1000x128xf32>, vector<128x128xf32>, vector<1000x128xf32> -> vector<1000x128xf32>
    %get3A_39 = arith.constant 0 : index
    %get3A_40 = arith.constant 0 : index
    %get3A_41 = vector.load %arg8[%get3A_39, %get3A_40] : memref<1x128xf32, #tpu.memory_space<vmem>>, vector<1x128xf32>
    %add3A_42 = vector.broadcast %get3A_41 : vector<1x128xf32> to vector<1000x128xf32>
    %add3A_43 = arith.addf %dot_general3A_38, %add3A_42 : vector<1000x128xf32>
    %swap3A_44 = arith.constant 0 : index
    %swap3A_45 = arith.constant 0 : index
    %swap3A_46 = vector.load %arg14[%swap3A_44, %swap3A_45] : memref<1000x128xf32, #tpu.memory_space<vmem>>, vector<1000x128xf32>
    tpu.vector_store %arg14[%swap3A_44, %swap3A_45], %add3A_43 {strides = array<i32>} : memref<1000x128xf32, #tpu.memory_space<vmem>>, vector<1000x128xf32>,
    %get3A_47 = arith.constant 0 : index
    %get3A_48 = arith.constant 0 : index
    %get3A_49 = vector.load %arg9[%get3A_47, %get3A_48] : memref<128x128xf32, #tpu.memory_space<vmem>>, vector<128x128xf32>
    %dot_general3A_50 = arith.constant dense<0.000000e+00> : vector<1000x128xf32>
    %dot_general3A_51 = tpu.matmul %add3A_21, %get3A_49, %dot_general3A_50 {dimension_numbers = #tpu.dot_dimension_numbers<[1], [0], [0], [1], [0, 0, 1, 1], [], []>, precision = #tpu.contract_precision<fp32>, transpose_lhs_hint = false} : vector<1000x128xf32>, vector<128x128xf32>, vector<1000x128xf32> -> vector<1000x128xf32>
    %get3A_52 = arith.constant 0 : index
    %get3A_53 = arith.constant 0 : index
    %get3A_54 = vector.load %arg10[%get3A_52, %get3A_53] : memref<1x128xf32, #tpu.memory_space<vmem>>, vector<1x128xf32>
    %add3A_55 = vector.broadcast %get3A_54 : vector<1x128xf32> to vector<1000x128xf32>
    %add3A_56 = arith.addf %dot_general3A_51, %add3A_55 : vector<1000x128xf32>
    %swap3A_57 = arith.constant 0 : index
    %swap3A_58 = arith.constant 0 : index
    %swap3A_59 = vector.load %arg15[%swap3A_57, %swap3A_58] : memref<1000x128xf32, #tpu.memory_space<vmem>>, vector<1000x128xf32>
    tpu.vector_store %arg15[%swap3A_57, %swap3A_58], %add3A_56 {strides = array<i32>} : memref<1000x128xf32, #tpu.memory_space<vmem>>, vector<1000x128xf32>,
    %get3A_60 = arith.constant 0 : index
    %get3A_61 = arith.constant 0 : index
    %get3A_62 = vector.load %arg11[%get3A_60, %get3A_61] : memref<128x128xf32, #tpu.memory_space<vmem>>, vector<128x128xf32>
    %dot_general3A_63 = arith.constant dense<0.000000e+00> : vector<1000x128xf32>
    %dot_general3A_64 = tpu.matmul %add3A_21, %get3A_62, %dot_general3A_63 {dimension_numbers = #tpu.dot_dimension_numbers<[1], [0], [0], [1], [0, 0, 1, 1], [], []>, precision = #tpu.contract_precision<fp32>, transpose_lhs_hint = false} : vector<1000x128xf32>, vector<128x128xf32>, vector<1000x128xf32> -> vector<1000x128xf32>
    %get3A_65 = arith.constant 0 : index
    %get3A_66 = arith.constant 0 : index
    %get3A_67 = vector.load %arg12[%get3A_65, %get3A_66] : memref<1x128xf32, #tpu.memory_space<vmem>>, vector<1x128xf32>
    %add3A_68 = vector.broadcast %get3A_67 : vector<1x128xf32> to vector<1000x128xf32>
    %add3A_69 = arith.addf %dot_general3A_64, %add3A_68 : vector<1000x128xf32>
    %swap3A_70 = arith.constant 0 : index
    %swap3A_71 = arith.constant 0 : index
    %swap3A_72 = vector.load %arg16[%swap3A_70, %swap3A_71] : memref<1000x128xf32, #tpu.memory_space<vmem>>, vector<1000x128xf32>
    tpu.vector_store %arg16[%swap3A_70, %swap3A_71], %add3A_69 {strides = array<i32>} : memref<1000x128xf32, #tpu.memory_space<vmem>>, vector<1000x128xf32>,
    return
  }
  func.func @transform_0(%arg0: i32) -> (i32, i32, i32) {
    %c0_i32 = arith.constant 0 : i32
    %c0_i32_0 = arith.constant 0 : i32
    %c0_i32_1 = arith.constant 0 : i32
    return %c0_i32, %arg0, %c0_i32_0 : i32, i32, i32
  }
  func.func @transform_1(%arg0: i32) -> (i32, i32) {
    %c0_i32 = arith.constant 0 : i32
    %c0_i32_0 = arith.constant 0 : i32
    return %arg0, %c0_i32 : i32, i32
  }
  func.func @transform_2(%arg0: i32) -> (i32, i32) {
    %c0_i32 = arith.constant 0 : i32
    %c0_i32_0 = arith.constant 0 : i32
    %c0_i32_1 = arith.constant 0 : i32
    return %c0_i32, %c0_i32_0 : i32, i32
  }
  func.func @transform_3(%arg0: i32) -> (i32, i32) {
    %c0_i32 = arith.constant 0 : i32
    %c0_i32_0 = arith.constant 0 : i32
    %c0_i32_1 = arith.constant 0 : i32
    return %c0_i32, %c0_i32_0 : i32, i32
  }
  func.func @transform_4(%arg0: i32) -> (i32, i32) {
    %c0_i32 = arith.constant 0 : i32
    %c0_i32_0 = arith.constant 0 : i32
    %c0_i32_1 = arith.constant 0 : i32
    return %c0_i32, %c0_i32_0 : i32, i32
  }
  func.func @transform_5(%arg0: i32) -> (i32, i32) {
    %c0_i32 = arith.constant 0 : i32
    %c0_i32_0 = arith.constant 0 : i32
    %c0_i32_1 = arith.constant 0 : i32
    return %c0_i32, %c0_i32_0 : i32, i32
  }
  func.func @transform_6(%arg0: i32) -> (i32, i32) {
    %c0_i32 = arith.constant 0 : i32
    %c0_i32_0 = arith.constant 0 : i32
    %c0_i32_1 = arith.constant 0 : i32
    return %c0_i32, %c0_i32_0 : i32, i32
  }
  func.func @transform_7(%arg0: i32) -> (i32, i32) {
    %c0_i32 = arith.constant 0 : i32
    %c0_i32_0 = arith.constant 0 : i32
    %c0_i32_1 = arith.constant 0 : i32
    return %c0_i32, %c0_i32_0 : i32, i32
  }
  func.func @transform_8(%arg0: i32) -> (i32, i32) {
    %c0_i32 = arith.constant 0 : i32
    %c0_i32_0 = arith.constant 0 : i32
    %c0_i32_1 = arith.constant 0 : i32
    return %c0_i32, %c0_i32_0 : i32, i32
  }
  func.func @transform_9(%arg0: i32) -> (i32, i32) {
    %c0_i32 = arith.constant 0 : i32
    %c0_i32_0 = arith.constant 0 : i32
    %c0_i32_1 = arith.constant 0 : i32
    return %c0_i32, %c0_i32_0 : i32, i32
  }
  func.func @transform_10(%arg0: i32) -> (i32, i32) {
    %c0_i32 = arith.constant 0 : i32
    %c0_i32_0 = arith.constant 0 : i32
    %c0_i32_1 = arith.constant 0 : i32
    return %c0_i32, %c0_i32_0 : i32, i32
  }
  func.func @transform_11(%arg0: i32) -> (i32, i32) {
    %c0_i32 = arith.constant 0 : i32
    %c0_i32_0 = arith.constant 0 : i32
    %c0_i32_1 = arith.constant 0 : i32
    return %c0_i32, %c0_i32_0 : i32, i32
  }
  func.func @transform_12(%arg0: i32) -> (i32, i32) {
    %c0_i32 = arith.constant 0 : i32
    %c0_i32_0 = arith.constant 0 : i32
    return %arg0, %c0_i32 : i32, i32
  }
  func.func @transform_13(%arg0: i32) -> (i32, i32) {
    %c0_i32 = arith.constant 0 : i32
    %c0_i32_0 = arith.constant 0 : i32
    return %arg0, %c0_i32 : i32, i32
  }
  func.func @transform_14(%arg0: i32) -> (i32, i32) {
    %c0_i32 = arith.constant 0 : i32
    %c0_i32_0 = arith.constant 0 : i32
    return %arg0, %c0_i32 : i32, i32
  }
  func.func @transform_15(%arg0: i32) -> (i32, i32) {
    %c0_i32 = arith.constant 0 : i32
    %c0_i32_0 = arith.constant 0 : i32
    return %arg0, %c0_i32 : i32, i32
  }
}

module attributes {stable_mosaic.version = 14 : i64} {
  func.func @_tc3_body(%arg0: i32, %arg1: memref<2x1000x128xf32, #tpu.memory_space<vmem>>, %arg2: memref<2x1000x16xf32, #tpu.memory_space<vmem>>, %arg3: memref<1000x128xf32, #tpu.memory_space<vmem>>, %arg4: memref<1000x128xf32, #tpu.memory_space<vmem>>, %arg5: memref<1x2x128xf32, #tpu.memory_space<vmem>>) attributes {dimension_semantics = [#tpu.dimension_semantics<arbitrary>], iteration_bounds = array<i64: 10>, scalar_prefetch = 0 : i64, scratch_operands = 0 : i64, tpu.core_type = #tpu.core_type<tc>, window_params = [{transform_indices = @transform_0, window_bounds = array<i64: 2, 1000, 128>}, {transform_indices = @transform_1, window_bounds = array<i64: 2, 1000, 16>}, {transform_indices = @transform_2, window_bounds = array<i64: 1000, 128>}, {transform_indices = @transform_3, window_bounds = array<i64: 1000, 128>}, {transform_indices = @transform_4, window_bounds = array<i64: 1, 2, 128>}]} {
    %get3A = arith.constant 0 : index
    %get3A_0 = arith.constant 0 : index
    %get3A_1 = arith.constant 0 : index
    %get3A_2 = vector.load %arg1[%get3A, %get3A_0, %get3A_1] : memref<2x1000x128xf32, #tpu.memory_space<vmem>>, vector<1x1000x128xf32>
    %get3A_3 = vector.shape_cast %get3A_2 : vector<1x1000x128xf32> to vector<1000x128xf32>
    %get3A_4 = arith.constant 1 : index
    %get3A_5 = arith.constant 0 : index
    %get3A_6 = arith.constant 0 : index
    %get3A_7 = vector.load %arg1[%get3A_4, %get3A_5, %get3A_6] : memref<2x1000x128xf32, #tpu.memory_space<vmem>>, vector<1x1000x128xf32>
    %get3A_8 = vector.shape_cast %get3A_7 : vector<1x1000x128xf32> to vector<1000x128xf32>
    %add3A = arith.addf %get3A_3, %get3A_8 : vector<1000x128xf32>
    %get3A_9 = arith.constant 0 : index
    %get3A_10 = arith.constant 0 : index
    %get3A_11 = arith.constant 0 : index
    %get3A_12 = vector.load %arg2[%get3A_9, %get3A_10, %get3A_11] : memref<2x1000x16xf32, #tpu.memory_space<vmem>>, vector<1x1000x1xf32>
    %get3A_13 = vector.shape_cast %get3A_12 : vector<1x1000x1xf32> to vector<1000x1xf32>
    %get3A_14 = arith.constant 1 : index
    %get3A_15 = arith.constant 0 : index
    %get3A_16 = arith.constant 0 : index
    %get3A_17 = vector.load %arg2[%get3A_14, %get3A_15, %get3A_16] : memref<2x1000x16xf32, #tpu.memory_space<vmem>>, vector<1x1000x1xf32>
    %get3A_18 = vector.shape_cast %get3A_17 : vector<1x1000x1xf32> to vector<1000x1xf32>
    %add3A_19 = arith.addf %get3A_13, %get3A_18 : vector<1000x1xf32>
    %max3A = arith.constant 1.000000e-16 : f32
    %max3A_20 = vector.broadcast %max3A : f32 to vector<1000x1xf32>
    %max3A_21 = arith.maximumf %add3A_19, %max3A_20 : vector<1000x1xf32>
    %div3A = vector.broadcast %max3A_21 : vector<1000x1xf32> to vector<1000x128xf32>
    %div3A_22 = arith.divf %add3A, %div3A : vector<1000x128xf32>
    %get3A_23 = arith.constant 0 : index
    %get3A_24 = arith.constant 0 : index
    %get3A_25 = vector.load %arg3[%get3A_23, %get3A_24] : memref<1000x128xf32, #tpu.memory_space<vmem>>, vector<1000x128xf32>
    %add3A_26 = arith.addf %div3A_22, %get3A_25 : vector<1000x128xf32>
    %swap3A = arith.constant 0 : index
    %swap3A_27 = arith.constant 0 : index
    %swap3A_28 = vector.load %arg4[%swap3A, %swap3A_27] : memref<1000x128xf32, #tpu.memory_space<vmem>>, vector<1000x128xf32>
    tpu.vector_store %arg4[%swap3A, %swap3A_27], %add3A_26 {strides = array<i32>} : memref<1000x128xf32, #tpu.memory_space<vmem>>, vector<1000x128xf32>,
    %reduce_sum3A = arith.constant dense<0.000000e+00> : vector<128xf32>
    %reduce_sum3A_29 = vector.multi_reduction <add>, %add3A_26, %reduce_sum3A [0] : vector<1000x128xf32> to vector<128xf32>
    %swap3A_30 = arith.constant 0 : index
    %swap3A_31 = arith.constant 0 : index
    %swap3A_32 = arith.constant 0 : index
    %swap3A_33 = vector.load %arg5[%swap3A_30, %swap3A_31, %swap3A_32] : memref<1x2x128xf32, #tpu.memory_space<vmem>>, vector<1x1x128xf32>
    %swap3A_34 = vector.shape_cast %swap3A_33 : vector<1x1x128xf32> to vector<128xf32>
    %swap3A_35 = vector.shape_cast %reduce_sum3A_29 : vector<128xf32> to vector<1x1x128xf32>
    tpu.vector_store %arg5[%swap3A_30, %swap3A_31, %swap3A_32], %swap3A_35 {strides = array<i32>} : memref<1x2x128xf32, #tpu.memory_space<vmem>>, vector<1x1x128xf32>,
    %mul3A = arith.mulf %add3A_26, %add3A_26 : vector<1000x128xf32>
    %reduce_sum3A_36 = arith.constant dense<0.000000e+00> : vector<128xf32>
    %reduce_sum3A_37 = vector.multi_reduction <add>, %mul3A, %reduce_sum3A_36 [0] : vector<1000x128xf32> to vector<128xf32>
    %swap3A_38 = arith.constant 0 : index
    %swap3A_39 = arith.constant 1 : index
    %swap3A_40 = arith.constant 0 : index
    %swap3A_41 = vector.load %arg5[%swap3A_38, %swap3A_39, %swap3A_40] : memref<1x2x128xf32, #tpu.memory_space<vmem>>, vector<1x1x128xf32>
    %swap3A_42 = vector.shape_cast %swap3A_41 : vector<1x1x128xf32> to vector<128xf32>
    %swap3A_43 = vector.shape_cast %reduce_sum3A_37 : vector<128xf32> to vector<1x1x128xf32>
    tpu.vector_store %arg5[%swap3A_38, %swap3A_39, %swap3A_40], %swap3A_43 {strides = array<i32>} : memref<1x2x128xf32, #tpu.memory_space<vmem>>, vector<1x1x128xf32>,
    return
  }
  func.func @transform_0(%arg0: i32) -> (i32, i32, i32) {
    %c0_i32 = arith.constant 0 : i32
    %c0_i32_0 = arith.constant 0 : i32
    %c0_i32_1 = arith.constant 0 : i32
    return %c0_i32, %arg0, %c0_i32_0 : i32, i32, i32
  }
  func.func @transform_1(%arg0: i32) -> (i32, i32, i32) {
    %c0_i32 = arith.constant 0 : i32
    %c0_i32_0 = arith.constant 0 : i32
    %c0_i32_1 = arith.constant 0 : i32
    return %c0_i32, %arg0, %c0_i32_0 : i32, i32, i32
  }
  func.func @transform_2(%arg0: i32) -> (i32, i32) {
    %c0_i32 = arith.constant 0 : i32
    %c0_i32_0 = arith.constant 0 : i32
    return %arg0, %c0_i32 : i32, i32
  }
  func.func @transform_3(%arg0: i32) -> (i32, i32) {
    %c0_i32 = arith.constant 0 : i32
    %c0_i32_0 = arith.constant 0 : i32
    return %arg0, %c0_i32 : i32, i32
  }
  func.func @transform_4(%arg0: i32) -> (i32, i32, i32) {
    %c0_i32 = arith.constant 0 : i32
    %c0_i32_0 = arith.constant 0 : i32
    %c0_i32_1 = arith.constant 0 : i32
    return %arg0, %c0_i32, %c0_i32_0 : i32, i32, i32
  }
}

module attributes {stable_mosaic.version = 14 : i64} {
  func.func @_tc4_body(%arg0: i32, %arg1: memref<10x2x128xf32, #tpu.memory_space<vmem>>, %arg2: memref<1000x128xf32, #tpu.memory_space<vmem>>, %arg3: memref<1x128xf32, #tpu.memory_space<vmem>>, %arg4: memref<1x128xf32, #tpu.memory_space<vmem>>, %arg5: memref<1000x128xf32, #tpu.memory_space<vmem>>) attributes {dimension_semantics = [#tpu.dimension_semantics<arbitrary>], iteration_bounds = array<i64: 10>, scalar_prefetch = 0 : i64, scratch_operands = 0 : i64, tpu.core_type = #tpu.core_type<tc>, window_params = [{pipeline_mode = #tpu.pipeline_mode<synchronous>, transform_indices = @transform_0, window_bounds = array<i64: 10, 2, 128>}, {transform_indices = @transform_1, window_bounds = array<i64: 1000, 128>}, {pipeline_mode = #tpu.pipeline_mode<synchronous>, transform_indices = @transform_2, window_bounds = array<i64: 1, 128>}, {pipeline_mode = #tpu.pipeline_mode<synchronous>, transform_indices = @transform_3, window_bounds = array<i64: 1, 128>}, {transform_indices = @transform_4, window_bounds = array<i64: 1000, 128>}]} {
    %get3A = arith.constant 0 : index
    %get3A_0 = arith.constant 0 : index
    %get3A_1 = arith.constant 0 : index
    %get3A_2 = vector.load %arg1[%get3A, %get3A_0, %get3A_1] : memref<10x2x128xf32, #tpu.memory_space<vmem>>, vector<10x1x128xf32>
    %get3A_3 = vector.shape_cast %get3A_2 : vector<10x1x128xf32> to vector<10x128xf32>
    %reduce_sum3A = arith.constant dense<0.000000e+00> : vector<128xf32>
    %reduce_sum3A_4 = vector.multi_reduction <add>, %get3A_3, %reduce_sum3A [0] : vector<10x128xf32> to vector<128xf32>
    %mul3A = arith.constant 9.99999974E-5 : f32
    %mul3A_5 = vector.broadcast %mul3A : f32 to vector<128xf32>
    %mul3A_6 = arith.mulf %reduce_sum3A_4, %mul3A_5 : vector<128xf32>
    %get3A_7 = arith.constant 0 : index
    %get3A_8 = arith.constant 1 : index
    %get3A_9 = arith.constant 0 : index
    %get3A_10 = vector.load %arg1[%get3A_7, %get3A_8, %get3A_9] : memref<10x2x128xf32, #tpu.memory_space<vmem>>, vector<10x1x128xf32>
    %get3A_11 = vector.shape_cast %get3A_10 : vector<10x1x128xf32> to vector<10x128xf32>
    %reduce_sum3A_12 = arith.constant dense<0.000000e+00> : vector<128xf32>
    %reduce_sum3A_13 = vector.multi_reduction <add>, %get3A_11, %reduce_sum3A_12 [0] : vector<10x128xf32> to vector<128xf32>
    %mul3A_14 = arith.constant 9.99999974E-5 : f32
    %mul3A_15 = vector.broadcast %mul3A_14 : f32 to vector<128xf32>
    %mul3A_16 = arith.mulf %reduce_sum3A_13, %mul3A_15 : vector<128xf32>
    %mul3A_17 = arith.mulf %mul3A_6, %mul3A_6 : vector<128xf32>
    %sub3A = arith.subf %mul3A_16, %mul3A_17 : vector<128xf32>
    %add3A = arith.constant 9.99999974E-6 : f32
    %add3A_18 = vector.broadcast %add3A : f32 to vector<128xf32>
    %add3A_19 = arith.addf %sub3A, %add3A_18 : vector<128xf32>
    %rsqrt3A = math.rsqrt %add3A_19 : vector<128xf32>
    %get3A_20 = arith.constant 0 : index
    %get3A_21 = arith.constant 0 : index
    %get3A_22 = vector.load %arg2[%get3A_20, %get3A_21] : memref<1000x128xf32, #tpu.memory_space<vmem>>, vector<1000x128xf32>
    %broadcast_in_dim3A = vector.shape_cast %mul3A_6 : vector<128xf32> to vector<1x128xf32>
    %sub3A_23 = vector.broadcast %broadcast_in_dim3A : vector<1x128xf32> to vector<1000x128xf32>
    %sub3A_24 = arith.subf %get3A_22, %sub3A_23 : vector<1000x128xf32>
    %get3A_25 = arith.constant 0 : index
    %get3A_26 = arith.constant 0 : index
    %get3A_27 = vector.load %arg3[%get3A_25, %get3A_26] : memref<1x128xf32, #tpu.memory_space<vmem>>, vector<1x128xf32>
    %broadcast_in_dim3A_28 = vector.shape_cast %rsqrt3A : vector<128xf32> to vector<1x128xf32>
    %mul3A_29 = arith.mulf %broadcast_in_dim3A_28, %get3A_27 : vector<1x128xf32>
    %mul3A_30 = vector.broadcast %mul3A_29 : vector<1x128xf32> to vector<1000x128xf32>
    %mul3A_31 = arith.mulf %sub3A_24, %mul3A_30 : vector<1000x128xf32>
    %get3A_32 = arith.constant 0 : index
    %get3A_33 = arith.constant 0 : index
    %get3A_34 = vector.load %arg4[%get3A_32, %get3A_33] : memref<1x128xf32, #tpu.memory_space<vmem>>, vector<1x128xf32>
    %add3A_35 = vector.broadcast %get3A_34 : vector<1x128xf32> to vector<1000x128xf32>
    %add3A_36 = arith.addf %mul3A_31, %add3A_35 : vector<1000x128xf32>
    %ge3A = arith.constant 0.000000e+00 : f32
    %ge3A_37 = vector.broadcast %ge3A : f32 to vector<1000x128xf32>
    %ge3A_38 = arith.cmpf oge, %add3A_36, %ge3A_37 : vector<1000x128xf32>
    %mul3A_39 = arith.constant 0.00999999977 : f32
    %mul3A_40 = vector.broadcast %mul3A_39 : f32 to vector<1000x128xf32>
    %mul3A_41 = arith.mulf %mul3A_40, %add3A_36 : vector<1000x128xf32>
    %select_n3A = arith.select %ge3A_38, %add3A_36, %mul3A_41 : vector<1000x128xi1>, vector<1000x128xf32>
    %swap3A = arith.constant 0 : index
    %swap3A_42 = arith.constant 0 : index
    %swap3A_43 = vector.load %arg5[%swap3A, %swap3A_42] : memref<1000x128xf32, #tpu.memory_space<vmem>>, vector<1000x128xf32>
    tpu.vector_store %arg5[%swap3A, %swap3A_42], %select_n3A {strides = array<i32>} : memref<1000x128xf32, #tpu.memory_space<vmem>>, vector<1000x128xf32>,
    return
  }
  func.func @transform_0(%arg0: i32) -> (i32, i32, i32) {
    %c0_i32 = arith.constant 0 : i32
    %c0_i32_0 = arith.constant 0 : i32
    %c0_i32_1 = arith.constant 0 : i32
    %c0_i32_2 = arith.constant 0 : i32
    return %c0_i32, %c0_i32_0, %c0_i32_1 : i32, i32, i32
  }
  func.func @transform_1(%arg0: i32) -> (i32, i32) {
    %c0_i32 = arith.constant 0 : i32
    %c0_i32_0 = arith.constant 0 : i32
    return %arg0, %c0_i32 : i32, i32
  }
  func.func @transform_2(%arg0: i32) -> (i32, i32) {
    %c0_i32 = arith.constant 0 : i32
    %c0_i32_0 = arith.constant 0 : i32
    %c0_i32_1 = arith.constant 0 : i32
    return %c0_i32, %c0_i32_0 : i32, i32
  }
  func.func @transform_3(%arg0: i32) -> (i32, i32) {
    %c0_i32 = arith.constant 0 : i32
    %c0_i32_0 = arith.constant 0 : i32
    %c0_i32_1 = arith.constant 0 : i32
    return %c0_i32, %c0_i32_0 : i32, i32
  }
  func.func @transform_4(%arg0: i32) -> (i32, i32) {
    %c0_i32 = arith.constant 0 : i32
    %c0_i32_0 = arith.constant 0 : i32
    return %arg0, %c0_i32 : i32, i32
  }
}

</mosaic_0001>

<sc_bundles>
// kernel: gather_offload_async_start
scs
__scs_entry_jumppad:
0x0: {  	(pc) =	sbr.rel $0x88, $3  }
0x1: {  	(tag) =	ssettag $0x0;
	lr =	simm.s32 $0x1  }
0x2: {  	[smem:$0x3F91] =	sst lr;
	_ =	strace $0xD0000000  }
0x3: {  	_ = 	snop  }
0x4: {  	_ = 	snop  }
0x5: {  	_ = 	snop  }
0x6: {  	_ = 	snop  }
0x7: {  	_ = 	snop  }
__scs_overlays_trampoline_lowered:
0x8: {  	[smem:$0x3FA0] =	sst s0  }
0x9: {  	[smem:$0x3FA1] =	sst s1  }
0xa: {  	[smem:$0x3FA2] =	sst s2  }
0xb: {  	[smem:$0x3FA3] =	sst s3  }
0xc: {  	[smem:$0x3FA4] =	sst s4  }
0xd: {  	[smem:$0x3FA5] =	sst s5  }
0xe: {  	[smem:$0x3FA6] =	sst s6  }
0xf: {  	[smem:$0x3FA7] =	sst s7  }
0x10: {  	[smem:$0x3FA8] =	sst s8  }
0x11: {  	[smem:$0x3FA9] =	sst s9;
	s0 =	simm.s32 @!p0 $0x0  }
0x12: {  	s1 =	sld [smem:$0x3F8F];
	s0 =	simm.s32 @p0 $0x1  }
0x13: {  	[smem:$0x3FAA] =	sst s0;
	s0 =	simm.s32 @!p1 $0x0  }
0x14: {  	s2 =	sld [smem:$0x3F8E];
	s0 =	simm.s32 @p1 $0x1  }
0x15: {  	[smem:$0x3FAB] =	sst s0;
	s0 =	simm.s32 @!p2 $0x0  }
0x16: {  	s3 =	sld [smem:$0x3FDB];
	s0 =	simm.s32 @p2 $0x1  }
0x17: {  	s4 =	simm.s32 $0x1BF5;
	[smem:$0x3FAD] =	sst s0  }
0x18: {  	s0 =	sld [smem:$0x3F90];
	_ =	swait.ge [sflag:s4], $0x0  }
0x19: {  	s7 =	sld [smem:$0x3F91]  }
0x1a: {  	s8 =	sadd.s32 $0xFFFFE003, lr  }
0x1b: {  	s9 =	sadd.s32 $0xFFFFFEF7, lr;
	s5 =	simm.s32 $0xFFFFFFFF;
	p2 =	slt.u32 s8, $0xFFFFF086  }
0x1c: {  	p1 =	slt.u32 s9, $0xF7A;
	s5 =	simm.s32 @!p2 $0x0  }
0x1d: {  	s5 =	simm.s32 @p1 $0x1;
	p0 =	seq.s32 s7, s2  }
0x1e: {  	s7 =	smul.u32 @!p0 $0xF7A, s2;
	p2 =	seq.s32 @!p0 s5, $0x0  }
0x1f: {  	s9 =	smul.u32 $0xF7A, s1;
	s8 =	simm.s32 @!p0 $0x1BF5;
	p2 =	por !p2, p0  }
0x20: {  	[sflag:s8] =	ssyncset.s32 @!p0 $0xFFFFF086;
	s6 =	sadd.s32 @!p0 s3, s7;
	s7 =	simm.s32 @!p0 $0x108  }
0x21: {  	s3 =	sadd.s32 s3, s9;
	s6 =	sadd.s32 @!p0 $0x88, s6;
	s7 =	simm.s32 @p2 $0x1082  }
0x22: {  	[simem:s7], [sflag:s8] =	dma.local @!p0 [hbm:s6], $0xF7A  }
0x23: {  	s9 =	sor.u32 $0xD0000000, s2;
	s6 =	simm.s32 $0x108;
	_ =	swait.ge @!p0 [sflag:s8], $0x0  }
0x24: {  	s3 =	sadd.s32 $0x88, s3;
	s6 =	simm.s32 @!p1 $0x1082;
	[sflag:s4] =	ssyncset.s32 $0xFFFFF086  }
0x25: {  	[simem:s6], [sflag:s4] =	dma.local [hbm:s3], $0xF7A  }
0x26: {  	[smem:$0x3F91] =	sst s1;
	(tag) =	ssettag s2;
	_ =	strace s9  }
0x27: {  	s1 =	sld [smem:$0x3FA1]  }
0x28: {  	s2 =	sld [smem:$0x3FA2]  }
0x29: {  	s4 =	sld [smem:$0x3FA4]  }
0x2a: {  	p0 =	seq.s32 s5, $0x0;
	s5 =	sld [smem:$0x3FA5]  }
0x2b: {  	s6 =	sld [smem:$0x3FA6]  }
0x2c: {  	s7 =	sld [smem:$0x3FA7]  }
0x2d: {  	s3 =	simm.s32 $0x108;
	s8 =	sld [smem:$0x3FA8]  }
0x2e: {  	s3 =	simm.s32 @!p0 $0x1082;
	s9 =	sld [smem:$0x3FA9]  }
0x2f: {  	lr =	sadd.s32 s0, s3;
	s0 =	sld [smem:$0x3FA0]  }
0x30: {  	s3 =	sld [smem:$0x3FA3]  }
0x31: {  	[smem:$0x3FAC] =	sst s10  }
0x32: {  	s10 =	sld [smem:$0x3FAA];
	_ =	sdelay $0x3  }
0x33: {  	p0 =	seq.s32 s10, $0x1;
	s10 =	sld [smem:$0x3FAC];
	_ =	sdelay $0x3  }
0x34: {  	[smem:$0x3FAC] =	sst s10  }
0x35: {  	s10 =	sld [smem:$0x3FAB];
	_ =	sdelay $0x3  }
0x36: {  	p1 =	seq.s32 s10, $0x1;
	s10 =	sld [smem:$0x3FAC];
	_ =	sdelay $0x3  }
0x37: {  	[smem:$0x3FAC] =	sst s10  }
0x38: {  	s10 =	sld [smem:$0x3FAD]  }
0x39: {  	_ = 	snop;
	(pc) =	sbr.ind lr, $3  }
0x3a: {  	_ = 	snop  }
0x3b: {  	_ = 	snop  }
0x3c: {  	p2 =	seq.s32 s10, $0x1;
	s10 =	sld [smem:$0x3FAC]  }
0x3d: {  	_ =	shalt  }
0x3e: {  	_ =	shalt  }
0x3f: {  	_ =	shalt  }
0x40: {  	_ =	shalt  }
0x41: {  	_ =	shalt  }
0x42: {  	_ =	shalt  }
0x43: {  	_ =	shalt  }
0x44: {  	_ =	shalt  }
0x45: {  	_ =	shalt  }
0x46: {  	_ =	shalt  }
0x47: {  	_ =	shalt  }
0x48: {  	_ =	shalt  }
0x49: {  	_ =	shalt  }
0x4a: {  	_ =	shalt  }
0x4b: {  	_ =	shalt  }
0x4c: {  	_ =	shalt  }
0x4d: {  	_ =	shalt  }
0x4e: {  	_ =	shalt  }
0x4f: {  	_ =	shalt  }
0x50: {  	_ =	shalt  }
0x51: {  	_ =	shalt  }
0x52: {  	_ =	shalt  }
0x53: {  	_ =	shalt  }
0x54: {  	_ =	shalt  }
0x55: {  	_ =	shalt  }
0x56: {  	_ =	shalt  }
0x57: {  	_ =	shalt  }
0x58: {  	_ =	shalt  }
0x59: {  	_ =	shalt  }
0x5a: {  	_ =	shalt  }
0x5b: {  	_ =	shalt  }
0x5c: {  	_ =	shalt  }
0x5d: {  	_ =	shalt  }
0x5e: {  	_ =	shalt  }
0x5f: {  	_ =	shalt  }
0x60: {  	_ =	shalt  }
0x61: {  	_ =	shalt  }
0x62: {  	_ =	shalt  }
0x63: {  	_ =	shalt  }
0x64: {  	_ =	shalt  }
0x65: {  	_ =	shalt  }
0x66: {  	_ =	shalt  }
0x67: {  	_ =	shalt  }
0x68: {  	_ =	shalt  }
0x69: {  	_ =	shalt  }
0x6a: {  	_ =	shalt  }
0x6b: {  	_ =	shalt  }
0x6c: {  	_ =	shalt  }
0x6d: {  	_ =	shalt  }
0x6e: {  	_ =	shalt  }
0x6f: {  	_ =	shalt  }
0x70: {  	_ =	shalt  }
0x71: {  	_ =	shalt  }
0x72: {  	_ =	shalt  }
0x73: {  	_ =	shalt  }
0x74: {  	_ =	shalt  }
0x75: {  	_ =	shalt  }
0x76: {  	_ =	shalt  }
0x77: {  	_ =	shalt  }
0x78: {  	_ =	shalt  }
0x79: {  	_ =	shalt  }
0x7a: {  	_ =	shalt  }
0x7b: {  	_ =	shalt  }
0x7c: {  	_ =	shalt  }
0x7d: {  	_ =	shalt  }
0x7e: {  	_ =	shalt  }
0x7f: {  	_ =	shalt  }
0x80: {  	_ =	shalt  }
0x81: {  	_ =	shalt  }
0x82: {  	_ =	shalt  }
0x83: {  	_ =	shalt  }
0x84: {  	_ =	shalt  }
0x85: {  	_ =	shalt  }
0x86: {  	_ =	shalt  }
0x87: {  	_ =	shalt  }
.Lfunc_end0:
.L_simem_size_0:
called_computation.3_lowered:
.L_overlay_start_0:
0x88: {  	s2 =	sld [smem:$0x3FD9]  }
0x89: {  	s3 =	sld [smem:$0x3FFE];
	_ =	sdelay $0x1  }
0x8a: {  	s1 =	srdreg.scid  }
0x8b: {  	s0 =	sand.u32 $0x1, s1  }
0x8c: {  	s16 =	sshll.u32 s0, $0xA;
	s2 =	sadd.s32 s3, s2  }
0x8d: {  	s2 =	sadd.s32 s2, s16  }
0x8e: {  	[smem:$0x3FB8] =	sst s2  }
0x8f: {  	_ = 	snop  }
0x90: {  	(tm) =	ssettm $0x1  }
0x91: {  	s17 =	sld [smem:$0x3FFB];
	_ =	sdelay $0x3  }
0x92: {  	_ =	strace s17  }
0x93: {  	s2 =	sld [smem:$0x3FFC];
	_ =	sdelay $0x3  }
0x94: {  	_ =	strace s2  }
0x95: {  	s2 =	sld [smem:$0x3FFD];
	_ =	sdelay $0x3  }
0x96: {  	_ =	strace s2  }
0x97: {  	_ =	strace $0x8FFFFFFF  }
0x98: {  	s18 =	sld [smem:$0x3FDB];
	_ =	sdelay $0x1  }
0x99: {  	s19 =	simm.s32 $_scs_section_size  }
0x9a: {  	s4 =	simm.s32 $_size__tile_overlayer_lowered;
	s5 =	simm.s32 $_tile_overlayer_lowered  }
0x9b: {  	s22 =	simm.s32 $0x1BFF;
	s21 =	sshll.u32 s5, $0x1;
	s2 =	sadd.s32 s19, s18  }
0x9c: {  	s6 =	simm.s32 $0x0;
	s20 =	sshll.u32 s4, $0x1;
	s4 =	sadd.s32 s21, s2  }
0x9d: {  	[timem:s6], [sflag:s22] =	dma.local [hbm:s4], s20  }
0x9e: {  	_ =	swait.ge [sflag:s22], s20  }
0x9f: {  	s3 =	ssub.s32 $0x0, s20;
	[sflag:s22] =	ssyncset.done $0x0  }
0xa0: {  	[sflag:s22] =	ssyncadd.s32 s3;
	_ =	sdelay $0x1  }
0xa1: {  	s23 =	simm.s32 $0x1B8B  }
0xa2: {  	_ =	swait.ge [sflag:s23], $0x1  }
0xa3: {  	[sflag:s23] =	ssyncset.done $0x0  }
0xa4: {  	s25 =	simm.s32 $0x1B8E;
	s24 =	sld [smem:$0x3FFE];
	[sflag:s23] =	ssyncadd.s32 $0xFFFFFFFF  }
0xa5: {  	s26 =	simm.s32 $execute0_lowered;
	[smem:$0x3FD2] =	sst s25  }
0xa6: {  	s4 =	sshll.u32 s26, $0x1;
	_ =	strace $0x80000046;
	[dreg:$0x1] =	wrdreg $0xFFFFFFFF  }
0xa7: {  	s28 =	simm.s32 $_size_execute0_lowered;
	s2 =	sadd.s32 s2, s4;
	[dreg:$0x0] =	wrdreg $0x0  }
0xa8: {  	s4 =	sshll.u32 s28, $0x1;
	[dreg:$0x2] =	wrdreg s2  }
0xa9: {  	[dreg:$0x3] =	wrdreg s4  }
0xaa: {  	[dreg:$0x4] =	wrdreg $0xC0  }
0xab: {  	_ =	task [dreg:s6], $0x5FFFF  }
0xac: {  	[dreg:$0x1] =	wrdreg $0xFFFFFFFF  }
0xad: {  	[dreg:$0x0] =	wrdreg $0x60  }
0xae: {  	[dreg:$0x2] =	wrdreg s24  }
0xaf: {  	[dreg:$0x3] =	wrdreg $0x9  }
0xb0: {  	_ =	task.clear_ibuf [dreg:s6], $0x4FFFF;
	_ =	strace $0x90000046  }
0xb1: {  	s29 =	simm.s32 $0x9;
	_ =	strace $0x80000048  }
0xb2: {  	_ =	swait.ge [sflag:s29], $0x1  }
0xb3: {  	[sflag:s29] =	ssyncadd.s32 $0xFFFFFFFF  }
0xb4: {  	_ =	strace $0x90000048  }
0xb5: {  	_ =	sfence  }
0xb6: {  	s30 =	sld [smem:$0x0];
	_ =	sdelay $0x2  }
0xb7: {  	s31 =	sshll.u32 s1, $0xD;
	s1 =	sshrl.u32 s1, $0x2  }
0xb8: {  	s3 =	sand.u32 $0x4000, s31;
	s1 =	sadd.s32 s1, s30  }
0xb9: {  	s0 =	sor.u32 s3, s0;
	s1 =	sshll.u32 s1, $0x11  }
0xba: {  	s0 =	sor.u32 s1, s0  }
0xbb: {  	s0 =	sadd.s32 $0x8F2B, s0  }
0xbc: {  	[sflag:s0] =	ssyncadd.remote.s32 $0x1  }
0xbd: {  	_ =	sfence.sel $0xFFFF  }
0xbe: {  	[dreg:$0x0] =	wrdreg $0xFFFFFFFF;
	(pc) =	sbr.abs _section_cstart, $3  }
0xbf: {  	[dreg:$0x1] =	wrdreg $0xFFFFFFFF  }
0xc0: {  	_ =	task.clear_ibuf [dreg:s6], $0x2FFFF;
	_ =	strace $0x9FFFFFFF  }
0xc1: {  	(tm) =	ssettm $0x7FFFFFFF  }
tec
execute0_lowered:
.L_overlay_start_1:
0x0: {  	(tag) =	ssettag $0x1  }
0x1: {  	s8 =	rddreg [dreg:$0x0]  }
0x2: {  	s0 =	rddreg [dreg:$0x1];
	s1 =	srdreg.scid;
	_ =	strace $0x80000047  }
0x3: {  	s4 =	simm.s32 $0x1;
	s6 =	simm.s32 $0x2;
	s10 =	simm.s32 $0x3  }
0x4: {  	p3 =	por $0x0, $0x0;
	s11 =	simm.s32 $0x80;
	s3 =	sshll.u32 s1, $0x4  }
.Ltmp0:
0x5: {  	s1 =	stileid.u32;
	s5 =	sand.u32 $0x10, s3;
	(pc) =	sbr.rel .LBB2_1-.Ltmp0, $4  }
0x6: {  	s2 =	sadd.s32 $0x14C00, s8;
	[sflag:s4] =	ssyncpa.u1 $0x0;
	s5 =	sor.u32 s1, s5  }
0x7: {  	s7 =	sadd.s32 $0x14D400, s8;
	[sflag:s6] =	ssyncpa.u1 $0x0;
	s5 =	smul.u32 $0x2710, s5  }
0x8: {  	s3 =	sadd.s32 $0x1000, s8;
	s8 =	sadd.s32 $0xAE00, s8;
	[sflag:s10] =	ssyncpa.u1 $0x0  }
0x9: {  	v0 =	vlaneseq.u32;
	s10 =	simm.s32 $0x0;
	s9 =	sadd.s32 $0x2710, s5;
	s12 =	smov.u32 s5  }
.LBB2_6:
0xa: {  	s15 =	sadd.s32 s17, s15  }
0xb: {  	v2 =	vld.msk [tilespmem:s15+$0x0 ss:$0x1], $0x1  }
0xc: {  	(v2sf) =	vpush v1, $0x1  }
0xd: {  	(v2sf) =	vpush v1, $0x0;
	_ =	sdelay $0x2  }
0xe: {  	(v2sf) =	vpush v2, $0x0;
	_ =	sdelay $0xa  }
0xf: {  	p1 =	seq.s32 s18, $0x63C;
	s15 =	simm.s32 $0x1;
	s18 =	spop (v2sf)  }
0x10: {  	s15 =	simm.s32 @!p1 $0x2;
	s18 =	simm.s32 @p0 $0xFFFFFFFF;
	s19 =	spop (v2sf)  }
0x11: {  	v1 =	vmov s15;
	s15 =	simm.s32 $0x1;
	p0 =	sne.s32 s19, s18  }
0x12: {  	vm0 =	vgt.u32 v1, v0;
	s15 =	simm.s32 @!p0 $0x0  }
0x13: {  	s15 =	sadd.s32 s15, s16;
	s26 =	spop (v2sf)  }
0x14: {  	s15 =	sshll.u32 s15, $0x9;
	s28 =	sshll.u32 s26, $0x4  }
0x15: {  	s15 =	sshra.s32 s15, $0x2;
	s16 =	sand.u32 $0x1FFFFFF0, s28  }
0x16: {  	s13 =	sadd.s32 s17, s13;
	s14 =	sadd.s32 s15, s14;
	s29 =	sadd.s32 s7, s16  }
0x17: {  	[hbm:s29] =	stream.strided.scatter [tilespmem:s14], [sflag:$0x3], $0x80, s11, s11, $0x38;
	[tilespmem:$0x19640] =	vst v63  }
0x18: {  	v1 =	vld.msk [tilespmem:s13+$0x0 ss:$0x1], vm0;
	_ =	sdelay $0x4  }
0x19: {  	(v2sf) =	vpush v1, $0x1  }
0x1a: {  	(v2sf) =	vpush v1, $0x0;
	_ =	sdelay $0xb  }
0x1b: {  	s13 =	sld [smem:$0x7FB];
	_ =	sdelay $0x1  }
0x1c: {  	s30 =	spop (v2sf)  }
0x1d: {  	p3 =	seq.s32 s13, $0x1;
	s31 =	spop (v2sf)  }
.LBB2_7:
0x1e: {  	p0 =	slt.u32 s10, $0x2;
	s10 =	sadd.s32 $0x1, s10  }
0x1f: {  	p2 =	sne.s32 s10, $0x1B  }
.Ltmp1:
0x20: {  	_ = 	snop;
	(pc) =	sbr.rel @!p2 .LBB2_8-.Ltmp1, $4  }
0x21: {  	s13 =	simm.s32 @!p0 $0x3  }
0x22: {  	s14 =	sadd.s32 $0x190, s12;
	_ =	swait.ge @!p0 [sflag:s13], $0xC800  }
0x23: {  	s12 =	smov.u32 s5;
	p1 =	slt.s32 s14, s9;
	[sflag:s13] =	ssyncset.done @!p0 $0x0  }
0x24: {  	p3 =	por !p3, !p3;
	s12 =	smov.u32 @p1 s14;
	[sflag:s13] =	ssyncadd.s32 @!p0 $0xFFFF3800  }
.LBB2_1:
0x25: {  	p0 =	sgt.u32 s10, $0x18  }
0x26: {  	s13 =	sxor.u32 @!p0 $0xFFFFFFFF, s10  }
0x27: {  	s13 =	sand.u32 @!p0 $0x1, s13  }
0x28: {  	s14 =	sshrl.u32 @!p0 s12, $0x3;
	s13 =	smul.u32 @!p0 $0x190, s13  }
0x29: {  	s16 =	sand.u32 @!p0 $0x7, s12;
	s15 =	sadd.s32 @!p0 s3, s14  }
0x2a: {  	[tilespmem:s13], [sflag:$0x2] =	stream.linear.gather @!p0 [hbm4b:s15+s16], $0x190, $0x38;
	[tilespmem:$0x19640] =	vst v63  }
0x2b: {  	s31 =	sadd.s32 $0xFFFFFFFF, s10;
	s14 =	sadd.s32 @!p0 s8, s14;
	s13 =	sadd.s32 @!p0 $0x320, s13  }
0x2c: {  	[tilespmem:s13], [sflag:$0x2] =	stream.linear.gather @!p0 [hbm4b:s14+s16], $0x190, $0x38;
	[tilespmem:$0x19640] =	vst v63  }
0x2d: {  	p0 =	sgt.u32 s31, $0x18  }
.Ltmp2:
0x2e: {  	_ = 	snop;
	(pc) =	sbr.rel @p0 .LBB2_7-.Ltmp2, $1  }
0x2f: {  	_ =	sdelay $0x3  }
0x30: {  	p0 =	por $0x0, $0x0  }
0x31: {  	s13 =	simm.s32 $0x1;
	p0 =	por p0, p0  }
0x32: {  	s13 =	simm.s32 @!p0 $0x2  }
0x33: {  	v1 =	vmov s13  }
0x34: {  	s14 =	simm.s32 @!p3 $0x0;
	s13 =	simm.s32 $0x1;
	vm0 =	vgt.u32 v1, v0  }
0x35: {  	s14 =	simm.s32 @p3 $0x1;
	s13 =	simm.s32 @!p3 $0x0  }
0x36: {  	[smem:$0x7FB] =	sst s14;
	s13 =	smul.u32 $0x640, s13  }
0x37: {  	_ =	swait.ge [sflag:s6], $0x320  }
0x38: {  	[sflag:s6] =	ssyncset.done $0x0;
	s13 =	sshrl.u32 s13, $0x2  }
0x39: {  	[sflag:s6] =	ssyncadd.s32 $0xFFFFFCE0;
	s25 =	sadd.s32 $0x0, s13  }
0x3a: {  	p1 =	por $0x0, $0x0;
	v1 =	vld.msk [tilespmem:s25+$0x0 ss:$0x1], vm0  }
0x3b: {  	p1 =	por p1, p1;
	s14 =	simm.s32 $0x1  }
0x3c: {  	s14 =	simm.s32 @!p1 $0x2  }
0x3d: {  	v2 =	vmov s14  }
0x3e: {  	vm0 =	vgt.u32 v2, v0  }
0x3f: {  	(v2sf) =	vpush v1, $0x1  }
0x40: {  	(v2sf) =	vpush v1, $0x0  }
0x41: {  	p2 =	por $0x0, $0x0  }
0x42: {  	p2 =	por p2, p2;
	s14 =	simm.s32 $0x1  }
0x43: {  	s14 =	simm.s32 @!p2 $0x2;
	s26 =	sadd.s32 $0x1, s13  }
0x44: {  	v2 =	vmov s14;
	v3 =	vld.msk [tilespmem:s26+$0x0 ss:$0x1], vm0  }
0x45: {  	vm1 =	vgt.u32 v2, v0;
	_ =	sdelay $0x3  }
0x46: {  	(v2sf) =	vpush v3, $0x1  }
0x47: {  	s28 =	sadd.s32 $0x2, s13;
	(v2sf) =	vpush v3, $0x0  }
0x48: {  	v4 =	vld.msk [tilespmem:s28+$0x0 ss:$0x1], vm1  }
0x49: {  	p0 =	por p0, p0  }
0x4a: {  	p0 =	por p0, p0  }
0x4b: {  	s29 =	sand.u32 $0x1, s10;
	p0 =	por p0, p0;
	s14 =	spop (v2sf)  }
0x4c: {  	p5 =	por $0x0, $0x0;
	s14 =	simm.s32 @p0 $0xFFFFFFFF;
	s15 =	spop (v2sf)  }
0x4d: {  	s16 =	simm.s32 $0x1;
	s17 =	simm.s32 $0x0;
	(v2sf) =	vpush v4, $0x1;
	p0 =	seq.s32 s15, s14  }
0x4e: {  	p6 =	por $0x0, $0x0;
	s24 =	simm.s32 $0x1;
	p1 =	por p1, p1;
	vm0 =	vgt.s32 @!p0 v1, $0x0  }
0x4f: {  	p3 =	por p5, p5;
	p4 =	por p1, p1;
	p2 =	por p2, p2;
	(v2sf) =	vpush v4, $0x0;
	v1 =	vnsel @!p0 vm0, $0x0, v1  }
0x50: {  	p1 =	por p6, p6;
	s16 =	simm.s32 @!p3 $0x2;
	p2 =	por p2, p2;
	v1 =	vmin.u32 @!p0 v1, $0x1387F  }
0x51: {  	p6 =	por p4, p4;
	p5 =	por p3, p3;
	p2 =	por p2, p2;
	(v2sf) =	vpush @!p0 v1, $0x0  }
0x52: {  	s19 =	sadd.s32 $0x3, s13;
	s30 =	sadd.s32 $0x4, s13;
	s14 =	smul.u32 $0x32000, s29;
	v1 =	vmov s16  }
0x53: {  	s15 =	sadd.s32 $0x320, s13;
	s18 =	simm.s32 @!p0 $0x1;
	s16 =	simm.s32 $0x1;
	vm0 =	vgt.u32 v1, v0  }
0x54: {  	p4 =	por p0, p0;
	s14 =	sshrl.u32 s14, $0x2;
	s16 =	simm.s32 @!p1 $0x2  }
0x55: {  	s18 =	smov.u32 @p0 s17;
	s17 =	simm.s32 $0x18;
	s20 =	spop (v2sf);
	v1 =	vmov s16  }
0x56: {  	s14 =	sor.u32 $0x640, s14;
	s20 =	simm.s32 @p6 $0xFFFFFFFF;
	s21 =	spop (v2sf);
	vm1 =	vgt.u32 v1, v0  }
0x57: {  	p6 =	por p5, p5;
	p1 =	por p1, p1;
	p3 =	seq.s32 s21, s20  }
0x58: {  	p5 =	por $0x0, $0x0;
	s16 =	sadd.s32 @!p0 $0x0, s14;
	s23 =	sadd.s32 @!p3 $0x1, s18  }
0x59: {  	s23 =	smov.u32 @p3 s18;
	v2 =	vld.msk [tilespmem:s19+$0x0 ss:$0x1], vm0;
	s19 =	sshll.u32 @!p3 s18, $0x9;
	s18 =	simm.s32 @!p1 $0x0  }
0x5a: {  	p5 =	por p5, p5;
	s21 =	simm.s32 $0x1C;
	s18 =	simm.s32 @p1 $0x1  }
0x5b: {  	s24 =	simm.s32 @!p5 $0x2;
	s19 =	sshra.s32 @!p3 s19, $0x2;
	[smem:$0x7FC] =	sst s18  }
0x5c: {  	p1 =	por $0x0, $0x0;
	s22 =	spop (v2sf);
	s18 =	simm.s32 @!p5 $0x0;
	v1 =	vld.msk [tilespmem:s30+$0x0 ss:$0x1], vm1  }
0x5d: {  	vm0 =	vgt.s32 @!p3 v3, $0x0;
	s22 =	simm.s32 @p2 $0xFFFFFFFF;
	s18 =	simm.s32 @p5 $0x1;
	p5 =	por p4, p4  }
0x5e: {  	v3 =	vnsel @!p3 vm0, $0x0, v3;
	s31 =	spop (v2sf);
	p2 =	por p6, p6;
	[smem:$0x7FD] =	sst s18;
	(v2sf) =	vpush v2, $0x1  }
0x5f: {  	v3 =	vmin.u32 @!p3 v3, $0x1387F;
	s18 =	sadd.s32 @!p3 s19, s14;
	p4 =	seq.s32 s31, s22;
	s22 =	simm.s32 @!p5 $0x80;
	(v2sf) =	vpush v2, $0x0  }
0x60: {  	vm0 =	vgt.s32 @!p4 v4, $0x0;
	s19 =	sshll.u32 @!p4 s23, $0x9;
	s20 =	sadd.s32 @!p4 $0x1, s23;
	(v2sf) =	vpush @!p3 v3, $0x0;
	v3 =	vmov s24;
	s25 =	spop @!p0 (v2sf)  }
0x61: {  	v4 =	vnsel @!p4 vm0, $0x0, v4;
	s19 =	sshra.s32 @!p4 s19, $0x2;
	s20 =	smov.u32 @p4 s23;
	(v2sf) =	vpush v1, $0x1;
	vm0 =	vgt.u32 v3, v0;
	s25 =	sshll.u32 @!p5 s25, $0x4  }
0x62: {  	s24 =	sadd.s32 $0x5, s13;
	v3 =	vmin.u32 @!p4 v4, $0x1387F;
	p0 =	por p3, p3;
	(v2sf) =	vpush v1, $0x0;
	s23 =	sadd.s32 @!p5 s2, s25  }
.LBB2_3:
0x63: {  	_ =	sdelay $0x1  }
0x64: {  	s26 =	sld [smem:$0x7FC]  }
0x65: {  	s25 =	simm.s32 @!p3 $0x0;
	s28 =	sld [smem:$0x7FD]  }
0x66: {  	v4 =	vld.msk [tilespmem:s24+$0x0 ss:$0x1], vm0;
	[tilespmem:s16], [sflag:$0x1] =	stream.strided.gather @!p5 [hbm:s23], $0x80, s22, s22, $0x38;
	[tilespmem:$0x19640] =	vst v63  }
0x67: {  	s31 =	smov.u32 s17;
	s17 =	smov.u32 s21;
	s25 =	simm.s32 @p3 $0x1  }
0x68: {  	(v2sf) =	vpush @!p4 v3, $0x0;
	p3 =	por p4, p4;
	p5 =	seq.s32 s26, $0x1;
	p4 =	seq.s32 s28, $0x1  }
0x69: {  	s16 =	smov.u32 s18;
	p6 =	por p5, p5;
	p5 =	por p4, p4  }
0x6a: {  	s21 =	sadd.s32 $0x4, s21;
	[smem:$0x7F9] =	sst s25;
	s18 =	simm.s32 @!p5 $0x0  }
0x6b: {  	s25 =	smov.u32 s20;
	p4 =	por p1, p1;
	s18 =	simm.s32 @p5 $0x1  }
0x6c: {  	s20 =	simm.s32 @!p4 $0x0;
	[smem:$0x7FC] =	sst s18;
	s18 =	simm.s32 $0x1  }
0x6d: {  	s20 =	simm.s32 @p4 $0x1;
	s18 =	simm.s32 @!p4 $0x2;
	p4 =	sne.s32 s21, $0x640  }
0x6e: {  	[smem:$0x7FD] =	sst s20;
	s20 =	simm.s32 @!p4 $0x0  }
0x6f: {  	s30 =	sld [smem:$0x7F9];
	s20 =	simm.s32 @p4 $0x1  }
0x70: {  	s23 =	sshra.s32 s31, $0x2;
	[smem:$0x7FA] =	sst s20  }
0x71: {  	v3 =	vmov s18;
	s18 =	sadd.s32 @!p3 s19, s14;
	s19 =	spop (v2sf);
	s31 =	sld [smem:$0x7FA]  }
0x72: {  	s19 =	simm.s32 @p2 $0xFFFFFFFF  }
0x73: {  	s29 =	spop (v2sf);
	p2 =	por p6, p6;
	p6 =	seq.s32 s30, $0x1  }
0x74: {  	s24 =	spop @!p6 (v2sf);
	p6 =	seq.s32 s31, $0x1  }
.Ltmp3:
0x75: {  	_ = 	snop;
	(pc) =	sbr.rel @p6 .LBB2_3-.Ltmp3, $4  }
0x76: {  	p1 =	seq.s32 s17, $0x63C;
	p5 =	por p0, p0;
	p4 =	seq.s32 s29, s19  }
0x77: {  	p0 =	por p3, p3;
	s22 =	simm.s32 @!p5 $0x80;
	vm1 =	vgt.s32 @!p4 v2, $0x0;
	s19 =	sshll.u32 @!p4 s25, $0x9  }
0x78: {  	vm0 =	vgt.u32 v3, v0;
	(v2sf) =	vpush v4, $0x1;
	s20 =	sadd.s32 @!p4 $0x1, s25;
	s26 =	sshll.u32 @!p5 s24, $0x4;
	s24 =	sadd.s32 s23, s13;
	v3 =	vnsel @!p4 vm1, $0x0, v2  }
0x79: {  	(v2sf) =	vpush v4, $0x0;
	s19 =	sshra.s32 @!p4 s19, $0x2;
	v2 =	vmovc v1;
	v1 =	vmov v4;
	s20 =	smov.u32 @p4 s25;
	s23 =	sadd.s32 @!p5 s2, s26;
	v3 =	vmin.u32 @!p4 v3, $0x1387F  }
0x7a: {  	_ = 	snop  }
0x7b: {  	p6 =	por p1, p1;
	s21 =	simm.s32 $0x1  }
0x7c: {  	s21 =	simm.s32 @!p6 $0x2  }
0x7d: {  	v4 =	vmov s21  }
0x7e: {  	vm1 =	vgt.u32 v4, v0  }
0x7f: {  	v4 =	vld.msk [tilespmem:s24+$0x0 ss:$0x1], vm0;
	_ =	sdelay $0x2  }
0x80: {  	s17 =	sshra.s32 s17, $0x2;
	s21 =	spop (v2sf)  }
0x81: {  	s17 =	sadd.s32 s17, s13;
	(v2sf) =	vpush @!p4 v3, $0x0;
	s21 =	simm.s32 @p2 $0xFFFFFFFF;
	s31 =	spop (v2sf)  }
0x82: {  	p2 =	seq.s32 s31, s21;
	(v2sf) =	vpush v4, $0x1;
	v3 =	vld.msk [tilespmem:s17+$0x0 ss:$0x1], vm1  }
0x83: {  	vm0 =	vgt.s32 @!p2 v2, $0x0;
	(v2sf) =	vpush v4, $0x0  }
0x84: {  	v2 =	vnsel @!p2 vm0, $0x0, v2  }
0x85: {  	[tilespmem:s16], [sflag:$0x1] =	stream.strided.gather @!p5 [hbm:s23], $0x80, s22, s22, $0x38;
	v2 =	vmin.u32 @!p2 v2, $0x1387F;
	[tilespmem:$0x19640] =	vst v63  }
0x86: {  	s22 =	sld [smem:$0x7FC];
	(v2sf) =	vpush @!p2 v2, $0x0  }
0x87: {  	(v2sf) =	vpush v3, $0x1  }
0x88: {  	p0 =	por p0, p0;
	(v2sf) =	vpush v3, $0x0  }
0x89: {  	s17 =	spop @!p3 (v2sf);
	p3 =	seq.s32 s22, $0x1;
	s22 =	sld [smem:$0x7FD]  }
0x8a: {  	p1 =	por p3, p3;
	s17 =	sshll.u32 @!p0 s17, $0x4  }
0x8b: {  	p1 =	por p1, p1;
	s17 =	sadd.s32 @!p0 s2, s17  }
0x8c: {  	p5 =	seq.s32 s22, $0x1;
	s22 =	simm.s32 @!p0 $0x80;
	s16 =	spop (v2sf)  }
0x8d: {  	[tilespmem:s18], [sflag:$0x1] =	stream.strided.gather @!p0 [hbm:s17], $0x80, s22, s22, $0x38;
	[tilespmem:$0x19640] =	vst v63  }
0x8e: {  	s23 =	spop (v2sf);
	s16 =	simm.s32 @p1 $0xFFFFFFFF  }
0x8f: {  	p3 =	por p5, p5;
	p1 =	seq.s32 s23, s16  }
0x90: {  	p3 =	por p3, p3;
	vm0 =	vgt.s32 @!p1 v1, $0x0;
	s16 =	spop @!p4 (v2sf)  }
0x91: {  	p0 =	por p3, p3;
	v1 =	vnsel @!p1 vm0, $0x0, v1;
	s17 =	spop (v2sf)  }
0x92: {  	v1 =	vmin.u32 @!p1 v1, $0x1387F;
	s17 =	simm.s32 @p0 $0xFFFFFFFF;
	s24 =	spop (v2sf)  }
0x93: {  	(v2sf) =	vpush @!p1 v1, $0x0;
	p0 =	seq.s32 s24, s17  }
0x94: {  	p5 =	por p6, p6;
	vm0 =	vgt.s32 @!p0 v4, $0x0  }
0x95: {  	p3 =	por p5, p5;
	s17 =	spop @!p2 (v2sf);
	v1 =	vnsel @!p0 vm0, $0x0, v4  }
0x96: {  	p3 =	por p3, p3;
	v1 =	vmin.u32 @!p0 v1, $0x1387F;
	s18 =	spop (v2sf)  }
0x97: {  	p6 =	por p4, p4;
	(v2sf) =	vpush @!p0 v1, $0x0;
	s18 =	simm.s32 @p3 $0xFFFFFFFF;
	s25 =	spop (v2sf)  }
0x98: {  	p5 =	por p6, p6;
	p3 =	seq.s32 s25, s18  }
0x99: {  	p6 =	por p2, p2;
	s16 =	sshll.u32 @!p5 s16, $0x4;
	vm0 =	vgt.s32 @!p3 v3, $0x0  }
0x9a: {  	s16 =	sadd.s32 @!p5 s2, s16;
	s18 =	sadd.s32 @!p4 s19, s14;
	s19 =	simm.s32 @!p5 $0x80;
	v1 =	vnsel @!p3 vm0, $0x0, v3  }
0x9b: {  	[tilespmem:s18], [sflag:$0x1] =	stream.strided.gather @!p5 [hbm:s16], $0x80, s19, s19, $0x38;
	v1 =	vmin.u32 @!p3 v1, $0x1387F;
	[tilespmem:$0x19640] =	vst v63  }
0x9c: {  	p4 =	por p6, p6;
	s16 =	sshll.u32 @!p2 s20, $0x9;
	(v2sf) =	vpush @!p3 v1, $0x0  }
0x9d: {  	s18 =	sadd.s32 @!p2 $0x1, s20;
	s17 =	sshll.u32 @!p4 s17, $0x4;
	s19 =	simm.s32 @!p4 $0x80  }
0x9e: {  	p5 =	por p0, p0;
	p6 =	por p3, p3;
	s16 =	sshra.s32 @!p2 s16, $0x2  }
0x9f: {  	s18 =	smov.u32 @p2 s20;
	s17 =	sadd.s32 @!p4 s2, s17;
	s16 =	sadd.s32 @!p2 s16, s14  }
0xa0: {  	[tilespmem:s16], [sflag:$0x1] =	stream.strided.gather @!p4 [hbm:s17], $0x80, s19, s19, $0x38;
	[tilespmem:$0x19640] =	vst v63  }
0xa1: {  	s16 =	sshll.u32 @!p1 s18, $0x9;
	p4 =	por p1, p1;
	s17 =	sadd.s32 @!p1 $0x1, s18  }
0xa2: {  	s19 =	spop @!p1 (v2sf);
	p2 =	por p4, p4;
	s16 =	sshra.s32 @!p1 s16, $0x2  }
0xa3: {  	s17 =	smov.u32 @p1 s18;
	s18 =	sshll.u32 @!p2 s19, $0x4;
	s16 =	sadd.s32 @!p1 s16, s14  }
0xa4: {  	s19 =	simm.s32 @!p2 $0x80;
	p1 =	por p5, p5;
	s18 =	sadd.s32 @!p2 s2, s18  }
0xa5: {  	[tilespmem:s16], [sflag:$0x1] =	stream.strided.gather @!p2 [hbm:s18], $0x80, s19, s19, $0x38;
	[tilespmem:$0x19640] =	vst v63  }
0xa6: {  	s16 =	sshll.u32 @!p0 s17, $0x9;
	s18 =	sadd.s32 @!p0 $0x1, s17;
	s19 =	spop @!p0 (v2sf)  }
0xa7: {  	s16 =	sshra.s32 @!p0 s16, $0x2;
	s18 =	smov.u32 @p0 s17;
	s17 =	sshll.u32 @!p1 s19, $0x4  }
0xa8: {  	s16 =	sadd.s32 @!p0 s16, s14;
	s19 =	simm.s32 @!p1 $0x80;
	s17 =	sadd.s32 @!p1 s2, s17  }
0xa9: {  	[tilespmem:s16], [sflag:$0x1] =	stream.strided.gather @!p1 [hbm:s17], $0x80, s19, s19, $0x38;
	[tilespmem:$0x19640] =	vst v63  }
0xaa: {  	p0 =	por p6, p6;
	s16 =	sshll.u32 @!p3 s18, $0x9  }
0xab: {  	s17 =	sadd.s32 @!p3 $0x1, s18;
	s16 =	sshra.s32 @!p3 s16, $0x2;
	s19 =	spop @!p3 (v2sf)  }
0xac: {  	s17 =	smov.u32 @p3 s18;
	s16 =	sadd.s32 @!p3 s16, s14;
	s18 =	sshll.u32 @!p0 s19, $0x4  }
0xad: {  	s26 =	sshll.u32 s17, $0x7;
	s19 =	simm.s32 @!p0 $0x80;
	s18 =	sadd.s32 @!p0 s2, s18  }
0xae: {  	[tilespmem:s16], [sflag:$0x1] =	stream.strided.gather @!p0 [hbm:s18], $0x80, s19, s19, $0x38;
	[tilespmem:$0x19640] =	vst v63  }
0xaf: {  	s16 =	sand.u32 $0x3FFFFF80, s26  }
0xb0: {  	_ =	swait.ge [sflag:s4], s16  }
0xb1: {  	s16 =	ssub.s32 $0x0, s16;
	[sflag:s4] =	ssyncset.done $0x0  }
0xb2: {  	s28 =	sadd.s32 $0x0, s15;
	[sflag:s4] =	ssyncadd.s32 s16  }
0xb3: {  	v1 =	vld.msk [tilespmem:s28+$0x0 ss:$0x1], $0x1;
	_ =	sdelay $0x4  }
0xb4: {  	(v2sf) =	vpush v1, $0x0;
	_ =	sdelay $0xa  }
0xb5: {  	p0 =	por $0x0, $0x0;
	s16 =	simm.s32 $0x1  }
0xb6: {  	s16 =	simm.s32 @!p0 $0x2  }
0xb7: {  	v1 =	vmov s16  }
0xb8: {  	vm15 =	vgt.u32 v1, v0  }
0xb9: {  	s29 =	spop (v2sf)  }
0xba: {  	s16 =	sshll.u32 s29, $0x4  }
0xbb: {  	s16 =	sand.u32 $0x1FFFFFF0, s16  }
0xbc: {  	s30 =	sadd.s32 $0x0, s14;
	s31 =	sadd.s32 $0x0, s13;
	s16 =	sadd.s32 s7, s16  }
0xbd: {  	[hbm:s16] =	stream.strided.scatter [tilespmem:s30], [sflag:$0x3], $0x80, s11, s11, $0x38;
	[tilespmem:$0x19640] =	vst v63  }
0xbe: {  	s17 =	simm.s32 $0x1;
	s18 =	simm.s32 $0x4;
	v1 =	vld.msk [tilespmem:s31+$0x0 ss:$0x1], vm15  }
0xbf: {  	s19 =	simm.s32 $0x8;
	p0 =	por p0, p0;
	s16 =	simm.s32 $0x0  }
.LBB2_5:
0xc0: {  	p1 =	sne.s32 s19, $0x63C;
	s20 =	sadd.s32 s17, s15  }
0xc1: {  	v2 =	vld.msk [tilespmem:s20+$0x0 ss:$0x1], $0x1;
	_ =	sdelay $0x1  }
0xc2: {  	(v2sf) =	vpush v1, $0x1  }
0xc3: {  	(v2sf) =	vpush v1, $0x0;
	_ =	sdelay $0x2  }
0xc4: {  	(v2sf) =	vpush v2, $0x0;
	_ =	sdelay $0x9  }
0xc5: {  	p2 =	seq.s32 s18, $0x63C;
	s18 =	smov.u32 s19;
	s20 =	simm.s32 $0x1  }
0xc6: {  	s20 =	simm.s32 @!p2 $0x2;
	s21 =	spop (v2sf)  }
0xc7: {  	s21 =	simm.s32 @p0 $0xFFFFFFFF;
	s22 =	spop (v2sf);
	p0 =	por p2, p2  }
0xc8: {  	v1 =	vmov s20;
	s20 =	simm.s32 $0x1;
	p2 =	sne.s32 s22, s21  }
0xc9: {  	vm0 =	vgt.u32 v1, v0;
	s20 =	simm.s32 @!p2 $0x0  }
0xca: {  	s21 =	spop (v2sf);
	s16 =	sadd.s32 s20, s16  }
0xcb: {  	s20 =	sshll.u32 s21, $0x4;
	s21 =	sshll.u32 s16, $0x9  }
0xcc: {  	s17 =	sadd.s32 s17, s13;
	s20 =	sand.u32 $0x1FFFFFF0, s20;
	s21 =	sshra.s32 s21, $0x2  }
.Ltmp4:
0xcd: {  	s21 =	sadd.s32 s21, s14;
	s20 =	sadd.s32 s7, s20;
	(pc) =	sbr.rel @p1 .LBB2_5-.Ltmp4, $3  }
0xce: {  	[hbm:s20] =	stream.strided.scatter [tilespmem:s21], [sflag:$0x3], $0x80, s11, s11, $0x38;
	[tilespmem:$0x19640] =	vst v63  }
0xcf: {  	v1 =	vld.msk [tilespmem:s17+$0x0 ss:$0x1], vm0;
	_ =	sdelay $0x1  }
0xd0: {  	s19 =	sadd.s32 $0x4, s19;
	s17 =	sshra.s32 s18, $0x2  }
.Ltmp5:
0xd1: {  	_ = 	snop;
	(pc) =	sbr.rel .LBB2_6-.Ltmp5, $1  }
0xd2: {  	_ =	sdelay $0x3  }
.LBB2_8:
0xd3: {  	_ =	sfence.sel $0x180000  }
0xd4: {  	s2 =	simm.s32 $0x2;
	[bflag:$0x0] =	sbarrier.arrive $0xFFFF  }
0xd5: {  	s30 =	simm.s32 $0x3;
	[sflag:s2] =	ssyncpa.u1 $0x1  }
0xd6: {  	s31 =	simm.s32 $0x1;
	[sflag:s30] =	ssyncpa.u1 $0x1  }
0xd7: {  	[sflag:s31] =	ssyncpa.u1 $0x1  }
0xd8: {  	p0 =	sne.s32 s1, $0x0;
	_ =	strace $0x90000047  }
0xd9: {  	s0 =	sadd.s32 @!p0 $0x100000, s0;
	[bflag:$0x2] =	sbarrier.arrive $0xFFFF  }
0xda: {  	[sflag:s0] =	ssyncadd.tile.s32 @!p0 $0x1;
	_ =	shalt  }
.Lfunc_end2:
_tile_overlayer_lowered:
.L_overlay_start_2:
0xdb: {  	(tag) =	ssettag $0x2  }
0xdc: {  	s0 =	rddreg [dreg:$0x0];
	s2 =	stileid.u32  }
0xdd: {  	s1 =	rddreg [dreg:$0x1];
	p0 =	sne.s32 s2, $0x0  }
0xde: {  	s3 =	rddreg [dreg:$0x2];
	[bflag:$0x3] =	sbarrier.arrive $0xFFFF;
	s2 =	simm.s32 @!p0 $0x1C01  }
0xdf: {  	[timem:s3], [sflag:s2] =	dma.local @!p0 [hbm:s0], s1  }
0xe0: {  	s0 =	simm.s32 @!p0 $0x1  }
0xe1: {  	_ =	swait.ge @!p0 [sflag:s0], s1  }
0xe2: {  	s1 =	ssub.s32 @!p0 $0x0, s1;
	[sflag:s0] =	ssyncset.done @!p0 $0x0  }
0xe3: {  	[sflag:s0] =	ssyncadd.s32 @!p0 s1  }
0xe4: {  	[bflag:$0x3] =	sbarrier.arrive $0xFFFF  }
0xe5: {  	_ =	shalt  }

// kernel: kernel.7.cloned.1.call-start
scs
__scs_entry_jumppad:
0x0: {  	(pc) =	sbr.rel $0x88, $3  }
0x1: {  	(tag) =	ssettag $0x0;
	lr =	simm.s32 $0x1  }
0x2: {  	[smem:$0x3F91] =	sst lr;
	_ =	strace $0xD0000000  }
0x3: {  	_ = 	snop  }
0x4: {  	_ = 	snop  }
0x5: {  	_ = 	snop  }
0x6: {  	_ = 	snop  }
0x7: {  	_ = 	snop  }
__scs_overlays_trampoline_lowered:
0x8: {  	[smem:$0x3FA0] =	sst s0  }
0x9: {  	[smem:$0x3FA1] =	sst s1  }
0xa: {  	[smem:$0x3FA2] =	sst s2  }
0xb: {  	[smem:$0x3FA3] =	sst s3  }
0xc: {  	[smem:$0x3FA4] =	sst s4  }
0xd: {  	[smem:$0x3FA5] =	sst s5  }
0xe: {  	[smem:$0x3FA6] =	sst s6  }
0xf: {  	[smem:$0x3FA7] =	sst s7  }
0x10: {  	[smem:$0x3FA8] =	sst s8  }
0x11: {  	[smem:$0x3FA9] =	sst s9;
	s0 =	simm.s32 @!p0 $0x0  }
0x12: {  	s1 =	sld [smem:$0x3F8F];
	s0 =	simm.s32 @p0 $0x1  }
0x13: {  	[smem:$0x3FAA] =	sst s0;
	s0 =	simm.s32 @!p1 $0x0  }
0x14: {  	s2 =	sld [smem:$0x3F8E];
	s0 =	simm.s32 @p1 $0x1  }
0x15: {  	[smem:$0x3FAB] =	sst s0;
	s0 =	simm.s32 @!p2 $0x0  }
0x16: {  	s3 =	sld [smem:$0x3FDB];
	s0 =	simm.s32 @p2 $0x1  }
0x17: {  	s4 =	simm.s32 $0x1BF5;
	[smem:$0x3FAD] =	sst s0  }
0x18: {  	s0 =	sld [smem:$0x3F90];
	_ =	swait.ge [sflag:s4], $0x0  }
0x19: {  	s7 =	sld [smem:$0x3F91]  }
0x1a: {  	s8 =	sadd.s32 $0xFFFFE003, lr  }
0x1b: {  	s9 =	sadd.s32 $0xFFFFFEF7, lr;
	s5 =	simm.s32 $0xFFFFFFFF;
	p2 =	slt.u32 s8, $0xFFFFF086  }
0x1c: {  	p1 =	slt.u32 s9, $0xF7A;
	s5 =	simm.s32 @!p2 $0x0  }
0x1d: {  	s5 =	simm.s32 @p1 $0x1;
	p0 =	seq.s32 s7, s2  }
0x1e: {  	s7 =	smul.u32 @!p0 $0xF7A, s2;
	p2 =	seq.s32 @!p0 s5, $0x0  }
0x1f: {  	s9 =	smul.u32 $0xF7A, s1;
	s8 =	simm.s32 @!p0 $0x1BF5;
	p2 =	por !p2, p0  }
0x20: {  	[sflag:s8] =	ssyncset.s32 @!p0 $0xFFFFF086;
	s6 =	sadd.s32 @!p0 s3, s7;
	s7 =	simm.s32 @!p0 $0x108  }
0x21: {  	s3 =	sadd.s32 s3, s9;
	s6 =	sadd.s32 @!p0 $0x88, s6;
	s7 =	simm.s32 @p2 $0x1082  }
0x22: {  	[simem:s7], [sflag:s8] =	dma.local @!p0 [hbm:s6], $0xF7A  }
0x23: {  	s9 =	sor.u32 $0xD0000000, s2;
	s6 =	simm.s32 $0x108;
	_ =	swait.ge @!p0 [sflag:s8], $0x0  }
0x24: {  	s3 =	sadd.s32 $0x88, s3;
	s6 =	simm.s32 @!p1 $0x1082;
	[sflag:s4] =	ssyncset.s32 $0xFFFFF086  }
0x25: {  	[simem:s6], [sflag:s4] =	dma.local [hbm:s3], $0xF7A  }
0x26: {  	[smem:$0x3F91] =	sst s1;
	(tag) =	ssettag s2;
	_ =	strace s9  }
0x27: {  	s1 =	sld [smem:$0x3FA1]  }
0x28: {  	s2 =	sld [smem:$0x3FA2]  }
0x29: {  	s4 =	sld [smem:$0x3FA4]  }
0x2a: {  	p0 =	seq.s32 s5, $0x0;
	s5 =	sld [smem:$0x3FA5]  }
0x2b: {  	s6 =	sld [smem:$0x3FA6]  }
0x2c: {  	s7 =	sld [smem:$0x3FA7]  }
0x2d: {  	s3 =	simm.s32 $0x108;
	s8 =	sld [smem:$0x3FA8]  }
0x2e: {  	s3 =	simm.s32 @!p0 $0x1082;
	s9 =	sld [smem:$0x3FA9]  }
0x2f: {  	lr =	sadd.s32 s0, s3;
	s0 =	sld [smem:$0x3FA0]  }
0x30: {  	s3 =	sld [smem:$0x3FA3]  }
0x31: {  	[smem:$0x3FAC] =	sst s10  }
0x32: {  	s10 =	sld [smem:$0x3FAA];
	_ =	sdelay $0x3  }
0x33: {  	p0 =	seq.s32 s10, $0x1;
	s10 =	sld [smem:$0x3FAC];
	_ =	sdelay $0x3  }
0x34: {  	[smem:$0x3FAC] =	sst s10  }
0x35: {  	s10 =	sld [smem:$0x3FAB];
	_ =	sdelay $0x3  }
0x36: {  	p1 =	seq.s32 s10, $0x1;
	s10 =	sld [smem:$0x3FAC];
	_ =	sdelay $0x3  }
0x37: {  	[smem:$0x3FAC] =	sst s10  }
0x38: {  	s10 =	sld [smem:$0x3FAD]  }
0x39: {  	_ = 	snop;
	(pc) =	sbr.ind lr, $3  }
0x3a: {  	_ = 	snop  }
0x3b: {  	_ = 	snop  }
0x3c: {  	p2 =	seq.s32 s10, $0x1;
	s10 =	sld [smem:$0x3FAC]  }
0x3d: {  	_ =	shalt  }
0x3e: {  	_ =	shalt  }
0x3f: {  	_ =	shalt  }
0x40: {  	_ =	shalt  }
0x41: {  	_ =	shalt  }
0x42: {  	_ =	shalt  }
0x43: {  	_ =	shalt  }
0x44: {  	_ =	shalt  }
0x45: {  	_ =	shalt  }
0x46: {  	_ =	shalt  }
0x47: {  	_ =	shalt  }
0x48: {  	_ =	shalt  }
0x49: {  	_ =	shalt  }
0x4a: {  	_ =	shalt  }
0x4b: {  	_ =	shalt  }
0x4c: {  	_ =	shalt  }
0x4d: {  	_ =	shalt  }
0x4e: {  	_ =	shalt  }
0x4f: {  	_ =	shalt  }
0x50: {  	_ =	shalt  }
0x51: {  	_ =	shalt  }
0x52: {  	_ =	shalt  }
0x53: {  	_ =	shalt  }
0x54: {  	_ =	shalt  }
0x55: {  	_ =	shalt  }
0x56: {  	_ =	shalt  }
0x57: {  	_ =	shalt  }
0x58: {  	_ =	shalt  }
0x59: {  	_ =	shalt  }
0x5a: {  	_ =	shalt  }
0x5b: {  	_ =	shalt  }
0x5c: {  	_ =	shalt  }
0x5d: {  	_ =	shalt  }
0x5e: {  	_ =	shalt  }
0x5f: {  	_ =	shalt  }
0x60: {  	_ =	shalt  }
0x61: {  	_ =	shalt  }
0x62: {  	_ =	shalt  }
0x63: {  	_ =	shalt  }
0x64: {  	_ =	shalt  }
0x65: {  	_ =	shalt  }
0x66: {  	_ =	shalt  }
0x67: {  	_ =	shalt  }
0x68: {  	_ =	shalt  }
0x69: {  	_ =	shalt  }
0x6a: {  	_ =	shalt  }
0x6b: {  	_ =	shalt  }
0x6c: {  	_ =	shalt  }
0x6d: {  	_ =	shalt  }
0x6e: {  	_ =	shalt  }
0x6f: {  	_ =	shalt  }
0x70: {  	_ =	shalt  }
0x71: {  	_ =	shalt  }
0x72: {  	_ =	shalt  }
0x73: {  	_ =	shalt  }
0x74: {  	_ =	shalt  }
0x75: {  	_ =	shalt  }
0x76: {  	_ =	shalt  }
0x77: {  	_ =	shalt  }
0x78: {  	_ =	shalt  }
0x79: {  	_ =	shalt  }
0x7a: {  	_ =	shalt  }
0x7b: {  	_ =	shalt  }
0x7c: {  	_ =	shalt  }
0x7d: {  	_ =	shalt  }
0x7e: {  	_ =	shalt  }
0x7f: {  	_ =	shalt  }
0x80: {  	_ =	shalt  }
0x81: {  	_ =	shalt  }
0x82: {  	_ =	shalt  }
0x83: {  	_ =	shalt  }
0x84: {  	_ =	shalt  }
0x85: {  	_ =	shalt  }
0x86: {  	_ =	shalt  }
0x87: {  	_ =	shalt  }
.Lfunc_end0:
.L_simem_size_0:
called_computation.4_lowered:
.L_overlay_start_0:
0x88: {  	s2 =	sld [smem:$0x3FD9]  }
0x89: {  	s3 =	sld [smem:$0x3FFE];
	_ =	sdelay $0x1  }
0x8a: {  	s1 =	srdreg.scid  }
0x8b: {  	s0 =	sand.u32 $0x1, s1  }
0x8c: {  	s17 =	sshll.u32 s0, $0xA;
	s2 =	sadd.s32 s3, s2  }
0x8d: {  	s2 =	sadd.s32 s2, s17  }
0x8e: {  	[smem:$0x3FB8] =	sst s2  }
0x8f: {  	_ = 	snop  }
0x90: {  	s18 =	sld [smem:$0x3FD0];
	(tm) =	ssettm $0x1  }
0x91: {  	s19 =	sld [smem:$0x3FFB];
	_ =	sdelay $0x3  }
0x92: {  	_ =	strace s19  }
0x93: {  	s2 =	sld [smem:$0x3FFC];
	_ =	sdelay $0x3  }
0x94: {  	_ =	strace s2  }
0x95: {  	s2 =	sld [smem:$0x3FFD];
	_ =	sdelay $0x3  }
0x96: {  	_ =	strace s2  }
0x97: {  	_ =	strace $0x8FFFFFFF  }
0x98: {  	s20 =	sld [smem:$0x3FDB];
	_ =	sdelay $0x1  }
0x99: {  	s4 =	simm.s32 $_scs_section_size  }
0x9a: {  	s5 =	simm.s32 $_size__tile_overlayer_lowered;
	s6 =	simm.s32 $_tile_overlayer_lowered  }
0x9b: {  	s7 =	simm.s32 $0x1BFF;
	s21 =	sshll.u32 s6, $0x1;
	s4 =	sadd.s32 s4, s20  }
0x9c: {  	s22 =	simm.s32 $0x0;
	s5 =	sshll.u32 s5, $0x1;
	s6 =	sadd.s32 s21, s4  }
0x9d: {  	[timem:s22], [sflag:s7] =	dma.local [hbm:s6], s5  }
0x9e: {  	_ =	swait.ge [sflag:s7], s5  }
0x9f: {  	s5 =	ssub.s32 $0x0, s5;
	[sflag:s7] =	ssyncset.done $0x0  }
0xa0: {  	[sflag:s7] =	ssyncadd.s32 s5;
	_ =	sdelay $0x1  }
0xa1: {  	s23 =	simm.s32 $0x1B8B  }
0xa2: {  	_ =	swait.ge [sflag:s23], $0x1  }
0xa3: {  	[sflag:s23] =	ssyncset.done $0x0  }
0xa4: {  	[sflag:s23] =	ssyncadd.s32 $0xFFFFFFFF  }
0xa5: {  	s5 =	sld [smem:$0x0]  }
0xa6: {  	s6 =	sand.u32 $0xFFFFFFFE, s1  }
0xa7: {  	p0 =	sne.s32 s1, s6  }
0xa8: {  	s6 =	sshll.u32 @p0 s6, $0xE  }
0xa9: {  	s6 =	sadd.s32 @p0 $0x11B8D, s6;
	s7 =	sshll.u32 @p0 s5, $0x11  }
0xaa: {  	s6 =	sor.u32 @p0 s7, s6  }
0xab: {  	[sflag:s6] =	ssyncadd.remote.s32 @p0 $0x1;
	_ =	sdelay $0x1  }
0xac: {  	s6 =	simm.s32 @p0 $0x1B8D  }
0xad: {  	_ =	swait.eq @p0 [sflag:s6], $0x1  }
0xae: {  	[sflag:s6] =	ssyncadd.s32 @p0 $0xFFFFFFFF  }
0xaf: {  	s7 =	sshll.u32 @!p0 s1, $0xE  }
0xb0: {  	s7 =	sor.u32 @!p0 $0x4000, s7;
	s6 =	simm.s32 @!p0 $0x1B8D  }
0xb1: {  	s5 =	sshll.u32 @!p0 s5, $0x11;
	s7 =	sadd.s32 @!p0 $0x11B8D, s7;
	_ =	swait.eq @!p0 [sflag:s6], $0x1  }
0xb2: {  	s5 =	sor.u32 @!p0 s5, s7;
	[sflag:s6] =	ssyncadd.s32 @!p0 $0xFFFFFFFF  }
0xb3: {  	s25 =	simm.s32 $0x1B8E;
	s24 =	sld [smem:$0x3FFE];
	[sflag:s5] =	ssyncadd.remote.s32 @!p0 $0x1  }
0xb4: {  	s26 =	simm.s32 $execute0_lowered;
	[smem:$0x3FD2] =	sst s25  }
0xb5: {  	s6 =	sshll.u32 s26, $0x1;
	_ =	strace $0x80000049;
	[dreg:$0x1] =	wrdreg $0xFFFFFFFF  }
0xb6: {  	s28 =	simm.s32 $_size_execute0_lowered;
	s4 =	sadd.s32 s4, s6;
	[dreg:$0x0] =	wrdreg $0x0  }
0xb7: {  	s6 =	sshll.u32 s28, $0x1;
	[dreg:$0x2] =	wrdreg s4  }
0xb8: {  	[dreg:$0x3] =	wrdreg s6  }
0xb9: {  	[dreg:$0x4] =	wrdreg $0xC0  }
0xba: {  	_ =	task [dreg:s22], $0x5FFFF  }
0xbb: {  	[dreg:$0x1] =	wrdreg $0xFFFFFFFF  }
0xbc: {  	[dreg:$0x0] =	wrdreg $0x60  }
0xbd: {  	[dreg:$0x2] =	wrdreg s18  }
0xbe: {  	[dreg:$0x3] =	wrdreg s24  }
0xbf: {  	[dreg:$0x4] =	wrdreg $0x79800  }
0xc0: {  	[dreg:$0x5] =	wrdreg $0xA  }
0xc1: {  	_ =	task.clear_ibuf [dreg:s22], $0x6FFFF;
	_ =	strace $0x90000049  }
0xc2: {  	s29 =	simm.s32 $0xA;
	_ =	strace $0x8000004B  }
0xc3: {  	_ =	swait.ge [sflag:s29], $0x1  }
0xc4: {  	[sflag:s29] =	ssyncadd.s32 $0xFFFFFFFF  }
0xc5: {  	_ =	strace $0x9000004B  }
0xc6: {  	_ =	sfence  }
0xc7: {  	s30 =	sld [smem:$0x0];
	_ =	sdelay $0x2  }
0xc8: {  	s31 =	sshll.u32 s1, $0xD;
	s1 =	sshrl.u32 s1, $0x2  }
0xc9: {  	s4 =	sand.u32 $0x4000, s31;
	s1 =	sadd.s32 s1, s30  }
0xca: {  	s0 =	sor.u32 s4, s0;
	s1 =	sshll.u32 s1, $0x11  }
0xcb: {  	s0 =	sor.u32 s1, s0  }
0xcc: {  	s0 =	sadd.s32 $0x8F2B, s0  }
0xcd: {  	[sflag:s0] =	ssyncadd.remote.s32 $0x1  }
0xce: {  	_ =	sfence.sel $0xFFFF  }
0xcf: {  	[dreg:$0x0] =	wrdreg $0xFFFFFFFF;
	(pc) =	sbr.abs _section_cstart, $3  }
0xd0: {  	[dreg:$0x1] =	wrdreg $0xFFFFFFFF  }
0xd1: {  	_ =	task.clear_ibuf [dreg:s22], $0x2FFFF;
	_ =	strace $0x9FFFFFFF  }
0xd2: {  	(tm) =	ssettm $0x7FFFFFFF  }
0xd3: {  	_ =	shalt  }
tec
execute0_lowered:
.L_overlay_start_1:
0x0: {  	(tag) =	ssettag $0x1  }
0x1: {  	s1 =	rddreg [dreg:$0x0]  }
0x2: {  	s0 =	rddreg [dreg:$0x1]  }
0x3: {  	s2 =	rddreg [dreg:$0x2];
	s4 =	simm.s32 $0x0  }
0x4: {  	s3 =	srdreg.scid;
	s17 =	simm.s32 $0x100;
	s18 =	simm.s32 $0x2  }
0x5: {  	v0 =	vimm.f32 $0.0e+00;
	vm0 =	vcmask $0x300;
	s19 =	simm.s32 $0x50;
	s20 =	simm.s32 $0x80;
	s21 =	simm.s32 $0x2900  }
0x6: {  	vm1 =	vcmask $0x704;
	vm15 =	vcmask $0xB08;
	vm4 =	vcmask $0xF0C;
	s22 =	simm.s32 $0x3;
	s23 =	simm.s32 $0x5100;
	s24 =	simm.s32 $0x1  }
0x7: {  	vm2 =	vcmask $0x1310;
	vm5 =	vcmask $0x1714;
	vm6 =	vcmask $0x1B18;
	s25 =	simm.s32 $0x7900;
	[smem:$0x7FF] =	sst s4;
	s5 =	sand.u32 $0x1, s3  }
0x8: {  	vm7 =	vcmask $0x1F1C;
	vm8 =	vcmask $0x2320;
	vm9 =	vcmask $0x2724;
	s26 =	simm.s32 $0x0;
	s3 =	stileid.u32;
	s7 =	smul.u32 $0x27100, s5  }
0x9: {  	vm10 =	vcmask $0x2B28;
	vm11 =	vcmask $0x2F2C;
	vm12 =	vcmask $0x3330;
	_ =	strace $0x8000004A;
	s6 =	ssub.s32 $0x2, s5;
	s8 =	smul.u32 $0xA000, s3  }
0xa: {  	vm13 =	vcmask $0x3734;
	vm14 =	vcmask $0x3B38;
	v17 =	vimm.f32 $1.000000000e+00;
	s5 =	sadd.s32 $0x62F400, s0;
	s9 =	smul.u32 $0x2710, s3;
	s30 =	sor.u32 $0x70, s3  }
0xb: {  	v16 =	vlaneseq.u32;
	v1 =	vsel vm0, $0x3F800000, v0;
	v2 =	vsel vm1, $0x3F800000, v0;
	s29 =	sshrl.u32 s6, $0x1;
	s31 =	smul.u32 $0xA000, s30;
	p0 =	sgt.u32 s30, $0x7C  }
0xc: {  	v3 =	vsel vm15, $0x3F800000, v0;
	v4 =	vsel vm4, $0x3F800000, v0;
	v5 =	vsel vm2, $0x3F800000, v0;
	s0 =	ssub.s32 s6, s29;
	s6 =	smul.u32 $0x4E20, s3;
	s8 =	sshrl.u32 s8, $0x2  }
0xd: {  	v6 =	vsel vm5, $0x3F800000, v0;
	v7 =	vsel vm6, $0x3F800000, v0;
	v8 =	vsel vm7, $0x3F800000, v0;
	s7 =	sadd.s32 s9, s7;
	s8 =	sadd.s32 s8, s2;
	s0 =	smax.u32 s0, $0x1  }
0xe: {  	v9 =	vsel vm8, $0x3F800000, v0;
	v10 =	vsel vm9, $0x3F800000, v0;
	v11 =	vsel vm10, $0x3F800000, v0;
	[dreg:$0x4] =	wrdreg s0;
	s10 =	sadd.s32 $0x28000, s8;
	s11 =	sadd.s32 $0x50000, s8  }
0xf: {  	v12 =	vsel vm11, $0x3F800000, v0;
	v13 =	vsel vm12, $0x3F800000, v0;
	vm15 =	vcmask $0x3B00;
	s12 =	sadd.s32 $0x78000, s8;
	s13 =	sadd.s32 $0xA0000, s8;
	s0 =	sshrl.u32 s31, $0x2  }
0x10: {  	v14 =	vsel vm13, $0x3F800000, v0;
	v15 =	vsel vm14, $0x3F800000, v0;
	v17 =	vsel vm15, $0x0, v17;
	s14 =	sadd.s32 $0xC8000, s8;
	s15 =	sadd.s32 $0xF0000, s8;
	s16 =	sadd.s32 s0, s2  }
.LBB2_1:
0x11: {  	s0 =	simm.s32 $0x200;
	s9 =	simm.s32 $0x0  }
.LBB2_2:
0x12: {  	p1 =	sne.s32 s0, $0x9E00;
	[tilespmem:s9+$0x100] =	vst v0;
	s9 =	smov.u32 s0;
	s0 =	sadd.s32 $0x200, s0  }
.Ltmp0:
0x13: {  	(pc) =	sbr.rel @p1 .LBB2_2-.Ltmp0, $2  }
0x14: {  	_ =	sdelay $0x2  }
0x15: {  	s9 =	sshra.s32 s9, $0x2  }
0x16: {  	[tilespmem:s9+$0x100] =	vst v0  }
0x17: {  	[spmem:s8] =	stream.linear.scatter [tilespmem:s17], [sflag:$0x2], $0x2800, $0x38;
	[tilespmem:$0xA090] =	vst v63  }
0x18: {  	_ =	swait.ge [sflag:s18], $0x2800  }
0x19: {  	[sflag:s18] =	ssyncset.done $0x0  }
0x1a: {  	[sflag:s18] =	ssyncadd.s32 $0xFFFFD800  }
0x1b: {  	[spmem:s10] =	stream.linear.scatter [tilespmem:s17], [sflag:$0x2], $0x2800, $0x38;
	[tilespmem:$0xA090] =	vst v63  }
0x1c: {  	_ =	swait.ge [sflag:s18], $0x2800  }
0x1d: {  	[sflag:s18] =	ssyncset.done $0x0  }
0x1e: {  	[sflag:s18] =	ssyncadd.s32 $0xFFFFD800  }
0x1f: {  	[spmem:s11] =	stream.linear.scatter [tilespmem:s17], [sflag:$0x2], $0x2800, $0x38;
	[tilespmem:$0xA090] =	vst v63  }
0x20: {  	_ =	swait.ge [sflag:s18], $0x2800  }
0x21: {  	[sflag:s18] =	ssyncset.done $0x0  }
0x22: {  	[sflag:s18] =	ssyncadd.s32 $0xFFFFD800  }
0x23: {  	[spmem:s12] =	stream.linear.scatter [tilespmem:s17], [sflag:$0x2], $0x2800, $0x38;
	[tilespmem:$0xA090] =	vst v63  }
0x24: {  	_ =	swait.ge [sflag:s18], $0x2800  }
0x25: {  	[sflag:s18] =	ssyncset.done $0x0  }
0x26: {  	[sflag:s18] =	ssyncadd.s32 $0xFFFFD800  }
0x27: {  	[spmem:s13] =	stream.linear.scatter [tilespmem:s17], [sflag:$0x2], $0x2800, $0x38;
	[tilespmem:$0xA090] =	vst v63  }
0x28: {  	_ =	swait.ge [sflag:s18], $0x2800  }
0x29: {  	[sflag:s18] =	ssyncset.done $0x0  }
0x2a: {  	[sflag:s18] =	ssyncadd.s32 $0xFFFFD800  }
0x2b: {  	[spmem:s14] =	stream.linear.scatter [tilespmem:s17], [sflag:$0x2], $0x2800, $0x38;
	[tilespmem:$0xA090] =	vst v63  }
0x2c: {  	_ =	swait.ge [sflag:s18], $0x2800  }
0x2d: {  	[sflag:s18] =	ssyncset.done $0x0  }
0x2e: {  	[sflag:s18] =	ssyncadd.s32 $0xFFFFD800  }
0x2f: {  	[spmem:s15] =	stream.linear.scatter [tilespmem:s17], [sflag:$0x2], $0x2800, $0x38;
	[tilespmem:$0xA090] =	vst v63  }
0x30: {  	_ =	swait.ge [sflag:s18], $0x2800  }
0x31: {  	[sflag:s18] =	ssyncset.done $0x0  }
0x32: {  	s0 =	simm.s32 @!p0 $0x100;
	[sflag:s18] =	ssyncadd.s32 $0xFFFFD800  }
0x33: {  	[spmem:s16] =	stream.linear.scatter @!p0 [tilespmem:s0], [sflag:$0x2], $0x2800, $0x38;
	[tilespmem:$0xA090] =	vst v63  }
0x34: {  	s0 =	simm.s32 @!p0 $0x2  }
0x35: {  	_ =	swait.ge @!p0 [sflag:s0], $0x2800  }
0x36: {  	[sflag:s0] =	ssyncset.done @!p0 $0x0  }
0x37: {  	[sflag:s0] =	ssyncadd.s32 @!p0 $0xFFFFD800  }
0x38: {  	s28 =	simm.s32 $0x0;
	s29 =	simm.s32 $0x0;
	[bflag:$0x0] =	sbarrier.arrive $0xFFFF  }
.LBB2_4:
0x39: {  	s0 =	smul.u32 $0x50, s29;
	_ =	sdelay $0x1  }
0x3a: {  	s0 =	sadd.s32 s6, s0  }
0x3b: {  	s0 =	sshrl.u32 s0, $0x3  }
0x3c: {  	s0 =	sadd.s32 s1, s0  }
0x3d: {  	[tilespmem:s28], [sflag:$0x2] =	stream.linear.gather [hbm4b:s0+s28], $0x50, $0x38;
	[tilespmem:$0xA090] =	vst v63  }
0x3e: {  	_ =	swait.ge [sflag:s18], $0x50  }
0x3f: {  	[sflag:s18] =	ssyncset.done $0x0  }
0x40: {  	s31 =	simm.s32 $0x0;
	[sflag:s18] =	ssyncadd.s32 $0xFFFFFFB0  }
0x41: {  	v18 =	vld [tilespmem:s31+$0x0];
	_ =	sdelay $0x4  }
0x42: {  	v19 =	vand.u32 $0x7, v18  }
0x43: {  	v20 =	vbroadcast v19, $0x0  }
0x44: {  	v21 =	vbroadcast v19, $0x1;
	v22 =	vbroadcast v19, $0x2  }
0x45: {  	v18 =	vshrl.u32 v18, $0x3;
	v48 =	vbroadcast v19, $0x3;
	v49 =	vbroadcast v19, $0x5  }
0x46: {  	v23 =	vbroadcast v19, $0x6;
	v52 =	vbroadcast v19, $0x8;
	vm0 =	veq.s32 v20, v16  }
0x47: {  	s30 =	simm.s32 $0x500;
	[tilespmem:s31+$0x80] =	vst v18;
	v56 =	vbroadcast v19, $0xA;
	vm1 =	veq.s32 v21, v16;
	v18 =	vsel vm0, $0x3F800000, v0  }
0x48: {  	v58 =	vbroadcast v19, $0xB;
	vm14 =	veq.s32 v22, v16;
	v21 =	vsel vm1, $0x3F800000, v0;
	[tilespmem:s30+$0xFFFFFC00] =	vst v18  }
0x49: {  	v60 =	vbroadcast v19, $0xD;
	vm15 =	veq.s32 v48, v16;
	v22 =	vsel vm14, $0x3F800000, v0;
	[tilespmem:s30+$0xFFFFFC80] =	vst v21  }
0x4a: {  	vm5 =	veq.s32 v49, v16;
	v50 =	vsel vm15, $0x3F800000, v0;
	v18 =	vbroadcast v19, $0x4;
	[tilespmem:s30+$0xFFFFFD00] =	vst v22  }
0x4b: {  	vm6 =	veq.s32 v23, v16;
	vm8 =	veq.s32 v52, v16;
	v53 =	vsel vm5, $0x3F800000, v0;
	[tilespmem:s30+$0xFFFFFD80] =	vst v50  }
0x4c: {  	v54 =	vsel vm6, $0x3F800000, v0;
	[tilespmem:s30+$0xFFFFFE80] =	vst v53;
	vm4 =	veq.s32 v18, v16;
	v18 =	vbroadcast v19, $0x7  }
0x4d: {  	vm10 =	veq.s32 v56, v16;
	vm11 =	veq.s32 v58, v16;
	v57 =	vsel vm8, $0x3F800000, v0;
	[tilespmem:s30+$0xFFFFFF00] =	vst v54  }
0x4e: {  	v61 =	vsel vm10, $0x3F800000, v0;
	[tilespmem:s30+$0x0] =	vst v57;
	vm7 =	veq.s32 v18, v16;
	v18 =	vbroadcast v19, $0x9  }
0x4f: {  	vm13 =	veq.s32 v60, v16;
	v62 =	vsel vm11, $0x3F800000, v0;
	[tilespmem:s30+$0x100] =	vst v61  }
0x50: {  	v20 =	vsel vm13, $0x3F800000, v0;
	[tilespmem:s30+$0x180] =	vst v62;
	vm9 =	veq.s32 v18, v16;
	v18 =	vbroadcast v19, $0xC  }
0x51: {  	[tilespmem:s30+$0x280] =	vst v20;
	v51 =	vsel vm4, $0x3F800000, v0  }
0x52: {  	[tilespmem:s30+$0xFFFFFE00] =	vst v51;
	v55 =	vsel vm7, $0x3F800000, v0;
	vm12 =	veq.s32 v18, v16;
	v18 =	vbroadcast v19, $0xE  }
0x53: {  	[tilespmem:s30+$0xFFFFFF80] =	vst v55;
	v59 =	vsel vm9, $0x3F800000, v0;
	v19 =	vbroadcast v19, $0xF  }
0x54: {  	[tilespmem:s30+$0x80] =	vst v59;
	v63 =	vsel vm12, $0x3F800000, v0;
	vm14 =	veq.s32 v18, v16  }
0x55: {  	[tilespmem:s30+$0x200] =	vst v63;
	vm15 =	veq.s32 v19, v16;
	v18 =	vsel vm14, $0x3F800000, v0  }
0x56: {  	[tilespmem:s30+$0x300] =	vst v18;
	v18 =	vsel vm15, $0x3F800000, v0  }
0x57: {  	s9 =	simm.s32 $0x10;
	s0 =	simm.s32 $0x80;
	[tilespmem:s30+$0x380] =	vst v18  }
.LBB2_5:
0x58: {  	p1 =	sne.s32 s0, $0x100;
	v18 =	vld [tilespmem:s9+$0x0];
	_ =	sdelay $0x4  }
0x59: {  	v19 =	vand.u32 $0x7, v18  }
0x5a: {  	v20 =	vbroadcast v19, $0x0;
	v21 =	vbroadcast v19, $0x1  }
0x5b: {  	v22 =	vbroadcast v19, $0x2;
	v23 =	vbroadcast v19, $0x3  }
0x5c: {  	v18 =	vshrl.u32 v18, $0x3;
	vm0 =	veq.s32 v20, v16;
	vm1 =	veq.s32 v21, v16  }
0x5d: {  	s30 =	sadd.s32 $0x800, s30;
	[tilespmem:s9+$0x80] =	vst v18;
	v18 =	vsel vm0, $0x3F800000, v0;
	v20 =	vsel vm1, $0x3F800000, v0;
	vm0 =	veq.s32 v22, v16  }
0x5e: {  	v21 =	vbroadcast v19, $0x4;
	[tilespmem:s30+$0xFFFFFC00] =	vst v18;
	v18 =	vsel vm0, $0x3F800000, v0;
	vm0 =	veq.s32 v23, v16  }
0x5f: {  	v22 =	vbroadcast v19, $0x5;
	v23 =	vbroadcast v19, $0x6;
	[tilespmem:s30+$0xFFFFFC80] =	vst v20;
	v20 =	vsel vm0, $0x3F800000, v0  }
0x60: {  	vm0 =	veq.s32 v21, v16;
	v21 =	vbroadcast v19, $0x8;
	[tilespmem:s30+$0xFFFFFD00] =	vst v18;
	v18 =	vbroadcast v19, $0x7  }
0x61: {  	vm1 =	veq.s32 v23, v16;
	[tilespmem:s30+$0xFFFFFD80] =	vst v20;
	v20 =	vsel vm0, $0x3F800000, v0;
	vm0 =	veq.s32 v22, v16  }
0x62: {  	v22 =	vsel vm1, $0x3F800000, v0;
	[tilespmem:s30+$0xFFFFFE00] =	vst v20;
	v20 =	vsel vm0, $0x3F800000, v0;
	vm0 =	veq.s32 v18, v16  }
0x63: {  	[tilespmem:s30+$0xFFFFFE80] =	vst v20;
	v18 =	vsel vm0, $0x3F800000, v0;
	vm0 =	veq.s32 v21, v16;
	v20 =	vbroadcast v19, $0x9  }
0x64: {  	v23 =	vbroadcast v19, $0xB;
	[tilespmem:s30+$0xFFFFFF00] =	vst v22;
	v21 =	vsel vm0, $0x3F800000, v0;
	v22 =	vbroadcast v19, $0xA  }
0x65: {  	[tilespmem:s30+$0xFFFFFF80] =	vst v18;
	vm0 =	veq.s32 v20, v16;
	v18 =	vbroadcast v19, $0xC;
	v20 =	vbroadcast v19, $0xD  }
0x66: {  	vm1 =	veq.s32 v23, v16;
	[tilespmem:s30+$0x0] =	vst v21;
	v21 =	vsel vm0, $0x3F800000, v0;
	vm0 =	veq.s32 v22, v16  }
0x67: {  	v22 =	vsel vm1, $0x3F800000, v0;
	[tilespmem:s30+$0x80] =	vst v21;
	v21 =	vsel vm0, $0x3F800000, v0;
	vm0 =	veq.s32 v18, v16  }
0x68: {  	[tilespmem:s30+$0x100] =	vst v21;
	v18 =	vsel vm0, $0x3F800000, v0;
	vm0 =	veq.s32 v20, v16;
	v20 =	vbroadcast v19, $0xE  }
.Ltmp1:
0x69: {  	v19 =	vbroadcast v19, $0xF;
	[tilespmem:s30+$0x180] =	vst v22;
	v21 =	vsel vm0, $0x3F800000, v0;
	(pc) =	sbr.rel @p1 .LBB2_5-.Ltmp1, $4  }
0x6a: {  	[tilespmem:s30+$0x200] =	vst v18;
	vm0 =	veq.s32 v20, v16  }
0x6b: {  	[tilespmem:s30+$0x280] =	vst v21;
	v18 =	vsel vm0, $0x3F800000, v0;
	vm0 =	veq.s32 v19, v16  }
0x6c: {  	[tilespmem:s30+$0x300] =	vst v18;
	v18 =	vsel vm0, $0x3F800000, v0  }
0x6d: {  	s9 =	sshra.s32 s0, $0x2;
	s0 =	sadd.s32 $0x40, s0;
	[tilespmem:s30+$0x380] =	vst v18  }
0x6e: {  	v18 =	vld [tilespmem:s9+$0x0];
	_ =	sdelay $0x4  }
0x6f: {  	v19 =	vand.u32 $0x7, v18  }
0x70: {  	v20 =	vbroadcast v19, $0x0  }
0x71: {  	v21 =	vbroadcast v19, $0x1;
	v22 =	vbroadcast v19, $0x2  }
0x72: {  	v18 =	vshrl.u32 v18, $0x3;
	v48 =	vbroadcast v19, $0x3;
	v49 =	vbroadcast v19, $0x5  }
0x73: {  	v23 =	vbroadcast v19, $0x6;
	v52 =	vbroadcast v19, $0x8;
	vm0 =	veq.s32 v20, v16  }
0x74: {  	s0 =	sadd.s32 $0x800, s30;
	[tilespmem:s9+$0x80] =	vst v18;
	v56 =	vbroadcast v19, $0xA;
	vm1 =	veq.s32 v21, v16;
	v18 =	vsel vm0, $0x3F800000, v0  }
0x75: {  	v58 =	vbroadcast v19, $0xB;
	vm14 =	veq.s32 v22, v16;
	v21 =	vsel vm1, $0x3F800000, v0;
	[tilespmem:s0+$0xFFFFFC00] =	vst v18  }
0x76: {  	v60 =	vbroadcast v19, $0xD;
	vm15 =	veq.s32 v48, v16;
	v22 =	vsel vm14, $0x3F800000, v0;
	[tilespmem:s0+$0xFFFFFC80] =	vst v21  }
0x77: {  	vm5 =	veq.s32 v49, v16;
	v50 =	vsel vm15, $0x3F800000, v0;
	v18 =	vbroadcast v19, $0x4;
	[tilespmem:s0+$0xFFFFFD00] =	vst v22  }
0x78: {  	vm6 =	veq.s32 v23, v16;
	vm8 =	veq.s32 v52, v16;
	v53 =	vsel vm5, $0x3F800000, v0;
	[tilespmem:s0+$0xFFFFFD80] =	vst v50  }
0x79: {  	v54 =	vsel vm6, $0x3F800000, v0;
	[tilespmem:s0+$0xFFFFFE80] =	vst v53;
	vm4 =	veq.s32 v18, v16;
	v18 =	vbroadcast v19, $0x7  }
0x7a: {  	vm10 =	veq.s32 v56, v16;
	vm11 =	veq.s32 v58, v16;
	v57 =	vsel vm8, $0x3F800000, v0;
	[tilespmem:s0+$0xFFFFFF00] =	vst v54  }
0x7b: {  	v61 =	vsel vm10, $0x3F800000, v0;
	[tilespmem:s0+$0x0] =	vst v57;
	vm7 =	veq.s32 v18, v16;
	v18 =	vbroadcast v19, $0x9  }
0x7c: {  	vm13 =	veq.s32 v60, v16;
	v62 =	vsel vm11, $0x3F800000, v0;
	[tilespmem:s0+$0x100] =	vst v61  }
0x7d: {  	v20 =	vsel vm13, $0x3F800000, v0;
	[tilespmem:s0+$0x180] =	vst v62;
	vm9 =	veq.s32 v18, v16;
	v18 =	vbroadcast v19, $0xC  }
0x7e: {  	[tilespmem:s0+$0x280] =	vst v20;
	v51 =	vsel vm4, $0x3F800000, v0  }
0x7f: {  	[tilespmem:s0+$0xFFFFFE00] =	vst v51;
	v55 =	vsel vm7, $0x3F800000, v0;
	vm12 =	veq.s32 v18, v16;
	v18 =	vbroadcast v19, $0xE  }
0x80: {  	[tilespmem:s0+$0xFFFFFF80] =	vst v55;
	v59 =	vsel vm9, $0x3F800000, v0;
	v19 =	vbroadcast v19, $0xF  }
0x81: {  	[tilespmem:s0+$0x80] =	vst v59;
	v63 =	vsel vm12, $0x3F800000, v0;
	vm14 =	veq.s32 v18, v16  }
0x82: {  	s29 =	sadd.s32 $0x1, s29;
	[tilespmem:s0+$0x200] =	vst v63;
	vm15 =	veq.s32 v19, v16;
	v18 =	vsel vm14, $0x3F800000, v0  }
0x83: {  	p1 =	sne.s32 s29, $0xFA;
	[tilespmem:s0+$0x300] =	vst v18;
	v18 =	vsel vm15, $0x3F800000, v0  }
.Ltmp2:
0x84: {  	[tilespmem:s0+$0x380] =	vst v18;
	(pc) =	sbr.rel @p1 .LBB2_4-.Ltmp2, $4  }
0x85: {  	[spmem:s2] =	stream.indirect.scatter.add.f32 [tilespmem:s17], [sflag:$0x2], $0x10, s20, s19, $0xb8;
	[tilespmem:$0xA090] =	vst v63  }
0x86: {  	_ =	swait.ge [sflag:s18], $0x500  }
0x87: {  	[sflag:s18] =	ssyncset.done $0x0  }
0x88: {  	[sflag:s18] =	ssyncadd.s32 $0xFFFFFB00  }
.Ltmp3:
0x89: {  	(pc) =	sbr.rel .LBB2_8-.Ltmp3, $3  }
0x8a: {  	_ =	sdelay $0x1  }
0x8b: {  	[bflag:$0x0] =	sbarrier.arrive $0xFFFF  }
0x8c: {  	s0 =	simm.s32 $0x0  }
.LBB2_12:
0x8d: {  	s0 =	sadd.s32 $0x1, s0  }
0x8e: {  	p1 =	sne.s32 s0, $0x8  }
.Ltmp4:
0x8f: {  	_ = 	snop;
	(pc) =	sbr.rel @!p1 .LBB2_13-.Ltmp4, $1  }
0x90: {  	_ =	sdelay $0x3  }
.LBB2_8:
0x91: {  	s9 =	sshll.u32 s0, $0x4  }
0x92: {  	s9 =	sor.u32 s3, s9  }
0x93: {  	p1 =	sgt.u32 s9, $0x7C  }
.Ltmp5:
0x94: {  	_ = 	snop;
	(pc) =	sbr.rel @p1 .LBB2_12-.Ltmp5, $1  }
0x95: {  	_ =	sdelay $0x3  }
0x96: {  	s9 =	smul.u32 $0xA000, s9;
	_ =	sdelay $0x1  }
0x97: {  	s9 =	sshra.s32 s9, $0x2  }
0x98: {  	s9 =	sadd.s32 s9, s2  }
0x99: {  	[tilespmem:s21], [sflag:$0x3] =	stream.linear.gather [spmem:s9], $0x2800, $0x38;
	[tilespmem:$0xA090] =	vst v63  }
0x9a: {  	_ =	swait.ge [sflag:s22], $0x2800  }
0x9b: {  	[sflag:s22] =	ssyncset.done $0x0  }
0x9c: {  	s28 =	simm.s32 $0x0;
	s29 =	simm.s32 $0x200;
	[sflag:s22] =	ssyncadd.s32 $0xFFFFD800  }
.LBB2_10:
0x9d: {  	p1 =	sne.s32 s29, $0x9E00;
	v18 =	vld [tilespmem:s28+$0x2900];
	_ =	sdelay $0x4  }
0x9e: {  	v18 =	vmax.f32 v18, $1.000000000e+00  }
0x9f: {  	(erf) = vrcp.f32 v18;
	_ =	sdelay $0x5  }
.Ltmp6:
0xa0: {  	(pc) =	sbr.rel @p1 .LBB2_10-.Ltmp6, $3  }
0xa1: {  	_ =	sdelay $0x1  }
0xa2: {  	v18 =	vpop (erf)  }
0xa3: {  	[tilespmem:s28+$0x2900] =	vst v18;
	s28 =	sshra.s32 s29, $0x2;
	s29 =	sadd.s32 $0x200, s29  }
0xa4: {  	v18 =	vld [tilespmem:s28+$0x2900];
	_ =	sdelay $0x4  }
0xa5: {  	v18 =	vmax.f32 v18, $1.000000000e+00  }
0xa6: {  	(erf) = vrcp.f32 v18;
	_ =	sdelay $0x8  }
0xa7: {  	v18 =	vpop (erf)  }
.Ltmp7:
0xa8: {  	[tilespmem:s28+$0x2900] =	vst v18;
	(pc) =	sbr.rel .LBB2_12-.Ltmp7, $4  }
0xa9: {  	[spmem:s9] =	stream.linear.scatter [tilespmem:s21], [sflag:$0x2], $0x2800, $0x38;
	[tilespmem:$0xA090] =	vst v63  }
0xaa: {  	_ =	swait.ge [sflag:s18], $0x2800  }
0xab: {  	[sflag:s18] =	ssyncset.done $0x0  }
0xac: {  	[sflag:s18] =	ssyncadd.s32 $0xFFFFD800  }
.LBB2_13:
0xad: {  	[bflag:$0x0] =	sbarrier.arrive $0xFFFF;
	s28 =	simm.s32 $0x0;
	s29 =	simm.s32 $0x0  }
.LBB2_14:
0xae: {  	s0 =	smul.u32 $0x50, s29;
	_ =	sdelay $0x1  }
0xaf: {  	s0 =	sadd.s32 s0, s7  }
0xb0: {  	s30 =	sshrl.u32 s0, $0x3  }
0xb1: {  	s0 =	sadd.s32 s1, s30  }
0xb2: {  	[tilespmem:s28], [sflag:$0x2] =	stream.linear.gather [hbm4b:s0+s28], $0x50, $0x38;
	[tilespmem:$0xA090] =	vst v63  }
0xb3: {  	_ =	swait.ge [sflag:s18], $0x50  }
0xb4: {  	[sflag:s18] =	ssyncset.done $0x0  }
0xb5: {  	[sflag:s18] =	ssyncadd.s32 $0xFFFFFFB0  }
0xb6: {  	v18 =	vld [tilespmem:$0x0]  }
0xb7: {  	v19 =	vld [tilespmem:$0x10]  }
0xb8: {  	v20 =	vld [tilespmem:$0x20]  }
0xb9: {  	v21 =	vld [tilespmem:$0x30]  }
0xba: {  	v22 =	vld [tilespmem:$0x40]  }
0xbb: {  	v18 =	vshrl.u32 v18, $0x3  }
0xbc: {  	[tilespmem:$0x80] =	vst v18;
	v18 =	vshrl.u32 v19, $0x3  }
0xbd: {  	[tilespmem:$0x90] =	vst v18;
	v18 =	vshrl.u32 v20, $0x3  }
0xbe: {  	[tilespmem:$0xA0] =	vst v18;
	v18 =	vshrl.u32 v21, $0x3  }
0xbf: {  	[tilespmem:$0xB0] =	vst v18;
	v18 =	vshrl.u32 v22, $0x3  }
0xc0: {  	[tilespmem:$0xC0] =	vst v18  }
0xc1: {  	[tilespmem:s23], [sflag:$0x1] =	stream.indirect.gather [spmem:s2], $0x10, s20, s19, $0xb8;
	[tilespmem:$0xA090] =	vst v63  }
0xc2: {  	_ =	swait.ge [sflag:s24], $0x500  }
0xc3: {  	[sflag:s24] =	ssyncset.done $0x0  }
0xc4: {  	s31 =	simm.s32 $0x5500;
	s0 =	simm.s32 $0x0;
	[sflag:s24] =	ssyncadd.s32 $0xFFFFFB00  }
.LBB2_15:
0xc5: {  	s9 =	sshra.s32 s0, $0x2  }
0xc6: {  	v18 =	vld [tilespmem:s9+$0x0];
	_ =	sdelay $0x4  }
0xc7: {  	v19 =	vld [tilespmem:s31+$0xFFFFFC00];
	v18 =	vand.u32 $0x7, v18  }
0xc8: {  	v20 =	vbroadcast v18, $0x0  }
0xc9: {  	v21 =	vld [tilespmem:s31+$0xFFFFFC80]  }
0xca: {  	v30 =	vbroadcast v18, $0x1;
	vm0 =	veq.s32 v20, v16  }
0xcb: {  	v22 =	vsel vm0, $0x3F800000, v0  }
0xcc: {  	vm13 =	veq.s32 v30, v16;
	v19 =	vmul.f32 v22, v19  }
0xcd: {  	v20 =	vsel vm13, $0x3F800000, v0  }
0xce: {  	(xrf2) =	vadd.scan.msk.f32 $0xffff, v19;
	v19 =	vmul.f32 v20, v21  }
0xcf: {  	v31 =	vld [tilespmem:s31+$0xFFFFFD00]  }
0xd0: {  	v32 =	vbroadcast v18, $0x2;
	(xrf2) =	vadd.scan.msk.f32 $0xffff, v19  }
0xd1: {  	v33 =	vld [tilespmem:s31+$0xFFFFFD80]  }
0xd2: {  	vm14 =	veq.s32 v32, v16;
	v19 =	vbroadcast v18, $0x3  }
0xd3: {  	v34 =	vld [tilespmem:s31+$0xFFFFFE00];
	v20 =	vsel vm14, $0x3F800000, v0  }
0xd4: {  	v35 =	vbroadcast v18, $0x4;
	v20 =	vmul.f32 v20, v31;
	vm15 =	veq.s32 v19, v16  }
0xd5: {  	v19 =	vsel vm15, $0x3F800000, v0  }
0xd6: {  	vm4 =	veq.s32 v35, v16;
	(xrf2) =	vadd.scan.msk.f32 $0xffff, v20;
	v19 =	vmul.f32 v19, v33  }
0xd7: {  	v20 =	vsel vm4, $0x3F800000, v0  }
0xd8: {  	v36 =	vld [tilespmem:s31+$0xFFFFFE80];
	v20 =	vmul.f32 v34, v20;
	(xrf2) =	vadd.scan.msk.f32 $0xffff, v19  }
0xd9: {  	v38 =	vld [tilespmem:s31+$0xFFFFFF00];
	v19 =	vbroadcast v18, $0x5;
	v23, _, _ =	vpop (xrf2)  }
0xda: {  	v40 =	vbroadcast v18, $0x6;
	v24, _, _ =	vpop (xrf2);
	(xrf2) =	vadd.scan.msk.f32 $0xffff, v20  }
0xdb: {  	v43 =	vld [tilespmem:s31+$0xFFFFFF80];
	v45 =	vbroadcast v18, $0x7;
	v47 =	vbroadcast v18, $0x8;
	vm5 =	veq.s32 v19, v16  }
0xdc: {  	v50 =	vbroadcast v18, $0x9;
	vm6 =	veq.s32 v40, v16;
	v37 =	vsel vm5, $0x3F800000, v0  }
0xdd: {  	v25 =	vld [tilespmem:s31+$0x0];
	v21 =	vsel vm6, $0x3F800000, v0;
	v19 =	vbroadcast v23, $0xF;
	v39 =	vmul.f32 v36, v37  }
0xde: {  	vm7 =	veq.s32 v45, v16;
	vm8 =	veq.s32 v47, v16;
	v21 =	vmul.f32 v38, v21  }
0xdf: {  	v26 =	vld [tilespmem:s31+$0x80];
	v49 =	vsel vm7, $0x3F800000, v0;
	v41 =	vbroadcast v24, $0xF;
	v19 =	vmul.f32 v1, v19;
	(xrf2) =	vadd.scan.msk.f32 $0xffff, v39  }
0xe0: {  	vm9 =	veq.s32 v50, v16;
	v51 =	vsel vm8, $0x3F800000, v0;
	v22 =	vmul.f32 v43, v49;
	v44, _, _ =	vpop (xrf2)  }
0xe1: {  	v24 =	vbroadcast v44, $0xF;
	v42 =	vmul.f32 v2, v41;
	v19 =	vadd.f32 $0.0e+00, v19;
	(xrf2) =	vadd.scan.msk.f32 $0xffff, v21  }
0xe2: {  	v52 =	vld [tilespmem:s31+$0x100];
	v54 =	vbroadcast v18, $0xA;
	v56 =	vsel vm9, $0x3F800000, v0;
	v53 =	vmul.f32 v25, v51;
	v46, _, _ =	vpop (xrf2)  }
0xe3: {  	v48 =	vmul.f32 v3, v24;
	(xrf2) =	vadd.scan.msk.f32 $0xffff, v22;
	v19 =	vadd.f32 v19, v42;
	v20 =	vbroadcast v46, $0xF  }
0xe4: {  	v57 =	vld [tilespmem:s31+$0x180];
	v60 =	vbroadcast v18, $0xB;
	vm10 =	veq.s32 v54, v16;
	v59 =	vmul.f32 v26, v56;
	v27, _, _ =	vpop (xrf2)  }
0xe5: {  	v19 =	vadd.f32 v19, v48;
	v20 =	vmul.f32 v4, v20;
	(xrf2) =	vadd.scan.msk.f32 $0xffff, v53;
	v55 =	vbroadcast v27, $0xF  }
0xe6: {  	v63 =	vld [tilespmem:s31+$0x200];
	v29 =	vbroadcast v18, $0xC;
	vm11 =	veq.s32 v60, v16;
	v62 =	vsel vm10, $0x3F800000, v0  }
0xe7: {  	v28 =	vmul.f32 v52, v62;
	v19 =	vadd.f32 v19, v20;
	(xrf2) =	vadd.scan.msk.f32 $0xffff, v59;
	v20 =	vmul.f32 v5, v55  }
0xe8: {  	v30 =	vld [tilespmem:s31+$0x280];
	v32 =	vbroadcast v18, $0xD;
	vm12 =	veq.s32 v29, v16;
	v31 =	vsel vm11, $0x3F800000, v0  }
0xe9: {  	v40 =	vbroadcast v18, $0xE;
	v58, _, _ =	vpop (xrf2);
	(xrf2) =	vadd.scan.msk.f32 $0xffff, v28;
	v19 =	vadd.f32 v19, v20;
	v20 =	vmul.f32 v57, v31  }
0xea: {  	vm13 =	veq.s32 v32, v16;
	v36 =	vsel vm12, $0x3F800000, v0;
	v37 =	vld [tilespmem:s31+$0x300];
	v61 =	vbroadcast v58, $0xF  }
0xeb: {  	vm14 =	veq.s32 v40, v16;
	v18 =	vbroadcast v18, $0xF;
	v38 =	vmul.f32 v63, v36;
	v34, _, _ =	vpop (xrf2);
	(xrf2) =	vadd.scan.msk.f32 $0xffff, v20  }
0xec: {  	v39 =	vsel vm13, $0x3F800000, v0;
	v42 =	vld [tilespmem:s31+$0x380];
	v35 =	vbroadcast v34, $0xF;
	v33 =	vmul.f32 v6, v61  }
0xed: {  	vm15 =	veq.s32 v18, v16;
	v41 =	vmul.f32 v30, v39;
	v46 =	vsel vm14, $0x3F800000, v0;
	v43, _, _ =	vpop (xrf2);
	(xrf2) =	vadd.scan.msk.f32 $0xffff, v38  }
0xee: {  	v45 =	vbroadcast v43, $0xF;
	v44 =	vmul.f32 v7, v35;
	v19 =	vadd.f32 v19, v33  }
0xef: {  	v49 =	vsel vm15, $0x3F800000, v0;
	v48 =	vmul.f32 v37, v46;
	v47, _, _ =	vpop (xrf2);
	(xrf2) =	vadd.scan.msk.f32 $0xffff, v41  }
0xf0: {  	v18 =	vmul.f32 v8, v45;
	v19 =	vadd.f32 v19, v44;
	v20 =	vbroadcast v47, $0xF  }
0xf1: {  	v21 =	vmul.f32 v42, v49;
	v50, _, _ =	vpop (xrf2);
	(xrf2) =	vadd.scan.msk.f32 $0xffff, v48  }
0xf2: {  	v18 =	vadd.f32 v19, v18;
	v51 =	vbroadcast v50, $0xF;
	v19 =	vmul.f32 v9, v20  }
0xf3: {  	v52, _, _ =	vpop (xrf2);
	(xrf2) =	vadd.scan.msk.f32 $0xffff, v21  }
0xf4: {  	v53 =	vbroadcast v52, $0xF;
	v18 =	vadd.f32 v18, v19;
	v19 =	vmul.f32 v10, v51  }
0xf5: {  	v54, _, _ =	vpop (xrf2)  }
0xf6: {  	v18 =	vadd.f32 v18, v19;
	v19 =	vmul.f32 v11, v53;
	v55 =	vbroadcast v54, $0xF  }
0xf7: {  	v56, _, _ =	vpop (xrf2)  }
0xf8: {  	v18 =	vadd.f32 v18, v19;
	v57 =	vbroadcast v56, $0xF;
	v19 =	vmul.f32 v12, v55  }
0xf9: {  	v58, _, _ =	vpop (xrf2)  }
0xfa: {  	v59 =	vbroadcast v58, $0xF;
	v18 =	vadd.f32 v18, v19;
	v19 =	vmul.f32 v13, v57  }
0xfb: {  	v60, _, _ =	vpop (xrf2)  }
0xfc: {  	v61 =	vbroadcast v60, $0xF;
	v18 =	vadd.f32 v18, v19;
	v19 =	vmul.f32 v14, v59  }
0xfd: {  	v62, _, _ =	vpop (xrf2)  }
0xfe: {  	v63 =	vbroadcast v62, $0xF;
	v18 =	vadd.f32 v18, v19;
	v19 =	vmul.f32 v15, v61  }
0xff: {  	p1 =	sne.s32 s0, $0x100  }
.Ltmp8:
0x100: {  	v18 =	vadd.f32 v18, v19;
	v19 =	vmul.f32 v17, v63;
	(pc) =	sbr.rel @p1 .LBB2_15-.Ltmp8, $3  }
0x101: {  	_ = 	snop  }
0x102: {  	v18 =	vadd.f32 v18, v19;
	_ =	sdelay $0x1  }
0x103: {  	s0 =	sadd.s32 $0x40, s0;
	s31 =	sadd.s32 $0x800, s31;
	[tilespmem:s9+$0x7900] =	vst v18  }
0x104: {  	s29 =	sadd.s32 $0x1, s29  }
0x105: {  	p1 =	sne.s32 s29, $0x7D  }
.Ltmp9:
0x106: {  	s0 =	sadd.s32 s5, s30;
	(pc) =	sbr.rel @p1 .LBB2_14-.Ltmp9, $4  }
0x107: {  	[hbm4b:s0+s4] =	stream.linear.scatter [tilespmem:s25], [sflag:$0x2], $0x50, $0x38;
	[tilespmem:$0xA090] =	vst v63  }
0x108: {  	_ =	swait.ge [sflag:s18], $0x50  }
0x109: {  	[sflag:s18] =	ssyncset.done $0x0  }
0x10a: {  	[sflag:s18] =	ssyncadd.s32 $0xFFFFFFB0  }
0x10b: {  	s26 =	sadd.s32 $0x1, s26;
	s0 =	rddreg [dreg:$0x4]  }
0x10c: {  	p1 =	sne.s32 s26, s0  }
.Ltmp10:
0x10d: {  	_ = 	snop;
	(pc) =	sbr.rel @p1 .LBB2_1-.Ltmp10, $1  }
0x10e: {  	_ =	sdelay $0x3  }
0x10f: {  	_ =	sfence.sel $0x180000  }
0x110: {  	[bflag:$0x0] =	sbarrier.arrive $0xFFFF  }
0x111: {  	_ =	strace $0x9000004A  }
0x112: {  	[bflag:$0x2] =	sbarrier.arrive $0xFFFF  }
0x113: {  	p0 =	sne.s32 s3, $0x0;
	s0 =	rddreg [dreg:$0x3]  }
0x114: {  	s0 =	sadd.s32 @!p0 $0x100000, s0  }
0x115: {  	[sflag:s0] =	ssyncadd.tile.s32 @!p0 $0x1;
	_ =	shalt  }
.Lfunc_end2:
_tile_overlayer_lowered:
.L_overlay_start_2:
0x116: {  	(tag) =	ssettag $0x2  }
0x117: {  	s0 =	rddreg [dreg:$0x0];
	s2 =	stileid.u32  }
0x118: {  	s1 =	rddreg [dreg:$0x1];
	p0 =	sne.s32 s2, $0x0  }
0x119: {  	s3 =	rddreg [dreg:$0x2];
	[bflag:$0x3] =	sbarrier.arrive $0xFFFF;
	s2 =	simm.s32 @!p0 $0x1C02  }
0x11a: {  	[timem:s3], [sflag:s2] =	dma.local @!p0 [hbm:s0], s1  }
0x11b: {  	s0 =	simm.s32 @!p0 $0x2  }
0x11c: {  	_ =	swait.ge @!p0 [sflag:s0], s1  }
0x11d: {  	s1 =	ssub.s32 @!p0 $0x0, s1;
	[sflag:s0] =	ssyncset.done @!p0 $0x0  }
0x11e: {  	[sflag:s0] =	ssyncadd.s32 @!p0 s1  }
0x11f: {  	[bflag:$0x3] =	sbarrier.arrive $0xFFFF  }
0x120: {  	_ =	shalt  }

// kernel: scatter_offload_async_start.1
scs
__scs_entry_jumppad:
0x0: {  	(pc) =	sbr.rel $0x88, $3  }
0x1: {  	(tag) =	ssettag $0x0;
	lr =	simm.s32 $0x1  }
0x2: {  	[smem:$0x3F91] =	sst lr;
	_ =	strace $0xD0000000  }
0x3: {  	_ = 	snop  }
0x4: {  	_ = 	snop  }
0x5: {  	_ = 	snop  }
0x6: {  	_ = 	snop  }
0x7: {  	_ = 	snop  }
__scs_overlays_trampoline_lowered:
0x8: {  	[smem:$0x3FA0] =	sst s0  }
0x9: {  	[smem:$0x3FA1] =	sst s1  }
0xa: {  	[smem:$0x3FA2] =	sst s2  }
0xb: {  	[smem:$0x3FA3] =	sst s3  }
0xc: {  	[smem:$0x3FA4] =	sst s4  }
0xd: {  	[smem:$0x3FA5] =	sst s5  }
0xe: {  	[smem:$0x3FA6] =	sst s6  }
0xf: {  	[smem:$0x3FA7] =	sst s7  }
0x10: {  	[smem:$0x3FA8] =	sst s8  }
0x11: {  	[smem:$0x3FA9] =	sst s9;
	s0 =	simm.s32 @!p0 $0x0  }
0x12: {  	s1 =	sld [smem:$0x3F8F];
	s0 =	simm.s32 @p0 $0x1  }
0x13: {  	[smem:$0x3FAA] =	sst s0;
	s0 =	simm.s32 @!p1 $0x0  }
0x14: {  	s2 =	sld [smem:$0x3F8E];
	s0 =	simm.s32 @p1 $0x1  }
0x15: {  	[smem:$0x3FAB] =	sst s0;
	s0 =	simm.s32 @!p2 $0x0  }
0x16: {  	s3 =	sld [smem:$0x3FDB];
	s0 =	simm.s32 @p2 $0x1  }
0x17: {  	s4 =	simm.s32 $0x1BF5;
	[smem:$0x3FAD] =	sst s0  }
0x18: {  	s0 =	sld [smem:$0x3F90];
	_ =	swait.ge [sflag:s4], $0x0  }
0x19: {  	s7 =	sld [smem:$0x3F91]  }
0x1a: {  	s8 =	sadd.s32 $0xFFFFE003, lr  }
0x1b: {  	s9 =	sadd.s32 $0xFFFFFEF7, lr;
	s5 =	simm.s32 $0xFFFFFFFF;
	p2 =	slt.u32 s8, $0xFFFFF086  }
0x1c: {  	p1 =	slt.u32 s9, $0xF7A;
	s5 =	simm.s32 @!p2 $0x0  }
0x1d: {  	s5 =	simm.s32 @p1 $0x1;
	p0 =	seq.s32 s7, s2  }
0x1e: {  	s7 =	smul.u32 @!p0 $0xF7A, s2;
	p2 =	seq.s32 @!p0 s5, $0x0  }
0x1f: {  	s9 =	smul.u32 $0xF7A, s1;
	s8 =	simm.s32 @!p0 $0x1BF5;
	p2 =	por !p2, p0  }
0x20: {  	[sflag:s8] =	ssyncset.s32 @!p0 $0xFFFFF086;
	s6 =	sadd.s32 @!p0 s3, s7;
	s7 =	simm.s32 @!p0 $0x108  }
0x21: {  	s3 =	sadd.s32 s3, s9;
	s6 =	sadd.s32 @!p0 $0x88, s6;
	s7 =	simm.s32 @p2 $0x1082  }
0x22: {  	[simem:s7], [sflag:s8] =	dma.local @!p0 [hbm:s6], $0xF7A  }
0x23: {  	s9 =	sor.u32 $0xD0000000, s2;
	s6 =	simm.s32 $0x108;
	_ =	swait.ge @!p0 [sflag:s8], $0x0  }
0x24: {  	s3 =	sadd.s32 $0x88, s3;
	s6 =	simm.s32 @!p1 $0x1082;
	[sflag:s4] =	ssyncset.s32 $0xFFFFF086  }
0x25: {  	[simem:s6], [sflag:s4] =	dma.local [hbm:s3], $0xF7A  }
0x26: {  	[smem:$0x3F91] =	sst s1;
	(tag) =	ssettag s2;
	_ =	strace s9  }
0x27: {  	s1 =	sld [smem:$0x3FA1]  }
0x28: {  	s2 =	sld [smem:$0x3FA2]  }
0x29: {  	s4 =	sld [smem:$0x3FA4]  }
0x2a: {  	p0 =	seq.s32 s5, $0x0;
	s5 =	sld [smem:$0x3FA5]  }
0x2b: {  	s6 =	sld [smem:$0x3FA6]  }
0x2c: {  	s7 =	sld [smem:$0x3FA7]  }
0x2d: {  	s3 =	simm.s32 $0x108;
	s8 =	sld [smem:$0x3FA8]  }
0x2e: {  	s3 =	simm.s32 @!p0 $0x1082;
	s9 =	sld [smem:$0x3FA9]  }
0x2f: {  	lr =	sadd.s32 s0, s3;
	s0 =	sld [smem:$0x3FA0]  }
0x30: {  	s3 =	sld [smem:$0x3FA3]  }
0x31: {  	[smem:$0x3FAC] =	sst s10  }
0x32: {  	s10 =	sld [smem:$0x3FAA];
	_ =	sdelay $0x3  }
0x33: {  	p0 =	seq.s32 s10, $0x1;
	s10 =	sld [smem:$0x3FAC];
	_ =	sdelay $0x3  }
0x34: {  	[smem:$0x3FAC] =	sst s10  }
0x35: {  	s10 =	sld [smem:$0x3FAB];
	_ =	sdelay $0x3  }
0x36: {  	p1 =	seq.s32 s10, $0x1;
	s10 =	sld [smem:$0x3FAC];
	_ =	sdelay $0x3  }
0x37: {  	[smem:$0x3FAC] =	sst s10  }
0x38: {  	s10 =	sld [smem:$0x3FAD]  }
0x39: {  	_ = 	snop;
	(pc) =	sbr.ind lr, $3  }
0x3a: {  	_ = 	snop  }
0x3b: {  	_ = 	snop  }
0x3c: {  	p2 =	seq.s32 s10, $0x1;
	s10 =	sld [smem:$0x3FAC]  }
0x3d: {  	_ =	shalt  }
0x3e: {  	_ =	shalt  }
0x3f: {  	_ =	shalt  }
0x40: {  	_ =	shalt  }
0x41: {  	_ =	shalt  }
0x42: {  	_ =	shalt  }
0x43: {  	_ =	shalt  }
0x44: {  	_ =	shalt  }
0x45: {  	_ =	shalt  }
0x46: {  	_ =	shalt  }
0x47: {  	_ =	shalt  }
0x48: {  	_ =	shalt  }
0x49: {  	_ =	shalt  }
0x4a: {  	_ =	shalt  }
0x4b: {  	_ =	shalt  }
0x4c: {  	_ =	shalt  }
0x4d: {  	_ =	shalt  }
0x4e: {  	_ =	shalt  }
0x4f: {  	_ =	shalt  }
0x50: {  	_ =	shalt  }
0x51: {  	_ =	shalt  }
0x52: {  	_ =	shalt  }
0x53: {  	_ =	shalt  }
0x54: {  	_ =	shalt  }
0x55: {  	_ =	shalt  }
0x56: {  	_ =	shalt  }
0x57: {  	_ =	shalt  }
0x58: {  	_ =	shalt  }
0x59: {  	_ =	shalt  }
0x5a: {  	_ =	shalt  }
0x5b: {  	_ =	shalt  }
0x5c: {  	_ =	shalt  }
0x5d: {  	_ =	shalt  }
0x5e: {  	_ =	shalt  }
0x5f: {  	_ =	shalt  }
0x60: {  	_ =	shalt  }
0x61: {  	_ =	shalt  }
0x62: {  	_ =	shalt  }
0x63: {  	_ =	shalt  }
0x64: {  	_ =	shalt  }
0x65: {  	_ =	shalt  }
0x66: {  	_ =	shalt  }
0x67: {  	_ =	shalt  }
0x68: {  	_ =	shalt  }
0x69: {  	_ =	shalt  }
0x6a: {  	_ =	shalt  }
0x6b: {  	_ =	shalt  }
0x6c: {  	_ =	shalt  }
0x6d: {  	_ =	shalt  }
0x6e: {  	_ =	shalt  }
0x6f: {  	_ =	shalt  }
0x70: {  	_ =	shalt  }
0x71: {  	_ =	shalt  }
0x72: {  	_ =	shalt  }
0x73: {  	_ =	shalt  }
0x74: {  	_ =	shalt  }
0x75: {  	_ =	shalt  }
0x76: {  	_ =	shalt  }
0x77: {  	_ =	shalt  }
0x78: {  	_ =	shalt  }
0x79: {  	_ =	shalt  }
0x7a: {  	_ =	shalt  }
0x7b: {  	_ =	shalt  }
0x7c: {  	_ =	shalt  }
0x7d: {  	_ =	shalt  }
0x7e: {  	_ =	shalt  }
0x7f: {  	_ =	shalt  }
0x80: {  	_ =	shalt  }
0x81: {  	_ =	shalt  }
0x82: {  	_ =	shalt  }
0x83: {  	_ =	shalt  }
0x84: {  	_ =	shalt  }
0x85: {  	_ =	shalt  }
0x86: {  	_ =	shalt  }
0x87: {  	_ =	shalt  }
.Lfunc_end0:
.L_simem_size_0:
called_computation.1_lowered:
.L_overlay_start_0:
0x88: {  	s2 =	sld [smem:$0x3FD9]  }
0x89: {  	s3 =	sld [smem:$0x3FFE];
	_ =	sdelay $0x1  }
0x8a: {  	s1 =	srdreg.scid  }
0x8b: {  	s0 =	sand.u32 $0x1, s1  }
0x8c: {  	s17 =	sshll.u32 s0, $0xA;
	s2 =	sadd.s32 s3, s2  }
0x8d: {  	s2 =	sadd.s32 s2, s17  }
0x8e: {  	[smem:$0x3FB8] =	sst s2  }
0x8f: {  	_ = 	snop  }
0x90: {  	s18 =	sld [smem:$0x3FD0];
	(tm) =	ssettm $0x1  }
0x91: {  	s19 =	sld [smem:$0x3FFB];
	_ =	sdelay $0x3  }
0x92: {  	_ =	strace s19  }
0x93: {  	s2 =	sld [smem:$0x3FFC];
	_ =	sdelay $0x3  }
0x94: {  	_ =	strace s2  }
0x95: {  	s2 =	sld [smem:$0x3FFD];
	_ =	sdelay $0x3  }
0x96: {  	_ =	strace s2  }
0x97: {  	_ =	strace $0x8FFFFFFF  }
0x98: {  	s20 =	sld [smem:$0x3FDB];
	_ =	sdelay $0x1  }
0x99: {  	s4 =	simm.s32 $_scs_section_size  }
0x9a: {  	s5 =	simm.s32 $_size__tile_overlayer_lowered;
	s6 =	simm.s32 $_tile_overlayer_lowered  }
0x9b: {  	s7 =	simm.s32 $0x1BFF;
	s21 =	sshll.u32 s6, $0x1;
	s4 =	sadd.s32 s4, s20  }
0x9c: {  	s22 =	simm.s32 $0x0;
	s5 =	sshll.u32 s5, $0x1;
	s6 =	sadd.s32 s21, s4  }
0x9d: {  	[timem:s22], [sflag:s7] =	dma.local [hbm:s6], s5  }
0x9e: {  	_ =	swait.ge [sflag:s7], s5  }
0x9f: {  	s5 =	ssub.s32 $0x0, s5;
	[sflag:s7] =	ssyncset.done $0x0  }
0xa0: {  	[sflag:s7] =	ssyncadd.s32 s5;
	_ =	sdelay $0x1  }
0xa1: {  	s23 =	simm.s32 $0x1B8B  }
0xa2: {  	_ =	swait.ge [sflag:s23], $0x1  }
0xa3: {  	[sflag:s23] =	ssyncset.done $0x0  }
0xa4: {  	[sflag:s23] =	ssyncadd.s32 $0xFFFFFFFF  }
0xa5: {  	s5 =	sld [smem:$0x0]  }
0xa6: {  	s6 =	sand.u32 $0xFFFFFFFE, s1  }
0xa7: {  	p0 =	sne.s32 s1, s6  }
0xa8: {  	s6 =	sshll.u32 @p0 s6, $0xE  }
0xa9: {  	s6 =	sadd.s32 @p0 $0x11B8D, s6;
	s7 =	sshll.u32 @p0 s5, $0x11  }
0xaa: {  	s6 =	sor.u32 @p0 s7, s6  }
0xab: {  	[sflag:s6] =	ssyncadd.remote.s32 @p0 $0x1;
	_ =	sdelay $0x1  }
0xac: {  	s6 =	simm.s32 @p0 $0x1B8D  }
0xad: {  	_ =	swait.eq @p0 [sflag:s6], $0x1  }
0xae: {  	[sflag:s6] =	ssyncadd.s32 @p0 $0xFFFFFFFF  }
0xaf: {  	s7 =	sshll.u32 @!p0 s1, $0xE  }
0xb0: {  	s7 =	sor.u32 @!p0 $0x4000, s7;
	s6 =	simm.s32 @!p0 $0x1B8D  }
0xb1: {  	s8 =	sshll.u32 @!p0 s5, $0x11;
	s7 =	sadd.s32 @!p0 $0x11B8D, s7;
	_ =	swait.eq @!p0 [sflag:s6], $0x1  }
0xb2: {  	[sflag:s6] =	ssyncadd.s32 @!p0 $0xFFFFFFFF;
	s6 =	sor.u32 @!p0 s8, s7  }
0xb3: {  	s25 =	simm.s32 $0x1B8E;
	s24 =	sld [smem:$0x3FFE];
	[sflag:s6] =	ssyncadd.remote.s32 @!p0 $0x1  }
0xb4: {  	s26 =	simm.s32 $execute0_lowered;
	[smem:$0x3FD2] =	sst s25  }
0xb5: {  	s7 =	sshll.u32 s26, $0x1;
	_ =	strace $0x80000055;
	[dreg:$0x1] =	wrdreg $0xFFFFFFFF  }
0xb6: {  	s28 =	simm.s32 $_size_execute0_lowered;
	s4 =	sadd.s32 s4, s7;
	[dreg:$0x0] =	wrdreg $0x0  }
0xb7: {  	s7 =	sshll.u32 s28, $0x1;
	[dreg:$0x2] =	wrdreg s4  }
0xb8: {  	[dreg:$0x3] =	wrdreg s7  }
0xb9: {  	[dreg:$0x4] =	wrdreg $0xC0  }
0xba: {  	_ =	task [dreg:s22], $0x5FFFF  }
0xbb: {  	[dreg:$0x1] =	wrdreg $0xFFFFFFFF  }
0xbc: {  	[dreg:$0x0] =	wrdreg $0x60  }
0xbd: {  	[dreg:$0x2] =	wrdreg s18  }
0xbe: {  	[dreg:$0x3] =	wrdreg s24  }
0xbf: {  	[dreg:$0x4] =	wrdreg s1  }
0xc0: {  	[dreg:$0x5] =	wrdreg s5  }
0xc1: {  	[dreg:$0x6] =	wrdreg $0x9  }
0xc2: {  	_ =	task.clear_ibuf [dreg:s22], $0x7FFFF;
	_ =	strace $0x90000055  }
0xc3: {  	s29 =	simm.s32 $0x9;
	_ =	strace $0x80000057  }
0xc4: {  	_ =	swait.ge [sflag:s29], $0x1  }
0xc5: {  	[sflag:s29] =	ssyncadd.s32 $0xFFFFFFFF  }
0xc6: {  	_ =	strace $0x90000057  }
0xc7: {  	_ =	sfence  }
0xc8: {  	s30 =	sld [smem:$0x0];
	_ =	sdelay $0x2  }
0xc9: {  	s31 =	sshll.u32 s1, $0xD;
	s1 =	sshrl.u32 s1, $0x2  }
0xca: {  	s4 =	sand.u32 $0x4000, s31;
	s1 =	sadd.s32 s1, s30  }
0xcb: {  	s0 =	sor.u32 s4, s0;
	s1 =	sshll.u32 s1, $0x11  }
0xcc: {  	s0 =	sor.u32 s1, s0  }
0xcd: {  	s0 =	sadd.s32 $0x8F2B, s0  }
0xce: {  	[sflag:s0] =	ssyncadd.remote.s32 $0x1  }
0xcf: {  	_ =	sfence.sel $0xFFFF  }
0xd0: {  	[dreg:$0x0] =	wrdreg $0xFFFFFFFF;
	(pc) =	sbr.abs _section_cstart, $3  }
0xd1: {  	[dreg:$0x1] =	wrdreg $0xFFFFFFFF  }
0xd2: {  	_ =	task.clear_ibuf [dreg:s22], $0x2FFFF;
	_ =	strace $0x9FFFFFFF  }
0xd3: {  	(tm) =	ssettm $0x7FFFFFFF  }
tec
execute0_lowered:
.L_overlay_start_1:
0x0: {  	(tag) =	ssettag $0x1  }
0x1: {  	s1 =	rddreg [dreg:$0x0]  }
0x2: {  	s2 =	rddreg [dreg:$0x1]  }
0x3: {  	s3 =	rddreg [dreg:$0x2];
	_ =	strace $0x80000056;
	s0 =	simm.s32 $0x1  }
0x4: {  	v0 =	vimm.s32 $0x0;
	[sflag:s0] =	ssyncpa.u1 $0x0;
	s0 =	simm.s32 $0x108  }
0x5: {  	[tilespmem:s0+$0x70] =	vst v0  }
0x6: {  	[tilespmem:s0+$0x60] =	vst v0  }
0x7: {  	[tilespmem:s0+$0x50] =	vst v0  }
0x8: {  	[tilespmem:s0+$0x40] =	vst v0  }
0x9: {  	[tilespmem:s0+$0x30] =	vst v0  }
0xa: {  	s15 =	sadd.s32 $0x64CE00, s2;
	s6 =	sadd.s32 $0x80400, s2;
	[tilespmem:s0+$0x20] =	vst v0  }
0xb: {  	s14 =	sadd.s32 $0x656C00, s2;
	s5 =	sand.u32 $0x1, s3;
	s3 =	simm.s32 $0x40;
	[tilespmem:s0+$0x10] =	vst v0  }
.LBB2_1:
0xc: {  	s3 =	sadd.s32 $0x40, s3;
	[tilespmem:s0+$0x0] =	vst v0;
	s0 =	sadd.s32 $0x80, s0  }
0xd: {  	p0 =	slt.u32 s3, $0x3C40;
	[tilespmem:s0+$0x70] =	vst v0  }
0xe: {  	[tilespmem:s0+$0x60] =	vst v0  }
.Ltmp0:
0xf: {  	[tilespmem:s0+$0x50] =	vst v0;
	(pc) =	sbr.rel @p0 .LBB2_1-.Ltmp0, $4  }
0x10: {  	[tilespmem:s0+$0x40] =	vst v0  }
0x11: {  	[tilespmem:s0+$0x30] =	vst v0  }
0x12: {  	[tilespmem:s0+$0x20] =	vst v0  }
0x13: {  	[tilespmem:s0+$0x10] =	vst v0  }
0x14: {  	s9 =	stileid.u32  }
0x15: {  	s2 =	smul.u32 $0x29, s9  }
0x16: {  	s3 =	smin.u32 s9, $0xB  }
0x17: {  	s2 =	sadd.s32 s3, s2  }
0x18: {  	p0 =	slt.u32 s9, $0xB;
	s7 =	smul.u32 $0xF0, s2;
	s2 =	simm.s32 $0x2760  }
0x19: {  	s2 =	simm.s32 @!p0 $0x2670  }
0x1a: {  	s2 =	sadd.s32 s2, s7  }
0x1b: {  	s8 =	smin.u32 s2, $0x27100  }
0x1c: {  	s2 =	ssub.s32 s8, s7  }
0x1d: {  	p0 =	sgt.s32 s2, $0x0  }
0x1e: {  	s29 =	simm.s32 $0x2;
	s10 =	simm.s32 $0x9;
	s2 =	simm.s32 @!p0 $0x0  }
0x1f: {  	s4 =	simm.s32 $0xA;
	s11 =	simm.s32 $0xB;
	s28 =	smulhi.u32 $0x88888889, s2  }
0x20: {  	[dreg:$0x5] =	wrdreg s5;
	s31 =	smul.u32 $0x4E20, s5;
	s12 =	simm.s32 $0x1  }
0x21: {  	s22 =	simm.s32 $0x0;
	s18 =	simm.s32 $0xC;
	s30 =	sshrl.u32 s28, $0x7  }
0x22: {  	s20 =	simm.s32 $0x0;
	s21 =	simm.s32 $0x0;
	s3 =	smul.u32 $0xF0, s30  }
.Ltmp1:
0x23: {  	[tilespmem:s0+$0x0] =	vst v0;
	v0 =	vimm.s32 $0xFFFFFFFF;
	[sflag:s29] =	ssyncpa.u1 $0x0;
	s16 =	sshll.u32 s9, $0x8;
	(pc) =	sbr.rel .LBB2_3-.Ltmp1, $4  }
0x24: {  	[tilespmem:$0xF208] =	vst v0;
	[sflag:s10] =	ssyncpa.u1 $0x0;
	p0 =	sne.s32 s2, s3;
	s2 =	simm.s32 $0x1  }
0x25: {  	s14 =	sadd.s32 s31, s14;
	[sflag:s4] =	ssyncpa.u1 $0x0;
	s2 =	simm.s32 @!p0 $0x0  }
0x26: {  	s15 =	sadd.s32 s31, s15;
	[sflag:s11] =	ssyncpa.u1 $0x0;
	s13 =	sadd.s32 s2, s30  }
0x27: {  	v0 =	vlaneseq.u32;
	s19 =	smov.u32 s7;
	p0 =	por $0x0, $0x0;
	s17 =	sadd.s32 $0x1, s13  }
.LBB2_18:
0x28: {  	s0 =	sshrl.u32 s31, $0x2  }
.LBB2_20:
0x29: {  	_ =	swait.ge [sflag:s18], s0  }
0x2a: {  	s31 =	ssub.s32 $0x0, s0;
	v1 =	vmov s24;
	vm0 =	veq.s32 v0, $0x0;
	[sflag:s18] =	ssyncset.done $0x0  }
0x2b: {  	vm15 =	veq.s32 v0, $0x2;
	v1 =	vsel vm0, s30, v1;
	[sflag:s18] =	ssyncadd.s32 s31  }
0x2c: {  	v1 =	vsel vm15, s22, v1;
	[sflag:s18] =	ssyncpa.u1 $0x1  }
0x2d: {  	[tilespmem:$0xF208] =	vst v1  }
.LBB2_21:
0x2e: {  	s0 =	sadd.s32 $0xF0, s19  }
0x2f: {  	s2 =	smov.u32 s7;
	p1 =	slt.s32 s0, s8  }
0x30: {  	s2 =	smov.u32 @p1 s0;
	p1 =	sne.s32 s21, s17  }
.Ltmp2:
0x31: {  	_ = 	snop;
	(pc) =	sbr.rel @!p1 .LBB2_22-.Ltmp2, $3  }
0x32: {  	_ =	sdelay $0x1  }
0x33: {  	s22 =	smov.u32 s20;
	s31 =	sadd.s32 $0x1, s21;
	s20 =	smov.u32 s19  }
0x34: {  	p0 =	por !p0, !p0;
	s21 =	smov.u32 s31;
	s19 =	smov.u32 s2  }
.LBB2_3:
0x35: {  	p1 =	sge.u32 s21, s13  }
0x36: {  	s0 =	smulhi.u32 @!p1 $0xAAAAAAAB, s21  }
0x37: {  	s2 =	smov.u32 s19;
	p2 =	sgt.s32 @!p1 s19, $0x27010  }
0x38: {  	s3 =	sshra.s32 @!p1 s19, $0x1F;
	p2 =	por !p2, p1;
	s0 =	sshrl.u32 @!p1 s0, $0x1  }
0x39: {  	s3 =	sand.u32 @!p1 s3, s19;
	s2 =	simm.s32 @p2 $0x27010;
	s0 =	smul.u32 @!p1 $0x3, s0  }
0x3a: {  	s2 =	ssub.s32 @!p1 s2, s3  }
0x3b: {  	s2 =	sadd.s32 @!p1 $0xFFFD8FF0, s2;
	s0 =	ssub.s32 @!p1 s21, s0  }
0x3c: {  	s3 =	sshll.u32 @!p1 s2, $0x2;
	p2 =	sgt.s32 @!p1 s2, $0xEF;
	s0 =	smul.u32 @!p1 $0x3C0, s0  }
0x3d: {  	s4 =	sand.u32 @!p1 $0x7, s19;
	s2 =	ssub.s32 @!p1 $0x3C0, s3;
	p2 =	por !p2, p1  }
0x3e: {  	s3 =	sshrl.u32 @!p1 s19, $0x3;
	s2 =	sshrl.u32 @!p1 s2, $0x2;
	s0 =	sshrl.u32 @!p1 s0, $0x2  }
0x3f: {  	s3 =	sadd.s32 @!p1 s3, s14;
	s2 =	simm.s32 @!p2 $0x0;
	s0 =	sadd.s32 @!p1 $0x10248, s0  }
0x40: {  	[tilespmem:s0], [sflag:$0xA] =	stream.linear.gather @!p1 [hbm4b:s3+s4], s2, $0x38;
	[tilespmem:$0x1F6F8] =	vst v63  }
0x41: {  	s0 =	sadd.s32 $0xFFFFFFFF, s21  }
0x42: {  	p1 =	sge.u32 s0, s13  }
0x43: {  	p2 =	sgt.s32 @!p1 s20, $0x27010  }
0x44: {  	s2 =	smov.u32 s20;
	s3 =	sshra.s32 @!p1 s20, $0x1F;
	p2 =	por !p2, p1  }
0x45: {  	s3 =	sand.u32 @!p1 s3, s20;
	s2 =	simm.s32 @p2 $0x27010  }
0x46: {  	s2 =	ssub.s32 @!p1 s2, s3  }
0x47: {  	s2 =	sadd.s32 @!p1 $0xFFFD8FF0, s2  }
0x48: {  	s4 =	sand.u32 @!p1 $0x1, s0;
	s3 =	sshll.u32 @!p1 s2, $0x2  }
0x49: {  	p2 =	sgt.s32 @!p1 s2, $0xEF;
	s2 =	ssub.s32 @!p1 $0x3C0, s3;
	s3 =	smulhi.u32 @!p1 $0xAAAAAAAB, s0  }
0x4a: {  	s23 =	smul.u32 @!p1 $0x3C0, s4;
	p2 =	por !p2, p1;
	s2 =	sshrl.u32 @!p1 s2, $0x2  }
0x4b: {  	s5 =	simm.s32 @!p1 $0xA;
	s2 =	simm.s32 @!p2 $0x0;
	s3 =	sshrl.u32 @!p1 s3, $0x1  }
0x4c: {  	s23 =	sshrl.u32 @!p1 s23, $0x2;
	_ =	swait.ge @!p1 [sflag:s5], s2;
	s3 =	smul.u32 @!p1 $0x3, s3  }
0x4d: {  	s23 =	sadd.s32 @!p1 $0x10518, s23;
	s24 =	ssub.s32 @!p1 $0x0, s2;
	[sflag:s5] =	ssyncset.done @!p1 $0x0  }
0x4e: {  	[sflag:s5] =	ssyncadd.s32 @!p1 s24;
	s5 =	sshrl.u32 @!p1 s20, $0x3;
	s0 =	ssub.s32 @!p1 s0, s3  }
0x4f: {  	s24 =	sand.u32 @!p1 $0x7, s20;
	s5 =	sadd.s32 @!p1 s5, s15;
	s0 =	smul.u32 @!p1 $0x3C0, s0  }
0x50: {  	[tilespmem:s23], [sflag:$0xB] =	stream.linear.gather @!p1 [hbm4b:s5+s24], s2, $0x38;
	[tilespmem:$0x1F6F8] =	vst v63  }
0x51: {  	s3 =	ssub.s32 @!p1 $0x27100, s20;
	s2 =	smul.u32 @!p1 $0x1E000, s4  }
0x52: {  	p2 =	slt.s32 @!p1 s3, $0xF0  }
0x53: {  	p2 =	por !p2, p1;
	s0 =	sshrl.u32 @!p1 s0, $0x2;
	s2 =	sshrl.u32 @!p1 s2, $0x2  }
0x54: {  	s3 =	simm.s32 @p2 $0xF0;
	s0 =	sadd.s32 @!p1 $0x10248, s0;
	s2 =	sor.u32 @!p1 $0x106F8, s2  }
0x55: {  	[tilespmem:s2], [sflag:$0x9] =	stream.indirect.gather @!p1 [hbm4b:s6+s3], $0x80, s0, s3, $0xb8;
	[tilespmem:$0x1F6F8] =	vst v63  }
0x56: {  	p1 =	slt.u32 s21, $0x2  }
.Ltmp3:
0x57: {  	_ = 	snop;
	(pc) =	sbr.rel @p1 .LBB2_21-.Ltmp3, $1  }
0x58: {  	_ =	sdelay $0x3  }
0x59: {  	p1 =	sgt.s32 s22, $0x27010  }
0x5a: {  	s0 =	smov.u32 s22;
	s2 =	sshra.s32 s22, $0x1F;
	s3 =	ssub.s32 $0x27100, s22  }
0x5b: {  	s0 =	simm.s32 @!p1 $0x27010;
	s2 =	sand.u32 s2, s22;
	p1 =	slt.s32 s3, $0xF0  }
0x5c: {  	s0 =	ssub.s32 s0, s2;
	s3 =	simm.s32 @!p1 $0xF0  }
0x5d: {  	s0 =	sadd.s32 $0xFFFD8FF0, s0;
	s25 =	sshll.u32 s3, $0x7  }
0x5e: {  	s26 =	sshll.u32 s0, $0x2;
	s2 =	sand.u32 $0x3FFFFF80, s25  }
0x5f: {  	p1 =	sgt.s32 s0, $0xEF;
	s29 =	ssub.s32 $0x3C0, s26;
	_ =	swait.ge [sflag:s10], s2  }
0x60: {  	s2 =	ssub.s32 $0x0, s2;
	[sflag:s10] =	ssyncset.done $0x0;
	s0 =	sshrl.u32 s29, $0x2  }
0x61: {  	[sflag:s10] =	ssyncadd.s32 s2;
	s0 =	simm.s32 @p1 $0x0  }
0x62: {  	_ =	swait.ge [sflag:s11], s0  }
0x63: {  	s0 =	ssub.s32 $0x0, s0;
	[sflag:s11] =	ssyncset.done $0x0  }
0x64: {  	[sflag:s11] =	ssyncadd.s32 s0  }
0x65: {  	v1 =	vld [tilespmem:$0xF208];
	_ =	sdelay $0x4  }
0x66: {  	(v2sf) =	vpush v1, $0x0  }
0x67: {  	(v2sf) =	vpush v1, $0x1  }
0x68: {  	(v2sf) =	vpush v1, $0x2;
	_ =	sdelay $0x3  }
0x69: {  	s0 =	sadd.s32 $0xF0, s22  }
0x6a: {  	s2 =	ssub.s32 $0x4E200, s22;
	p1 =	slt.s32 s8, s0  }
0x6b: {  	s0 =	smov.u32 @p1 s8;
	p1 =	sgt.s32 s2, $0x0  }
0x6c: {  	s26 =	ssub.s32 s0, s22;
	s2 =	simm.s32 @!p1 $0x0  }
0x6d: {  	p1 =	slt.s32 s2, s26  }
0x6e: {  	s26 =	smov.u32 @p1 s2  }
0x6f: {  	s25 =	simm.s32 $0x1;
	p1 =	slt.s32 s26, $0x1  }
.Ltmp4:
0x70: {  	s25 =	simm.s32 @!p0 $0x0;
	(pc) =	sbr.rel @p1 .LBB2_8-.Ltmp4, $4  }
0x71: {  	s31 =	smul.u32 $0x3C0, s25  }
0x72: {  	s28 =	spop (v2sf)  }
0x73: {  	s0 =	sshrl.u32 s31, $0x2;
	s30 =	spop (v2sf)  }
0x74: {  	s23 =	sadd.s32 $0x10518, s0;
	s22 =	spop (v2sf)  }
0x75: {  	s0 =	smin.u32 s26, $0x10  }
0x76: {  	v1 =	vmov s0  }
0x77: {  	p2 =	sgt.s32 s26, $0x10;
	vm1 =	vgt.u32 v1, v0  }
.Ltmp5:
0x78: {  	_ = 	snop;
	(pc) =	sbr.rel @!p2 .LBB2_7-.Ltmp5, $2  }
0x79: {  	_ =	sdelay $0x2  }
0x7a: {  	s4 =	simm.s32 $0x10;
	s24 =	sadd.s32 $0xFFFFFFF0, s26;
	s0 =	smov.u32 s23;
	vm0 =	vmmov vm1  }
.LBB2_6:
0x7b: {  	s2 =	smin.u32 s24, $0x10;
	s4 =	sadd.s32 $0x10, s4;
	v1 =	vld.msk [tilespmem:s0+$0x0 ss:$0x1], vm1  }
0x7c: {  	v2 =	vmov s2;
	p2 =	slt.s32 s4, s26  }
0x7d: {  	vm1 =	vgt.u32 v2, v0  }
.Ltmp6:
0x7e: {  	(pc) =	sbr.rel @p2 .LBB2_6-.Ltmp6, $3  }
0x7f: {  	_ =	sdelay $0x1  }
0x80: {  	v1 =	vshll.u32 v1, $0x4  }
0x81: {  	s24 =	sadd.s32 $0xFFFFFFF0, s24;
	[tilespmem:s0+$0x0] =	vst.msk vm0, v1;
	s0 =	sadd.s32 $0x10, s0;
	vm0 =	vmmov vm1  }
.LBB2_7:
0x82: {  	_ =	sdelay $0x4  }
0x83: {  	v1 =	vld.msk [tilespmem:s0+$0x0 ss:$0x1], vm1;
	_ =	sdelay $0x4  }
0x84: {  	v1 =	vshll.u32 v1, $0x4  }
0x85: {  	[tilespmem:s0+$0x0] =	vst.msk vm0, v1  }
.LBB2_8:
0x86: {  	s0 =	sand.u32 $0x1, s21  }
0x87: {  	s0 =	smul.u32 $0xF0, s0  }
0x88: {  	p2 =	sne.s32 s30, $0xFFFFFFFF  }
0x89: {  	v1 =	vld.msk @!p2 [tilespmem:s0+$0x10518], $0x1;
	_ =	sdelay $0x4  }
0x8a: {  	(v2sf) =	vpush @!p2 v1, $0x0;
	_ =	sdelay $0xc  }
.Ltmp7:
0x8b: {  	_ = 	snop;
	(pc) =	sbr.rel @p1 .LBB2_19-.Ltmp7, $4  }
0x8c: {  	_ = 	snop  }
0x8d: {  	s29 =	spop @!p2 (v2sf)  }
0x8e: {  	s22 =	simm.s32 @!p2 $0x0;
	s24 =	smov.u32 s29  }
0x8f: {  	[sflag:s18] =	ssyncpa.u1 $0x0;
	s29 =	smov.u32 @p2 s28;
	s24 =	smov.u32 @p2 s30  }
0x90: {  	v1 =	vld.msk [tilespmem:s23+$0x0], $0x1;
	_ =	sdelay $0x4  }
0x91: {  	(v2sf) =	vpush v1, $0x0;
	_ =	sdelay $0xe  }
0x92: {  	s2 =	smul.u32 $0x1E000, s25;
	s0 =	spop (v2sf)  }
0x93: {  	s26 =	ssub.s32 $0x0, s26;
	p1 =	seq.s32 s29, s0  }
0x94: {  	s30 =	sadd.s32 $0x1, s26;
	s2 =	sshrl.u32 s2, $0x2;
	p2 =	sgt.s32 @!p1 s29, $0x0  }
0x95: {  	s25 =	sor.u32 $0x10738, s2;
	s2 =	smov.u32 s29;
	p2 =	por !p2, p1  }
0x96: {  	s2 =	simm.s32 @p2 $0x0;
	p2 =	seq.s32 s30, $0x0  }
.Ltmp8:
0x97: {  	_ = 	snop;
	(pc) =	sbr.rel @p2 .LBB2_11-.Ltmp8, $4  }
0x98: {  	_ = 	snop  }
0x99: {  	s28 =	simm.s32 $0x0;
	s31 =	sadd.s32 $0x1, s23;
	s2 =	smin.u32 @!p1 s2, $0x270F0  }
0x9a: {  	s4 =	simm.s32 @!p1 $0x1;
	s5 =	simm.s32 @!p1 $0x7988;
	s3 =	sand.u32 @!p1 $0x3FFF8, s2  }
0x9b: {  	s4 =	smov.u32 @p1 s28;
	s2 =	sand.u32 @!p1 $0x7, s2;
	s3 =	sadd.s32 @!p1 s1, s3  }
.LBB2_10:
0x9c: {  	s9 =	smov.u32 s4  }
0x9d: {  	[tilespmem:s5], [sflag:$0x2] =	stream.linear.gather @!p1 [hbm4b:s3+s2], $0x80, $0x38;
	[tilespmem:$0x1F6F8] =	vst v63  }
0x9e: {  	s30 =	sadd.s32 $0x1, s30;
	s2 =	smov.u32 s0;
	v1 =	vld.msk [tilespmem:s31+$0x0], $0x1  }
0x9f: {  	p2 =	seq.s32 s30, $0x0;
	_ =	sdelay $0x3  }
0xa0: {  	(v2sf) =	vpush v1, $0x0;
	_ =	sdelay $0xe  }
0xa1: {  	s0 =	spop (v2sf)  }
0xa2: {  	p1 =	seq.s32 s2, s0  }
0xa3: {  	p3 =	sgt.s32 @!p1 s2, $0x0;
	s3 =	sshll.u32 @!p1 s4, $0x9;
	s4 =	sadd.s32 @!p1 $0x1, s4  }
.Ltmp9:
0xa4: {  	p3 =	por !p3, p1;
	s3 =	sshra.s32 @!p1 s3, $0x2;
	(pc) =	sbr.rel @!p2 .LBB2_10-.Ltmp9, $4  }
0xa5: {  	s4 =	smov.u32 @p1 s9;
	s2 =	simm.s32 @p3 $0x0;
	s5 =	sadd.s32 @!p1 $0x7988, s3  }
0xa6: {  	s2 =	smin.u32 @!p1 s2, $0x270F0  }
0xa7: {  	s3 =	sand.u32 @!p1 $0x3FFF8, s2;
	s2 =	sand.u32 @!p1 $0x7, s2  }
0xa8: {  	s31 =	sadd.s32 $0x1, s31;
	s3 =	sadd.s32 @!p1 s1, s3  }
.LBB2_11:
0xa9: {  	[tilespmem:s5], [sflag:$0x2] =	stream.linear.gather @!p1 [hbm4b:s3+s2], $0x80, $0x38;
	[tilespmem:$0x1F6F8] =	vst v63  }
.Ltmp10:
0xaa: {  	s0 =	sshll.u32 s4, $0x7;
	(pc) =	sbr.rel .LBB2_12-.Ltmp10, $4  }
0xab: {  	s30 =	simm.s32 $0x2;
	s0 =	sand.u32 $0x3FFFFF80, s0  }
0xac: {  	_ =	swait.ge [sflag:s30], s0  }
0xad: {  	s0 =	ssub.s32 $0x0, s0;
	[sflag:s30] =	ssyncset.done $0x0  }
0xae: {  	s31 =	simm.s32 $0x0;
	[sflag:s30] =	ssyncadd.s32 s0  }
.LBB2_13:
0xaf: {  	v1 =	vld [tilespmem:s25+$0xFFFFFFC0];
	_ =	sdelay $0x3  }
0xb0: {  	s0 =	sshra.s32 s0, $0x2  }
0xb1: {  	[tilespmem:s0+$0x108] =	vst.add.f32.msk $0xffff, v1  }
0xb2: {  	v1 =	vld [tilespmem:s25+$0xFFFFFFD0];
	_ =	sdelay $0x4  }
0xb3: {  	[tilespmem:s0+$0x118] =	vst.add.f32.msk $0xffff, v1  }
0xb4: {  	v1 =	vld [tilespmem:s25+$0xFFFFFFE0];
	_ =	sdelay $0x4  }
0xb5: {  	[tilespmem:s0+$0x128] =	vst.add.f32.msk $0xffff, v1  }
0xb6: {  	v1 =	vld [tilespmem:s25+$0xFFFFFFF0];
	_ =	sdelay $0x4  }
0xb7: {  	[tilespmem:s0+$0x138] =	vst.add.f32.msk $0xffff, v1  }
0xb8: {  	v1 =	vld [tilespmem:s25+$0x0];
	_ =	sdelay $0x4  }
0xb9: {  	[tilespmem:s0+$0x148] =	vst.add.f32.msk $0xffff, v1  }
0xba: {  	v1 =	vld [tilespmem:s25+$0x10];
	_ =	sdelay $0x4  }
0xbb: {  	[tilespmem:s0+$0x158] =	vst.add.f32.msk $0xffff, v1  }
0xbc: {  	v1 =	vld [tilespmem:s25+$0x20];
	_ =	sdelay $0x4  }
0xbd: {  	[tilespmem:s0+$0x168] =	vst.add.f32.msk $0xffff, v1  }
0xbe: {  	v1 =	vld [tilespmem:s25+$0x30];
	_ =	sdelay $0x4  }
0xbf: {  	[tilespmem:s0+$0x178] =	vst.add.f32.msk $0xffff, v1  }
.LBB2_17:
0xc0: {  	s26 =	sadd.s32 $0x1, s26  }
0xc1: {  	p1 =	seq.s32 s26, $0x0  }
.Ltmp11:
0xc2: {  	_ = 	snop;
	(pc) =	sbr.rel @p1 .LBB2_18-.Ltmp11, $2  }
0xc3: {  	_ =	sdelay $0x2  }
0xc4: {  	s23 =	sadd.s32 $0x1, s23;
	s25 =	sadd.s32 $0x80, s25;
	s29 =	smov.u32 s30  }
.LBB2_12:
0xc5: {  	v1 =	vld.msk [tilespmem:s23+$0x0], $0x1;
	_ =	sdelay $0x4  }
0xc6: {  	(v2sf) =	vpush v1, $0x0;
	_ =	sdelay $0xe  }
0xc7: {  	s30 =	spop (v2sf)  }
0xc8: {  	p1 =	sne.s32 s29, s30  }
.Ltmp12:
0xc9: {  	_ = 	snop;
	(pc) =	sbr.rel @!p1 .LBB2_13-.Ltmp12, $2  }
0xca: {  	_ =	sdelay $0x2  }
0xcb: {  	s0 =	sshll.u32 s22, $0x9  }
0xcc: {  	p1 =	seq.s32 s29, s24  }
.Ltmp13:
0xcd: {  	_ = 	snop;
	(pc) =	sbr.rel @!p1 .LBB2_15-.Ltmp13, $1  }
0xce: {  	_ =	sdelay $0x3  }
0xcf: {  	s0 =	sshra.s32 s0, $0x2  }
.Ltmp14:
0xd0: {  	s0 =	sadd.s32 $0x108, s0;
	(pc) =	sbr.rel .LBB2_16-.Ltmp14, $4  }
0xd1: {  	[spmem:s16] =	stream.linear.scatter [tilespmem:s0], [sflag:$0x1], $0x80, $0x38;
	[tilespmem:$0x1F6F8] =	vst v63  }
0xd2: {  	_ =	swait.ge [sflag:s12], $0x80  }
0xd3: {  	[sflag:s12] =	ssyncset.done $0x0  }
0xd4: {  	[sflag:s12] =	ssyncadd.s32 $0xFFFFFF80  }
.LBB2_15:
0xd5: {  	s2 =	sshll.u32 s28, $0x9  }
0xd6: {  	s2 =	sshra.s32 s2, $0x2  }
0xd7: {  	v1 =	vld [tilespmem:s2+$0x7988];
	_ =	sdelay $0x3  }
0xd8: {  	s0 =	sshra.s32 s0, $0x2  }
0xd9: {  	[tilespmem:s0+$0x108] =	vst.add.f32.msk $0xffff, v1  }
0xda: {  	v1 =	vld [tilespmem:s2+$0x7998];
	_ =	sdelay $0x4  }
0xdb: {  	[tilespmem:s0+$0x118] =	vst.add.f32.msk $0xffff, v1  }
0xdc: {  	v1 =	vld [tilespmem:s2+$0x79A8];
	_ =	sdelay $0x4  }
0xdd: {  	[tilespmem:s0+$0x128] =	vst.add.f32.msk $0xffff, v1  }
0xde: {  	v1 =	vld [tilespmem:s2+$0x79B8];
	_ =	sdelay $0x4  }
0xdf: {  	[tilespmem:s0+$0x138] =	vst.add.f32.msk $0xffff, v1  }
0xe0: {  	v1 =	vld [tilespmem:s2+$0x79C8];
	_ =	sdelay $0x4  }
0xe1: {  	[tilespmem:s0+$0x148] =	vst.add.f32.msk $0xffff, v1  }
0xe2: {  	v1 =	vld [tilespmem:s2+$0x79D8];
	_ =	sdelay $0x4  }
0xe3: {  	[tilespmem:s0+$0x158] =	vst.add.f32.msk $0xffff, v1  }
0xe4: {  	v1 =	vld [tilespmem:s2+$0x79E8];
	_ =	sdelay $0x4  }
0xe5: {  	[tilespmem:s0+$0x168] =	vst.add.f32.msk $0xffff, v1  }
0xe6: {  	v1 =	vld [tilespmem:s2+$0x79F8];
	_ =	sdelay $0x2  }
0xe7: {  	p1 =	sgt.u32 s29, $0x270F0  }
0xe8: {  	s2 =	sand.u32 @!p1 $0x3FFF8, s29  }
0xe9: {  	s3 =	sadd.s32 $0x108, s0;
	[tilespmem:s0+$0x178] =	vst.add.f32.msk $0xffff, v1;
	s0 =	sadd.s32 @!p1 s1, s2;
	s2 =	sand.u32 @!p1 $0x7, s29  }
0xea: {  	[hbm4b:s0+s2] =	stream.linear.scatter @!p1 [tilespmem:s3], [sflag:$0xC], $0x80, $0x38;
	[tilespmem:$0x1F6F8] =	vst v63  }
0xeb: {  	s0 =	simm.s32 $0x0  }
0xec: {  	s0 =	simm.s32 @!p1 $0x200  }
0xed: {  	s31 =	sadd.s32 s0, s31  }
.LBB2_16:
0xee: {  	s0 =	sadd.s32 $0x1, s22  }
0xef: {  	s2 =	smulhi.u32 $0x88888889, s0;
	_ =	sdelay $0x1  }
0xf0: {  	v1 =	vld [tilespmem:s25+$0xFFFFFFC0];
	s2 =	sshrl.u32 s2, $0x7  }
0xf1: {  	s2 =	smul.u32 $0xF0, s2;
	_ =	sdelay $0x1  }
0xf2: {  	s22 =	ssub.s32 s0, s2  }
0xf3: {  	s0 =	sshll.u32 s22, $0x7  }
0xf4: {  	[tilespmem:s0+$0x108] =	vst v1  }
0xf5: {  	v1 =	vld [tilespmem:s25+$0xFFFFFFD0];
	_ =	sdelay $0x4  }
0xf6: {  	[tilespmem:s0+$0x118] =	vst v1  }
0xf7: {  	v1 =	vld [tilespmem:s25+$0xFFFFFFE0];
	_ =	sdelay $0x4  }
0xf8: {  	[tilespmem:s0+$0x128] =	vst v1  }
0xf9: {  	v1 =	vld [tilespmem:s25+$0xFFFFFFF0];
	_ =	sdelay $0x4  }
0xfa: {  	[tilespmem:s0+$0x138] =	vst v1  }
0xfb: {  	v1 =	vld [tilespmem:s25+$0x0];
	_ =	sdelay $0x4  }
0xfc: {  	[tilespmem:s0+$0x148] =	vst v1  }
0xfd: {  	v1 =	vld [tilespmem:s25+$0x10];
	_ =	sdelay $0x4  }
0xfe: {  	[tilespmem:s0+$0x158] =	vst v1  }
0xff: {  	v1 =	vld [tilespmem:s25+$0x20];
	_ =	sdelay $0x4  }
0x100: {  	[tilespmem:s0+$0x168] =	vst v1  }
0x101: {  	v1 =	vld [tilespmem:s25+$0x30]  }
.Ltmp15:
0x102: {  	_ = 	snop;
	(pc) =	sbr.rel .LBB2_17-.Ltmp15, $2  }
0x103: {  	_ =	sdelay $0x2  }
0x104: {  	s28 =	sadd.s32 $0x1, s28;
	[tilespmem:s0+$0x178] =	vst v1  }
.LBB2_19:
.Ltmp16:
0x105: {  	(pc) =	sbr.rel .LBB2_20-.Ltmp16, $4  }
0x106: {  	_ = 	snop  }
0x107: {  	s0 =	simm.s32 $0x2  }
0x108: {  	_ =	swait.ge [sflag:s0], $0x0  }
0x109: {  	s30 =	smov.u32 s29;
	[sflag:s0] =	ssyncset.done $0x0;
	s0 =	simm.s32 $0x0  }
.LBB2_22:
0x10a: {  	_ =	sfence.sel $0x180000  }
0x10b: {  	s0 =	simm.s32 $0x9;
	[bflag:$0x0] =	sbarrier.arrive $0xFFFF  }
0x10c: {  	s24 =	simm.s32 $0xA;
	[sflag:s0] =	ssyncpa.u1 $0x1  }
0x10d: {  	s25 =	simm.s32 $0xB;
	[sflag:s24] =	ssyncpa.u1 $0x1  }
0x10e: {  	s26 =	simm.s32 $0x2;
	[sflag:s25] =	ssyncpa.u1 $0x1  }
0x10f: {  	[sflag:s26] =	ssyncpa.u1 $0x1  }
0x110: {  	v0 =	vld [tilespmem:$0xF208];
	_ =	sdelay $0x4  }
0x111: {  	(v2sf) =	vpush v0, $0x0  }
0x112: {  	(v2sf) =	vpush v0, $0x1;
	_ =	sdelay $0x1  }
0x113: {  	(v2sf) =	vpush v0, $0x2;
	_ =	sdelay $0xb  }
0x114: {  	s0 =	spop (v2sf)  }
0x115: {  	s2 =	spop (v2sf)  }
0x116: {  	s3 =	smov.u32 s0;
	p0 =	sne.s32 s0, s2  }
0x117: {  	s4 =	spop (v2sf);
	s3 =	simm.s32 @!p0 $0xFFFFFFFF  }
0x118: {  	v2 =	vimm.s32 $0x1;
	v3 =	vlaneseq.u32;
	p0 =	seq.s32 s4, $0xFFFFFFFF;
	v1 =	vmov s3  }
0x119: {  	s16 =	stileid.u32;
	v0 =	vperm.xlane v0, v2;
	p1 =	sne.s32 @!p0 s0, s2;
	v1 =	vperm.xlane v1, v3  }
0x11a: {  	vm0 =	vcmask $0x3F04;
	s6 =	simm.s32 $0xF208;
	s0 =	simm.s32 @!p0 $0x1;
	p1 =	por !p1, p0  }
0x11b: {  	s3 =	sshll.u32 s16, $0x1;
	s2 =	sshll.u32 @!p0 s4, $0x9;
	s0 =	simm.s32 @p1 $0x0;
	v0 =	vsel vm0, v1, v0  }
0x11c: {  	s5 =	sor.u32 $0x1000, s3;
	s2 =	sshra.s32 @!p0 s2, $0x2;
	s0 =	sor.u32 @!p0 s0, s3;
	[tilespmem:$0xF208] =	vst v0  }
0x11d: {  	[spmem:s5] =	stream.linear.scatter [tilespmem:s6], [sflag:$0x1], $0x2, $0x38;
	[tilespmem:$0x1F6F8] =	vst v63  }
0x11e: {  	s2 =	sadd.s32 @!p0 $0x108, s2;
	s0 =	sshll.u32 @!p0 s0, $0x7  }
0x11f: {  	[spmem:s0] =	stream.linear.scatter @!p0 [tilespmem:s2], [sflag:$0x1], $0x80, $0x38;
	[tilespmem:$0x1F6F8] =	vst v63  }
0x120: {  	s0 =	simm.s32 @!p0 $0x82  }
0x121: {  	s28 =	simm.s32 $0x1;
	s0 =	simm.s32 @p0 $0x2  }
0x122: {  	_ =	swait.ge [sflag:s28], s0  }
0x123: {  	s0 =	ssub.s32 $0x0, s0;
	[sflag:s28] =	ssyncset.done $0x0  }
0x124: {  	p0 =	sne.s32 s16, $0x0;
	[sflag:s28] =	ssyncadd.s32 s0  }
.Ltmp17:
0x125: {  	_ =	sfence.stream.spmem;
	(pc) =	sbr.rel @p0 .LBB2_39-.Ltmp17, $4  }
0x126: {  	s29 =	simm.s32 $0x3;
	[bflag:$0x0] =	sbarrier.arrive $0xFFFF  }
0x127: {  	s30 =	simm.s32 $0x4;
	[sflag:s29] =	ssyncpa.u1 $0x1  }
0x128: {  	s31 =	simm.s32 $0x3C;
	[sflag:s30] =	ssyncpa.u1 $0x1  }
0x129: {  	s15 =	rddreg [dreg:$0x5];
	[sflag:s31] =	ssyncpa.u1 $0x1  }
0x12a: {  	_ =	sfence.stream.spmem;
	s0 =	simm.s32 $0x5  }
0x12b: {  	s2 =	simm.s32 $0x1000;
	s3 =	simm.s32 $0xF218;
	[sflag:s0] =	ssyncpa.u1 $0x0  }
0x12c: {  	[tilespmem:s3], [sflag:$0x5] =	stream.linear.gather [spmem:s2], $0x20, $0x38;
	[tilespmem:$0x1F6F8] =	vst v63  }
0x12d: {  	s26 =	simm.s32 $0x0;
	s28 =	simm.s32 $0xF238  }
0x12e: {  	[tilespmem:s28], [sflag:$0x5] =	stream.linear.gather [spmem:s26], $0x1000, $0x38;
	[tilespmem:$0x1F6F8] =	vst v63  }
0x12f: {  	_ =	swait.ge [sflag:s0], $0x1020  }
0x130: {  	[sflag:s0] =	ssyncset.done $0x0  }
0x131: {  	s29 =	simm.s32 $0x0;
	[sflag:s0] =	ssyncadd.s32 $0xFFFFEFE0  }
0x132: {  	v0 =	vld.msk [tilespmem:s29+$0xF218], $0x1;
	_ =	sdelay $0x1  }
0x133: {  	s30 =	simm.s32 $0x1  }
0x134: {  	v1 =	vld.msk [tilespmem:s30+$0xF218], $0x1;
	_ =	sdelay $0x1  }
0x135: {  	(v2sf) =	vpush v0, $0x0;
	_ =	sdelay $0x2  }
0x136: {  	(v2sf) =	vpush v1, $0x0;
	_ =	sdelay $0x2  }
0x137: {  	s31 =	simm.s32 $0x2  }
0x138: {  	v0 =	vld.msk [tilespmem:s31+$0xF218], $0x1;
	_ =	sdelay $0x2  }
0x139: {  	s4 =	simm.s32 $0xFFFFFFFF;
	s5 =	simm.s32 $0xFFFFFFFF;
	s0 =	simm.s32 $0xC  }
.LBB2_24:
0x13a: {  	s2 =	smov.u32 s5;
	s3 =	smov.u32 s4  }
0x13b: {  	s4 =	sshra.s32 s0, $0x2;
	p1 =	sne.s32 s0, $0x7C;
	s0 =	sadd.s32 $0x4, s0;
	(v2sf) =	vpush v0, $0x0  }
0x13c: {  	v0 =	vld.msk [tilespmem:s4+$0xF218], $0x1  }
.Ltmp18:
0x13d: {  	(pc) =	sbr.rel @p1 .LBB2_24-.Ltmp18, $4  }
0x13e: {  	s5 =	spop (v2sf)  }
0x13f: {  	p2 =	sne.s32 s3, $0xFFFFFFFF;
	s4 =	smov.u32 s5  }
0x140: {  	p3 =	seq.s32 s5, $0xFFFFFFFF;
	s4 =	smov.u32 @p2 s3  }
0x141: {  	s5 =	smov.u32 @p3 s2;
	s4 =	smov.u32 @p3 s3  }
0x142: {  	(v2sf) =	vpush v0, $0x0;
	_ =	sdelay $0x8  }
0x143: {  	s0 =	spop (v2sf)  }
0x144: {  	p1 =	sne.s32 s4, $0xFFFFFFFF;
	s2 =	smov.u32 s0  }
0x145: {  	s9 =	simm.s32 $0x6;
	p2 =	seq.s32 s0, $0xFFFFFFFF;
	s2 =	smov.u32 @p1 s4  }
0x146: {  	s6 =	simm.s32 $0x0;
	s2 =	smov.u32 @p2 s4;
	s3 =	spop (v2sf)  }
0x147: {  	s0 =	smov.u32 @p2 s5;
	p1 =	sne.s32 s2, $0xFFFFFFFF;
	s4 =	smov.u32 s3  }
.Ltmp19:
0x148: {  	p2 =	seq.s32 s3, $0xFFFFFFFF;
	s4 =	smov.u32 @p1 s2;
	(pc) =	sbr.rel .LBB2_26-.Ltmp19, $4  }
0x149: {  	s10 =	simm.s32 $0xF188;
	s4 =	smov.u32 @p2 s2;
	s7 =	spop (v2sf)  }
0x14a: {  	s11 =	simm.s32 $0x0;
	p1 =	sne.s32 s4, $0xFFFFFFFF;
	s8 =	smov.u32 s7  }
0x14b: {  	s3 =	smov.u32 @p2 s0;
	p2 =	seq.s32 s7, $0xFFFFFFFF;
	s8 =	smov.u32 @p1 s4  }
0x14c: {  	[sflag:s9] =	ssyncpa.u1 $0x0;
	s7 =	smov.u32 @p2 s3;
	s8 =	smov.u32 @p2 s4  }
.LBB2_32:
0x14d: {  	p1 =	sgt.u32 s12, $0x270F0  }
0x14e: {  	p2 =	seq.s32 @!p1 s12, s8  }
0x14f: {  	p1 =	por p1, p2  }
0x150: {  	p2 =	sne.s32 @!p1 s12, s7  }
0x151: {  	p1 =	por p1, !p2  }
0x152: {  	s0 =	sshll.u32 @p1 s11, $0x9  }
0x153: {  	s0 =	sand.u32 @!p1 $0x3FFF8, s12  }
0x154: {  	s2 =	sand.u32 @!p1 $0x7, s12;
	s0 =	sadd.s32 @!p1 s1, s0  }
0x155: {  	[tilespmem:s10], [sflag:$0x6] =	stream.linear.gather @!p1 [hbm4b:s0+s2], $0x80, $0x38;
	[tilespmem:$0x1F6F8] =	vst v63  }
0x156: {  	_ =	swait.ge @!p1 [sflag:s9], $0x80  }
0x157: {  	[sflag:s9] =	ssyncset.done @!p1 $0x0  }
0x158: {  	[sflag:s9] =	ssyncadd.s32 @!p1 $0xFFFFFF80  }
0x159: {  	v1 =	vld @!p1 [tilespmem:$0xF188];
	_ =	sdelay $0x2  }
0x15a: {  	s0 =	sshll.u32 @!p1 s11, $0x9  }
0x15b: {  	s2 =	sshrl.u32 @!p1 s0, $0x2  }
0x15c: {  	[tilespmem:s2+$0xF238] =	vst.add.f32.msk @!p1 $0xffff, v1  }
0x15d: {  	v1 =	vld @!p1 [tilespmem:$0xF198];
	_ =	sdelay $0x4  }
0x15e: {  	[tilespmem:s2+$0xF248] =	vst.add.f32.msk @!p1 $0xffff, v1  }
0x15f: {  	v1 =	vld @!p1 [tilespmem:$0xF1A8];
	_ =	sdelay $0x4  }
0x160: {  	[tilespmem:s2+$0xF258] =	vst.add.f32.msk @!p1 $0xffff, v1  }
0x161: {  	v1 =	vld @!p1 [tilespmem:$0xF1B8];
	_ =	sdelay $0x4  }
0x162: {  	[tilespmem:s2+$0xF268] =	vst.add.f32.msk @!p1 $0xffff, v1  }
0x163: {  	v1 =	vld @!p1 [tilespmem:$0xF1C8];
	_ =	sdelay $0x4  }
0x164: {  	[tilespmem:s2+$0xF278] =	vst.add.f32.msk @!p1 $0xffff, v1  }
0x165: {  	v1 =	vld @!p1 [tilespmem:$0xF1D8];
	_ =	sdelay $0x4  }
0x166: {  	[tilespmem:s2+$0xF288] =	vst.add.f32.msk @!p1 $0xffff, v1  }
0x167: {  	v1 =	vld @!p1 [tilespmem:$0xF1E8];
	_ =	sdelay $0x4  }
0x168: {  	[tilespmem:s2+$0xF298] =	vst.add.f32.msk @!p1 $0xffff, v1  }
0x169: {  	v1 =	vld @!p1 [tilespmem:$0xF1F8];
	_ =	sdelay $0x4  }
0x16a: {  	[tilespmem:s2+$0xF2A8] =	vst.add.f32.msk @!p1 $0xffff, v1  }
0x16b: {  	s0 =	sshrl.u32 s0, $0x2;
	[tilespmem:s6+$0xF218] =	vst.msk $0x1, v0  }
0x16c: {  	v0 =	vld [tilespmem:s0+$0xF238];
	_ =	sdelay $0x2  }
0x16d: {  	s31 =	sshll.u32 s6, $0x9  }
0x16e: {  	s2 =	sshra.s32 s31, $0x2  }
0x16f: {  	[tilespmem:s2+$0xF238] =	vst v0  }
0x170: {  	v0 =	vld [tilespmem:s0+$0xF248];
	_ =	sdelay $0x4  }
0x171: {  	[tilespmem:s2+$0xF248] =	vst v0  }
0x172: {  	v0 =	vld [tilespmem:s0+$0xF258];
	_ =	sdelay $0x4  }
0x173: {  	[tilespmem:s2+$0xF258] =	vst v0  }
0x174: {  	v0 =	vld [tilespmem:s0+$0xF268];
	_ =	sdelay $0x4  }
0x175: {  	[tilespmem:s2+$0xF268] =	vst v0  }
0x176: {  	v0 =	vld [tilespmem:s0+$0xF278];
	_ =	sdelay $0x4  }
0x177: {  	[tilespmem:s2+$0xF278] =	vst v0  }
0x178: {  	v0 =	vld [tilespmem:s0+$0xF288];
	_ =	sdelay $0x4  }
0x179: {  	[tilespmem:s2+$0xF288] =	vst v0  }
0x17a: {  	v0 =	vld [tilespmem:s0+$0xF298];
	_ =	sdelay $0x4  }
0x17b: {  	[tilespmem:s2+$0xF298] =	vst v0  }
0x17c: {  	v0 =	vld [tilespmem:s0+$0xF2A8];
	_ =	sdelay $0x4  }
0x17d: {  	s6 =	sadd.s32 $0x1, s6;
	[tilespmem:s2+$0xF2A8] =	vst v0  }
.LBB2_33:
0x17e: {  	s11 =	sadd.s32 $0x1, s11  }
0x17f: {  	p1 =	sne.s32 s11, $0x20  }
.Ltmp20:
0x180: {  	_ = 	snop;
	(pc) =	sbr.rel @!p1 .LBB2_34-.Ltmp20, $1  }
0x181: {  	_ =	sdelay $0x3  }
.LBB2_26:
0x182: {  	v0 =	vld.msk [tilespmem:s11+$0xF218], $0x1;
	_ =	sdelay $0x4  }
0x183: {  	(v2sf) =	vpush v0, $0x0;
	_ =	sdelay $0xe  }
0x184: {  	s12 =	spop (v2sf)  }
0x185: {  	p1 =	seq.s32 s12, $0xFFFFFFFF  }
.Ltmp21:
0x186: {  	_ = 	snop;
	(pc) =	sbr.rel @p1 .LBB2_33-.Ltmp21, $1  }
0x187: {  	_ =	sdelay $0x3  }
0x188: {  	p1 =	slt.s32 s6, $0x1  }
.Ltmp22:
0x189: {  	_ = 	snop;
	(pc) =	sbr.rel @p1 .LBB2_32-.Ltmp22, $1  }
0x18a: {  	_ =	sdelay $0x3  }
0x18b: {  	s13 =	simm.s32 $0xF218;
	p1 =	por $0x0, $0x0  }
0x18c: {  	v1 =	vld.msk @!p1 [tilespmem:s13+$0x0], $0x1;
	_ =	sdelay $0x4  }
0x18d: {  	(v2sf) =	vpush @!p1 v1, $0x0;
	_ =	sdelay $0xd  }
0x18e: {  	p3 =	sne.s32 s6, $0x1  }
.Ltmp23:
0x18f: {  	s0 =	spop @!p1 (v2sf);
	(pc) =	sbr.rel @!p3 .LBB2_30-.Ltmp23, $4  }
0x190: {  	p2 =	seq.s32 @!p1 s12, s0  }
0x191: {  	s14 =	simm.s32 $0x0;
	p2 =	por !p2, p1  }
0x192: {  	s2 =	simm.s32 $0xFFFFFFFF;
	s14 =	simm.s32 @p2 $0xFFFFFFFF  }
0x193: {  	s0 =	simm.s32 $0x1;
	s14 =	smov.u32 @p1 s2  }
.LBB2_29:
0x194: {  	s2 =	smov.u32 s14;
	p1 =	sne.s32 s14, $0xFFFFFFFF  }
0x195: {  	s13 =	sadd.s32 $0x1, s13;
	s14 =	smov.u32 s0;
	s0 =	sadd.s32 $0x1, s0  }
0x196: {  	p2 =	sne.s32 s6, s0;
	v1 =	vld.msk @!p1 [tilespmem:s13+$0x0], $0x1;
	_ =	sdelay $0x4  }
0x197: {  	(v2sf) =	vpush @!p1 v1, $0x0;
	_ =	sdelay $0xe  }
.Ltmp24:
0x198: {  	s3 =	spop @!p1 (v2sf);
	(pc) =	sbr.rel @p2 .LBB2_29-.Ltmp24, $4  }
0x199: {  	p3 =	seq.s32 @!p1 s12, s3  }
0x19a: {  	p3 =	por !p3, p1  }
0x19b: {  	s14 =	simm.s32 @p3 $0xFFFFFFFF  }
0x19c: {  	s14 =	smov.u32 @p1 s2  }
.LBB2_30:
0x19d: {  	p1 =	seq.s32 s14, $0xFFFFFFFF  }
.Ltmp25:
0x19e: {  	_ = 	snop;
	(pc) =	sbr.rel @p1 .LBB2_32-.Ltmp25, $1  }
0x19f: {  	_ =	sdelay $0x3  }
0x1a0: {  	s0 =	sshll.u32 s11, $0x7  }
0x1a1: {  	s0 =	sand.u32 $0x3FFFFF80, s0  }
0x1a2: {  	v0 =	vld [tilespmem:s0+$0xF238];
	_ =	sdelay $0x2  }
0x1a3: {  	s2 =	sshll.u32 s14, $0x9  }
0x1a4: {  	s2 =	sshra.s32 s2, $0x2  }
0x1a5: {  	[tilespmem:s2+$0xF238] =	vst.add.f32.msk $0xffff, v0  }
0x1a6: {  	v0 =	vld [tilespmem:s0+$0xF248];
	_ =	sdelay $0x4  }
0x1a7: {  	[tilespmem:s2+$0xF248] =	vst.add.f32.msk $0xffff, v0  }
0x1a8: {  	v0 =	vld [tilespmem:s0+$0xF258];
	_ =	sdelay $0x4  }
0x1a9: {  	[tilespmem:s2+$0xF258] =	vst.add.f32.msk $0xffff, v0  }
0x1aa: {  	v0 =	vld [tilespmem:s0+$0xF268];
	_ =	sdelay $0x4  }
0x1ab: {  	[tilespmem:s2+$0xF268] =	vst.add.f32.msk $0xffff, v0  }
0x1ac: {  	v0 =	vld [tilespmem:s0+$0xF278];
	_ =	sdelay $0x4  }
0x1ad: {  	[tilespmem:s2+$0xF278] =	vst.add.f32.msk $0xffff, v0  }
0x1ae: {  	v0 =	vld [tilespmem:s0+$0xF288];
	_ =	sdelay $0x4  }
0x1af: {  	[tilespmem:s2+$0xF288] =	vst.add.f32.msk $0xffff, v0  }
0x1b0: {  	v0 =	vld [tilespmem:s0+$0xF298];
	_ =	sdelay $0x4  }
0x1b1: {  	[tilespmem:s2+$0xF298] =	vst.add.f32.msk $0xffff, v0  }
0x1b2: {  	v0 =	vld [tilespmem:s0+$0xF2A8]  }
.Ltmp26:
0x1b3: {  	_ = 	snop;
	(pc) =	sbr.rel .LBB2_33-.Ltmp26, $2  }
0x1b4: {  	_ =	sdelay $0x2  }
0x1b5: {  	[tilespmem:s2+$0xF2A8] =	vst.add.f32.msk $0xffff, v0  }
.LBB2_34:
0x1b6: {  	s0 =	simm.s32 $0x6;
	p1 =	seq.s32 s6, $0x0  }
0x1b7: {  	[sflag:s0] =	ssyncpa.u1 $0x1;
	v0 =	vimm.s32 @p1 $0xFFFFFFFF  }
0x1b8: {  	s9 =	sadd.s32 $0xFFFFFFFF, s6;
	[tilespmem:$0x10238] =	vst @p1 v0  }
0x1b9: {  	v0 =	vld.msk @!p1 [tilespmem:s9+$0xF218], $0x1;
	_ =	sdelay $0x1  }
0x1ba: {  	v1 =	vld.msk @!p1 [tilespmem:$0xF218], $0x1;
	_ =	sdelay $0x2  }
0x1bb: {  	p2 =	seq.s32 @!p1 s9, $0x0;
	v0 =	vbroadcast @!p1 v0, $0x0  }
0x1bc: {  	vm0 =	vmmov @!p1 $0x1;
	p2 =	por !p2, p1  }
0x1bd: {  	v1 =	vnsel @!p1 vm0, $0xFFFFFFFF, v1;
	vm0 =	vcmask @!p1 $0x308;
	v0 =	vpsel !p2, $0xFFFFFFFF, v0  }
0x1be: {  	p2 =	sne.s32 @!p1 s8, s7;
	v0 =	vsel @!p1 vm0, v1, v0  }
0x1bf: {  	s0 =	simm.s32 @!p1 $0xF238;
	s2 =	simm.s32 @!p1 $0x0;
	p3 =	por !p2, p1;
	[tilespmem:$0x10238] =	vst @!p1 v0  }
0x1c0: {  	[spmem:s2] =	stream.linear.scatter @!p1 [tilespmem:s0], [sflag:$0x1], $0x80, $0x38;
	[tilespmem:$0x1F6F8] =	vst v63  }
0x1c1: {  	s0 =	sshll.u32 @!p3 s9, $0x9  }
0x1c2: {  	s0 =	sshra.s32 @!p3 s0, $0x2  }
0x1c3: {  	s2 =	simm.s32 @!p3 $0x80;
	s0 =	sadd.s32 @!p3 $0xF238, s0  }
0x1c4: {  	[spmem:s2] =	stream.linear.scatter @!p3 [tilespmem:s0], [sflag:$0x1], $0x80, $0x38;
	[tilespmem:$0x1F6F8] =	vst v63  }
0x1c5: {  	s0 =	simm.s32 @!p3 $0x1  }
0x1c6: {  	_ =	swait.ge @!p3 [sflag:s0], $0x100  }
0x1c7: {  	p1 =	por p2, p1;
	[sflag:s0] =	ssyncset.done @!p3 $0x0  }
0x1c8: {  	[sflag:s0] =	ssyncadd.s32 @!p3 $0xFFFFFF00;
	s0 =	simm.s32 @!p1 $0x1  }
0x1c9: {  	_ =	swait.ge @!p1 [sflag:s0], $0x80  }
0x1ca: {  	s29 =	simm.s32 $0x10238;
	[sflag:s0] =	ssyncset.done @!p1 $0x0  }
0x1cb: {  	s30 =	simm.s32 $0x1000;
	s31 =	simm.s32 $0x1;
	[sflag:s0] =	ssyncadd.s32 @!p1 $0xFFFFFF80  }
0x1cc: {  	[spmem:s30] =	stream.linear.scatter [tilespmem:s29], [sflag:$0x1], $0x10, $0x38;
	[tilespmem:$0x1F6F8] =	vst v63  }
0x1cd: {  	_ =	swait.ge [sflag:s31], $0x10  }
0x1ce: {  	[sflag:s31] =	ssyncset.done $0x0  }
0x1cf: {  	p1 =	seq.s32 s15, $0x0;
	s8 =	rddreg [dreg:$0x2];
	[sflag:s31] =	ssyncadd.s32 $0xFFFFFFF0  }
0x1d0: {  	s2 =	sshll.u32 @p1 s8, $0xE;
	s7 =	rddreg [dreg:$0x3]  }
0x1d1: {  	s0 =	sadd.s32 @p1 $0x15C3C, s2;
	s2 =	sshll.u32 @p1 s7, $0x11  }
0x1d2: {  	_ =	sfence.stream.spmem;
	s0 =	sor.u32 @p1 s2, s0  }
0x1d3: {  	[sflag:s0] =	ssyncadd.remote.s32 @p1 $0x1;
	s0 =	simm.s32 @p1 $0x4  }
0x1d4: {  	s3 =	simm.s32 @!p1 $0x3C;
	s2 =	sand.u32 $0xFFFFFFFE, s8;
	_ =	swait.ge @p1 [sflag:s0], $0x22  }
0x1d5: {  	s4 =	simm.s32 @!p1 $0x0;
	s2 =	sadd.s32 @!p1 $0x4, s2;
	[sflag:s0] =	ssyncset.done @p1 $0x0  }
0x1d6: {  	s5 =	simm.s32 @!p1 $0x100;
	[sflag:s0] =	ssyncadd.s32 @p1 $0xFFFFFFDE;
	s0 =	sshll.u32 @!p1 s2, $0x1A  }
0x1d7: {  	s2 =	sshll.u32 @!p1 s2, $0xD;
	s0 =	sor.u32 @!p1 s0, s7;
	_ =	swait.eq @!p1 [sflag:s3], $0x1  }
0x1d8: {  	s2 =	sor.u32 @!p1 $0x1C04, s2;
	s3 =	simm.s32 @!p1 $0x1C03;
	s0 =	sor.u32 @!p1 $0x80004000, s0  }
0x1d9: {  	[spmem:s5], [sflag:s2] =	dma.general @!p1 [spmem:s4], [sflag:s3], length:$0x20, [dreg:$0x0], stride_count:$0x0, ici_dest:s0, dma_misc:DstOpCode:WRITE  }
0x1da: {  	p2 =	slt.s32 s9, $0x2;
	s4 =	simm.s32 @!p1 $0x200;
	s5 =	simm.s32 @!p1 $0x202  }
0x1db: {  	[spmem:s5], [sflag:s2] =	dma.general @!p1 [spmem:s4], [sflag:s3], length:$0x2, [dreg:$0x0], stride_count:$0x0, ici_dest:s0, dma_misc:DstOpCode:WRITE  }
.Ltmp27:
0x1dc: {  	s0 =	simm.s32 @!p1 $0x3;
	(pc) =	sbr.rel @p2 .LBB2_38-.Ltmp27, $4  }
0x1dd: {  	s2 =	sshll.u32 @!p1 s8, $0xE;
	_ =	swait.ge @!p1 [sflag:s0], $0x22  }
0x1de: {  	s3 =	sshll.u32 @!p1 s7, $0x11;
	s2 =	sadd.s32 @!p1 $0x11C3C, s2;
	[sflag:s0] =	ssyncset.done @!p1 $0x0  }
0x1df: {  	[sflag:s0] =	ssyncadd.s32 @!p1 $0xFFFFFFDE;
	s0 =	sor.u32 @!p1 s3, s2  }
0x1e0: {  	[sflag:s0] =	ssyncadd.remote.s32 @!p1 $0xFFFFFFFF;
	s0 =	simm.s32 $0x0  }
0x1e1: {  	s0 =	simm.s32 $0xF219  }
0x1e2: {  	v0 =	vld.msk [tilespmem:s0+$0x0], $0x1;
	_ =	sdelay $0x4  }
0x1e3: {  	(v2sf) =	vpush v0, $0x0;
	_ =	sdelay $0xb  }
0x1e4: {  	s31 =	sadd.s32 $0xFFFFFFFE, s6  }
0x1e5: {  	s0 =	sadd.s32 $0xFFFFFFFF, s31  }
0x1e6: {  	p2 =	sne.s32 s0, $0x0  }
.Ltmp28:
0x1e7: {  	s2 =	spop (v2sf);
	(pc) =	sbr.rel @!p2 .LBB2_37-.Ltmp28, $4  }
0x1e8: {  	s4 =	simm.s32 $0xF2B8;
	s7 =	simm.s32 $0x0;
	p1 =	sgt.u32 s2, $0x270F0  }
0x1e9: {  	s5 =	simm.s32 $0x0;
	s6 =	simm.s32 $0xF21A;
	s3 =	sand.u32 @!p1 $0x3FFF8, s2  }
0x1ea: {  	s2 =	sand.u32 @!p1 $0x7, s2;
	s7 =	simm.s32 @!p1 $0x200;
	s3 =	sadd.s32 @!p1 s1, s3  }
0x1eb: {  	[hbm4b:s3+s2] =	stream.linear.scatter @!p1 [tilespmem:s4], [sflag:$0x5], $0x80, $0x38;
	[tilespmem:$0x1F6F8] =	vst v63  }
.LBB2_36:
0x1ec: {  	v0 =	vld.msk [tilespmem:s6+$0x0], $0x1;
	s0 =	sadd.s32 $0xFFFFFFFF, s0;
	s5 =	sadd.s32 s5, s7  }
0x1ed: {  	p1 =	sne.s32 s0, $0x0;
	_ =	sdelay $0x3  }
0x1ee: {  	(v2sf) =	vpush v0, $0x0;
	_ =	sdelay $0xe  }
.Ltmp29:
0x1ef: {  	s2 =	spop (v2sf);
	(pc) =	sbr.rel @p1 .LBB2_36-.Ltmp29, $4  }
0x1f0: {  	s7 =	simm.s32 $0x0;
	p2 =	sgt.u32 s2, $0x270F0  }
0x1f1: {  	s4 =	sadd.s32 $0x80, s4;
	s7 =	simm.s32 @!p2 $0x200;
	s3 =	sand.u32 @!p2 $0x3FFF8, s2  }
0x1f2: {  	s6 =	sadd.s32 $0x1, s6;
	s2 =	sand.u32 @!p2 $0x7, s2;
	s3 =	sadd.s32 @!p2 s1, s3  }
0x1f3: {  	[hbm4b:s3+s2] =	stream.linear.scatter @!p2 [tilespmem:s4], [sflag:$0x5], $0x80, $0x38;
	[tilespmem:$0x1F6F8] =	vst v63  }
.LBB2_37:
0x1f4: {  	s0 =	sadd.s32 s5, s7  }
0x1f5: {  	s0 =	sshrl.u32 s0, $0x2  }
.LBB2_38:
0x1f6: {  	s2 =	simm.s32 $0x5  }
0x1f7: {  	_ =	swait.ge [sflag:s2], s0  }
0x1f8: {  	s31 =	ssub.s32 $0x0, s0;
	[sflag:s2] =	ssyncset.done $0x0  }
0x1f9: {  	[sflag:s2] =	ssyncadd.s32 s31  }
0x1fa: {  	[sflag:s2] =	ssyncpa.u1 $0x1  }
.LBB2_39:
0x1fb: {  	s0 =	sor.u32 s15, s16  }
0x1fc: {  	p1 =	sne.s32 s0, $0x0  }
.Ltmp30:
0x1fd: {  	_ = 	snop;
	(pc) =	sbr.rel @p1 .LBB2_54-.Ltmp30, $3  }
0x1fe: {  	_ =	sdelay $0x1  }
0x1ff: {  	[bflag:$0x0] =	sbarrier.arrive $0xFFFF  }
0x200: {  	_ =	sfence  }
0x201: {  	s0 =	simm.s32 $0x7  }
0x202: {  	s2 =	simm.s32 $0x1000;
	s3 =	simm.s32 $0xF218;
	[sflag:s0] =	ssyncpa.u1 $0x0  }
0x203: {  	[tilespmem:s3], [sflag:$0x7] =	stream.linear.gather [spmem:s2], $0x20, $0x38;
	[tilespmem:$0x1F6F8] =	vst v63  }
0x204: {  	s30 =	simm.s32 $0xF238;
	s2 =	simm.s32 $0x0  }
0x205: {  	[tilespmem:s30], [sflag:$0x7] =	stream.linear.gather [spmem:s2], $0x1000, $0x38;
	[tilespmem:$0x1F6F8] =	vst v63  }
.Ltmp31:
0x206: {  	_ = 	snop;
	(pc) =	sbr.rel .LBB2_41-.Ltmp31, $4  }
0x207: {  	_ =	swait.ge [sflag:s0], $0x1020  }
0x208: {  	[sflag:s0] =	ssyncset.done $0x0  }
0x209: {  	s31 =	simm.s32 $0x8;
	[sflag:s0] =	ssyncadd.s32 $0xFFFFEFE0  }
0x20a: {  	s3 =	simm.s32 $0x0;
	[sflag:s31] =	ssyncpa.u1 $0x0  }
.LBB2_47:
0x20b: {  	p1 =	slt.u32 s4, $0x270F1  }
0x20c: {  	s0 =	sand.u32 @p1 $0x3FFF8, s4  }
0x20d: {  	s4 =	sand.u32 @p1 $0x7, s4;
	s5 =	simm.s32 @p1 $0xF188;
	s0 =	sadd.s32 @p1 s1, s0  }
0x20e: {  	[tilespmem:s5], [sflag:$0x8] =	stream.linear.gather @p1 [hbm4b:s0+s4], $0x80, $0x38;
	[tilespmem:$0x1F6F8] =	vst v63  }
0x20f: {  	s0 =	simm.s32 @p1 $0x8  }
0x210: {  	_ =	swait.ge @p1 [sflag:s0], $0x80  }
0x211: {  	[sflag:s0] =	ssyncset.done @p1 $0x0  }
0x212: {  	[sflag:s0] =	ssyncadd.s32 @p1 $0xFFFFFF80  }
0x213: {  	v1 =	vld @p1 [tilespmem:$0xF188];
	_ =	sdelay $0x2  }
0x214: {  	s0 =	sshll.u32 @p1 s3, $0x9  }
0x215: {  	s4 =	sshrl.u32 @p1 s0, $0x2  }
0x216: {  	[tilespmem:s4+$0xF238] =	vst.add.f32.msk @p1 $0xffff, v1  }
0x217: {  	v1 =	vld @p1 [tilespmem:$0xF198];
	_ =	sdelay $0x4  }
0x218: {  	[tilespmem:s4+$0xF248] =	vst.add.f32.msk @p1 $0xffff, v1  }
0x219: {  	v1 =	vld @p1 [tilespmem:$0xF1A8];
	_ =	sdelay $0x4  }
0x21a: {  	[tilespmem:s4+$0xF258] =	vst.add.f32.msk @p1 $0xffff, v1  }
0x21b: {  	v1 =	vld @p1 [tilespmem:$0xF1B8];
	_ =	sdelay $0x4  }
0x21c: {  	[tilespmem:s4+$0xF268] =	vst.add.f32.msk @p1 $0xffff, v1  }
0x21d: {  	v1 =	vld @p1 [tilespmem:$0xF1C8];
	_ =	sdelay $0x4  }
0x21e: {  	[tilespmem:s4+$0xF278] =	vst.add.f32.msk @p1 $0xffff, v1  }
0x21f: {  	v1 =	vld @p1 [tilespmem:$0xF1D8];
	_ =	sdelay $0x4  }
0x220: {  	[tilespmem:s4+$0xF288] =	vst.add.f32.msk @p1 $0xffff, v1  }
0x221: {  	v1 =	vld @p1 [tilespmem:$0xF1E8];
	_ =	sdelay $0x4  }
0x222: {  	[tilespmem:s4+$0xF298] =	vst.add.f32.msk @p1 $0xffff, v1  }
0x223: {  	v1 =	vld @p1 [tilespmem:$0xF1F8];
	_ =	sdelay $0x3  }
0x224: {  	s5 =	sshll.u32 @!p1 s3, $0x9  }
0x225: {  	s5 =	smov.u32 @p1 s0;
	[tilespmem:s4+$0xF2A8] =	vst.add.f32.msk @p1 $0xffff, v1  }
0x226: {  	s0 =	sshrl.u32 s5, $0x2;
	[tilespmem:s2+$0xF218] =	vst.msk $0x1, v0  }
0x227: {  	v0 =	vld [tilespmem:s0+$0xF238];
	_ =	sdelay $0x2  }
0x228: {  	s31 =	sshll.u32 s2, $0x9  }
0x229: {  	s4 =	sshra.s32 s31, $0x2  }
0x22a: {  	[tilespmem:s4+$0xF238] =	vst v0  }
0x22b: {  	v0 =	vld [tilespmem:s0+$0xF248];
	_ =	sdelay $0x4  }
0x22c: {  	[tilespmem:s4+$0xF248] =	vst v0  }
0x22d: {  	v0 =	vld [tilespmem:s0+$0xF258];
	_ =	sdelay $0x4  }
0x22e: {  	[tilespmem:s4+$0xF258] =	vst v0  }
0x22f: {  	v0 =	vld [tilespmem:s0+$0xF268];
	_ =	sdelay $0x4  }
0x230: {  	[tilespmem:s4+$0xF268] =	vst v0  }
0x231: {  	v0 =	vld [tilespmem:s0+$0xF278];
	_ =	sdelay $0x4  }
0x232: {  	[tilespmem:s4+$0xF278] =	vst v0  }
0x233: {  	v0 =	vld [tilespmem:s0+$0xF288];
	_ =	sdelay $0x4  }
0x234: {  	[tilespmem:s4+$0xF288] =	vst v0  }
0x235: {  	v0 =	vld [tilespmem:s0+$0xF298];
	_ =	sdelay $0x4  }
0x236: {  	[tilespmem:s4+$0xF298] =	vst v0  }
0x237: {  	v0 =	vld [tilespmem:s0+$0xF2A8];
	_ =	sdelay $0x4  }
0x238: {  	s2 =	sadd.s32 $0x1, s2;
	[tilespmem:s4+$0xF2A8] =	vst v0  }
.LBB2_48:
0x239: {  	s3 =	sadd.s32 $0x1, s3  }
0x23a: {  	p1 =	sne.s32 s3, $0x20  }
.Ltmp32:
0x23b: {  	_ = 	snop;
	(pc) =	sbr.rel @!p1 .LBB2_49-.Ltmp32, $1  }
0x23c: {  	_ =	sdelay $0x3  }
.LBB2_41:
0x23d: {  	v0 =	vld.msk [tilespmem:s3+$0xF218], $0x1;
	_ =	sdelay $0x4  }
0x23e: {  	(v2sf) =	vpush v0, $0x0;
	_ =	sdelay $0xe  }
0x23f: {  	s4 =	spop (v2sf)  }
0x240: {  	p1 =	seq.s32 s4, $0xFFFFFFFF  }
.Ltmp33:
0x241: {  	_ = 	snop;
	(pc) =	sbr.rel @p1 .LBB2_48-.Ltmp33, $1  }
0x242: {  	_ =	sdelay $0x3  }
0x243: {  	p1 =	slt.s32 s2, $0x1  }
.Ltmp34:
0x244: {  	_ = 	snop;
	(pc) =	sbr.rel @p1 .LBB2_47-.Ltmp34, $1  }
0x245: {  	_ =	sdelay $0x3  }
0x246: {  	s5 =	simm.s32 $0xF218;
	p1 =	por $0x0, $0x0  }
0x247: {  	v1 =	vld.msk @!p1 [tilespmem:s5+$0x0], $0x1;
	_ =	sdelay $0x4  }
0x248: {  	(v2sf) =	vpush @!p1 v1, $0x0;
	_ =	sdelay $0xd  }
0x249: {  	p3 =	sne.s32 s2, $0x1  }
.Ltmp35:
0x24a: {  	s0 =	spop @!p1 (v2sf);
	(pc) =	sbr.rel @!p3 .LBB2_45-.Ltmp35, $4  }
0x24b: {  	p2 =	seq.s32 @!p1 s4, s0  }
0x24c: {  	s6 =	simm.s32 $0x0;
	p2 =	por !p2, p1  }
0x24d: {  	s7 =	simm.s32 $0xFFFFFFFF;
	s6 =	simm.s32 @p2 $0xFFFFFFFF  }
0x24e: {  	s0 =	simm.s32 $0x1;
	s6 =	smov.u32 @p1 s7  }
.LBB2_44:
0x24f: {  	s7 =	smov.u32 s6;
	p1 =	sne.s32 s6, $0xFFFFFFFF  }
0x250: {  	s5 =	sadd.s32 $0x1, s5;
	s6 =	smov.u32 s0;
	s0 =	sadd.s32 $0x1, s0  }
0x251: {  	p2 =	sne.s32 s2, s0;
	v1 =	vld.msk @!p1 [tilespmem:s5+$0x0], $0x1;
	_ =	sdelay $0x4  }
0x252: {  	(v2sf) =	vpush @!p1 v1, $0x0;
	_ =	sdelay $0xe  }
.Ltmp36:
0x253: {  	s8 =	spop @!p1 (v2sf);
	(pc) =	sbr.rel @p2 .LBB2_44-.Ltmp36, $4  }
0x254: {  	p3 =	seq.s32 @!p1 s4, s8  }
0x255: {  	p3 =	por !p3, p1  }
0x256: {  	s6 =	simm.s32 @p3 $0xFFFFFFFF  }
0x257: {  	s6 =	smov.u32 @p1 s7  }
.LBB2_45:
0x258: {  	p1 =	seq.s32 s6, $0xFFFFFFFF  }
.Ltmp37:
0x259: {  	_ = 	snop;
	(pc) =	sbr.rel @p1 .LBB2_47-.Ltmp37, $1  }
0x25a: {  	_ =	sdelay $0x3  }
0x25b: {  	s0 =	sshll.u32 s3, $0x7  }
0x25c: {  	s0 =	sand.u32 $0x3FFFFF80, s0  }
0x25d: {  	v0 =	vld [tilespmem:s0+$0xF238];
	_ =	sdelay $0x2  }
0x25e: {  	s4 =	sshll.u32 s6, $0x9  }
0x25f: {  	s4 =	sshra.s32 s4, $0x2  }
0x260: {  	[tilespmem:s4+$0xF238] =	vst.add.f32.msk $0xffff, v0  }
0x261: {  	v0 =	vld [tilespmem:s0+$0xF248];
	_ =	sdelay $0x4  }
0x262: {  	[tilespmem:s4+$0xF248] =	vst.add.f32.msk $0xffff, v0  }
0x263: {  	v0 =	vld [tilespmem:s0+$0xF258];
	_ =	sdelay $0x4  }
0x264: {  	[tilespmem:s4+$0xF258] =	vst.add.f32.msk $0xffff, v0  }
0x265: {  	v0 =	vld [tilespmem:s0+$0xF268];
	_ =	sdelay $0x4  }
0x266: {  	[tilespmem:s4+$0xF268] =	vst.add.f32.msk $0xffff, v0  }
0x267: {  	v0 =	vld [tilespmem:s0+$0xF278];
	_ =	sdelay $0x4  }
0x268: {  	[tilespmem:s4+$0xF278] =	vst.add.f32.msk $0xffff, v0  }
0x269: {  	v0 =	vld [tilespmem:s0+$0xF288];
	_ =	sdelay $0x4  }
0x26a: {  	[tilespmem:s4+$0xF288] =	vst.add.f32.msk $0xffff, v0  }
0x26b: {  	v0 =	vld [tilespmem:s0+$0xF298];
	_ =	sdelay $0x4  }
0x26c: {  	[tilespmem:s4+$0xF298] =	vst.add.f32.msk $0xffff, v0  }
0x26d: {  	v0 =	vld [tilespmem:s0+$0xF2A8]  }
.Ltmp38:
0x26e: {  	_ = 	snop;
	(pc) =	sbr.rel .LBB2_48-.Ltmp38, $2  }
0x26f: {  	_ =	sdelay $0x2  }
0x270: {  	[tilespmem:s4+$0xF2A8] =	vst.add.f32.msk $0xffff, v0  }
.LBB2_49:
0x271: {  	p1 =	slt.s32 s2, $0x1  }
.Ltmp39:
0x272: {  	_ = 	snop;
	(pc) =	sbr.rel @p1 .LBB2_53-.Ltmp39, $3  }
0x273: {  	_ =	sdelay $0x1  }
0x274: {  	s0 =	simm.s32 $0x8  }
0x275: {  	s3 =	simm.s32 $0x0;
	[sflag:s0] =	ssyncpa.u1 $0x1  }
0x276: {  	s0 =	simm.s32 $0xF218  }
0x277: {  	v0 =	vld.msk [tilespmem:s0+$0x0], $0x1;
	_ =	sdelay $0x4  }
0x278: {  	(v2sf) =	vpush v0, $0x0;
	_ =	sdelay $0xe  }
0x279: {  	s0 =	sadd.s32 $0xFFFFFFFF, s2;
	s5 =	spop (v2sf)  }
0x27a: {  	p2 =	sne.s32 s0, $0x0;
	p1 =	sgt.u32 s5, $0x270F0  }
.Ltmp40:
0x27b: {  	s6 =	sand.u32 @!p1 $0x3FFF8, s5;
	(pc) =	sbr.rel @!p2 .LBB2_52-.Ltmp40, $4  }
0x27c: {  	s4 =	simm.s32 $0xF238;
	s5 =	sand.u32 @!p1 $0x7, s5;
	s2 =	sadd.s32 @!p1 s1, s6  }
0x27d: {  	[hbm4b:s2+s5] =	stream.linear.scatter @!p1 [tilespmem:s4], [sflag:$0x7], $0x80, $0x38;
	[tilespmem:$0x1F6F8] =	vst v63  }
0x27e: {  	s5 =	simm.s32 $0x0  }
0x27f: {  	s2 =	simm.s32 $0xF219;
	s5 =	simm.s32 @!p1 $0x200  }
.LBB2_51:
0x280: {  	v0 =	vld.msk [tilespmem:s2+$0x0], $0x1;
	s0 =	sadd.s32 $0xFFFFFFFF, s0;
	s3 =	sadd.s32 s3, s5  }
0x281: {  	p1 =	sne.s32 s0, $0x0;
	_ =	sdelay $0x3  }
0x282: {  	(v2sf) =	vpush v0, $0x0;
	_ =	sdelay $0xe  }
.Ltmp41:
0x283: {  	s6 =	spop (v2sf);
	(pc) =	sbr.rel @p1 .LBB2_51-.Ltmp41, $4  }
0x284: {  	s5 =	simm.s32 $0x0;
	p2 =	sgt.u32 s6, $0x270F0  }
0x285: {  	s4 =	sadd.s32 $0x80, s4;
	s5 =	simm.s32 @!p2 $0x200;
	s7 =	sand.u32 @!p2 $0x3FFF8, s6  }
0x286: {  	s2 =	sadd.s32 $0x1, s2;
	s6 =	sand.u32 @!p2 $0x7, s6;
	s7 =	sadd.s32 @!p2 s1, s7  }
0x287: {  	[hbm4b:s7+s6] =	stream.linear.scatter @!p2 [tilespmem:s4], [sflag:$0x7], $0x80, $0x38;
	[tilespmem:$0x1F6F8] =	vst v63  }
.LBB2_52:
0x288: {  	s0 =	sadd.s32 s3, s5  }
0x289: {  	s3 =	sshrl.u32 s0, $0x2  }
.LBB2_53:
0x28a: {  	s0 =	simm.s32 $0x7  }
0x28b: {  	_ =	swait.ge [sflag:s0], s3  }
0x28c: {  	s1 =	ssub.s32 $0x0, s3;
	[sflag:s0] =	ssyncset.done $0x0  }
0x28d: {  	[sflag:s0] =	ssyncadd.s32 s1  }
0x28e: {  	[sflag:s0] =	ssyncpa.u1 $0x1  }
.LBB2_54:
0x28f: {  	_ =	sfence;
	s0 =	simm.s32 $0x1  }
0x290: {  	[sflag:s0] =	ssyncpa.u1 $0x1  }
0x291: {  	_ =	strace $0x90000056  }
0x292: {  	[bflag:$0x2] =	sbarrier.arrive $0xFFFF  }
0x293: {  	s0 =	rddreg [dreg:$0x4]  }
0x294: {  	s0 =	sadd.s32 @!p0 $0x100000, s0  }
0x295: {  	[sflag:s0] =	ssyncadd.tile.s32 @!p0 $0x1;
	_ =	shalt  }
.Lfunc_end2:
_tile_overlayer_lowered:
.L_overlay_start_2:
0x296: {  	(tag) =	ssettag $0x2  }
0x297: {  	s0 =	rddreg [dreg:$0x0];
	s2 =	stileid.u32  }
0x298: {  	s1 =	rddreg [dreg:$0x1];
	p0 =	sne.s32 s2, $0x0  }
0x299: {  	s3 =	rddreg [dreg:$0x2];
	[bflag:$0x3] =	sbarrier.arrive $0xFFFF;
	s2 =	simm.s32 @!p0 $0x1C01  }
0x29a: {  	[timem:s3], [sflag:s2] =	dma.local @!p0 [hbm:s0], s1  }
0x29b: {  	s0 =	simm.s32 @!p0 $0x1  }
0x29c: {  	_ =	swait.ge @!p0 [sflag:s0], s1  }
0x29d: {  	s1 =	ssub.s32 @!p0 $0x0, s1;
	[sflag:s0] =	ssyncset.done @!p0 $0x0  }
0x29e: {  	[sflag:s0] =	ssyncadd.s32 @!p0 s1  }
0x29f: {  	[bflag:$0x3] =	sbarrier.arrive $0xFFFF  }
0x2a0: {  	_ =	shalt  }

// kernel: scatter_offload_async_start.2
scs
__scs_entry_jumppad:
0x0: {  	(pc) =	sbr.rel $0x88, $3  }
0x1: {  	(tag) =	ssettag $0x0;
	lr =	simm.s32 $0x1  }
0x2: {  	[smem:$0x3F91] =	sst lr;
	_ =	strace $0xD0000000  }
0x3: {  	_ = 	snop  }
0x4: {  	_ = 	snop  }
0x5: {  	_ = 	snop  }
0x6: {  	_ = 	snop  }
0x7: {  	_ = 	snop  }
__scs_overlays_trampoline_lowered:
0x8: {  	[smem:$0x3FA0] =	sst s0  }
0x9: {  	[smem:$0x3FA1] =	sst s1  }
0xa: {  	[smem:$0x3FA2] =	sst s2  }
0xb: {  	[smem:$0x3FA3] =	sst s3  }
0xc: {  	[smem:$0x3FA4] =	sst s4  }
0xd: {  	[smem:$0x3FA5] =	sst s5  }
0xe: {  	[smem:$0x3FA6] =	sst s6  }
0xf: {  	[smem:$0x3FA7] =	sst s7  }
0x10: {  	[smem:$0x3FA8] =	sst s8  }
0x11: {  	[smem:$0x3FA9] =	sst s9;
	s0 =	simm.s32 @!p0 $0x0  }
0x12: {  	s1 =	sld [smem:$0x3F8F];
	s0 =	simm.s32 @p0 $0x1  }
0x13: {  	[smem:$0x3FAA] =	sst s0;
	s0 =	simm.s32 @!p1 $0x0  }
0x14: {  	s2 =	sld [smem:$0x3F8E];
	s0 =	simm.s32 @p1 $0x1  }
0x15: {  	[smem:$0x3FAB] =	sst s0;
	s0 =	simm.s32 @!p2 $0x0  }
0x16: {  	s3 =	sld [smem:$0x3FDB];
	s0 =	simm.s32 @p2 $0x1  }
0x17: {  	s4 =	simm.s32 $0x1BF5;
	[smem:$0x3FAD] =	sst s0  }
0x18: {  	s0 =	sld [smem:$0x3F90];
	_ =	swait.ge [sflag:s4], $0x0  }
0x19: {  	s7 =	sld [smem:$0x3F91]  }
0x1a: {  	s8 =	sadd.s32 $0xFFFFE003, lr  }
0x1b: {  	s9 =	sadd.s32 $0xFFFFFEF7, lr;
	s5 =	simm.s32 $0xFFFFFFFF;
	p2 =	slt.u32 s8, $0xFFFFF086  }
0x1c: {  	p1 =	slt.u32 s9, $0xF7A;
	s5 =	simm.s32 @!p2 $0x0  }
0x1d: {  	s5 =	simm.s32 @p1 $0x1;
	p0 =	seq.s32 s7, s2  }
0x1e: {  	s7 =	smul.u32 @!p0 $0xF7A, s2;
	p2 =	seq.s32 @!p0 s5, $0x0  }
0x1f: {  	s9 =	smul.u32 $0xF7A, s1;
	s8 =	simm.s32 @!p0 $0x1BF5;
	p2 =	por !p2, p0  }
0x20: {  	[sflag:s8] =	ssyncset.s32 @!p0 $0xFFFFF086;
	s6 =	sadd.s32 @!p0 s3, s7;
	s7 =	simm.s32 @!p0 $0x108  }
0x21: {  	s3 =	sadd.s32 s3, s9;
	s6 =	sadd.s32 @!p0 $0x88, s6;
	s7 =	simm.s32 @p2 $0x1082  }
0x22: {  	[simem:s7], [sflag:s8] =	dma.local @!p0 [hbm:s6], $0xF7A  }
0x23: {  	s9 =	sor.u32 $0xD0000000, s2;
	s6 =	simm.s32 $0x108;
	_ =	swait.ge @!p0 [sflag:s8], $0x0  }
0x24: {  	s3 =	sadd.s32 $0x88, s3;
	s6 =	simm.s32 @!p1 $0x1082;
	[sflag:s4] =	ssyncset.s32 $0xFFFFF086  }
0x25: {  	[simem:s6], [sflag:s4] =	dma.local [hbm:s3], $0xF7A  }
0x26: {  	[smem:$0x3F91] =	sst s1;
	(tag) =	ssettag s2;
	_ =	strace s9  }
0x27: {  	s1 =	sld [smem:$0x3FA1]  }
0x28: {  	s2 =	sld [smem:$0x3FA2]  }
0x29: {  	s4 =	sld [smem:$0x3FA4]  }
0x2a: {  	p0 =	seq.s32 s5, $0x0;
	s5 =	sld [smem:$0x3FA5]  }
0x2b: {  	s6 =	sld [smem:$0x3FA6]  }
0x2c: {  	s7 =	sld [smem:$0x3FA7]  }
0x2d: {  	s3 =	simm.s32 $0x108;
	s8 =	sld [smem:$0x3FA8]  }
0x2e: {  	s3 =	simm.s32 @!p0 $0x1082;
	s9 =	sld [smem:$0x3FA9]  }
0x2f: {  	lr =	sadd.s32 s0, s3;
	s0 =	sld [smem:$0x3FA0]  }
0x30: {  	s3 =	sld [smem:$0x3FA3]  }
0x31: {  	[smem:$0x3FAC] =	sst s10  }
0x32: {  	s10 =	sld [smem:$0x3FAA];
	_ =	sdelay $0x3  }
0x33: {  	p0 =	seq.s32 s10, $0x1;
	s10 =	sld [smem:$0x3FAC];
	_ =	sdelay $0x3  }
0x34: {  	[smem:$0x3FAC] =	sst s10  }
0x35: {  	s10 =	sld [smem:$0x3FAB];
	_ =	sdelay $0x3  }
0x36: {  	p1 =	seq.s32 s10, $0x1;
	s10 =	sld [smem:$0x3FAC];
	_ =	sdelay $0x3  }
0x37: {  	[smem:$0x3FAC] =	sst s10  }
0x38: {  	s10 =	sld [smem:$0x3FAD]  }
0x39: {  	_ = 	snop;
	(pc) =	sbr.ind lr, $3  }
0x3a: {  	_ = 	snop  }
0x3b: {  	_ = 	snop  }
0x3c: {  	p2 =	seq.s32 s10, $0x1;
	s10 =	sld [smem:$0x3FAC]  }
0x3d: {  	_ =	shalt  }
0x3e: {  	_ =	shalt  }
0x3f: {  	_ =	shalt  }
0x40: {  	_ =	shalt  }
0x41: {  	_ =	shalt  }
0x42: {  	_ =	shalt  }
0x43: {  	_ =	shalt  }
0x44: {  	_ =	shalt  }
0x45: {  	_ =	shalt  }
0x46: {  	_ =	shalt  }
0x47: {  	_ =	shalt  }
0x48: {  	_ =	shalt  }
0x49: {  	_ =	shalt  }
0x4a: {  	_ =	shalt  }
0x4b: {  	_ =	shalt  }
0x4c: {  	_ =	shalt  }
0x4d: {  	_ =	shalt  }
0x4e: {  	_ =	shalt  }
0x4f: {  	_ =	shalt  }
0x50: {  	_ =	shalt  }
0x51: {  	_ =	shalt  }
0x52: {  	_ =	shalt  }
0x53: {  	_ =	shalt  }
0x54: {  	_ =	shalt  }
0x55: {  	_ =	shalt  }
0x56: {  	_ =	shalt  }
0x57: {  	_ =	shalt  }
0x58: {  	_ =	shalt  }
0x59: {  	_ =	shalt  }
0x5a: {  	_ =	shalt  }
0x5b: {  	_ =	shalt  }
0x5c: {  	_ =	shalt  }
0x5d: {  	_ =	shalt  }
0x5e: {  	_ =	shalt  }
0x5f: {  	_ =	shalt  }
0x60: {  	_ =	shalt  }
0x61: {  	_ =	shalt  }
0x62: {  	_ =	shalt  }
0x63: {  	_ =	shalt  }
0x64: {  	_ =	shalt  }
0x65: {  	_ =	shalt  }
0x66: {  	_ =	shalt  }
0x67: {  	_ =	shalt  }
0x68: {  	_ =	shalt  }
0x69: {  	_ =	shalt  }
0x6a: {  	_ =	shalt  }
0x6b: {  	_ =	shalt  }
0x6c: {  	_ =	shalt  }
0x6d: {  	_ =	shalt  }
0x6e: {  	_ =	shalt  }
0x6f: {  	_ =	shalt  }
0x70: {  	_ =	shalt  }
0x71: {  	_ =	shalt  }
0x72: {  	_ =	shalt  }
0x73: {  	_ =	shalt  }
0x74: {  	_ =	shalt  }
0x75: {  	_ =	shalt  }
0x76: {  	_ =	shalt  }
0x77: {  	_ =	shalt  }
0x78: {  	_ =	shalt  }
0x79: {  	_ =	shalt  }
0x7a: {  	_ =	shalt  }
0x7b: {  	_ =	shalt  }
0x7c: {  	_ =	shalt  }
0x7d: {  	_ =	shalt  }
0x7e: {  	_ =	shalt  }
0x7f: {  	_ =	shalt  }
0x80: {  	_ =	shalt  }
0x81: {  	_ =	shalt  }
0x82: {  	_ =	shalt  }
0x83: {  	_ =	shalt  }
0x84: {  	_ =	shalt  }
0x85: {  	_ =	shalt  }
0x86: {  	_ =	shalt  }
0x87: {  	_ =	shalt  }
.Lfunc_end0:
.L_simem_size_0:
called_computation.2_lowered:
.L_overlay_start_0:
0x88: {  	s0 =	sld [smem:$0x3FD9]  }
0x89: {  	s1 =	sld [smem:$0x3FFE];
	_ =	sdelay $0x3  }
0x8a: {  	s0 =	sadd.s32 s1, s0  }
0x8b: {  	[smem:$0x3FB8] =	sst s0  }
0x8c: {  	_ = 	snop  }
0x8d: {  	(tm) =	ssettm $0x1  }
0x8e: {  	s15 =	sld [smem:$0x3FFB];
	_ =	sdelay $0x3  }
0x8f: {  	_ =	strace s15  }
0x90: {  	s0 =	sld [smem:$0x3FFC];
	_ =	sdelay $0x3  }
0x91: {  	_ =	strace s0  }
0x92: {  	s0 =	sld [smem:$0x3FFD];
	_ =	sdelay $0x3  }
0x93: {  	_ =	strace s0  }
0x94: {  	_ =	strace $0x8FFFFFFF  }
0x95: {  	s16 =	sld [smem:$0x3FDB];
	_ =	sdelay $0x1  }
0x96: {  	s17 =	simm.s32 $_scs_section_size  }
0x97: {  	s2 =	simm.s32 $_size__tile_overlayer_lowered;
	s3 =	simm.s32 $_tile_overlayer_lowered  }
0x98: {  	s20 =	simm.s32 $0x1BFF;
	s19 =	sshll.u32 s3, $0x1;
	s0 =	sadd.s32 s17, s16  }
0x99: {  	s4 =	simm.s32 $0x0;
	s18 =	sshll.u32 s2, $0x1;
	s2 =	sadd.s32 s19, s0  }
0x9a: {  	[timem:s4], [sflag:s20] =	dma.local [hbm:s2], s18  }
0x9b: {  	_ =	swait.ge [sflag:s20], s18  }
0x9c: {  	s1 =	ssub.s32 $0x0, s18;
	[sflag:s20] =	ssyncset.done $0x0  }
0x9d: {  	[sflag:s20] =	ssyncadd.s32 s1;
	_ =	sdelay $0x1  }
0x9e: {  	s21 =	simm.s32 $0x1B8B  }
0x9f: {  	_ =	swait.ge [sflag:s21], $0x1  }
0xa0: {  	[sflag:s21] =	ssyncset.done $0x0  }
0xa1: {  	s23 =	simm.s32 $0x1B8E;
	s22 =	sld [smem:$0x3FFE];
	[sflag:s21] =	ssyncadd.s32 $0xFFFFFFFF  }
0xa2: {  	s24 =	simm.s32 $execute0_lowered;
	[smem:$0x3FD2] =	sst s23  }
0xa3: {  	s2 =	sshll.u32 s24, $0x1;
	_ =	strace $0x80000052;
	[dreg:$0x1] =	wrdreg $0xFFFFFFFF  }
0xa4: {  	s25 =	simm.s32 $_size_execute0_lowered;
	s0 =	sadd.s32 s0, s2;
	[dreg:$0x0] =	wrdreg $0x0  }
0xa5: {  	s2 =	sshll.u32 s25, $0x1;
	[dreg:$0x2] =	wrdreg s0  }
0xa6: {  	[dreg:$0x3] =	wrdreg s2  }
0xa7: {  	[dreg:$0x4] =	wrdreg $0xC0  }
0xa8: {  	_ =	task [dreg:s4], $0x5FFFF  }
0xa9: {  	[dreg:$0x1] =	wrdreg $0xFFFFFFFF  }
0xaa: {  	[dreg:$0x0] =	wrdreg $0x60  }
0xab: {  	[dreg:$0x2] =	wrdreg s22  }
0xac: {  	[dreg:$0x3] =	wrdreg $0xA  }
0xad: {  	_ =	task.clear_ibuf [dreg:s4], $0x4FFFF;
	_ =	strace $0x90000052  }
0xae: {  	s26 =	simm.s32 $0xA;
	_ =	strace $0x80000054  }
0xaf: {  	_ =	swait.ge [sflag:s26], $0x1  }
0xb0: {  	[sflag:s26] =	ssyncadd.s32 $0xFFFFFFFF  }
0xb1: {  	_ =	strace $0x90000054  }
0xb2: {  	_ =	sfence  }
0xb3: {  	s28 =	sld [smem:$0x0];
	_ =	sdelay $0x1  }
0xb4: {  	s29 =	srdreg.scid  }
0xb5: {  	s30 =	sshll.u32 s29, $0xD;
	s31 =	sshrl.u32 s29, $0x2  }
0xb6: {  	s1 =	sand.u32 $0x1, s29;
	s2 =	sand.u32 $0x4000, s30;
	s0 =	sadd.s32 s31, s28  }
0xb7: {  	s1 =	sor.u32 s2, s1;
	s0 =	sshll.u32 s0, $0x11  }
0xb8: {  	s0 =	sor.u32 s0, s1  }
0xb9: {  	s0 =	sadd.s32 $0x8F2B, s0  }
0xba: {  	[sflag:s0] =	ssyncadd.remote.s32 $0x1  }
0xbb: {  	_ =	sfence.sel $0xFFFF  }
0xbc: {  	[dreg:$0x0] =	wrdreg $0xFFFFFFFF;
	(pc) =	sbr.abs _section_cstart, $3  }
0xbd: {  	[dreg:$0x1] =	wrdreg $0xFFFFFFFF  }
0xbe: {  	_ =	task.clear_ibuf [dreg:s4], $0x2FFFF;
	_ =	strace $0x9FFFFFFF  }
0xbf: {  	(tm) =	ssettm $0x7FFFFFFF  }
tec
execute0_lowered:
.L_overlay_start_1:
0x0: {  	(tag) =	ssettag $0x1  }
0x1: {  	s0 =	rddreg [dreg:$0x0];
	_ =	strace $0x80000053;
	s15 =	stileid.u32  }
0x2: {  	s2 =	simm.s32 $0x1;
	s1 =	smin.u32 s15, $0x8;
	s3 =	sshll.u32 s15, $0x1  }
0x3: {  	v1 =	vimm.s32 $0xFFFFFFFF;
	[sflag:s2] =	ssyncpa.u1 $0x0;
	s1 =	sadd.s32 s1, s3  }
0x4: {  	p0 =	slt.u32 s15, $0x8;
	[tilespmem:$0x10] =	vst v1;
	s4 =	smul.u32 $0x1F40, s1;
	s1 =	simm.s32 $0x5DC0  }
0x5: {  	v0 =	vimm.f32 $0.0e+00;
	[tilespmem:$0x20] =	vst v1;
	s1 =	simm.s32 @!p0 $0x3E80  }
0x6: {  	[tilespmem:$0x30] =	vst v0;
	s1 =	sadd.s32 s1, s4  }
0x7: {  	[tilespmem:$0x40] =	vst v0;
	s5 =	smin.u32 s1, $0x4E200  }
0x8: {  	s7 =	simm.s32 $0x2;
	s8 =	simm.s32 $0x8;
	[tilespmem:$0x50] =	vst v0;
	s9 =	ssub.s32 s5, s4  }
0x9: {  	s31 =	simm.s32 $0x9;
	s16 =	simm.s32 $0x0;
	[tilespmem:$0x60] =	vst v1;
	p0 =	sgt.s32 s9, $0x0  }
0xa: {  	s17 =	simm.s32 $0xF0;
	s18 =	simm.s32 $0xFFFFFFFF;
	[tilespmem:$0x70] =	vst v1;
	s9 =	simm.s32 @!p0 $0x0  }
0xb: {  	s19 =	simm.s32 $0xFFFFC280;
	s20 =	simm.s32 $0xFFFFFFFE;
	[tilespmem:$0x80] =	vst v1;
	s30 =	smulhi.u32 $0x10624DD3, s9  }
0xc: {  	s21 =	simm.s32 $0xF;
	s25 =	simm.s32 $0x0;
	s24 =	simm.s32 $0x0;
	v1 =	vimm.s32 $0x0;
	[tilespmem:$0xB0] =	vst v0  }
0xd: {  	s6 =	sadd.s32 $0x32000, s0;
	s15 =	sshllo.u32 s15, $0x1;
	[tilespmem:$0x90] =	vst v1;
	s10 =	sshrl.u32 s30, $0x9  }
0xe: {  	[tilespmem:$0xA0] =	vst v1;
	[sflag:s7] =	ssyncpa.u1 $0x0;
	s7 =	simm.s32 $0x7;
	s11 =	smul.u32 $0x1F40, s10  }
.Ltmp0:
0xf: {  	s13 =	sor.u32 $0x80, s3;
	[sflag:s7] =	ssyncpa.u1 $0x0;
	(pc) =	sbr.rel .LBB2_1-.Ltmp0, $4  }
0x10: {  	s14 =	sor.u32 $0x81, s3;
	[sflag:s8] =	ssyncpa.u1 $0x0;
	p0 =	sne.s32 s9, s11  }
0x11: {  	s23 =	smov.u32 s4;
	s1 =	sadd.s32 $0x45C00, s0;
	s2 =	simm.s32 @!p0 $0x0  }
0x12: {  	vm0 =	vmmov $0xffff;
	v2 =	vlaneseq.u32;
	[sflag:s31] =	ssyncpa.u1 $0x0;
	s9 =	sadd.s32 $0x3BE00, s0;
	s10 =	sadd.s32 s2, s10  }
0x13: {  	vm1 =	vmxor vm1, vm1;
	vm2 =	vmmov $0x1;
	vm3 =	vcmask $0x3F3C;
	p0 =	por $0x0, $0x0;
	s11 =	sadd.s32 $0x1, s10;
	s12 =	sadd.s32 $0x2, s10  }
.LBB2_9:
0x14: {  	p1 =	slt.u32 s24, $0x3  }
0x15: {  	s0 =	simm.s32 @!p1 $0x2  }
0x16: {  	_ =	swait.ge @!p1 [sflag:s0], $0x1F40  }
0x17: {  	[sflag:s0] =	ssyncset.done @!p1 $0x0  }
0x18: {  	[sflag:s0] =	ssyncadd.s32 @!p1 $0xFFFFE0C0;
	s0 =	simm.s32 @!p1 $0x9  }
0x19: {  	_ =	swait.ge @!p1 [sflag:s0], $0x10  }
0x1a: {  	[sflag:s0] =	ssyncset.done @!p1 $0x0  }
0x1b: {  	[sflag:s0] =	ssyncadd.s32 @!p1 $0xFFFFFFF0;
	p1 =	sne.s32 s24, s12  }
.Ltmp1:
0x1c: {  	s2 =	sadd.s32 $0x1F40, s23;
	(pc) =	sbr.rel @!p1 .LBB2_10-.Ltmp1, $4  }
0x1d: {  	s22 =	smov.u32 s4;
	s31 =	sadd.s32 $0x1, s24;
	s17 =	sadd.s32 $0x1F40, s17  }
0x1e: {  	s18 =	sadd.s32 $0x1, s18;
	s25 =	smov.u32 s23;
	p2 =	slt.s32 s2, s5  }
0x1f: {  	p0 =	por !p0, !p0;
	s19 =	sadd.s32 $0x1F40, s19;
	s22 =	smov.u32 @p2 s2  }
0x20: {  	s20 =	sadd.s32 $0x1, s20;
	s23 =	smov.u32 s22;
	s24 =	smov.u32 s31  }
.LBB2_1:
0x21: {  	p1 =	sge.u32 s24, s10  }
0x22: {  	s0 =	smulhi.u32 @!p1 $0xAAAAAAAB, s24;
	_ =	sdelay $0x1  }
0x23: {  	s0 =	sshrl.u32 @!p1 s0, $0x1  }
0x24: {  	s0 =	smul.u32 @!p1 $0x3, s0;
	_ =	sdelay $0x1  }
0x25: {  	s0 =	ssub.s32 @!p1 s24, s0  }
0x26: {  	s0 =	smul.u32 @!p1 $0x7D00, s0;
	_ =	sdelay $0x1  }
0x27: {  	s2 =	sshrl.u32 @!p1 s23, $0x3;
	s0 =	sshrl.u32 @!p1 s0, $0x2  }
0x28: {  	s22 =	sand.u32 @!p1 $0x7, s23;
	s2 =	sadd.s32 @!p1 s6, s2;
	s0 =	sadd.s32 @!p1 $0x100, s0  }
0x29: {  	[tilespmem:s0], [sflag:$0x7] =	stream.linear.gather @!p1 [hbm4b:s2+s22], $0x1F40, $0x38;
	[tilespmem:$0x11A60] =	vst v63  }
0x2a: {  	s0 =	sadd.s32 $0xFFFFFFFF, s24  }
0x2b: {  	p1 =	sge.u32 s0, s10  }
.Ltmp2:
0x2c: {  	_ = 	snop;
	(pc) =	sbr.rel @p1 .LBB2_5-.Ltmp2, $1  }
0x2d: {  	_ =	sdelay $0x3  }
0x2e: {  	s2 =	smulhi.u32 $0xAAAAAAAB, s0;
	_ =	sdelay $0x1  }
0x2f: {  	s2 =	sshrl.u32 s2, $0x1  }
0x30: {  	s2 =	smul.u32 $0x3, s2;
	_ =	sdelay $0x1  }
0x31: {  	s2 =	ssub.s32 s0, s2  }
0x32: {  	s2 =	smul.u32 $0x7D00, s2  }
0x33: {  	_ =	swait.ge [sflag:s7], $0x1F40  }
0x34: {  	[sflag:s7] =	ssyncset.done $0x0;
	s2 =	sshrl.u32 s2, $0x2  }
0x35: {  	[sflag:s7] =	ssyncadd.s32 $0xFFFFE0C0;
	(ifvalue) =	ssetifvalue $0xFFFFFFFF;
	v3 =	vld.msk [tilespmem:s2+$0x100 ss:$0x1], $0xffff;
	_ =	sdelay $0x2  }
0x36: {  	s30 =	smulhi.u32 $0xAAAAAAAB, s18;
	p1 =	sne.s32 s24, $0x1  }
0x37: {  	v4 =	vimm.s32 @!p1 $0x0  }
0x38: {  	s2 =	sshrl.u32 s30, $0x1;
	v4 =	vperm.xlane @!p1 v3, v4  }
0x39: {  	s22 =	sshll.u32 s24, $0x4;
	s2 =	smul.u32 $0xFFFE8900, s2;
	vm4 =	vlt.u32 v3, $0x2800  }
0x3a: {  	s22 =	sand.u32 $0x10, s22;
	v3 =	vnsel vm4, $0xFFFFFFFE, v3;
	vm4 =	vlt.u32 @!p1 v4, $0x2800  }
0x3b: {  	s2 =	sshra.s32 s2, $0x2;
	[tilespmem:s22+$0x60] =	vst v3;
	v3 =	vnsel @!p1 vm4, $0xFFFFFFFE, v4  }
0x3c: {  	s28 =	sadd.s32 s2, s17;
	[tilespmem:$0x80] =	vst @!p1 v3  }
0x3d: {  	v3 =	vld.msk [tilespmem:s28+$0x0 ss:$0x1], $0xffff;
	_ =	sdelay $0x4  }
0x3e: {  	(xrf1) =	vunique.msk.u32 $0xffff, v3;
	_ =	sdelay $0xd  }
0x3f: {  	v4 =	vimm.s32 $0xFFFFFFFF;
	v5, _, _ =	vpop (xrf1)  }
0x40: {  	vm5 =	vne.s32 v3, v4;
	vm4 =	veq.s32 v5, v2  }
0x41: {  	vm6 =	vlt.u32 v3, $0x2800;
	vm4 =	vmand vm5, vm4  }
0x42: {  	vm4 =	vmand vm6, vm4  }
0x43: {  	v4 =	vnsel vm4, $0xFFFFFFFF, v3  }
0x44: {  	s31 =	sand.u32 $0x1, s0  }
0x45: {  	s0 =	simm.s32 $0x1F40;
	p1 =	seq.s32 s31, $0x1  }
0x46: {  	s0 =	simm.s32 @!p1 $0x0  }
0x47: {  	s26 =	sadd.s32 $0x7DF0, s0;
	(ifvalue) =	ssetifvalue $0xFFFFFFFF  }
0x48: {  	v3 =	vperm.xlane v3, v1;
	[tilespmem:s26], [sflag:$0x8] =	stream.indirect_vreg.gather [hbm4b:s1+s16], $0x1, v4, vm0, $0x4038;
	v4 =	vnsel vm6, $0xFFFFFFFE, v4;
	[tilespmem:$0x11A60] =	vst v63  }
0x49: {  	s2 =	simm.s32 $0x0;
	s22 =	sadd.s32 $0xFFFFFFF0, s28;
	[tilespmem:s28+$0x0] =	vst v4  }
.LBB2_3:
0x4a: {  	v4 =	vld.msk [tilespmem:s22+$0x0 ss:$0x1], $0xffff;
	s2 =	sadd.s32 $0x10, s2;
	v5 =	vmov v3;
	s28 =	smov.u32 s22  }
0x4b: {  	p1 =	slt.u32 s2, $0x1F30;
	_ =	sdelay $0x4  }
0x4c: {  	v3 =	vperm.xlane v4, v1;
	(xrf1) =	vunique.msk.u32 $0xffff, v4;
	_ =	sdelay $0xd  }
0x4d: {  	v6, _, _ =	vpop (xrf1)  }
0x4e: {  	vm5 =	vne.s32 v4, v5;
	vm4 =	veq.s32 v6, v2  }
0x4f: {  	vm6 =	vlt.u32 v4, $0x2800;
	vm4 =	vmand vm5, vm4  }
0x50: {  	vm4 =	vmand vm6, vm4  }
0x51: {  	v4 =	vnsel vm4, $0xFFFFFFFF, v4  }
.Ltmp3:
0x52: {  	v5 =	vnsel vm6, $0xFFFFFFFE, v4;
	(pc) =	sbr.rel @p1 .LBB2_3-.Ltmp3, $3  }
0x53: {  	_ =	sdelay $0x1  }
0x54: {  	s22 =	sadd.s32 $0xFFFFFFF0, s22;
	s26 =	sadd.s32 $0xFFFFFFF0, s26;
	(ifvalue) =	ssetifvalue $0xFFFFFFFF  }
0x55: {  	[tilespmem:s26], [sflag:$0x8] =	stream.indirect_vreg.gather [hbm4b:s1+s16], $0x1, v4, vm0, $0x4038;
	[tilespmem:s28+$0x0] =	vst v5  }
0x56: {  	s2 =	sshrl.u32 s25, $0x3  }
0x57: {  	s0 =	sadd.s32 $0x9D40, s0;
	s2 =	sadd.s32 s9, s2  }
0x58: {  	[tilespmem:s0], [sflag:$0x8] =	stream.linear.gather [hbm:s2], $0x1F40, $0x38;
	[tilespmem:$0x11A60] =	vst v63  }
.LBB2_5:
0x59: {  	p1 =	slt.u32 s24, $0x2  }
0x5a: {  	p2 =	sge.u32 @!p1 s24, s12  }
0x5b: {  	p1 =	por p1, p2  }
.Ltmp4:
0x5c: {  	_ = 	snop;
	(pc) =	sbr.rel @p1 .LBB2_9-.Ltmp4, $1  }
0x5d: {  	_ =	sdelay $0x3  }
0x5e: {  	s0 =	sadd.s32 $0xFFFFFFFE, s24  }
0x5f: {  	s2 =	smulhi.u32 $0xAAAAAAAB, s0;
	_ =	sdelay $0x1  }
0x60: {  	s2 =	sshrl.u32 s2, $0x1  }
0x61: {  	s2 =	smul.u32 $0x3, s2;
	_ =	sdelay $0x1  }
0x62: {  	s0 =	ssub.s32 s0, s2  }
0x63: {  	_ =	swait.ge [sflag:s8], $0x3E80;
	s0 =	smul.u32 $0x1F40, s0  }
0x64: {  	p1 =	sne.s32 s24, s11;
	[sflag:s8] =	ssyncset.done $0x0  }
0x65: {  	[sflag:s8] =	ssyncadd.s32 $0xFFFFC180;
	s2 =	sadd.s32 @!p1 $0x203F, s0  }
0x66: {  	[spmem:s14] =	stream.linear.scatter @!p1 [tilespmem:s2], [sflag:$0x1], $0x1, $0x38;
	[tilespmem:$0x11A60] =	vst v63  }
0x67: {  	s2 =	simm.s32 @!p1 $0x1  }
0x68: {  	_ =	swait.ge @!p1 [sflag:s2], $0x1  }
0x69: {  	s22 =	sshll.u32 s24, $0x4;
	[sflag:s2] =	ssyncset.done @!p1 $0x0  }
0x6a: {  	s25 =	sand.u32 $0x10, s22;
	[sflag:s2] =	ssyncadd.s32 @!p1 $0xFFFFFFFF  }
0x6b: {  	s2 =	sxor.u32 $0x10, s25;
	v4 =	vld [tilespmem:s25+$0x10]  }
0x6c: {  	v5 =	vld [tilespmem:s2+$0x60]  }
0x6d: {  	v3 =	vld [tilespmem:$0x80];
	_ =	sdelay $0x2  }
0x6e: {  	(v2sf) =	vpush v4, $0x0  }
0x6f: {  	(v2sf) =	vpush v5, $0x0  }
0x70: {  	(v2sf) =	vpush v3, $0x0;
	_ =	sdelay $0xc  }
0x71: {  	s22 =	spop (v2sf)  }
0x72: {  	s26 =	spop (v2sf)  }
0x73: {  	s28 =	spop (v2sf)  }
0x74: {  	p2 =	seq.s32 s22, s26;
	p3 =	seq.s32 s28, s22  }
0x75: {  	p3 =	por p2, p3  }
0x76: {  	s26 =	sand.u32 $0x1, s24;
	v4 =	vpsel p3, $0xFFFFFFFF, v4  }
0x77: {  	s29 =	smul.u32 $0x1F40, s26;
	[tilespmem:s25+$0x10] =	vst.msk $0x1, v4  }
0x78: {  	v4 =	vld [tilespmem:$0x30]  }
0x79: {  	v5 =	vld [tilespmem:s29+$0x9D40]  }
0x7a: {  	v6 =	vld [tilespmem:s25+$0x40];
	_ =	sdelay $0x3  }
0x7b: {  	vm4 =	vmmov vm1;
	v5 =	vadd.f32 v5, v4  }
0x7c: {  	vm5 =	vmmov vm2;
	vm4 =	vmmov @p2 vm2;
	s22 =	sshll.u32 s26, $0x4;
	v4 =	vadd.f32 v6, v4  }
0x7d: {  	s26 =	sor.u32 $0x11A40, s22;
	vm5 =	vmmov @p3 vm1;
	[tilespmem:s29+$0x9D40] =	vst.msk vm4, v5  }
0x7e: {  	[tilespmem:s26+$0x0] =	vst.msk vm5, v4  }
0x7f: {  	v4 =	vld [tilespmem:s29+$0x7DF0];
	_ =	sdelay $0x3  }
0x80: {  	v5 =	vimm.f32 $0.0e+00  }
0x81: {  	v4 =	vshift.insert v4, v5, s21  }
0x82: {  	s22 =	sor.u32 $0x40, s2  }
0x83: {  	[tilespmem:s22+$0x0] =	vst.msk $0x1, v4  }
0x84: {  	[tilespmem:s29+$0x7DFF] =	vst.msk $0x1, v5  }
0x85: {  	v4 =	vld [tilespmem:s0+$0x2030];
	_ =	sdelay $0x1  }
0x86: {  	s22 =	smulhi.u32 $0xAAAAAAAB, s20;
	s0 =	simm.s32 $0x1  }
0x87: {  	s0 =	simm.s32 @!p0 $0x0  }
0x88: {  	s22 =	sshrl.u32 s22, $0x1;
	s0 =	smul.u32 $0x7D00, s0  }
0x89: {  	s22 =	smul.u32 $0xFFFE8900, s22;
	v4 =	vshift.insert v4, v1, s21  }
0x8a: {  	s0 =	sshrl.u32 s0, $0x2  }
0x8b: {  	s22 =	sshra.s32 s22, $0x2;
	s30 =	sadd.s32 $0x9D40, s0;
	[tilespmem:s2+$0x10] =	vst.msk $0x1, v4  }
0x8c: {  	s22 =	sadd.s32 s22, s19;
	v6 =	vld [tilespmem:s30+$0x0]  }
0x8d: {  	v7 =	vld [tilespmem:s22+$0x0];
	_ =	sdelay $0x3  }
0x8e: {  	v5 =	vadd.f32 v6, v5  }
0x8f: {  	vm4 =	vne.s32 v7, $0xFFFFFFFF  }
0x90: {  	(xrf2) =	vadd.seg.scan.f32 vm4, v5;
	_ =	sdelay $0x3  }
0x91: {  	s31 =	sadd.s32 $0x5EC0, s0;
	v5 =	vperm.xlane v4, v1  }
0x92: {  	v6 =	vld [tilespmem:s31+$0x0]  }
0x93: {  	vm5 =	veq.s32 v7, v3;
	vm6 =	veq.s32 v7, v5  }
0x94: {  	vm7 =	vgt.u32 v7, $0xFFFFFFFD;
	vm6 =	vmor vm6, vm5  }
0x95: {  	vm6 =	vmor vm6, vm7  }
0x96: {  	v9 =	vld [tilespmem:$0xA0];
	v7 =	vsel vm6, $0xFFFFFFFF, v7  }
0x97: {  	v10 =	vld [tilespmem:$0x90];
	v6 =	vsel vm5, $0x0, v6;
	v8, _, _ =	vpop (xrf2)  }
0x98: {  	v6 =	vadd.f32 v8, v6  }
0x99: {  	s0 =	sadd.s32 $0xDBC0, s0  }
0x9a: {  	vm4 =	vmand vm4, vm3;
	[tilespmem:s0+$0x0] =	vst v6;
	(ifvalue) =	ssetifvalue $0xFFFFFFFF  }
0x9b: {  	vm6 =	veq.s32 v9, $0x1;
	[hbm4b:s1+s16] =	stream.indirect_vreg.scatter [tilespmem:s0], [sflag:$0x2], $0x1, v7, vm0, $0x4038;
	v7 =	vsel vm4, $0x0, v8;
	[tilespmem:$0x11A60] =	vst v63  }
0x9c: {  	s2 =	simm.s32 $0x0;
	s22 =	sadd.s32 $0x10, s22;
	vm4 =	vmor vm6, vm5;
	v6 =	vsel vm5, v8, v10;
	v7 =	vshift.insert v7, v0, s21  }
.LBB2_7:
0x9d: {  	v8 =	vld [tilespmem:s22+$0x0];
	s30 =	sadd.s32 $0x10, s30  }
0x9e: {  	s31 =	sadd.s32 $0x10, s31;
	v9 =	vld [tilespmem:s30+$0x0]  }
0x9f: {  	s2 =	sadd.s32 $0x10, s2;
	v10 =	vld [tilespmem:s31+$0x0]  }
0xa0: {  	p2 =	slt.u32 s2, $0x1F30;
	_ =	sdelay $0x2  }
0xa1: {  	v7 =	vadd.f32 v9, v7  }
0xa2: {  	vm5 =	vne.s32 v8, $0xFFFFFFFF  }
0xa3: {  	vm6 =	vmand vm5, vm3;
	(xrf2) =	vadd.seg.scan.f32 vm5, v7;
	_ =	sdelay $0x5  }
0xa4: {  	vm7 =	veq.s32 v8, v5;
	vm5 =	veq.s32 v8, v3  }
0xa5: {  	vm8 =	vgt.u32 v8, $0xFFFFFFFD;
	vm4 =	vmor vm4, vm5;
	vm7 =	vmor vm7, vm5  }
0xa6: {  	vm7 =	vmor vm7, vm8  }
0xa7: {  	v8 =	vsel vm7, $0xFFFFFFFF, v8  }
.Ltmp5:
0xa8: {  	v7 =	vsel vm5, $0x0, v10;
	v9, _, _ =	vpop (xrf2);
	(pc) =	sbr.rel @p2 .LBB2_7-.Ltmp5, $4  }
0xa9: {  	v6 =	vsel vm5, v9, v6;
	v10 =	vadd.f32 v9, v7;
	v7 =	vsel vm6, $0x0, v9  }
0xaa: {  	s0 =	sadd.s32 $0x10, s0;
	v7 =	vshift.insert v7, v0, s21  }
0xab: {  	s22 =	sadd.s32 $0x10, s22;
	[tilespmem:s0+$0x0] =	vst v10;
	(ifvalue) =	ssetifvalue $0xFFFFFFFF  }
0xac: {  	[hbm4b:s1+s16] =	stream.indirect_vreg.scatter [tilespmem:s0], [sflag:$0x2], $0x1, v8, vm0, $0x4038;
	[tilespmem:$0x11A60] =	vst v63  }
0xad: {  	v3 =	vld [tilespmem:s29+$0xFAF0];
	_ =	sdelay $0x4  }
0xae: {  	v3 =	vshift.insert v3, v0, s21  }
0xaf: {  	s0 =	simm.s32 $0x30  }
0xb0: {  	[tilespmem:s0+$0x0] =	vst.msk $0x1, v3  }
0xb1: {  	v3 =	vsel vm4, $0x1, v1;
	[tilespmem:$0x90] =	vst v6  }
0xb2: {  	s0 =	sadd.s32 @!p1 $0xFAFF, s29;
	[tilespmem:$0xA0] =	vst v3  }
0xb3: {  	[spmem:s15] =	stream.linear.scatter @!p1 [tilespmem:s0], [sflag:$0x1], $0x1, $0x38;
	[tilespmem:$0x11A60] =	vst v63  }
0xb4: {  	s0 =	simm.s32 @!p1 $0x1  }
0xb5: {  	v3 =	vmctz.xlane @!p1 vm4;
	_ =	swait.ge @!p1 [sflag:s0], $0x1  }
0xb6: {  	(v2sf) =	vpush @!p1 v4, $0x0  }
0xb7: {  	(v2sf) =	vpush @!p1 v3, $0x0;
	_ =	sdelay $0xd  }
0xb8: {  	s2 =	spop @!p1 (v2sf)  }
0xb9: {  	s22 =	spop @!p1 (v2sf)  }
0xba: {  	p2 =	sne.s32 @!p1 s28, s2;
	p3 =	slt.s32 @!p1 s22, $0xF  }
0xbb: {  	[sflag:s0] =	ssyncset.done @!p1 $0x0;
	p2 =	por p2, p1;
	p3 =	por !p3, p1  }
0xbc: {  	[sflag:s0] =	ssyncadd.s32 @!p1 $0xFFFFFFFF;
	v3 =	vimm.s32 @!p2 $0xFFFFFFFF;
	s22 =	simm.s32 @p3 $0xF  }
0xbd: {  	[tilespmem:$0x80] =	vst @!p2 v3;
	s2 =	sadd.s32 @!p1 $0x90, s22  }
0xbe: {  	[spmem:s3] =	stream.linear.scatter @!p1 [tilespmem:s2], [sflag:$0x1], $0x1, $0x38;
	[tilespmem:$0x11A60] =	vst v63  }
0xbf: {  	_ =	swait.ge @!p1 [sflag:s0], $0x1  }
0xc0: {  	[sflag:s0] =	ssyncset.done @!p1 $0x0  }
0xc1: {  	s2 =	simm.s32 @!p1 $0x80;
	[sflag:s0] =	ssyncadd.s32 @!p1 $0xFFFFFFFF  }
0xc2: {  	[spmem:s13] =	stream.linear.scatter @!p1 [tilespmem:s2], [sflag:$0x1], $0x1, $0x38;
	[tilespmem:$0x11A60] =	vst v63  }
0xc3: {  	_ =	swait.ge @!p1 [sflag:s0], $0x1  }
0xc4: {  	[sflag:s0] =	ssyncset.done @!p1 $0x0  }
0xc5: {  	[sflag:s0] =	ssyncadd.s32 @!p1 $0xFFFFFFFF;
	(ifvalue) =	ssetifvalue $0xFFFFFFFF;
	v3 =	vld [tilespmem:s25+$0x10];
	_ =	sdelay $0x3  }
.Ltmp6:
0xc6: {  	_ = 	snop;
	(pc) =	sbr.rel .LBB2_9-.Ltmp6, $3  }
0xc7: {  	_ =	sdelay $0x1  }
0xc8: {  	(ifvalue) =	ssetifvalue $0xFFFFFFFF  }
0xc9: {  	[hbm4b:s1+s16] =	stream.indirect_vreg.scatter [tilespmem:s26], [sflag:$0x9], $0x1, v3, vm0, $0x4038;
	[tilespmem:$0x11A60] =	vst v63  }
.LBB2_10:
0xca: {  	_ =	sfence.sel $0x180000  }
0xcb: {  	s0 =	simm.s32 $0x7;
	[bflag:$0x0] =	sbarrier.arrive $0xFFFF  }
0xcc: {  	s26 =	simm.s32 $0x8;
	[sflag:s0] =	ssyncpa.u1 $0x1  }
0xcd: {  	s28 =	simm.s32 $0x9;
	[sflag:s26] =	ssyncpa.u1 $0x1  }
0xce: {  	[sflag:s28] =	ssyncpa.u1 $0x1  }
0xcf: {  	_ =	sfence.stream.spmem  }
0xd0: {  	s29 =	simm.s32 $0x3;
	[bflag:$0x0] =	sbarrier.arrive $0xFFFF  }
0xd1: {  	s30 =	simm.s32 $0x4;
	[sflag:s29] =	ssyncpa.u1 $0x1  }
0xd2: {  	s31 =	simm.s32 $0x3C;
	s2 =	stileid.u32;
	[sflag:s30] =	ssyncpa.u1 $0x1  }
0xd3: {  	p0 =	sne.s32 s2, $0x0;
	[sflag:s31] =	ssyncpa.u1 $0x1  }
0xd4: {  	s0 =	simm.s32 @p0 $0x1;
	_ =	sfence @p0  }
0xd5: {  	[sflag:s0] =	ssyncpa.u1 @p0 $0x1;
	s0 =	simm.s32 @p0 $0x2  }
0xd6: {  	[sflag:s0] =	ssyncpa.u1 @p0 $0x1  }
0xd7: {  	_ =	strace @p0 $0x90000053  }
0xd8: {  	[bflag:$0x2] =	sbarrier.arrive @p0 $0xFFFF  }
0xd9: {  	_ =	shalt @p0  }
.LBB2_11:
0xda: {  	_ =	sfence.stream.spmem;
	s0 =	simm.s32 $0x5  }
0xdb: {  	s2 =	simm.s32 $0x80;
	s3 =	simm.s32 $0xC0;
	[sflag:s0] =	ssyncpa.u1 $0x0  }
0xdc: {  	[tilespmem:s3], [sflag:$0x5] =	stream.linear.gather [spmem:s2], $0x20, $0x38;
	[tilespmem:$0x11A60] =	vst v63  }
0xdd: {  	s2 =	simm.s32 $0x0;
	s3 =	simm.s32 $0xE0  }
0xde: {  	[tilespmem:s3], [sflag:$0x5] =	stream.linear.gather [spmem:s2], $0x20, $0x38;
	[tilespmem:$0x11A60] =	vst v63  }
.Ltmp7:
0xdf: {  	_ = 	snop;
	(pc) =	sbr.rel .LBB2_12-.Ltmp7, $4  }
0xe0: {  	_ =	swait.ge [sflag:s0], $0x40  }
0xe1: {  	[sflag:s0] =	ssyncset.done $0x0  }
0xe2: {  	s31 =	simm.s32 $0x6;
	[sflag:s0] =	ssyncadd.s32 $0xFFFFFFC0  }
0xe3: {  	s4 =	simm.s32 $0x0;
	[sflag:s31] =	ssyncpa.u1 $0x0  }
.LBB2_17:
0xe4: {  	p0 =	sgt.u32 s5, $0x27FF  }
0xe5: {  	s0 =	sshrl.u32 @!p0 s5, $0x3  }
0xe6: {  	s5 =	sand.u32 @!p0 $0x7, s5;
	s6 =	simm.s32 @!p0 $0xB0;
	s0 =	sadd.s32 @!p0 s1, s0  }
0xe7: {  	[tilespmem:s6], [sflag:$0x6] =	stream.linear.gather @!p0 [hbm4b:s0+s5], $0x1, $0x38;
	[tilespmem:$0x11A60] =	vst v63  }
0xe8: {  	s0 =	simm.s32 @!p0 $0x6  }
0xe9: {  	_ =	swait.ge @!p0 [sflag:s0], $0x1  }
0xea: {  	[sflag:s0] =	ssyncset.done @!p0 $0x0  }
0xeb: {  	[sflag:s0] =	ssyncadd.s32 @!p0 $0xFFFFFFFF  }
0xec: {  	v2 =	vmov @!p0 s4;
	v1 =	vld.msk @!p0 [tilespmem:$0xB0], $0x1;
	_ =	sdelay $0x3  }
0xed: {  	s0 =	simm.s32 @!p0 $0xE0  }
0xee: {  	[tilespmem:v2+s0+$0x0], v1 =	vst.idx.ret.add.f32.msk @!p0 $0x1, v1  }
0xef: {  	[tilespmem:s2+$0xC0] =	vst.msk $0x1, v0  }
0xf0: {  	v0 =	vld.msk [tilespmem:s4+$0xE0], $0x1;
	_ =	sdelay $0x4  }
0xf1: {  	[tilespmem:s2+$0xE0] =	vst.msk $0x1, v0;
	s2 =	sadd.s32 $0x1, s2  }
.LBB2_19:
0xf2: {  	s4 =	sadd.s32 $0x1, s4  }
0xf3: {  	p0 =	sne.s32 s4, $0x20  }
.Ltmp8:
0xf4: {  	_ = 	snop;
	(pc) =	sbr.rel @!p0 .LBB2_20-.Ltmp8, $1  }
0xf5: {  	_ =	sdelay $0x3  }
.LBB2_12:
0xf6: {  	v0 =	vld.msk [tilespmem:s4+$0xC0], $0x1;
	_ =	sdelay $0x4  }
0xf7: {  	(v2sf) =	vpush v0, $0x0;
	_ =	sdelay $0xe  }
0xf8: {  	s5 =	spop (v2sf)  }
0xf9: {  	p0 =	seq.s32 s5, $0xFFFFFFFF  }
.Ltmp9:
0xfa: {  	_ = 	snop;
	(pc) =	sbr.rel @p0 .LBB2_19-.Ltmp9, $1  }
0xfb: {  	_ =	sdelay $0x3  }
0xfc: {  	p0 =	slt.s32 s2, $0x1  }
.Ltmp10:
0xfd: {  	_ = 	snop;
	(pc) =	sbr.rel @p0 .LBB2_17-.Ltmp10, $1  }
0xfe: {  	_ =	sdelay $0x3  }
0xff: {  	s0 =	simm.s32 $0xC0;
	p0 =	por $0x0, $0x0  }
0x100: {  	v1 =	vld.msk @!p0 [tilespmem:s0+$0x0], $0x1;
	_ =	sdelay $0x4  }
0x101: {  	(v2sf) =	vpush @!p0 v1, $0x0;
	_ =	sdelay $0xd  }
0x102: {  	p2 =	sne.s32 s2, $0x1  }
.Ltmp11:
0x103: {  	s6 =	spop @!p0 (v2sf);
	(pc) =	sbr.rel @!p2 .LBB2_16-.Ltmp11, $4  }
0x104: {  	p1 =	seq.s32 @!p0 s5, s6  }
0x105: {  	s6 =	simm.s32 $0x0;
	p1 =	por !p1, p0  }
0x106: {  	s8 =	simm.s32 $0xFFFFFFFF;
	s6 =	simm.s32 @p1 $0xFFFFFFFF  }
0x107: {  	s7 =	simm.s32 $0x1;
	s6 =	smov.u32 @p0 s8  }
.LBB2_15:
0x108: {  	s8 =	smov.u32 s6;
	p0 =	sne.s32 s6, $0xFFFFFFFF  }
0x109: {  	s0 =	sadd.s32 $0x1, s0;
	s6 =	smov.u32 s7;
	s7 =	sadd.s32 $0x1, s7  }
0x10a: {  	p1 =	sne.s32 s2, s7;
	v1 =	vld.msk @!p0 [tilespmem:s0+$0x0], $0x1;
	_ =	sdelay $0x4  }
0x10b: {  	(v2sf) =	vpush @!p0 v1, $0x0;
	_ =	sdelay $0xe  }
.Ltmp12:
0x10c: {  	s9 =	spop @!p0 (v2sf);
	(pc) =	sbr.rel @p1 .LBB2_15-.Ltmp12, $4  }
0x10d: {  	p2 =	seq.s32 @!p0 s5, s9  }
0x10e: {  	p2 =	por !p2, p0  }
0x10f: {  	s6 =	simm.s32 @p2 $0xFFFFFFFF  }
0x110: {  	s6 =	smov.u32 @p0 s8  }
.LBB2_16:
0x111: {  	p0 =	sne.s32 s6, $0xFFFFFFFF  }
.Ltmp13:
0x112: {  	_ = 	snop;
	(pc) =	sbr.rel @!p0 .LBB2_17-.Ltmp13, $1  }
0x113: {  	_ =	sdelay $0x3  }
0x114: {  	v0 =	vld.msk [tilespmem:s4+$0xE0], $0x1;
	v1 =	vmov s6  }
.Ltmp14:
0x115: {  	_ = 	snop;
	(pc) =	sbr.rel .LBB2_19-.Ltmp14, $2  }
0x116: {  	_ =	sdelay $0x2  }
0x117: {  	[tilespmem:v1+s3+$0x0], v0 =	vst.idx.ret.add.f32.msk $0x1, v0  }
.LBB2_20:
0x118: {  	p0 =	slt.s32 s2, $0x1  }
.Ltmp15:
0x119: {  	_ = 	snop;
	(pc) =	sbr.rel @p0 .LBB2_24-.Ltmp15, $3  }
0x11a: {  	_ =	sdelay $0x1  }
0x11b: {  	s0 =	simm.s32 $0x6  }
0x11c: {  	s3 =	simm.s32 $0x0;
	[sflag:s0] =	ssyncpa.u1 $0x1  }
0x11d: {  	s0 =	simm.s32 $0xC0  }
0x11e: {  	v0 =	vld.msk [tilespmem:s0+$0x0], $0x1;
	_ =	sdelay $0x4  }
0x11f: {  	(v2sf) =	vpush v0, $0x0;
	_ =	sdelay $0xe  }
0x120: {  	s2 =	sadd.s32 $0xFFFFFFFF, s2;
	s4 =	spop (v2sf)  }
0x121: {  	p1 =	sne.s32 s2, $0x0;
	p0 =	sgt.u32 s4, $0x27FF  }
.Ltmp16:
0x122: {  	s5 =	sshrl.u32 @!p0 s4, $0x3;
	(pc) =	sbr.rel @!p1 .LBB2_23-.Ltmp16, $4  }
0x123: {  	s0 =	simm.s32 $0xE0;
	s4 =	sand.u32 @!p0 $0x7, s4;
	s5 =	sadd.s32 @!p0 s1, s5  }
0x124: {  	[hbm4b:s5+s4] =	stream.linear.scatter @!p0 [tilespmem:s0], [sflag:$0x5], $0x1, $0x38;
	[tilespmem:$0x11A60] =	vst v63  }
0x125: {  	s5 =	simm.s32 $0x0  }
0x126: {  	s4 =	simm.s32 $0xC1;
	s5 =	simm.s32 @!p0 $0x4  }
.LBB2_22:
0x127: {  	v0 =	vld.msk [tilespmem:s4+$0x0], $0x1;
	s2 =	sadd.s32 $0xFFFFFFFF, s2;
	s3 =	sadd.s32 s3, s5  }
0x128: {  	p0 =	sne.s32 s2, $0x0;
	_ =	sdelay $0x3  }
0x129: {  	(v2sf) =	vpush v0, $0x0;
	_ =	sdelay $0xe  }
.Ltmp17:
0x12a: {  	s6 =	spop (v2sf);
	(pc) =	sbr.rel @p0 .LBB2_22-.Ltmp17, $4  }
0x12b: {  	s5 =	simm.s32 $0x0;
	p1 =	sgt.u32 s6, $0x27FF  }
0x12c: {  	s0 =	sadd.s32 $0x1, s0;
	s5 =	simm.s32 @!p1 $0x4;
	s7 =	sshrl.u32 @!p1 s6, $0x3  }
0x12d: {  	s4 =	sadd.s32 $0x1, s4;
	s6 =	sand.u32 @!p1 $0x7, s6;
	s7 =	sadd.s32 @!p1 s1, s7  }
0x12e: {  	[hbm4b:s7+s6] =	stream.linear.scatter @!p1 [tilespmem:s0], [sflag:$0x5], $0x1, $0x38;
	[tilespmem:$0x11A60] =	vst v63  }
.LBB2_23:
0x12f: {  	s0 =	sadd.s32 s3, s5  }
0x130: {  	s3 =	sshrl.u32 s0, $0x2  }
.LBB2_24:
0x131: {  	s0 =	simm.s32 $0x5  }
0x132: {  	_ =	swait.ge [sflag:s0], s3  }
0x133: {  	s1 =	ssub.s32 $0x0, s3;
	[sflag:s0] =	ssyncset.done $0x0  }
0x134: {  	[sflag:s0] =	ssyncadd.s32 s1  }
0x135: {  	[sflag:s0] =	ssyncpa.u1 $0x1  }
0x136: {  	s29 =	simm.s32 $0x1;
	_ =	sfence  }
0x137: {  	s30 =	simm.s32 $0x2;
	[sflag:s29] =	ssyncpa.u1 $0x1  }
0x138: {  	[sflag:s30] =	ssyncpa.u1 $0x1  }
0x139: {  	_ =	strace $0x90000053  }
0x13a: {  	[bflag:$0x2] =	sbarrier.arrive $0xFFFF  }
0x13b: {  	s31 =	rddreg [dreg:$0x1]  }
0x13c: {  	s0 =	sadd.s32 $0x100000, s31  }
0x13d: {  	[sflag:s0] =	ssyncadd.tile.s32 $0x1;
	_ =	shalt  }
.Lfunc_end2:
_tile_overlayer_lowered:
.L_overlay_start_2:
0x13e: {  	(tag) =	ssettag $0x2  }
0x13f: {  	s0 =	rddreg [dreg:$0x0];
	s2 =	stileid.u32  }
0x140: {  	s1 =	rddreg [dreg:$0x1];
	p0 =	sne.s32 s2, $0x0  }
0x141: {  	s3 =	rddreg [dreg:$0x2];
	[bflag:$0x3] =	sbarrier.arrive $0xFFFF;
	s2 =	simm.s32 @!p0 $0x1C01  }
0x142: {  	[timem:s3], [sflag:s2] =	dma.local @!p0 [hbm:s0], s1  }
0x143: {  	s0 =	simm.s32 @!p0 $0x1  }
0x144: {  	_ =	swait.ge @!p0 [sflag:s0], s1  }
0x145: {  	s1 =	ssub.s32 @!p0 $0x0, s1;
	[sflag:s0] =	ssyncset.done @!p0 $0x0  }
0x146: {  	[sflag:s0] =	ssyncadd.s32 @!p0 s1  }
0x147: {  	[bflag:$0x3] =	sbarrier.arrive $0xFFFF  }
0x148: {  	_ =	shalt  }

// kernel: scatter_offload_async_start
scs
__scs_entry_jumppad:
0x0: {  	(pc) =	sbr.rel $0x88, $3  }
0x1: {  	(tag) =	ssettag $0x0;
	lr =	simm.s32 $0x1  }
0x2: {  	[smem:$0x3F91] =	sst lr;
	_ =	strace $0xD0000000  }
0x3: {  	_ = 	snop  }
0x4: {  	_ = 	snop  }
0x5: {  	_ = 	snop  }
0x6: {  	_ = 	snop  }
0x7: {  	_ = 	snop  }
__scs_overlays_trampoline_lowered:
0x8: {  	[smem:$0x3FA0] =	sst s0  }
0x9: {  	[smem:$0x3FA1] =	sst s1  }
0xa: {  	[smem:$0x3FA2] =	sst s2  }
0xb: {  	[smem:$0x3FA3] =	sst s3  }
0xc: {  	[smem:$0x3FA4] =	sst s4  }
0xd: {  	[smem:$0x3FA5] =	sst s5  }
0xe: {  	[smem:$0x3FA6] =	sst s6  }
0xf: {  	[smem:$0x3FA7] =	sst s7  }
0x10: {  	[smem:$0x3FA8] =	sst s8  }
0x11: {  	[smem:$0x3FA9] =	sst s9;
	s0 =	simm.s32 @!p0 $0x0  }
0x12: {  	s1 =	sld [smem:$0x3F8F];
	s0 =	simm.s32 @p0 $0x1  }
0x13: {  	[smem:$0x3FAA] =	sst s0;
	s0 =	simm.s32 @!p1 $0x0  }
0x14: {  	s2 =	sld [smem:$0x3F8E];
	s0 =	simm.s32 @p1 $0x1  }
0x15: {  	[smem:$0x3FAB] =	sst s0;
	s0 =	simm.s32 @!p2 $0x0  }
0x16: {  	s3 =	sld [smem:$0x3FDB];
	s0 =	simm.s32 @p2 $0x1  }
0x17: {  	s4 =	simm.s32 $0x1BF5;
	[smem:$0x3FAD] =	sst s0  }
0x18: {  	s0 =	sld [smem:$0x3F90];
	_ =	swait.ge [sflag:s4], $0x0  }
0x19: {  	s7 =	sld [smem:$0x3F91]  }
0x1a: {  	s8 =	sadd.s32 $0xFFFFE003, lr  }
0x1b: {  	s9 =	sadd.s32 $0xFFFFFEF7, lr;
	s5 =	simm.s32 $0xFFFFFFFF;
	p2 =	slt.u32 s8, $0xFFFFF086  }
0x1c: {  	p1 =	slt.u32 s9, $0xF7A;
	s5 =	simm.s32 @!p2 $0x0  }
0x1d: {  	s5 =	simm.s32 @p1 $0x1;
	p0 =	seq.s32 s7, s2  }
0x1e: {  	s7 =	smul.u32 @!p0 $0xF7A, s2;
	p2 =	seq.s32 @!p0 s5, $0x0  }
0x1f: {  	s9 =	smul.u32 $0xF7A, s1;
	s8 =	simm.s32 @!p0 $0x1BF5;
	p2 =	por !p2, p0  }
0x20: {  	[sflag:s8] =	ssyncset.s32 @!p0 $0xFFFFF086;
	s6 =	sadd.s32 @!p0 s3, s7;
	s7 =	simm.s32 @!p0 $0x108  }
0x21: {  	s3 =	sadd.s32 s3, s9;
	s6 =	sadd.s32 @!p0 $0x88, s6;
	s7 =	simm.s32 @p2 $0x1082  }
0x22: {  	[simem:s7], [sflag:s8] =	dma.local @!p0 [hbm:s6], $0xF7A  }
0x23: {  	s9 =	sor.u32 $0xD0000000, s2;
	s6 =	simm.s32 $0x108;
	_ =	swait.ge @!p0 [sflag:s8], $0x0  }
0x24: {  	s3 =	sadd.s32 $0x88, s3;
	s6 =	simm.s32 @!p1 $0x1082;
	[sflag:s4] =	ssyncset.s32 $0xFFFFF086  }
0x25: {  	[simem:s6], [sflag:s4] =	dma.local [hbm:s3], $0xF7A  }
0x26: {  	[smem:$0x3F91] =	sst s1;
	(tag) =	ssettag s2;
	_ =	strace s9  }
0x27: {  	s1 =	sld [smem:$0x3FA1]  }
0x28: {  	s2 =	sld [smem:$0x3FA2]  }
0x29: {  	s4 =	sld [smem:$0x3FA4]  }
0x2a: {  	p0 =	seq.s32 s5, $0x0;
	s5 =	sld [smem:$0x3FA5]  }
0x2b: {  	s6 =	sld [smem:$0x3FA6]  }
0x2c: {  	s7 =	sld [smem:$0x3FA7]  }
0x2d: {  	s3 =	simm.s32 $0x108;
	s8 =	sld [smem:$0x3FA8]  }
0x2e: {  	s3 =	simm.s32 @!p0 $0x1082;
	s9 =	sld [smem:$0x3FA9]  }
0x2f: {  	lr =	sadd.s32 s0, s3;
	s0 =	sld [smem:$0x3FA0]  }
0x30: {  	s3 =	sld [smem:$0x3FA3]  }
0x31: {  	[smem:$0x3FAC] =	sst s10  }
0x32: {  	s10 =	sld [smem:$0x3FAA];
	_ =	sdelay $0x3  }
0x33: {  	p0 =	seq.s32 s10, $0x1;
	s10 =	sld [smem:$0x3FAC];
	_ =	sdelay $0x3  }
0x34: {  	[smem:$0x3FAC] =	sst s10  }
0x35: {  	s10 =	sld [smem:$0x3FAB];
	_ =	sdelay $0x3  }
0x36: {  	p1 =	seq.s32 s10, $0x1;
	s10 =	sld [smem:$0x3FAC];
	_ =	sdelay $0x3  }
0x37: {  	[smem:$0x3FAC] =	sst s10  }
0x38: {  	s10 =	sld [smem:$0x3FAD]  }
0x39: {  	_ = 	snop;
	(pc) =	sbr.ind lr, $3  }
0x3a: {  	_ = 	snop  }
0x3b: {  	_ = 	snop  }
0x3c: {  	p2 =	seq.s32 s10, $0x1;
	s10 =	sld [smem:$0x3FAC]  }
0x3d: {  	_ =	shalt  }
0x3e: {  	_ =	shalt  }
0x3f: {  	_ =	shalt  }
0x40: {  	_ =	shalt  }
0x41: {  	_ =	shalt  }
0x42: {  	_ =	shalt  }
0x43: {  	_ =	shalt  }
0x44: {  	_ =	shalt  }
0x45: {  	_ =	shalt  }
0x46: {  	_ =	shalt  }
0x47: {  	_ =	shalt  }
0x48: {  	_ =	shalt  }
0x49: {  	_ =	shalt  }
0x4a: {  	_ =	shalt  }
0x4b: {  	_ =	shalt  }
0x4c: {  	_ =	shalt  }
0x4d: {  	_ =	shalt  }
0x4e: {  	_ =	shalt  }
0x4f: {  	_ =	shalt  }
0x50: {  	_ =	shalt  }
0x51: {  	_ =	shalt  }
0x52: {  	_ =	shalt  }
0x53: {  	_ =	shalt  }
0x54: {  	_ =	shalt  }
0x55: {  	_ =	shalt  }
0x56: {  	_ =	shalt  }
0x57: {  	_ =	shalt  }
0x58: {  	_ =	shalt  }
0x59: {  	_ =	shalt  }
0x5a: {  	_ =	shalt  }
0x5b: {  	_ =	shalt  }
0x5c: {  	_ =	shalt  }
0x5d: {  	_ =	shalt  }
0x5e: {  	_ =	shalt  }
0x5f: {  	_ =	shalt  }
0x60: {  	_ =	shalt  }
0x61: {  	_ =	shalt  }
0x62: {  	_ =	shalt  }
0x63: {  	_ =	shalt  }
0x64: {  	_ =	shalt  }
0x65: {  	_ =	shalt  }
0x66: {  	_ =	shalt  }
0x67: {  	_ =	shalt  }
0x68: {  	_ =	shalt  }
0x69: {  	_ =	shalt  }
0x6a: {  	_ =	shalt  }
0x6b: {  	_ =	shalt  }
0x6c: {  	_ =	shalt  }
0x6d: {  	_ =	shalt  }
0x6e: {  	_ =	shalt  }
0x6f: {  	_ =	shalt  }
0x70: {  	_ =	shalt  }
0x71: {  	_ =	shalt  }
0x72: {  	_ =	shalt  }
0x73: {  	_ =	shalt  }
0x74: {  	_ =	shalt  }
0x75: {  	_ =	shalt  }
0x76: {  	_ =	shalt  }
0x77: {  	_ =	shalt  }
0x78: {  	_ =	shalt  }
0x79: {  	_ =	shalt  }
0x7a: {  	_ =	shalt  }
0x7b: {  	_ =	shalt  }
0x7c: {  	_ =	shalt  }
0x7d: {  	_ =	shalt  }
0x7e: {  	_ =	shalt  }
0x7f: {  	_ =	shalt  }
0x80: {  	_ =	shalt  }
0x81: {  	_ =	shalt  }
0x82: {  	_ =	shalt  }
0x83: {  	_ =	shalt  }
0x84: {  	_ =	shalt  }
0x85: {  	_ =	shalt  }
0x86: {  	_ =	shalt  }
0x87: {  	_ =	shalt  }
.Lfunc_end0:
.L_simem_size_0:
called_computation_lowered:
.L_overlay_start_0:
0x88: {  	s2 =	sld [smem:$0x3FD9]  }
0x89: {  	s3 =	sld [smem:$0x3FFE];
	_ =	sdelay $0x1  }
0x8a: {  	s1 =	srdreg.scid  }
0x8b: {  	s0 =	sand.u32 $0x1, s1  }
0x8c: {  	s15 =	sshll.u32 s0, $0xA;
	s2 =	sadd.s32 s3, s2  }
0x8d: {  	s2 =	sadd.s32 s2, s15  }
0x8e: {  	[smem:$0x3FB8] =	sst s2  }
0x8f: {  	_ = 	snop  }
0x90: {  	s16 =	sld [smem:$0x3FD0];
	(tm) =	ssettm $0x1  }
0x91: {  	s17 =	sld [smem:$0x3FFB];
	_ =	sdelay $0x3  }
0x92: {  	_ =	strace s17  }
0x93: {  	s2 =	sld [smem:$0x3FFC];
	_ =	sdelay $0x3  }
0x94: {  	_ =	strace s2  }
0x95: {  	s2 =	sld [smem:$0x3FFD];
	_ =	sdelay $0x3  }
0x96: {  	_ =	strace s2  }
0x97: {  	_ =	strace $0x8FFFFFFF  }
0x98: {  	s18 =	sld [smem:$0x3FDB];
	_ =	sdelay $0x1  }
0x99: {  	s4 =	simm.s32 $_scs_section_size  }
0x9a: {  	s5 =	simm.s32 $_size__tile_overlayer_lowered;
	s6 =	simm.s32 $_tile_overlayer_lowered  }
0x9b: {  	s7 =	simm.s32 $0x1BFF;
	s19 =	sshll.u32 s6, $0x1;
	s4 =	sadd.s32 s4, s18  }
0x9c: {  	s20 =	simm.s32 $0x0;
	s5 =	sshll.u32 s5, $0x1;
	s6 =	sadd.s32 s19, s4  }
0x9d: {  	[timem:s20], [sflag:s7] =	dma.local [hbm:s6], s5  }
0x9e: {  	_ =	swait.ge [sflag:s7], s5  }
0x9f: {  	s5 =	ssub.s32 $0x0, s5;
	[sflag:s7] =	ssyncset.done $0x0  }
0xa0: {  	[sflag:s7] =	ssyncadd.s32 s5;
	_ =	sdelay $0x1  }
0xa1: {  	s21 =	simm.s32 $0x1B8B  }
0xa2: {  	_ =	swait.ge [sflag:s21], $0x1  }
0xa3: {  	[sflag:s21] =	ssyncset.done $0x0  }
0xa4: {  	s22 =	sld [smem:$0x3FFE];
	[sflag:s21] =	ssyncadd.s32 $0xFFFFFFFF  }
0xa5: {  	s24 =	simm.s32 $0x1B8E;
	s23 =	sld [smem:$0x0]  }
0xa6: {  	s25 =	simm.s32 $execute0_lowered;
	[smem:$0x3FD2] =	sst s24  }
0xa7: {  	s7 =	sshll.u32 s25, $0x1;
	_ =	strace $0x8000004C;
	[dreg:$0x1] =	wrdreg $0xFFFFFFFF  }
0xa8: {  	s8 =	simm.s32 $_size_execute0_lowered;
	s7 =	sadd.s32 s4, s7;
	[dreg:$0x0] =	wrdreg $0x0  }
0xa9: {  	s8 =	sshll.u32 s8, $0x1;
	[dreg:$0x2] =	wrdreg s7  }
0xaa: {  	[dreg:$0x3] =	wrdreg s8  }
0xab: {  	[dreg:$0x4] =	wrdreg $0xC0  }
0xac: {  	s26 =	simm.s32 $execute1_lowered;
	_ =	task [dreg:s20], $0x5FFFF  }
0xad: {  	s7 =	sshll.u32 s26, $0x1;
	[dreg:$0x1] =	wrdreg $0xFFFFFFFF  }
0xae: {  	s4 =	sadd.s32 s4, s7;
	[dreg:$0x0] =	wrdreg $0x60  }
0xaf: {  	[dreg:$0x2] =	wrdreg s4  }
0xb0: {  	[dreg:$0x3] =	wrdreg s16  }
0xb1: {  	[dreg:$0x4] =	wrdreg s22  }
0xb2: {  	[dreg:$0x5] =	wrdreg $0x9  }
0xb3: {  	_ =	task.clear_ibuf [dreg:s20], $0x6FFFF;
	_ =	strace $0x9000004C  }
0xb4: {  	s28 =	simm.s32 $0x9;
	_ =	strace $0x8000004E  }
0xb5: {  	_ =	swait.ge [sflag:s28], $0x1  }
0xb6: {  	[sflag:s28] =	ssyncadd.s32 $0xFFFFFFFF  }
0xb7: {  	_ =	strace $0x9000004E  }
0xb8: {  	s3 =	sld [smem:$0x0]  }
0xb9: {  	s4 =	sand.u32 $0xFFFFFFFE, s1  }
0xba: {  	p0 =	sne.s32 s1, s4  }
0xbb: {  	s4 =	sshll.u32 @p0 s4, $0xE  }
0xbc: {  	s4 =	sadd.s32 @p0 $0x11BF3, s4;
	s7 =	sshll.u32 @p0 s3, $0x11  }
0xbd: {  	s4 =	sor.u32 @p0 s7, s4  }
0xbe: {  	[sflag:s4] =	ssyncadd.remote.s32 @p0 $0x1;
	_ =	sdelay $0x1  }
0xbf: {  	s4 =	simm.s32 @p0 $0x1BF3  }
0xc0: {  	_ =	swait.eq @p0 [sflag:s4], $0x1  }
0xc1: {  	[sflag:s4] =	ssyncadd.s32 @p0 $0xFFFFFFFF  }
0xc2: {  	s7 =	sshll.u32 @!p0 s1, $0xE  }
0xc3: {  	s7 =	sor.u32 @!p0 $0x4000, s7;
	s4 =	simm.s32 @!p0 $0x1BF3  }
0xc4: {  	s3 =	sshll.u32 @!p0 s3, $0x11;
	s7 =	sadd.s32 @!p0 $0x11BF3, s7;
	_ =	swait.eq @!p0 [sflag:s4], $0x1  }
0xc5: {  	s3 =	sor.u32 @!p0 s3, s7;
	[sflag:s4] =	ssyncadd.s32 @!p0 $0xFFFFFFFF  }
0xc6: {  	[sflag:s3] =	ssyncadd.remote.s32 @!p0 $0x1  }
0xc7: {  	_ =	strace $0x8000004F;
	[dreg:$0x1] =	wrdreg $0xFFFFFFFF  }
0xc8: {  	[dreg:$0x0] =	wrdreg $0x2030  }
0xc9: {  	[dreg:$0x2] =	wrdreg s22  }
0xca: {  	[dreg:$0x3] =	wrdreg s1  }
0xcb: {  	[dreg:$0x4] =	wrdreg s23  }
0xcc: {  	[dreg:$0x5] =	wrdreg $0xA  }
0xcd: {  	_ =	task.clear_ibuf [dreg:s20], $0x6FFFF;
	_ =	strace $0x9000004F  }
0xce: {  	s29 =	simm.s32 $0xA;
	_ =	strace $0x80000051  }
0xcf: {  	_ =	swait.ge [sflag:s29], $0x1  }
0xd0: {  	[sflag:s29] =	ssyncadd.s32 $0xFFFFFFFF  }
0xd1: {  	_ =	strace $0x90000051  }
0xd2: {  	_ =	sfence  }
0xd3: {  	s30 =	sld [smem:$0x0];
	_ =	sdelay $0x2  }
0xd4: {  	s31 =	sshll.u32 s1, $0xD;
	s1 =	sshrl.u32 s1, $0x2  }
0xd5: {  	s4 =	sand.u32 $0x4000, s31;
	s1 =	sadd.s32 s1, s30  }
0xd6: {  	s0 =	sor.u32 s4, s0;
	s1 =	sshll.u32 s1, $0x11  }
0xd7: {  	s0 =	sor.u32 s1, s0  }
0xd8: {  	s0 =	sadd.s32 $0x8F2B, s0  }
0xd9: {  	[sflag:s0] =	ssyncadd.remote.s32 $0x1  }
0xda: {  	_ =	sfence.sel $0xFFFF  }
0xdb: {  	[dreg:$0x0] =	wrdreg $0xFFFFFFFF;
	(pc) =	sbr.abs _section_cstart, $3  }
0xdc: {  	[dreg:$0x1] =	wrdreg $0xFFFFFFFF  }
0xdd: {  	_ =	task.clear_ibuf [dreg:s20], $0x2FFFF;
	_ =	strace $0x9FFFFFFF  }
0xde: {  	(tm) =	ssettm $0x7FFFFFFF  }
0xdf: {  	_ =	shalt  }
tec
execute0_lowered:
.L_overlay_start_1:
0x0: {  	(tag) =	ssettag $0x1  }
0x1: {  	s3 =	rddreg [dreg:$0x0]  }
0x2: {  	s2 =	rddreg [dreg:$0x1]  }
0x3: {  	s4 =	rddreg [dreg:$0x2]  }
0x4: {  	s0 =	rddreg [dreg:$0x3]  }
0x5: {  	s5 =	stileid.u32;
	[bflag:$0x3] =	sbarrier.arrive $0xFFFF;
	s1 =	simm.s32 $_size_execute1_lowered  }
0x6: {  	s29 =	srdreg.scid;
	s31 =	simm.s32 $0x2;
	p0 =	sne.s32 s5, $0x0  }
0x7: {  	s1 =	sshll.u32 s1, $0x1;
	s6 =	simm.s32 @!p0 $0x1C3F;
	s7 =	simm.s32 @!p0 $0x4060  }
0x8: {  	[timem:s7], [sflag:s6] =	dma.local @!p0 [hbm:s3], s1  }
0x9: {  	s8 =	simm.s32 $0x0;
	s12 =	simm.s32 $0x0;
	s3 =	sshll.u32 s29, $0x7  }
.Ltmp0:
0xa: {  	s5 =	sshll.u32 s5, $0x8;
	s3 =	sand.u32 $0x80, s3;
	(pc) =	sbr.rel .LBB2_1-.Ltmp0, $4  }
0xb: {  	s10 =	simm.s32 $0x0;
	s11 =	simm.s32 $0x0;
	s3 =	sor.u32 s5, s3  }
0xc: {  	_ =	strace $0x8000004D;
	s5 =	simm.s32 $0x1;
	s30 =	ssub.s32 $0x2700, s3  }
0xd: {  	s4 =	sadd.s32 $0x1000, s4;
	[sflag:s5] =	ssyncpa.u1 $0x0;
	s6 =	sshrl.u32 s30, $0xC  }
0xe: {  	s9 =	smov.u32 s3;
	[sflag:s31] =	ssyncpa.u1 $0x0;
	s7 =	sadd.s32 $0x2, s6  }
.LBB2_4:
0xf: {  	_ = 	snop  }
.LBB2_7:
0x10: {  	_ =	sdelay $0x3  }
0x11: {  	[tilespmem:v0+s16+$0x0 ss:$0x1] =	vst.idx.msk @p1 $0xffff, v2  }
0x12: {  	v56 =	vld.idx.msk [tilespmem:v1+s15+$0x0 ss:$0x1], $0xffff;
	s24 =	sor.u32 $0x70, s15;
	[tilespmem:v0+s17+$0x0 ss:$0x1] =	vst.idx.msk @p1 $0xffff, v4  }
0x13: {  	s25 =	sor.u32 $0x10, s15;
	[tilespmem:v0+s18+$0x0 ss:$0x1] =	vst.idx.msk @p1 $0xffff, v3;
	v57 =	vld.idx.msk [tilespmem:v1+s24+$0x0 ss:$0x1], $0xffff  }
0x14: {  	s26 =	sor.u32 $0x20, s15;
	[tilespmem:v0+s19+$0x0 ss:$0x1] =	vst.idx.msk @p1 $0xffff, v5;
	v58 =	vld.idx.msk [tilespmem:v1+s25+$0x0 ss:$0x1], $0xffff  }
0x15: {  	s28 =	sor.u32 $0x30, s15;
	[tilespmem:v0+s20+$0x0 ss:$0x1] =	vst.idx.msk @p1 $0xffff, v6;
	v59 =	vld.idx.msk [tilespmem:v1+s26+$0x0 ss:$0x1], $0xffff  }
0x16: {  	s29 =	sor.u32 $0x40, s15;
	[tilespmem:v0+s21+$0x0 ss:$0x1] =	vst.idx.msk @p1 $0xffff, v7;
	v60 =	vld.idx.msk [tilespmem:v1+s28+$0x0 ss:$0x1], $0xffff  }
0x17: {  	s30 =	sor.u32 $0x50, s15;
	v61 =	vld.idx.msk [tilespmem:v1+s29+$0x0 ss:$0x1], $0xffff;
	[tilespmem:v0+s15+$0x0 ss:$0x1] =	vst.idx.msk $0xffff, v56  }
0x18: {  	s31 =	sor.u32 $0x60, s15;
	v62 =	vld.idx.msk [tilespmem:v1+s30+$0x0 ss:$0x1], $0xffff;
	[tilespmem:v0+s24+$0x0 ss:$0x1] =	vst.idx.msk $0xffff, v57  }
0x19: {  	v63 =	vld.idx.msk [tilespmem:v1+s31+$0x0 ss:$0x1], $0xffff;
	[tilespmem:v0+s25+$0x0 ss:$0x1] =	vst.idx.msk $0xffff, v58  }
0x1a: {  	[tilespmem:v0+s26+$0x0 ss:$0x1] =	vst.idx.msk $0xffff, v59  }
0x1b: {  	[tilespmem:v0+s28+$0x0 ss:$0x1] =	vst.idx.msk $0xffff, v60  }
0x1c: {  	[tilespmem:v0+s29+$0x0 ss:$0x1] =	vst.idx.msk $0xffff, v61  }
0x1d: {  	[tilespmem:v0+s30+$0x0 ss:$0x1] =	vst.idx.msk $0xffff, v62  }
0x1e: {  	[tilespmem:v0+s31+$0x0 ss:$0x1] =	vst.idx.msk $0xffff, v63  }
.LBB2_8:
0x1f: {  	s15 =	sand.u32 $0x1FFFFFF, s10  }
0x20: {  	s16 =	smulhi.u32 $0x1A36E2F, s15;
	_ =	sdelay $0x1  }
0x21: {  	s16 =	sshrl.u32 s16, $0x6  }
0x22: {  	s16 =	smul.u32 $0x2710, s16;
	_ =	sdelay $0x1  }
0x23: {  	s15 =	ssub.s32 s15, s16  }
0x24: {  	s15 =	sshll.u32 s15, $0x4  }
0x25: {  	s15 =	sadd.s32 s4, s15  }
0x26: {  	[hbm4b:s15+s8] =	stream.linear.scatter [tilespmem:s14], [sflag:$0x2], s13, $0x38;
	[tilespmem:$0x10000] =	vst v63  }
.LBB2_9:
0x27: {  	p1 =	slt.u32 s11, $0x2  }
0x28: {  	p2 =	sgt.s32 @!p1 s12, $0x2690  }
0x29: {  	s13 =	smov.u32 s12;
	s14 =	sshra.s32 @!p1 s12, $0x1F;
	p2 =	por !p2, p1  }
0x2a: {  	s12 =	sand.u32 @!p1 s14, s12;
	s13 =	simm.s32 @p2 $0x2690  }
0x2b: {  	s12 =	ssub.s32 @!p1 s13, s12  }
0x2c: {  	s12 =	sadd.s32 @!p1 $0xFFFFD970, s12  }
0x2d: {  	s13 =	sshll.u32 @!p1 s12, $0x9  }
0x2e: {  	p2 =	sgt.s32 @!p1 s12, $0x7F;
	s12 =	ssub.s32 @!p1 $0x10000, s13  }
0x2f: {  	s14 =	sadd.s32 $0x1000, s9;
	p2 =	por !p2, p1;
	s12 =	sshrl.u32 @!p1 s12, $0x2  }
0x30: {  	s12 =	simm.s32 @!p2 $0x0;
	p2 =	sgt.s32 s14, $0x270F  }
0x31: {  	s14 =	smov.u32 @p2 s3;
	p2 =	sne.s32 s11, s7  }
.Ltmp1:
0x32: {  	_ = 	snop;
	(pc) =	sbr.rel @!p2 .LBB2_10-.Ltmp1, $4  }
0x33: {  	s13 =	simm.s32 @!p1 $0x2  }
0x34: {  	_ =	swait.ge @!p1 [sflag:s13], s12;
	s15 =	ssub.s32 @!p1 $0x0, s12  }
0x35: {  	s12 =	smov.u32 s10;
	s11 =	sadd.s32 $0x1, s11;
	[sflag:s13] =	ssyncset.done @!p1 $0x0  }
0x36: {  	s10 =	smov.u32 s9;
	s9 =	smov.u32 s14;
	[sflag:s13] =	ssyncadd.s32 @!p1 s15  }
.LBB2_1:
0x37: {  	p1 =	sgt.u32 s11, s6  }
0x38: {  	s13 =	sand.u32 @!p1 $0x1FFFFFF, s9  }
0x39: {  	p2 =	sgt.s32 @!p1 s9, $0x2690;
	s14 =	smulhi.u32 @!p1 $0x1A36E2F, s13  }
0x3a: {  	s15 =	smov.u32 s9;
	s16 =	sshra.s32 @!p1 s9, $0x1F;
	p2 =	por !p2, p1  }
0x3b: {  	s16 =	sand.u32 @!p1 s16, s9;
	s15 =	simm.s32 @p2 $0x2690;
	s14 =	sshrl.u32 @!p1 s14, $0x6  }
0x3c: {  	s15 =	ssub.s32 @!p1 s15, s16;
	s14 =	smul.u32 @!p1 $0x2710, s14  }
0x3d: {  	s16 =	sxor.u32 @!p1 $0xFFFFFFFF, s11;
	s15 =	sadd.s32 @!p1 $0xFFFFD970, s15  }
0x3e: {  	s16 =	sshll.u32 @!p1 s16, $0xE;
	s13 =	ssub.s32 @!p1 s13, s14;
	s14 =	sshll.u32 @!p1 s15, $0x9  }
0x3f: {  	s16 =	sand.u32 @!p1 $0x4000, s16;
	p2 =	sgt.s32 @!p1 s15, $0x7F;
	s14 =	ssub.s32 @!p1 $0x10000, s14  }
0x40: {  	p2 =	por !p2, p1;
	s13 =	sshll.u32 @!p1 s13, $0x4;
	s14 =	sshrl.u32 @!p1 s14, $0x2  }
0x41: {  	s15 =	simm.s32 @!p1 $0x0;
	s13 =	sadd.s32 @!p1 s2, s13;
	s14 =	simm.s32 @!p2 $0x0  }
0x42: {  	[tilespmem:s16], [sflag:$0x1] =	stream.linear.gather @!p1 [hbm4b:s13+s15], s14, $0x38;
	[tilespmem:$0x10000] =	vst v63  }
0x43: {  	p1 =	seq.s32 s11, $0x0  }
0x44: {  	p2 =	sge.u32 @!p1 s11, s7  }
0x45: {  	p1 =	por p1, p2  }
.Ltmp2:
0x46: {  	_ = 	snop;
	(pc) =	sbr.rel @p1 .LBB2_9-.Ltmp2, $1  }
0x47: {  	_ =	sdelay $0x3  }
0x48: {  	p1 =	sgt.s32 s10, $0x2690;
	s13 =	smov.u32 s10;
	s14 =	sshra.s32 s10, $0x1F  }
0x49: {  	s13 =	simm.s32 @!p1 $0x2690;
	s14 =	sand.u32 s14, s10  }
0x4a: {  	s13 =	ssub.s32 s13, s14  }
0x4b: {  	s13 =	sadd.s32 $0xFFFFD970, s13  }
0x4c: {  	s31 =	sshll.u32 s13, $0x9  }
0x4d: {  	s14 =	ssub.s32 $0x10000, s31  }
0x4e: {  	p1 =	sgt.s32 s13, $0x7F;
	s13 =	sshrl.u32 s14, $0x2;
	s14 =	sadd.s32 $0x80, s10  }
0x4f: {  	s13 =	simm.s32 @p1 $0x0;
	p1 =	slt.s32 s14, $0x2710  }
0x50: {  	s14 =	simm.s32 @!p1 $0x2710  }
0x51: {  	s16 =	ssub.s32 s14, s10  }
0x52: {  	p1 =	slt.s32 s16, $0x1  }
.Ltmp3:
0x53: {  	_ = 	snop;
	(pc) =	sbr.rel @p1 .LBB2_8-.Ltmp3, $4  }
0x54: {  	_ = 	snop  }
0x55: {  	s15 =	sshll.u32 s11, $0xE;
	_ =	swait.ge [sflag:s5], s13  }
0x56: {  	s15 =	sand.u32 $0x4000, s15;
	s17 =	ssub.s32 $0x0, s13;
	[sflag:s5] =	ssyncset.done $0x0  }
0x57: {  	s14 =	sor.u32 $0x8000, s15;
	[sflag:s5] =	ssyncadd.s32 s17  }
0x58: {  	p2 =	sne.s32 s16, $0x1  }
.Ltmp4:
0x59: {  	v1 =	vmov s15;
	v0 =	vmov s14;
	(pc) =	sbr.rel @!p2 .LBB2_4-.Ltmp4, $3  }
0x5a: {  	_ =	sdelay $0x1  }
0x5b: {  	s17 =	simm.s32 $0x0  }
0x5c: {  	s23 =	sadd.s32 $0xFFFFFFFF, s16;
	p1 =	por $0x0, $0x0;
	s15 =	sand.u32 $0x3F80, s17  }
0x5d: {  	_ =	sdelay $0x3  }
0x5e: {  	v6 =	vld.idx.msk [tilespmem:v1+s15+$0x0 ss:$0x1], $0xffff;
	s24 =	sor.u32 $0x70, s15  }
0x5f: {  	s16 =	sor.u32 $0x10, s15;
	v8 =	vld.idx.msk [tilespmem:v1+s24+$0x0 ss:$0x1], $0xffff  }
0x60: {  	s17 =	sor.u32 $0x20, s15;
	p2 =	sne.s32 s23, $0x1;
	v2 =	vld.idx.msk [tilespmem:v1+s16+$0x0 ss:$0x1], $0xffff  }
.Ltmp5:
0x61: {  	s18 =	sor.u32 $0x30, s15;
	v4 =	vld.idx.msk [tilespmem:v1+s17+$0x0 ss:$0x1], $0xffff;
	(pc) =	sbr.rel @!p2 .LBB2_7-.Ltmp5, $4  }
0x62: {  	s19 =	sor.u32 $0x40, s15;
	v3 =	vld.idx.msk [tilespmem:v1+s18+$0x0 ss:$0x1], $0xffff  }
0x63: {  	s21 =	sor.u32 $0x60, s15;
	v5 =	vld.idx.msk [tilespmem:v1+s19+$0x0 ss:$0x1], $0xffff  }
0x64: {  	s20 =	sor.u32 $0x50, s15;
	s22 =	simm.s32 $0x80;
	v7 =	vld.idx.msk [tilespmem:v1+s21+$0x0 ss:$0x1], $0xffff;
	[tilespmem:v0+s15+$0x0 ss:$0x1] =	vst.idx.msk $0xffff, v6  }
0x65: {  	s23 =	sadd.s32 $0xFFFFFFFF, s23;
	p1 =	por $0x1, $0x1;
	v6 =	vld.idx.msk [tilespmem:v1+s20+$0x0 ss:$0x1], $0xffff;
	s15 =	sand.u32 $0x3F80, s22;
	[tilespmem:v0+s24+$0x0 ss:$0x1] =	vst.idx.msk $0xffff, v8  }
.LBB2_6:
0x66: {  	p2 =	sne.s32 s23, $0x1;
	v8 =	vld.idx.msk [tilespmem:v1+s15+$0x0 ss:$0x1], $0xffff;
	s24 =	sor.u32 $0x70, s15;
	[tilespmem:v0+s16+$0x0 ss:$0x1] =	vst.idx.msk $0xffff, v2;
	s16 =	sor.u32 $0x10, s15  }
0x67: {  	s25 =	sor.u32 $0x30, s15;
	s26 =	sor.u32 $0x40, s15;
	v9 =	vld.idx.msk [tilespmem:v1+s24+$0x0 ss:$0x1], $0xffff;
	[tilespmem:v0+s17+$0x0 ss:$0x1] =	vst.idx.msk $0xffff, v4;
	s17 =	sor.u32 $0x20, s15  }
0x68: {  	s28 =	sor.u32 $0x50, s15;
	s29 =	sor.u32 $0x60, s15;
	v2 =	vld.idx.msk [tilespmem:v1+s16+$0x0 ss:$0x1], $0xffff;
	[tilespmem:v0+s18+$0x0 ss:$0x1] =	vst.idx.msk $0xffff, v3;
	s18 =	smov.u32 s25  }
.Ltmp6:
0x69: {  	v4 =	vld.idx.msk [tilespmem:v1+s17+$0x0 ss:$0x1], $0xffff;
	[tilespmem:v0+s19+$0x0 ss:$0x1] =	vst.idx.msk $0xffff, v5;
	s19 =	smov.u32 s26;
	(pc) =	sbr.rel @p2 .LBB2_6-.Ltmp6, $4  }
0x6a: {  	v3 =	vld.idx.msk [tilespmem:v1+s18+$0x0 ss:$0x1], $0xffff;
	[tilespmem:v0+s20+$0x0 ss:$0x1] =	vst.idx.msk $0xffff, v6;
	s20 =	smov.u32 s28  }
0x6b: {  	v5 =	vld.idx.msk [tilespmem:v1+s19+$0x0 ss:$0x1], $0xffff;
	[tilespmem:v0+s21+$0x0 ss:$0x1] =	vst.idx.msk $0xffff, v7;
	s21 =	smov.u32 s29  }
0x6c: {  	s22 =	sadd.s32 $0x80, s22;
	[tilespmem:v0+s15+$0x0 ss:$0x1] =	vst.idx.msk $0xffff, v8;
	v6 =	vld.idx.msk [tilespmem:v1+s20+$0x0 ss:$0x1], $0xffff  }
0x6d: {  	s23 =	sadd.s32 $0xFFFFFFFF, s23;
	s15 =	sand.u32 $0x3F80, s22;
	v7 =	vld.idx.msk [tilespmem:v1+s21+$0x0 ss:$0x1], $0xffff;
	[tilespmem:v0+s24+$0x0 ss:$0x1] =	vst.idx.msk $0xffff, v9  }
.Ltmp7:
0x6e: {  	_ = 	snop;
	(pc) =	sbr.rel .LBB2_7-.Ltmp7, $1  }
0x6f: {  	_ =	sdelay $0x3  }
.LBB2_10:
0x70: {  	_ =	sfence.sel $0x180000  }
0x71: {  	s2 =	simm.s32 $0x1;
	[bflag:$0x0] =	sbarrier.arrive $0xFFFF  }
0x72: {  	s31 =	simm.s32 $0x2;
	[sflag:s2] =	ssyncpa.u1 $0x1  }
0x73: {  	[sflag:s31] =	ssyncpa.u1 $0x1  }
0x74: {  	_ =	strace $0x9000004D  }
0x75: {  	s0 =	sadd.s32 @!p0 $0x100000, s0;
	[bflag:$0x2] =	sbarrier.arrive $0xFFFF  }
0x76: {  	[sflag:s0] =	ssyncadd.tile.s32 @!p0 $0x1;
	s0 =	simm.s32 @!p0 $0x3F  }
0x77: {  	_ =	swait.ge @!p0 [sflag:s0], s1  }
0x78: {  	s1 =	ssub.s32 @!p0 $0x0, s1;
	[sflag:s0] =	ssyncset.done @!p0 $0x0  }
0x79: {  	[sflag:s0] =	ssyncadd.s32 @!p0 s1  }
0x7a: {  	[bflag:$0x3] =	sbarrier.arrive $0xFFFF  }
0x7b: {  	_ =	shalt  }
.Lfunc_end2:
execute1_lowered:
.L_overlay_start_2:
0x7c: {  	(tag) =	ssettag $0x2  }
0x7d: {  	s2 =	rddreg [dreg:$0x0]  }
0x7e: {  	s3 =	rddreg [dreg:$0x1];
	_ =	strace $0x80000050;
	s0 =	simm.s32 $0x1  }
0x7f: {  	v0 =	vimm.s32 $0x0;
	[sflag:s0] =	ssyncpa.u1 $0x0;
	s0 =	simm.s32 $0x108  }
0x80: {  	[tilespmem:s0+$0x70] =	vst v0  }
0x81: {  	[tilespmem:s0+$0x60] =	vst v0  }
0x82: {  	[tilespmem:s0+$0x50] =	vst v0  }
0x83: {  	[tilespmem:s0+$0x40] =	vst v0  }
0x84: {  	s1 =	sadd.s32 $0x1000, s2;
	[tilespmem:s0+$0x30] =	vst v0  }
0x85: {  	s15 =	sadd.s32 $0x64CE00, s2;
	s6 =	sadd.s32 $0x660A00, s2;
	[tilespmem:s0+$0x20] =	vst v0  }
0x86: {  	s14 =	sadd.s32 $0x656C00, s2;
	s5 =	sand.u32 $0x1, s3;
	s3 =	simm.s32 $0x40;
	[tilespmem:s0+$0x10] =	vst v0  }
.LBB3_1:
0x87: {  	s3 =	sadd.s32 $0x40, s3;
	[tilespmem:s0+$0x0] =	vst v0;
	s0 =	sadd.s32 $0x80, s0  }
0x88: {  	p0 =	slt.u32 s3, $0x3C40;
	[tilespmem:s0+$0x70] =	vst v0  }
0x89: {  	[tilespmem:s0+$0x60] =	vst v0  }
.Ltmp8:
0x8a: {  	[tilespmem:s0+$0x50] =	vst v0;
	(pc) =	sbr.rel @p0 .LBB3_1-.Ltmp8, $4  }
0x8b: {  	[tilespmem:s0+$0x40] =	vst v0  }
0x8c: {  	[tilespmem:s0+$0x30] =	vst v0  }
0x8d: {  	[tilespmem:s0+$0x20] =	vst v0  }
0x8e: {  	[tilespmem:s0+$0x10] =	vst v0  }
0x8f: {  	s9 =	stileid.u32  }
0x90: {  	s2 =	smul.u32 $0x29, s9  }
0x91: {  	s3 =	smin.u32 s9, $0xB  }
0x92: {  	s2 =	sadd.s32 s3, s2  }
0x93: {  	p0 =	slt.u32 s9, $0xB;
	s7 =	smul.u32 $0xF0, s2;
	s2 =	simm.s32 $0x2760  }
0x94: {  	s2 =	simm.s32 @!p0 $0x2670  }
0x95: {  	s2 =	sadd.s32 s2, s7  }
0x96: {  	s8 =	smin.u32 s2, $0x27100  }
0x97: {  	s2 =	ssub.s32 s8, s7  }
0x98: {  	p0 =	sgt.s32 s2, $0x0  }
0x99: {  	s29 =	simm.s32 $0x2;
	s10 =	simm.s32 $0x9;
	s2 =	simm.s32 @!p0 $0x0  }
0x9a: {  	s4 =	simm.s32 $0xA;
	s11 =	simm.s32 $0xB;
	s28 =	smulhi.u32 $0x88888889, s2  }
0x9b: {  	[dreg:$0x4] =	wrdreg s5;
	s31 =	smul.u32 $0x4E20, s5;
	s12 =	simm.s32 $0x1  }
0x9c: {  	s22 =	simm.s32 $0x0;
	s18 =	simm.s32 $0xC;
	s30 =	sshrl.u32 s28, $0x7  }
0x9d: {  	s20 =	simm.s32 $0x0;
	s21 =	simm.s32 $0x0;
	s3 =	smul.u32 $0xF0, s30  }
.Ltmp9:
0x9e: {  	[tilespmem:s0+$0x0] =	vst v0;
	v0 =	vimm.s32 $0xFFFFFFFF;
	[sflag:s29] =	ssyncpa.u1 $0x0;
	s16 =	sshll.u32 s9, $0x8;
	(pc) =	sbr.rel .LBB3_3-.Ltmp9, $4  }
0x9f: {  	[tilespmem:$0xF208] =	vst v0;
	[sflag:s10] =	ssyncpa.u1 $0x0;
	p0 =	sne.s32 s2, s3;
	s2 =	simm.s32 $0x1  }
0xa0: {  	s14 =	sadd.s32 s31, s14;
	[sflag:s4] =	ssyncpa.u1 $0x0;
	s2 =	simm.s32 @!p0 $0x0  }
0xa1: {  	s15 =	sadd.s32 s31, s15;
	[sflag:s11] =	ssyncpa.u1 $0x0;
	s13 =	sadd.s32 s2, s30  }
0xa2: {  	v0 =	vlaneseq.u32;
	s19 =	smov.u32 s7;
	p0 =	por $0x0, $0x0;
	s17 =	sadd.s32 $0x1, s13  }
.LBB3_18:
0xa3: {  	s0 =	sshrl.u32 s31, $0x2  }
.LBB3_20:
0xa4: {  	_ =	swait.ge [sflag:s18], s0  }
0xa5: {  	s31 =	ssub.s32 $0x0, s0;
	v1 =	vmov s24;
	vm0 =	veq.s32 v0, $0x0;
	[sflag:s18] =	ssyncset.done $0x0  }
0xa6: {  	vm15 =	veq.s32 v0, $0x2;
	v1 =	vsel vm0, s30, v1;
	[sflag:s18] =	ssyncadd.s32 s31  }
0xa7: {  	v1 =	vsel vm15, s22, v1;
	[sflag:s18] =	ssyncpa.u1 $0x1  }
0xa8: {  	[tilespmem:$0xF208] =	vst v1  }
.LBB3_21:
0xa9: {  	s0 =	sadd.s32 $0xF0, s19  }
0xaa: {  	s2 =	smov.u32 s7;
	p1 =	slt.s32 s0, s8  }
0xab: {  	s2 =	smov.u32 @p1 s0;
	p1 =	sne.s32 s21, s17  }
.Ltmp10:
0xac: {  	_ = 	snop;
	(pc) =	sbr.rel @!p1 .LBB3_22-.Ltmp10, $3  }
0xad: {  	_ =	sdelay $0x1  }
0xae: {  	s22 =	smov.u32 s20;
	s31 =	sadd.s32 $0x1, s21;
	s20 =	smov.u32 s19  }
0xaf: {  	p0 =	por !p0, !p0;
	s21 =	smov.u32 s31;
	s19 =	smov.u32 s2  }
.LBB3_3:
0xb0: {  	p1 =	sge.u32 s21, s13  }
0xb1: {  	s0 =	smulhi.u32 @!p1 $0xAAAAAAAB, s21  }
0xb2: {  	s2 =	smov.u32 s19;
	p2 =	sgt.s32 @!p1 s19, $0x27010  }
0xb3: {  	s3 =	sshra.s32 @!p1 s19, $0x1F;
	p2 =	por !p2, p1;
	s0 =	sshrl.u32 @!p1 s0, $0x1  }
0xb4: {  	s3 =	sand.u32 @!p1 s3, s19;
	s2 =	simm.s32 @p2 $0x27010;
	s0 =	smul.u32 @!p1 $0x3, s0  }
0xb5: {  	s2 =	ssub.s32 @!p1 s2, s3  }
0xb6: {  	s2 =	sadd.s32 @!p1 $0xFFFD8FF0, s2;
	s0 =	ssub.s32 @!p1 s21, s0  }
0xb7: {  	s3 =	sshll.u32 @!p1 s2, $0x2;
	p2 =	sgt.s32 @!p1 s2, $0xEF;
	s0 =	smul.u32 @!p1 $0x3C0, s0  }
0xb8: {  	s4 =	sand.u32 @!p1 $0x7, s19;
	s2 =	ssub.s32 @!p1 $0x3C0, s3;
	p2 =	por !p2, p1  }
0xb9: {  	s3 =	sshrl.u32 @!p1 s19, $0x3;
	s2 =	sshrl.u32 @!p1 s2, $0x2;
	s0 =	sshrl.u32 @!p1 s0, $0x2  }
0xba: {  	s3 =	sadd.s32 @!p1 s3, s14;
	s2 =	simm.s32 @!p2 $0x0;
	s0 =	sadd.s32 @!p1 $0x10248, s0  }
0xbb: {  	[tilespmem:s0], [sflag:$0xA] =	stream.linear.gather @!p1 [hbm4b:s3+s4], s2, $0x38;
	[tilespmem:$0x1F6F8] =	vst v63  }
0xbc: {  	s0 =	sadd.s32 $0xFFFFFFFF, s21  }
0xbd: {  	p1 =	sge.u32 s0, s13  }
0xbe: {  	p2 =	sgt.s32 @!p1 s20, $0x27010  }
0xbf: {  	s2 =	smov.u32 s20;
	s3 =	sshra.s32 @!p1 s20, $0x1F;
	p2 =	por !p2, p1  }
0xc0: {  	s3 =	sand.u32 @!p1 s3, s20;
	s2 =	simm.s32 @p2 $0x27010  }
0xc1: {  	s2 =	ssub.s32 @!p1 s2, s3  }
0xc2: {  	s2 =	sadd.s32 @!p1 $0xFFFD8FF0, s2  }
0xc3: {  	s4 =	sand.u32 @!p1 $0x1, s0;
	s3 =	sshll.u32 @!p1 s2, $0x2  }
0xc4: {  	p2 =	sgt.s32 @!p1 s2, $0xEF;
	s2 =	ssub.s32 @!p1 $0x3C0, s3;
	s3 =	smulhi.u32 @!p1 $0xAAAAAAAB, s0  }
0xc5: {  	s23 =	smul.u32 @!p1 $0x3C0, s4;
	p2 =	por !p2, p1;
	s2 =	sshrl.u32 @!p1 s2, $0x2  }
0xc6: {  	s5 =	simm.s32 @!p1 $0xA;
	s2 =	simm.s32 @!p2 $0x0;
	s3 =	sshrl.u32 @!p1 s3, $0x1  }
0xc7: {  	s23 =	sshrl.u32 @!p1 s23, $0x2;
	_ =	swait.ge @!p1 [sflag:s5], s2;
	s3 =	smul.u32 @!p1 $0x3, s3  }
0xc8: {  	s23 =	sadd.s32 @!p1 $0x10518, s23;
	s24 =	ssub.s32 @!p1 $0x0, s2;
	[sflag:s5] =	ssyncset.done @!p1 $0x0  }
0xc9: {  	[sflag:s5] =	ssyncadd.s32 @!p1 s24;
	s5 =	sshrl.u32 @!p1 s20, $0x3;
	s0 =	ssub.s32 @!p1 s0, s3  }
0xca: {  	s24 =	sand.u32 @!p1 $0x7, s20;
	s5 =	sadd.s32 @!p1 s5, s15;
	s0 =	smul.u32 @!p1 $0x3C0, s0  }
0xcb: {  	[tilespmem:s23], [sflag:$0xB] =	stream.linear.gather @!p1 [hbm4b:s5+s24], s2, $0x38;
	[tilespmem:$0x1F6F8] =	vst v63  }
0xcc: {  	s3 =	ssub.s32 @!p1 $0x27100, s20;
	s2 =	smul.u32 @!p1 $0x1E000, s4  }
0xcd: {  	p2 =	slt.s32 @!p1 s3, $0xF0  }
0xce: {  	p2 =	por !p2, p1;
	s0 =	sshrl.u32 @!p1 s0, $0x2;
	s2 =	sshrl.u32 @!p1 s2, $0x2  }
0xcf: {  	s3 =	simm.s32 @p2 $0xF0;
	s0 =	sadd.s32 @!p1 $0x10248, s0;
	s2 =	sor.u32 @!p1 $0x106F8, s2  }
0xd0: {  	[tilespmem:s2], [sflag:$0x9] =	stream.indirect.gather @!p1 [hbm4b:s6+s3], $0x80, s0, s3, $0xb8;
	[tilespmem:$0x1F6F8] =	vst v63  }
0xd1: {  	p1 =	slt.u32 s21, $0x2  }
.Ltmp11:
0xd2: {  	_ = 	snop;
	(pc) =	sbr.rel @p1 .LBB3_21-.Ltmp11, $1  }
0xd3: {  	_ =	sdelay $0x3  }
0xd4: {  	p1 =	sgt.s32 s22, $0x27010  }
0xd5: {  	s0 =	smov.u32 s22;
	s2 =	sshra.s32 s22, $0x1F;
	s3 =	ssub.s32 $0x27100, s22  }
0xd6: {  	s0 =	simm.s32 @!p1 $0x27010;
	s2 =	sand.u32 s2, s22;
	p1 =	slt.s32 s3, $0xF0  }
0xd7: {  	s0 =	ssub.s32 s0, s2;
	s3 =	simm.s32 @!p1 $0xF0  }
0xd8: {  	s0 =	sadd.s32 $0xFFFD8FF0, s0;
	s25 =	sshll.u32 s3, $0x7  }
0xd9: {  	s26 =	sshll.u32 s0, $0x2;
	s2 =	sand.u32 $0x3FFFFF80, s25  }
0xda: {  	p1 =	sgt.s32 s0, $0xEF;
	s29 =	ssub.s32 $0x3C0, s26;
	_ =	swait.ge [sflag:s10], s2  }
0xdb: {  	s2 =	ssub.s32 $0x0, s2;
	[sflag:s10] =	ssyncset.done $0x0;
	s0 =	sshrl.u32 s29, $0x2  }
0xdc: {  	[sflag:s10] =	ssyncadd.s32 s2;
	s0 =	simm.s32 @p1 $0x0  }
0xdd: {  	_ =	swait.ge [sflag:s11], s0  }
0xde: {  	s0 =	ssub.s32 $0x0, s0;
	[sflag:s11] =	ssyncset.done $0x0  }
0xdf: {  	[sflag:s11] =	ssyncadd.s32 s0  }
0xe0: {  	v1 =	vld [tilespmem:$0xF208];
	_ =	sdelay $0x4  }
0xe1: {  	(v2sf) =	vpush v1, $0x0  }
0xe2: {  	(v2sf) =	vpush v1, $0x1  }
0xe3: {  	(v2sf) =	vpush v1, $0x2;
	_ =	sdelay $0x3  }
0xe4: {  	s0 =	sadd.s32 $0xF0, s22  }
0xe5: {  	s2 =	ssub.s32 $0x4E200, s22;
	p1 =	slt.s32 s8, s0  }
0xe6: {  	s0 =	smov.u32 @p1 s8;
	p1 =	sgt.s32 s2, $0x0  }
0xe7: {  	s26 =	ssub.s32 s0, s22;
	s2 =	simm.s32 @!p1 $0x0  }
0xe8: {  	p1 =	slt.s32 s2, s26  }
0xe9: {  	s26 =	smov.u32 @p1 s2  }
0xea: {  	s25 =	simm.s32 $0x1;
	p1 =	slt.s32 s26, $0x1  }
.Ltmp12:
0xeb: {  	s25 =	simm.s32 @!p0 $0x0;
	(pc) =	sbr.rel @p1 .LBB3_8-.Ltmp12, $4  }
0xec: {  	s31 =	smul.u32 $0x3C0, s25  }
0xed: {  	s28 =	spop (v2sf)  }
0xee: {  	s0 =	sshrl.u32 s31, $0x2;
	s30 =	spop (v2sf)  }
0xef: {  	s23 =	sadd.s32 $0x10518, s0;
	s22 =	spop (v2sf)  }
0xf0: {  	s0 =	smin.u32 s26, $0x10  }
0xf1: {  	v1 =	vmov s0  }
0xf2: {  	p2 =	sgt.s32 s26, $0x10;
	vm1 =	vgt.u32 v1, v0  }
.Ltmp13:
0xf3: {  	_ = 	snop;
	(pc) =	sbr.rel @!p2 .LBB3_7-.Ltmp13, $2  }
0xf4: {  	_ =	sdelay $0x2  }
0xf5: {  	s4 =	simm.s32 $0x10;
	s24 =	sadd.s32 $0xFFFFFFF0, s26;
	s0 =	smov.u32 s23;
	vm0 =	vmmov vm1  }
.LBB3_6:
0xf6: {  	s2 =	smin.u32 s24, $0x10;
	s4 =	sadd.s32 $0x10, s4;
	v1 =	vld.msk [tilespmem:s0+$0x0 ss:$0x1], vm1  }
0xf7: {  	v2 =	vmov s2;
	p2 =	slt.s32 s4, s26  }
0xf8: {  	vm1 =	vgt.u32 v2, v0  }
.Ltmp14:
0xf9: {  	(pc) =	sbr.rel @p2 .LBB3_6-.Ltmp14, $3  }
0xfa: {  	_ =	sdelay $0x1  }
0xfb: {  	v1 =	vshll.u32 v1, $0x4  }
0xfc: {  	s24 =	sadd.s32 $0xFFFFFFF0, s24;
	[tilespmem:s0+$0x0] =	vst.msk vm0, v1;
	s0 =	sadd.s32 $0x10, s0;
	vm0 =	vmmov vm1  }
.LBB3_7:
0xfd: {  	_ =	sdelay $0x4  }
0xfe: {  	v1 =	vld.msk [tilespmem:s0+$0x0 ss:$0x1], vm1;
	_ =	sdelay $0x4  }
0xff: {  	v1 =	vshll.u32 v1, $0x4  }
0x100: {  	[tilespmem:s0+$0x0] =	vst.msk vm0, v1  }
.LBB3_8:
0x101: {  	s0 =	sand.u32 $0x1, s21  }
0x102: {  	s0 =	smul.u32 $0xF0, s0  }
0x103: {  	p2 =	sne.s32 s30, $0xFFFFFFFF  }
0x104: {  	v1 =	vld.msk @!p2 [tilespmem:s0+$0x10518], $0x1;
	_ =	sdelay $0x4  }
0x105: {  	(v2sf) =	vpush @!p2 v1, $0x0;
	_ =	sdelay $0xc  }
.Ltmp15:
0x106: {  	_ = 	snop;
	(pc) =	sbr.rel @p1 .LBB3_19-.Ltmp15, $4  }
0x107: {  	_ = 	snop  }
0x108: {  	s29 =	spop @!p2 (v2sf)  }
0x109: {  	s22 =	simm.s32 @!p2 $0x0;
	s24 =	smov.u32 s29  }
0x10a: {  	[sflag:s18] =	ssyncpa.u1 $0x0;
	s29 =	smov.u32 @p2 s28;
	s24 =	smov.u32 @p2 s30  }
0x10b: {  	v1 =	vld.msk [tilespmem:s23+$0x0], $0x1;
	_ =	sdelay $0x4  }
0x10c: {  	(v2sf) =	vpush v1, $0x0;
	_ =	sdelay $0xe  }
0x10d: {  	s2 =	smul.u32 $0x1E000, s25;
	s0 =	spop (v2sf)  }
0x10e: {  	s26 =	ssub.s32 $0x0, s26;
	p1 =	seq.s32 s29, s0  }
0x10f: {  	s30 =	sadd.s32 $0x1, s26;
	s2 =	sshrl.u32 s2, $0x2;
	p2 =	sgt.s32 @!p1 s29, $0x0  }
0x110: {  	s25 =	sor.u32 $0x10738, s2;
	s2 =	smov.u32 s29;
	p2 =	por !p2, p1  }
0x111: {  	s2 =	simm.s32 @p2 $0x0;
	p2 =	seq.s32 s30, $0x0  }
.Ltmp16:
0x112: {  	_ = 	snop;
	(pc) =	sbr.rel @p2 .LBB3_11-.Ltmp16, $4  }
0x113: {  	_ = 	snop  }
0x114: {  	s28 =	simm.s32 $0x0;
	s31 =	sadd.s32 $0x1, s23;
	s2 =	smin.u32 @!p1 s2, $0x270F0  }
0x115: {  	s4 =	simm.s32 @!p1 $0x1;
	s5 =	simm.s32 @!p1 $0x7988;
	s3 =	sand.u32 @!p1 $0x3FFF8, s2  }
0x116: {  	s4 =	smov.u32 @p1 s28;
	s2 =	sand.u32 @!p1 $0x7, s2;
	s3 =	sadd.s32 @!p1 s1, s3  }
.LBB3_10:
0x117: {  	s9 =	smov.u32 s4  }
0x118: {  	[tilespmem:s5], [sflag:$0x2] =	stream.linear.gather @!p1 [hbm4b:s3+s2], $0x80, $0x38;
	[tilespmem:$0x1F6F8] =	vst v63  }
0x119: {  	s30 =	sadd.s32 $0x1, s30;
	s2 =	smov.u32 s0;
	v1 =	vld.msk [tilespmem:s31+$0x0], $0x1  }
0x11a: {  	p2 =	seq.s32 s30, $0x0;
	_ =	sdelay $0x3  }
0x11b: {  	(v2sf) =	vpush v1, $0x0;
	_ =	sdelay $0xe  }
0x11c: {  	s0 =	spop (v2sf)  }
0x11d: {  	p1 =	seq.s32 s2, s0  }
0x11e: {  	p3 =	sgt.s32 @!p1 s2, $0x0;
	s3 =	sshll.u32 @!p1 s4, $0x9;
	s4 =	sadd.s32 @!p1 $0x1, s4  }
.Ltmp17:
0x11f: {  	p3 =	por !p3, p1;
	s3 =	sshra.s32 @!p1 s3, $0x2;
	(pc) =	sbr.rel @!p2 .LBB3_10-.Ltmp17, $4  }
0x120: {  	s4 =	smov.u32 @p1 s9;
	s2 =	simm.s32 @p3 $0x0;
	s5 =	sadd.s32 @!p1 $0x7988, s3  }
0x121: {  	s2 =	smin.u32 @!p1 s2, $0x270F0  }
0x122: {  	s3 =	sand.u32 @!p1 $0x3FFF8, s2;
	s2 =	sand.u32 @!p1 $0x7, s2  }
0x123: {  	s31 =	sadd.s32 $0x1, s31;
	s3 =	sadd.s32 @!p1 s1, s3  }
.LBB3_11:
0x124: {  	[tilespmem:s5], [sflag:$0x2] =	stream.linear.gather @!p1 [hbm4b:s3+s2], $0x80, $0x38;
	[tilespmem:$0x1F6F8] =	vst v63  }
.Ltmp18:
0x125: {  	s0 =	sshll.u32 s4, $0x7;
	(pc) =	sbr.rel .LBB3_12-.Ltmp18, $4  }
0x126: {  	s30 =	simm.s32 $0x2;
	s0 =	sand.u32 $0x3FFFFF80, s0  }
0x127: {  	_ =	swait.ge [sflag:s30], s0  }
0x128: {  	s0 =	ssub.s32 $0x0, s0;
	[sflag:s30] =	ssyncset.done $0x0  }
0x129: {  	s31 =	simm.s32 $0x0;
	[sflag:s30] =	ssyncadd.s32 s0  }
.LBB3_13:
0x12a: {  	v1 =	vld [tilespmem:s25+$0xFFFFFFC0];
	_ =	sdelay $0x3  }
0x12b: {  	s0 =	sshra.s32 s0, $0x2  }
0x12c: {  	[tilespmem:s0+$0x108] =	vst.add.f32.msk $0xffff, v1  }
0x12d: {  	v1 =	vld [tilespmem:s25+$0xFFFFFFD0];
	_ =	sdelay $0x4  }
0x12e: {  	[tilespmem:s0+$0x118] =	vst.add.f32.msk $0xffff, v1  }
0x12f: {  	v1 =	vld [tilespmem:s25+$0xFFFFFFE0];
	_ =	sdelay $0x4  }
0x130: {  	[tilespmem:s0+$0x128] =	vst.add.f32.msk $0xffff, v1  }
0x131: {  	v1 =	vld [tilespmem:s25+$0xFFFFFFF0];
	_ =	sdelay $0x4  }
0x132: {  	[tilespmem:s0+$0x138] =	vst.add.f32.msk $0xffff, v1  }
0x133: {  	v1 =	vld [tilespmem:s25+$0x0];
	_ =	sdelay $0x4  }
0x134: {  	[tilespmem:s0+$0x148] =	vst.add.f32.msk $0xffff, v1  }
0x135: {  	v1 =	vld [tilespmem:s25+$0x10];
	_ =	sdelay $0x4  }
0x136: {  	[tilespmem:s0+$0x158] =	vst.add.f32.msk $0xffff, v1  }
0x137: {  	v1 =	vld [tilespmem:s25+$0x20];
	_ =	sdelay $0x4  }
0x138: {  	[tilespmem:s0+$0x168] =	vst.add.f32.msk $0xffff, v1  }
0x139: {  	v1 =	vld [tilespmem:s25+$0x30];
	_ =	sdelay $0x4  }
0x13a: {  	[tilespmem:s0+$0x178] =	vst.add.f32.msk $0xffff, v1  }
.LBB3_17:
0x13b: {  	s26 =	sadd.s32 $0x1, s26  }
0x13c: {  	p1 =	seq.s32 s26, $0x0  }
.Ltmp19:
0x13d: {  	_ = 	snop;
	(pc) =	sbr.rel @p1 .LBB3_18-.Ltmp19, $2  }
0x13e: {  	_ =	sdelay $0x2  }
0x13f: {  	s23 =	sadd.s32 $0x1, s23;
	s25 =	sadd.s32 $0x80, s25;
	s29 =	smov.u32 s30  }
.LBB3_12:
0x140: {  	v1 =	vld.msk [tilespmem:s23+$0x0], $0x1;
	_ =	sdelay $0x4  }
0x141: {  	(v2sf) =	vpush v1, $0x0;
	_ =	sdelay $0xe  }
0x142: {  	s30 =	spop (v2sf)  }
0x143: {  	p1 =	sne.s32 s29, s30  }
.Ltmp20:
0x144: {  	_ = 	snop;
	(pc) =	sbr.rel @!p1 .LBB3_13-.Ltmp20, $2  }
0x145: {  	_ =	sdelay $0x2  }
0x146: {  	s0 =	sshll.u32 s22, $0x9  }
0x147: {  	p1 =	seq.s32 s29, s24  }
.Ltmp21:
0x148: {  	_ = 	snop;
	(pc) =	sbr.rel @!p1 .LBB3_15-.Ltmp21, $1  }
0x149: {  	_ =	sdelay $0x3  }
0x14a: {  	s0 =	sshra.s32 s0, $0x2  }
.Ltmp22:
0x14b: {  	s0 =	sadd.s32 $0x108, s0;
	(pc) =	sbr.rel .LBB3_16-.Ltmp22, $4  }
0x14c: {  	[spmem:s16] =	stream.linear.scatter [tilespmem:s0], [sflag:$0x1], $0x80, $0x38;
	[tilespmem:$0x1F6F8] =	vst v63  }
0x14d: {  	_ =	swait.ge [sflag:s12], $0x80  }
0x14e: {  	[sflag:s12] =	ssyncset.done $0x0  }
0x14f: {  	[sflag:s12] =	ssyncadd.s32 $0xFFFFFF80  }
.LBB3_15:
0x150: {  	s2 =	sshll.u32 s28, $0x9  }
0x151: {  	s2 =	sshra.s32 s2, $0x2  }
0x152: {  	v1 =	vld [tilespmem:s2+$0x7988];
	_ =	sdelay $0x3  }
0x153: {  	s0 =	sshra.s32 s0, $0x2  }
0x154: {  	[tilespmem:s0+$0x108] =	vst.add.f32.msk $0xffff, v1  }
0x155: {  	v1 =	vld [tilespmem:s2+$0x7998];
	_ =	sdelay $0x4  }
0x156: {  	[tilespmem:s0+$0x118] =	vst.add.f32.msk $0xffff, v1  }
0x157: {  	v1 =	vld [tilespmem:s2+$0x79A8];
	_ =	sdelay $0x4  }
0x158: {  	[tilespmem:s0+$0x128] =	vst.add.f32.msk $0xffff, v1  }
0x159: {  	v1 =	vld [tilespmem:s2+$0x79B8];
	_ =	sdelay $0x4  }
0x15a: {  	[tilespmem:s0+$0x138] =	vst.add.f32.msk $0xffff, v1  }
0x15b: {  	v1 =	vld [tilespmem:s2+$0x79C8];
	_ =	sdelay $0x4  }
0x15c: {  	[tilespmem:s0+$0x148] =	vst.add.f32.msk $0xffff, v1  }
0x15d: {  	v1 =	vld [tilespmem:s2+$0x79D8];
	_ =	sdelay $0x4  }
0x15e: {  	[tilespmem:s0+$0x158] =	vst.add.f32.msk $0xffff, v1  }
0x15f: {  	v1 =	vld [tilespmem:s2+$0x79E8];
	_ =	sdelay $0x4  }
0x160: {  	[tilespmem:s0+$0x168] =	vst.add.f32.msk $0xffff, v1  }
0x161: {  	v1 =	vld [tilespmem:s2+$0x79F8];
	_ =	sdelay $0x2  }
0x162: {  	p1 =	sgt.u32 s29, $0x270F0  }
0x163: {  	s2 =	sand.u32 @!p1 $0x3FFF8, s29  }
0x164: {  	s3 =	sadd.s32 $0x108, s0;
	[tilespmem:s0+$0x178] =	vst.add.f32.msk $0xffff, v1;
	s0 =	sadd.s32 @!p1 s1, s2;
	s2 =	sand.u32 @!p1 $0x7, s29  }
0x165: {  	[hbm4b:s0+s2] =	stream.linear.scatter @!p1 [tilespmem:s3], [sflag:$0xC], $0x80, $0x38;
	[tilespmem:$0x1F6F8] =	vst v63  }
0x166: {  	s0 =	simm.s32 $0x0  }
0x167: {  	s0 =	simm.s32 @!p1 $0x200  }
0x168: {  	s31 =	sadd.s32 s0, s31  }
.LBB3_16:
0x169: {  	s0 =	sadd.s32 $0x1, s22  }
0x16a: {  	s2 =	smulhi.u32 $0x88888889, s0;
	_ =	sdelay $0x1  }
0x16b: {  	v1 =	vld [tilespmem:s25+$0xFFFFFFC0];
	s2 =	sshrl.u32 s2, $0x7  }
0x16c: {  	s2 =	smul.u32 $0xF0, s2;
	_ =	sdelay $0x1  }
0x16d: {  	s22 =	ssub.s32 s0, s2  }
0x16e: {  	s0 =	sshll.u32 s22, $0x7  }
0x16f: {  	[tilespmem:s0+$0x108] =	vst v1  }
0x170: {  	v1 =	vld [tilespmem:s25+$0xFFFFFFD0];
	_ =	sdelay $0x4  }
0x171: {  	[tilespmem:s0+$0x118] =	vst v1  }
0x172: {  	v1 =	vld [tilespmem:s25+$0xFFFFFFE0];
	_ =	sdelay $0x4  }
0x173: {  	[tilespmem:s0+$0x128] =	vst v1  }
0x174: {  	v1 =	vld [tilespmem:s25+$0xFFFFFFF0];
	_ =	sdelay $0x4  }
0x175: {  	[tilespmem:s0+$0x138] =	vst v1  }
0x176: {  	v1 =	vld [tilespmem:s25+$0x0];
	_ =	sdelay $0x4  }
0x177: {  	[tilespmem:s0+$0x148] =	vst v1  }
0x178: {  	v1 =	vld [tilespmem:s25+$0x10];
	_ =	sdelay $0x4  }
0x179: {  	[tilespmem:s0+$0x158] =	vst v1  }
0x17a: {  	v1 =	vld [tilespmem:s25+$0x20];
	_ =	sdelay $0x4  }
0x17b: {  	[tilespmem:s0+$0x168] =	vst v1  }
0x17c: {  	v1 =	vld [tilespmem:s25+$0x30]  }
.Ltmp23:
0x17d: {  	_ = 	snop;
	(pc) =	sbr.rel .LBB3_17-.Ltmp23, $2  }
0x17e: {  	_ =	sdelay $0x2  }
0x17f: {  	s28 =	sadd.s32 $0x1, s28;
	[tilespmem:s0+$0x178] =	vst v1  }
.LBB3_19:
.Ltmp24:
0x180: {  	(pc) =	sbr.rel .LBB3_20-.Ltmp24, $4  }
0x181: {  	_ = 	snop  }
0x182: {  	s0 =	simm.s32 $0x2  }
0x183: {  	_ =	swait.ge [sflag:s0], $0x0  }
0x184: {  	s30 =	smov.u32 s29;
	[sflag:s0] =	ssyncset.done $0x0;
	s0 =	simm.s32 $0x0  }
.LBB3_22:
0x185: {  	_ =	sfence.sel $0x180000  }
0x186: {  	s0 =	simm.s32 $0x9;
	[bflag:$0x0] =	sbarrier.arrive $0xFFFF  }
0x187: {  	s24 =	simm.s32 $0xA;
	[sflag:s0] =	ssyncpa.u1 $0x1  }
0x188: {  	s25 =	simm.s32 $0xB;
	[sflag:s24] =	ssyncpa.u1 $0x1  }
0x189: {  	s26 =	simm.s32 $0x2;
	[sflag:s25] =	ssyncpa.u1 $0x1  }
0x18a: {  	[sflag:s26] =	ssyncpa.u1 $0x1  }
0x18b: {  	v0 =	vld [tilespmem:$0xF208];
	_ =	sdelay $0x4  }
0x18c: {  	(v2sf) =	vpush v0, $0x0  }
0x18d: {  	(v2sf) =	vpush v0, $0x1;
	_ =	sdelay $0x1  }
0x18e: {  	(v2sf) =	vpush v0, $0x2;
	_ =	sdelay $0xb  }
0x18f: {  	s0 =	spop (v2sf)  }
0x190: {  	s2 =	spop (v2sf)  }
0x191: {  	s3 =	smov.u32 s0;
	p0 =	sne.s32 s0, s2  }
0x192: {  	s4 =	spop (v2sf);
	s3 =	simm.s32 @!p0 $0xFFFFFFFF  }
0x193: {  	v2 =	vimm.s32 $0x1;
	v3 =	vlaneseq.u32;
	p0 =	seq.s32 s4, $0xFFFFFFFF;
	v1 =	vmov s3  }
0x194: {  	s16 =	stileid.u32;
	v0 =	vperm.xlane v0, v2;
	p1 =	sne.s32 @!p0 s0, s2;
	v1 =	vperm.xlane v1, v3  }
0x195: {  	vm0 =	vcmask $0x3F04;
	s6 =	simm.s32 $0xF208;
	s0 =	simm.s32 @!p0 $0x1;
	p1 =	por !p1, p0  }
0x196: {  	s3 =	sshll.u32 s16, $0x1;
	s2 =	sshll.u32 @!p0 s4, $0x9;
	s0 =	simm.s32 @p1 $0x0;
	v0 =	vsel vm0, v1, v0  }
0x197: {  	s5 =	sor.u32 $0x1000, s3;
	s2 =	sshra.s32 @!p0 s2, $0x2;
	s0 =	sor.u32 @!p0 s0, s3;
	[tilespmem:$0xF208] =	vst v0  }
0x198: {  	[spmem:s5] =	stream.linear.scatter [tilespmem:s6], [sflag:$0x1], $0x2, $0x38;
	[tilespmem:$0x1F6F8] =	vst v63  }
0x199: {  	s2 =	sadd.s32 @!p0 $0x108, s2;
	s0 =	sshll.u32 @!p0 s0, $0x7  }
0x19a: {  	[spmem:s0] =	stream.linear.scatter @!p0 [tilespmem:s2], [sflag:$0x1], $0x80, $0x38;
	[tilespmem:$0x1F6F8] =	vst v63  }
0x19b: {  	s0 =	simm.s32 @!p0 $0x82  }
0x19c: {  	s28 =	simm.s32 $0x1;
	s0 =	simm.s32 @p0 $0x2  }
0x19d: {  	_ =	swait.ge [sflag:s28], s0  }
0x19e: {  	s0 =	ssub.s32 $0x0, s0;
	[sflag:s28] =	ssyncset.done $0x0  }
0x19f: {  	p0 =	sne.s32 s16, $0x0;
	[sflag:s28] =	ssyncadd.s32 s0  }
.Ltmp25:
0x1a0: {  	_ =	sfence.stream.spmem;
	(pc) =	sbr.rel @p0 .LBB3_39-.Ltmp25, $4  }
0x1a1: {  	s29 =	simm.s32 $0x3;
	[bflag:$0x0] =	sbarrier.arrive $0xFFFF  }
0x1a2: {  	s30 =	simm.s32 $0x4;
	[sflag:s29] =	ssyncpa.u1 $0x1  }
0x1a3: {  	s31 =	simm.s32 $0x3C;
	[sflag:s30] =	ssyncpa.u1 $0x1  }
0x1a4: {  	s15 =	rddreg [dreg:$0x4];
	[sflag:s31] =	ssyncpa.u1 $0x1  }
0x1a5: {  	_ =	sfence.stream.spmem;
	s0 =	simm.s32 $0x5  }
0x1a6: {  	s2 =	simm.s32 $0x1000;
	s3 =	simm.s32 $0xF218;
	[sflag:s0] =	ssyncpa.u1 $0x0  }
0x1a7: {  	[tilespmem:s3], [sflag:$0x5] =	stream.linear.gather [spmem:s2], $0x20, $0x38;
	[tilespmem:$0x1F6F8] =	vst v63  }
0x1a8: {  	s26 =	simm.s32 $0x0;
	s28 =	simm.s32 $0xF238  }
0x1a9: {  	[tilespmem:s28], [sflag:$0x5] =	stream.linear.gather [spmem:s26], $0x1000, $0x38;
	[tilespmem:$0x1F6F8] =	vst v63  }
0x1aa: {  	_ =	swait.ge [sflag:s0], $0x1020  }
0x1ab: {  	[sflag:s0] =	ssyncset.done $0x0  }
0x1ac: {  	s29 =	simm.s32 $0x0;
	[sflag:s0] =	ssyncadd.s32 $0xFFFFEFE0  }
0x1ad: {  	v0 =	vld.msk [tilespmem:s29+$0xF218], $0x1;
	_ =	sdelay $0x1  }
0x1ae: {  	s30 =	simm.s32 $0x1  }
0x1af: {  	v1 =	vld.msk [tilespmem:s30+$0xF218], $0x1;
	_ =	sdelay $0x1  }
0x1b0: {  	(v2sf) =	vpush v0, $0x0;
	_ =	sdelay $0x2  }
0x1b1: {  	(v2sf) =	vpush v1, $0x0;
	_ =	sdelay $0x2  }
0x1b2: {  	s31 =	simm.s32 $0x2  }
0x1b3: {  	v0 =	vld.msk [tilespmem:s31+$0xF218], $0x1;
	_ =	sdelay $0x2  }
0x1b4: {  	s4 =	simm.s32 $0xFFFFFFFF;
	s5 =	simm.s32 $0xFFFFFFFF;
	s0 =	simm.s32 $0xC  }
.LBB3_24:
0x1b5: {  	s2 =	smov.u32 s5;
	s3 =	smov.u32 s4  }
0x1b6: {  	s4 =	sshra.s32 s0, $0x2;
	p1 =	sne.s32 s0, $0x7C;
	s0 =	sadd.s32 $0x4, s0;
	(v2sf) =	vpush v0, $0x0  }
0x1b7: {  	v0 =	vld.msk [tilespmem:s4+$0xF218], $0x1  }
.Ltmp26:
0x1b8: {  	(pc) =	sbr.rel @p1 .LBB3_24-.Ltmp26, $4  }
0x1b9: {  	s5 =	spop (v2sf)  }
0x1ba: {  	p2 =	sne.s32 s3, $0xFFFFFFFF;
	s4 =	smov.u32 s5  }
0x1bb: {  	p3 =	seq.s32 s5, $0xFFFFFFFF;
	s4 =	smov.u32 @p2 s3  }
0x1bc: {  	s5 =	smov.u32 @p3 s2;
	s4 =	smov.u32 @p3 s3  }
0x1bd: {  	(v2sf) =	vpush v0, $0x0;
	_ =	sdelay $0x8  }
0x1be: {  	s0 =	spop (v2sf)  }
0x1bf: {  	p1 =	sne.s32 s4, $0xFFFFFFFF;
	s2 =	smov.u32 s0  }
0x1c0: {  	s9 =	simm.s32 $0x6;
	p2 =	seq.s32 s0, $0xFFFFFFFF;
	s2 =	smov.u32 @p1 s4  }
0x1c1: {  	s6 =	simm.s32 $0x0;
	s2 =	smov.u32 @p2 s4;
	s3 =	spop (v2sf)  }
0x1c2: {  	s0 =	smov.u32 @p2 s5;
	p1 =	sne.s32 s2, $0xFFFFFFFF;
	s4 =	smov.u32 s3  }
.Ltmp27:
0x1c3: {  	p2 =	seq.s32 s3, $0xFFFFFFFF;
	s4 =	smov.u32 @p1 s2;
	(pc) =	sbr.rel .LBB3_26-.Ltmp27, $4  }
0x1c4: {  	s10 =	simm.s32 $0xF188;
	s4 =	smov.u32 @p2 s2;
	s7 =	spop (v2sf)  }
0x1c5: {  	s11 =	simm.s32 $0x0;
	p1 =	sne.s32 s4, $0xFFFFFFFF;
	s8 =	smov.u32 s7  }
0x1c6: {  	s3 =	smov.u32 @p2 s0;
	p2 =	seq.s32 s7, $0xFFFFFFFF;
	s8 =	smov.u32 @p1 s4  }
0x1c7: {  	[sflag:s9] =	ssyncpa.u1 $0x0;
	s7 =	smov.u32 @p2 s3;
	s8 =	smov.u32 @p2 s4  }
.LBB3_32:
0x1c8: {  	p1 =	sgt.u32 s12, $0x270F0  }
0x1c9: {  	p2 =	seq.s32 @!p1 s12, s8  }
0x1ca: {  	p1 =	por p1, p2  }
0x1cb: {  	p2 =	sne.s32 @!p1 s12, s7  }
0x1cc: {  	p1 =	por p1, !p2  }
0x1cd: {  	s0 =	sshll.u32 @p1 s11, $0x9  }
0x1ce: {  	s0 =	sand.u32 @!p1 $0x3FFF8, s12  }
0x1cf: {  	s2 =	sand.u32 @!p1 $0x7, s12;
	s0 =	sadd.s32 @!p1 s1, s0  }
0x1d0: {  	[tilespmem:s10], [sflag:$0x6] =	stream.linear.gather @!p1 [hbm4b:s0+s2], $0x80, $0x38;
	[tilespmem:$0x1F6F8] =	vst v63  }
0x1d1: {  	_ =	swait.ge @!p1 [sflag:s9], $0x80  }
0x1d2: {  	[sflag:s9] =	ssyncset.done @!p1 $0x0  }
0x1d3: {  	[sflag:s9] =	ssyncadd.s32 @!p1 $0xFFFFFF80  }
0x1d4: {  	v1 =	vld @!p1 [tilespmem:$0xF188];
	_ =	sdelay $0x2  }
0x1d5: {  	s0 =	sshll.u32 @!p1 s11, $0x9  }
0x1d6: {  	s2 =	sshrl.u32 @!p1 s0, $0x2  }
0x1d7: {  	[tilespmem:s2+$0xF238] =	vst.add.f32.msk @!p1 $0xffff, v1  }
0x1d8: {  	v1 =	vld @!p1 [tilespmem:$0xF198];
	_ =	sdelay $0x4  }
0x1d9: {  	[tilespmem:s2+$0xF248] =	vst.add.f32.msk @!p1 $0xffff, v1  }
0x1da: {  	v1 =	vld @!p1 [tilespmem:$0xF1A8];
	_ =	sdelay $0x4  }
0x1db: {  	[tilespmem:s2+$0xF258] =	vst.add.f32.msk @!p1 $0xffff, v1  }
0x1dc: {  	v1 =	vld @!p1 [tilespmem:$0xF1B8];
	_ =	sdelay $0x4  }
0x1dd: {  	[tilespmem:s2+$0xF268] =	vst.add.f32.msk @!p1 $0xffff, v1  }
0x1de: {  	v1 =	vld @!p1 [tilespmem:$0xF1C8];
	_ =	sdelay $0x4  }
0x1df: {  	[tilespmem:s2+$0xF278] =	vst.add.f32.msk @!p1 $0xffff, v1  }
0x1e0: {  	v1 =	vld @!p1 [tilespmem:$0xF1D8];
	_ =	sdelay $0x4  }
0x1e1: {  	[tilespmem:s2+$0xF288] =	vst.add.f32.msk @!p1 $0xffff, v1  }
0x1e2: {  	v1 =	vld @!p1 [tilespmem:$0xF1E8];
	_ =	sdelay $0x4  }
0x1e3: {  	[tilespmem:s2+$0xF298] =	vst.add.f32.msk @!p1 $0xffff, v1  }
0x1e4: {  	v1 =	vld @!p1 [tilespmem:$0xF1F8];
	_ =	sdelay $0x4  }
0x1e5: {  	[tilespmem:s2+$0xF2A8] =	vst.add.f32.msk @!p1 $0xffff, v1  }
0x1e6: {  	s0 =	sshrl.u32 s0, $0x2;
	[tilespmem:s6+$0xF218] =	vst.msk $0x1, v0  }
0x1e7: {  	v0 =	vld [tilespmem:s0+$0xF238];
	_ =	sdelay $0x2  }
0x1e8: {  	s31 =	sshll.u32 s6, $0x9  }
0x1e9: {  	s2 =	sshra.s32 s31, $0x2  }
0x1ea: {  	[tilespmem:s2+$0xF238] =	vst v0  }
0x1eb: {  	v0 =	vld [tilespmem:s0+$0xF248];
	_ =	sdelay $0x4  }
0x1ec: {  	[tilespmem:s2+$0xF248] =	vst v0  }
0x1ed: {  	v0 =	vld [tilespmem:s0+$0xF258];
	_ =	sdelay $0x4  }
0x1ee: {  	[tilespmem:s2+$0xF258] =	vst v0  }
0x1ef: {  	v0 =	vld [tilespmem:s0+$0xF268];
	_ =	sdelay $0x4  }
0x1f0: {  	[tilespmem:s2+$0xF268] =	vst v0  }
0x1f1: {  	v0 =	vld [tilespmem:s0+$0xF278];
	_ =	sdelay $0x4  }
0x1f2: {  	[tilespmem:s2+$0xF278] =	vst v0  }
0x1f3: {  	v0 =	vld [tilespmem:s0+$0xF288];
	_ =	sdelay $0x4  }
0x1f4: {  	[tilespmem:s2+$0xF288] =	vst v0  }
0x1f5: {  	v0 =	vld [tilespmem:s0+$0xF298];
	_ =	sdelay $0x4  }
0x1f6: {  	[tilespmem:s2+$0xF298] =	vst v0  }
0x1f7: {  	v0 =	vld [tilespmem:s0+$0xF2A8];
	_ =	sdelay $0x4  }
0x1f8: {  	s6 =	sadd.s32 $0x1, s6;
	[tilespmem:s2+$0xF2A8] =	vst v0  }
.LBB3_33:
0x1f9: {  	s11 =	sadd.s32 $0x1, s11  }
0x1fa: {  	p1 =	sne.s32 s11, $0x20  }
.Ltmp28:
0x1fb: {  	_ = 	snop;
	(pc) =	sbr.rel @!p1 .LBB3_34-.Ltmp28, $1  }
0x1fc: {  	_ =	sdelay $0x3  }
.LBB3_26:
0x1fd: {  	v0 =	vld.msk [tilespmem:s11+$0xF218], $0x1;
	_ =	sdelay $0x4  }
0x1fe: {  	(v2sf) =	vpush v0, $0x0;
	_ =	sdelay $0xe  }
0x1ff: {  	s12 =	spop (v2sf)  }
0x200: {  	p1 =	seq.s32 s12, $0xFFFFFFFF  }
.Ltmp29:
0x201: {  	_ = 	snop;
	(pc) =	sbr.rel @p1 .LBB3_33-.Ltmp29, $1  }
0x202: {  	_ =	sdelay $0x3  }
0x203: {  	p1 =	slt.s32 s6, $0x1  }
.Ltmp30:
0x204: {  	_ = 	snop;
	(pc) =	sbr.rel @p1 .LBB3_32-.Ltmp30, $1  }
0x205: {  	_ =	sdelay $0x3  }
0x206: {  	s13 =	simm.s32 $0xF218;
	p1 =	por $0x0, $0x0  }
0x207: {  	v1 =	vld.msk @!p1 [tilespmem:s13+$0x0], $0x1;
	_ =	sdelay $0x4  }
0x208: {  	(v2sf) =	vpush @!p1 v1, $0x0;
	_ =	sdelay $0xd  }
0x209: {  	p3 =	sne.s32 s6, $0x1  }
.Ltmp31:
0x20a: {  	s0 =	spop @!p1 (v2sf);
	(pc) =	sbr.rel @!p3 .LBB3_30-.Ltmp31, $4  }
0x20b: {  	p2 =	seq.s32 @!p1 s12, s0  }
0x20c: {  	s14 =	simm.s32 $0x0;
	p2 =	por !p2, p1  }
0x20d: {  	s2 =	simm.s32 $0xFFFFFFFF;
	s14 =	simm.s32 @p2 $0xFFFFFFFF  }
0x20e: {  	s0 =	simm.s32 $0x1;
	s14 =	smov.u32 @p1 s2  }
.LBB3_29:
0x20f: {  	s2 =	smov.u32 s14;
	p1 =	sne.s32 s14, $0xFFFFFFFF  }
0x210: {  	s13 =	sadd.s32 $0x1, s13;
	s14 =	smov.u32 s0;
	s0 =	sadd.s32 $0x1, s0  }
0x211: {  	p2 =	sne.s32 s6, s0;
	v1 =	vld.msk @!p1 [tilespmem:s13+$0x0], $0x1;
	_ =	sdelay $0x4  }
0x212: {  	(v2sf) =	vpush @!p1 v1, $0x0;
	_ =	sdelay $0xe  }
.Ltmp32:
0x213: {  	s3 =	spop @!p1 (v2sf);
	(pc) =	sbr.rel @p2 .LBB3_29-.Ltmp32, $4  }
0x214: {  	p3 =	seq.s32 @!p1 s12, s3  }
0x215: {  	p3 =	por !p3, p1  }
0x216: {  	s14 =	simm.s32 @p3 $0xFFFFFFFF  }
0x217: {  	s14 =	smov.u32 @p1 s2  }
.LBB3_30:
0x218: {  	p1 =	seq.s32 s14, $0xFFFFFFFF  }
.Ltmp33:
0x219: {  	_ = 	snop;
	(pc) =	sbr.rel @p1 .LBB3_32-.Ltmp33, $1  }
0x21a: {  	_ =	sdelay $0x3  }
0x21b: {  	s0 =	sshll.u32 s11, $0x7  }
0x21c: {  	s0 =	sand.u32 $0x3FFFFF80, s0  }
0x21d: {  	v0 =	vld [tilespmem:s0+$0xF238];
	_ =	sdelay $0x2  }
0x21e: {  	s2 =	sshll.u32 s14, $0x9  }
0x21f: {  	s2 =	sshra.s32 s2, $0x2  }
0x220: {  	[tilespmem:s2+$0xF238] =	vst.add.f32.msk $0xffff, v0  }
0x221: {  	v0 =	vld [tilespmem:s0+$0xF248];
	_ =	sdelay $0x4  }
0x222: {  	[tilespmem:s2+$0xF248] =	vst.add.f32.msk $0xffff, v0  }
0x223: {  	v0 =	vld [tilespmem:s0+$0xF258];
	_ =	sdelay $0x4  }
0x224: {  	[tilespmem:s2+$0xF258] =	vst.add.f32.msk $0xffff, v0  }
0x225: {  	v0 =	vld [tilespmem:s0+$0xF268];
	_ =	sdelay $0x4  }
0x226: {  	[tilespmem:s2+$0xF268] =	vst.add.f32.msk $0xffff, v0  }
0x227: {  	v0 =	vld [tilespmem:s0+$0xF278];
	_ =	sdelay $0x4  }
0x228: {  	[tilespmem:s2+$0xF278] =	vst.add.f32.msk $0xffff, v0  }
0x229: {  	v0 =	vld [tilespmem:s0+$0xF288];
	_ =	sdelay $0x4  }
0x22a: {  	[tilespmem:s2+$0xF288] =	vst.add.f32.msk $0xffff, v0  }
0x22b: {  	v0 =	vld [tilespmem:s0+$0xF298];
	_ =	sdelay $0x4  }
0x22c: {  	[tilespmem:s2+$0xF298] =	vst.add.f32.msk $0xffff, v0  }
0x22d: {  	v0 =	vld [tilespmem:s0+$0xF2A8]  }
.Ltmp34:
0x22e: {  	_ = 	snop;
	(pc) =	sbr.rel .LBB3_33-.Ltmp34, $2  }
0x22f: {  	_ =	sdelay $0x2  }
0x230: {  	[tilespmem:s2+$0xF2A8] =	vst.add.f32.msk $0xffff, v0  }
.LBB3_34:
0x231: {  	s0 =	simm.s32 $0x6;
	p1 =	seq.s32 s6, $0x0  }
0x232: {  	[sflag:s0] =	ssyncpa.u1 $0x1;
	v0 =	vimm.s32 @p1 $0xFFFFFFFF  }
0x233: {  	s9 =	sadd.s32 $0xFFFFFFFF, s6;
	[tilespmem:$0x10238] =	vst @p1 v0  }
0x234: {  	v0 =	vld.msk @!p1 [tilespmem:s9+$0xF218], $0x1;
	_ =	sdelay $0x1  }
0x235: {  	v1 =	vld.msk @!p1 [tilespmem:$0xF218], $0x1;
	_ =	sdelay $0x2  }
0x236: {  	p2 =	seq.s32 @!p1 s9, $0x0;
	v0 =	vbroadcast @!p1 v0, $0x0  }
0x237: {  	vm0 =	vmmov @!p1 $0x1;
	p2 =	por !p2, p1  }
0x238: {  	v1 =	vnsel @!p1 vm0, $0xFFFFFFFF, v1;
	vm0 =	vcmask @!p1 $0x308;
	v0 =	vpsel !p2, $0xFFFFFFFF, v0  }
0x239: {  	p2 =	sne.s32 @!p1 s8, s7;
	v0 =	vsel @!p1 vm0, v1, v0  }
0x23a: {  	s0 =	simm.s32 @!p1 $0xF238;
	s2 =	simm.s32 @!p1 $0x0;
	p3 =	por !p2, p1;
	[tilespmem:$0x10238] =	vst @!p1 v0  }
0x23b: {  	[spmem:s2] =	stream.linear.scatter @!p1 [tilespmem:s0], [sflag:$0x1], $0x80, $0x38;
	[tilespmem:$0x1F6F8] =	vst v63  }
0x23c: {  	s0 =	sshll.u32 @!p3 s9, $0x9  }
0x23d: {  	s0 =	sshra.s32 @!p3 s0, $0x2  }
0x23e: {  	s2 =	simm.s32 @!p3 $0x80;
	s0 =	sadd.s32 @!p3 $0xF238, s0  }
0x23f: {  	[spmem:s2] =	stream.linear.scatter @!p3 [tilespmem:s0], [sflag:$0x1], $0x80, $0x38;
	[tilespmem:$0x1F6F8] =	vst v63  }
0x240: {  	s0 =	simm.s32 @!p3 $0x1  }
0x241: {  	_ =	swait.ge @!p3 [sflag:s0], $0x100  }
0x242: {  	p1 =	por p2, p1;
	[sflag:s0] =	ssyncset.done @!p3 $0x0  }
0x243: {  	[sflag:s0] =	ssyncadd.s32 @!p3 $0xFFFFFF00;
	s0 =	simm.s32 @!p1 $0x1  }
0x244: {  	_ =	swait.ge @!p1 [sflag:s0], $0x80  }
0x245: {  	s29 =	simm.s32 $0x10238;
	[sflag:s0] =	ssyncset.done @!p1 $0x0  }
0x246: {  	s30 =	simm.s32 $0x1000;
	s31 =	simm.s32 $0x1;
	[sflag:s0] =	ssyncadd.s32 @!p1 $0xFFFFFF80  }
0x247: {  	[spmem:s30] =	stream.linear.scatter [tilespmem:s29], [sflag:$0x1], $0x10, $0x38;
	[tilespmem:$0x1F6F8] =	vst v63  }
0x248: {  	_ =	swait.ge [sflag:s31], $0x10  }
0x249: {  	[sflag:s31] =	ssyncset.done $0x0  }
0x24a: {  	p1 =	seq.s32 s15, $0x0;
	s8 =	rddreg [dreg:$0x1];
	[sflag:s31] =	ssyncadd.s32 $0xFFFFFFF0  }
0x24b: {  	s2 =	sshll.u32 @p1 s8, $0xE;
	s7 =	rddreg [dreg:$0x2]  }
0x24c: {  	s0 =	sadd.s32 @p1 $0x15C3C, s2;
	s2 =	sshll.u32 @p1 s7, $0x11  }
0x24d: {  	_ =	sfence.stream.spmem;
	s0 =	sor.u32 @p1 s2, s0  }
0x24e: {  	[sflag:s0] =	ssyncadd.remote.s32 @p1 $0x1;
	s0 =	simm.s32 @p1 $0x4  }
0x24f: {  	s3 =	simm.s32 @!p1 $0x3C;
	s2 =	sand.u32 $0xFFFFFFFE, s8;
	_ =	swait.ge @p1 [sflag:s0], $0x22  }
0x250: {  	s4 =	simm.s32 @!p1 $0x0;
	s2 =	sadd.s32 @!p1 $0x4, s2;
	[sflag:s0] =	ssyncset.done @p1 $0x0  }
0x251: {  	s5 =	simm.s32 @!p1 $0x100;
	[sflag:s0] =	ssyncadd.s32 @p1 $0xFFFFFFDE;
	s0 =	sshll.u32 @!p1 s2, $0x1A  }
0x252: {  	s2 =	sshll.u32 @!p1 s2, $0xD;
	s0 =	sor.u32 @!p1 s0, s7;
	_ =	swait.eq @!p1 [sflag:s3], $0x1  }
0x253: {  	s2 =	sor.u32 @!p1 $0x1C04, s2;
	s3 =	simm.s32 @!p1 $0x1C03;
	s0 =	sor.u32 @!p1 $0x80004000, s0  }
0x254: {  	[spmem:s5], [sflag:s2] =	dma.general @!p1 [spmem:s4], [sflag:s3], length:$0x20, [dreg:$0x0], stride_count:$0x0, ici_dest:s0, dma_misc:DstOpCode:WRITE  }
0x255: {  	p2 =	slt.s32 s9, $0x2;
	s4 =	simm.s32 @!p1 $0x200;
	s5 =	simm.s32 @!p1 $0x202  }
0x256: {  	[spmem:s5], [sflag:s2] =	dma.general @!p1 [spmem:s4], [sflag:s3], length:$0x2, [dreg:$0x0], stride_count:$0x0, ici_dest:s0, dma_misc:DstOpCode:WRITE  }
.Ltmp35:
0x257: {  	s0 =	simm.s32 @!p1 $0x3;
	(pc) =	sbr.rel @p2 .LBB3_38-.Ltmp35, $4  }
0x258: {  	s2 =	sshll.u32 @!p1 s8, $0xE;
	_ =	swait.ge @!p1 [sflag:s0], $0x22  }
0x259: {  	s3 =	sshll.u32 @!p1 s7, $0x11;
	s2 =	sadd.s32 @!p1 $0x11C3C, s2;
	[sflag:s0] =	ssyncset.done @!p1 $0x0  }
0x25a: {  	[sflag:s0] =	ssyncadd.s32 @!p1 $0xFFFFFFDE;
	s0 =	sor.u32 @!p1 s3, s2  }
0x25b: {  	[sflag:s0] =	ssyncadd.remote.s32 @!p1 $0xFFFFFFFF;
	s0 =	simm.s32 $0x0  }
0x25c: {  	s0 =	simm.s32 $0xF219  }
0x25d: {  	v0 =	vld.msk [tilespmem:s0+$0x0], $0x1;
	_ =	sdelay $0x4  }
0x25e: {  	(v2sf) =	vpush v0, $0x0;
	_ =	sdelay $0xb  }
0x25f: {  	s31 =	sadd.s32 $0xFFFFFFFE, s6  }
0x260: {  	s0 =	sadd.s32 $0xFFFFFFFF, s31  }
0x261: {  	p2 =	sne.s32 s0, $0x0  }
.Ltmp36:
0x262: {  	s2 =	spop (v2sf);
	(pc) =	sbr.rel @!p2 .LBB3_37-.Ltmp36, $4  }
0x263: {  	s4 =	simm.s32 $0xF2B8;
	s7 =	simm.s32 $0x0;
	p1 =	sgt.u32 s2, $0x270F0  }
0x264: {  	s5 =	simm.s32 $0x0;
	s6 =	simm.s32 $0xF21A;
	s3 =	sand.u32 @!p1 $0x3FFF8, s2  }
0x265: {  	s2 =	sand.u32 @!p1 $0x7, s2;
	s7 =	simm.s32 @!p1 $0x200;
	s3 =	sadd.s32 @!p1 s1, s3  }
0x266: {  	[hbm4b:s3+s2] =	stream.linear.scatter @!p1 [tilespmem:s4], [sflag:$0x5], $0x80, $0x38;
	[tilespmem:$0x1F6F8] =	vst v63  }
.LBB3_36:
0x267: {  	v0 =	vld.msk [tilespmem:s6+$0x0], $0x1;
	s0 =	sadd.s32 $0xFFFFFFFF, s0;
	s5 =	sadd.s32 s5, s7  }
0x268: {  	p1 =	sne.s32 s0, $0x0;
	_ =	sdelay $0x3  }
0x269: {  	(v2sf) =	vpush v0, $0x0;
	_ =	sdelay $0xe  }
.Ltmp37:
0x26a: {  	s2 =	spop (v2sf);
	(pc) =	sbr.rel @p1 .LBB3_36-.Ltmp37, $4  }
0x26b: {  	s7 =	simm.s32 $0x0;
	p2 =	sgt.u32 s2, $0x270F0  }
0x26c: {  	s4 =	sadd.s32 $0x80, s4;
	s7 =	simm.s32 @!p2 $0x200;
	s3 =	sand.u32 @!p2 $0x3FFF8, s2  }
0x26d: {  	s6 =	sadd.s32 $0x1, s6;
	s2 =	sand.u32 @!p2 $0x7, s2;
	s3 =	sadd.s32 @!p2 s1, s3  }
0x26e: {  	[hbm4b:s3+s2] =	stream.linear.scatter @!p2 [tilespmem:s4], [sflag:$0x5], $0x80, $0x38;
	[tilespmem:$0x1F6F8] =	vst v63  }
.LBB3_37:
0x26f: {  	s0 =	sadd.s32 s5, s7  }
0x270: {  	s0 =	sshrl.u32 s0, $0x2  }
.LBB3_38:
0x271: {  	s2 =	simm.s32 $0x5  }
0x272: {  	_ =	swait.ge [sflag:s2], s0  }
0x273: {  	s31 =	ssub.s32 $0x0, s0;
	[sflag:s2] =	ssyncset.done $0x0  }
0x274: {  	[sflag:s2] =	ssyncadd.s32 s31  }
0x275: {  	[sflag:s2] =	ssyncpa.u1 $0x1  }
.LBB3_39:
0x276: {  	s0 =	sor.u32 s15, s16  }
0x277: {  	p1 =	sne.s32 s0, $0x0  }
.Ltmp38:
0x278: {  	_ = 	snop;
	(pc) =	sbr.rel @p1 .LBB3_54-.Ltmp38, $3  }
0x279: {  	_ =	sdelay $0x1  }
0x27a: {  	[bflag:$0x0] =	sbarrier.arrive $0xFFFF  }
0x27b: {  	_ =	sfence  }
0x27c: {  	s0 =	simm.s32 $0x7  }
0x27d: {  	s2 =	simm.s32 $0x1000;
	s3 =	simm.s32 $0xF218;
	[sflag:s0] =	ssyncpa.u1 $0x0  }
0x27e: {  	[tilespmem:s3], [sflag:$0x7] =	stream.linear.gather [spmem:s2], $0x20, $0x38;
	[tilespmem:$0x1F6F8] =	vst v63  }
0x27f: {  	s30 =	simm.s32 $0xF238;
	s2 =	simm.s32 $0x0  }
0x280: {  	[tilespmem:s30], [sflag:$0x7] =	stream.linear.gather [spmem:s2], $0x1000, $0x38;
	[tilespmem:$0x1F6F8] =	vst v63  }
.Ltmp39:
0x281: {  	_ = 	snop;
	(pc) =	sbr.rel .LBB3_41-.Ltmp39, $4  }
0x282: {  	_ =	swait.ge [sflag:s0], $0x1020  }
0x283: {  	[sflag:s0] =	ssyncset.done $0x0  }
0x284: {  	s31 =	simm.s32 $0x8;
	[sflag:s0] =	ssyncadd.s32 $0xFFFFEFE0  }
0x285: {  	s3 =	simm.s32 $0x0;
	[sflag:s31] =	ssyncpa.u1 $0x0  }
.LBB3_47:
0x286: {  	p1 =	slt.u32 s4, $0x270F1  }
0x287: {  	s0 =	sand.u32 @p1 $0x3FFF8, s4  }
0x288: {  	s4 =	sand.u32 @p1 $0x7, s4;
	s5 =	simm.s32 @p1 $0xF188;
	s0 =	sadd.s32 @p1 s1, s0  }
0x289: {  	[tilespmem:s5], [sflag:$0x8] =	stream.linear.gather @p1 [hbm4b:s0+s4], $0x80, $0x38;
	[tilespmem:$0x1F6F8] =	vst v63  }
0x28a: {  	s0 =	simm.s32 @p1 $0x8  }
0x28b: {  	_ =	swait.ge @p1 [sflag:s0], $0x80  }
0x28c: {  	[sflag:s0] =	ssyncset.done @p1 $0x0  }
0x28d: {  	[sflag:s0] =	ssyncadd.s32 @p1 $0xFFFFFF80  }
0x28e: {  	v1 =	vld @p1 [tilespmem:$0xF188];
	_ =	sdelay $0x2  }
0x28f: {  	s0 =	sshll.u32 @p1 s3, $0x9  }
0x290: {  	s4 =	sshrl.u32 @p1 s0, $0x2  }
0x291: {  	[tilespmem:s4+$0xF238] =	vst.add.f32.msk @p1 $0xffff, v1  }
0x292: {  	v1 =	vld @p1 [tilespmem:$0xF198];
	_ =	sdelay $0x4  }
0x293: {  	[tilespmem:s4+$0xF248] =	vst.add.f32.msk @p1 $0xffff, v1  }
0x294: {  	v1 =	vld @p1 [tilespmem:$0xF1A8];
	_ =	sdelay $0x4  }
0x295: {  	[tilespmem:s4+$0xF258] =	vst.add.f32.msk @p1 $0xffff, v1  }
0x296: {  	v1 =	vld @p1 [tilespmem:$0xF1B8];
	_ =	sdelay $0x4  }
0x297: {  	[tilespmem:s4+$0xF268] =	vst.add.f32.msk @p1 $0xffff, v1  }
0x298: {  	v1 =	vld @p1 [tilespmem:$0xF1C8];
	_ =	sdelay $0x4  }
0x299: {  	[tilespmem:s4+$0xF278] =	vst.add.f32.msk @p1 $0xffff, v1  }
0x29a: {  	v1 =	vld @p1 [tilespmem:$0xF1D8];
	_ =	sdelay $0x4  }
0x29b: {  	[tilespmem:s4+$0xF288] =	vst.add.f32.msk @p1 $0xffff, v1  }
0x29c: {  	v1 =	vld @p1 [tilespmem:$0xF1E8];
	_ =	sdelay $0x4  }
0x29d: {  	[tilespmem:s4+$0xF298] =	vst.add.f32.msk @p1 $0xffff, v1  }
0x29e: {  	v1 =	vld @p1 [tilespmem:$0xF1F8];
	_ =	sdelay $0x3  }
0x29f: {  	s5 =	sshll.u32 @!p1 s3, $0x9  }
0x2a0: {  	s5 =	smov.u32 @p1 s0;
	[tilespmem:s4+$0xF2A8] =	vst.add.f32.msk @p1 $0xffff, v1  }
0x2a1: {  	s0 =	sshrl.u32 s5, $0x2;
	[tilespmem:s2+$0xF218] =	vst.msk $0x1, v0  }
0x2a2: {  	v0 =	vld [tilespmem:s0+$0xF238];
	_ =	sdelay $0x2  }
0x2a3: {  	s31 =	sshll.u32 s2, $0x9  }
0x2a4: {  	s4 =	sshra.s32 s31, $0x2  }
0x2a5: {  	[tilespmem:s4+$0xF238] =	vst v0  }
0x2a6: {  	v0 =	vld [tilespmem:s0+$0xF248];
	_ =	sdelay $0x4  }
0x2a7: {  	[tilespmem:s4+$0xF248] =	vst v0  }
0x2a8: {  	v0 =	vld [tilespmem:s0+$0xF258];
	_ =	sdelay $0x4  }
0x2a9: {  	[tilespmem:s4+$0xF258] =	vst v0  }
0x2aa: {  	v0 =	vld [tilespmem:s0+$0xF268];
	_ =	sdelay $0x4  }
0x2ab: {  	[tilespmem:s4+$0xF268] =	vst v0  }
0x2ac: {  	v0 =	vld [tilespmem:s0+$0xF278];
	_ =	sdelay $0x4  }
0x2ad: {  	[tilespmem:s4+$0xF278] =	vst v0  }
0x2ae: {  	v0 =	vld [tilespmem:s0+$0xF288];
	_ =	sdelay $0x4  }
0x2af: {  	[tilespmem:s4+$0xF288] =	vst v0  }
0x2b0: {  	v0 =	vld [tilespmem:s0+$0xF298];
	_ =	sdelay $0x4  }
0x2b1: {  	[tilespmem:s4+$0xF298] =	vst v0  }
0x2b2: {  	v0 =	vld [tilespmem:s0+$0xF2A8];
	_ =	sdelay $0x4  }
0x2b3: {  	s2 =	sadd.s32 $0x1, s2;
	[tilespmem:s4+$0xF2A8] =	vst v0  }
.LBB3_48:
0x2b4: {  	s3 =	sadd.s32 $0x1, s3  }
0x2b5: {  	p1 =	sne.s32 s3, $0x20  }
.Ltmp40:
0x2b6: {  	_ = 	snop;
	(pc) =	sbr.rel @!p1 .LBB3_49-.Ltmp40, $1  }
0x2b7: {  	_ =	sdelay $0x3  }
.LBB3_41:
0x2b8: {  	v0 =	vld.msk [tilespmem:s3+$0xF218], $0x1;
	_ =	sdelay $0x4  }
0x2b9: {  	(v2sf) =	vpush v0, $0x0;
	_ =	sdelay $0xe  }
0x2ba: {  	s4 =	spop (v2sf)  }
0x2bb: {  	p1 =	seq.s32 s4, $0xFFFFFFFF  }
.Ltmp41:
0x2bc: {  	_ = 	snop;
	(pc) =	sbr.rel @p1 .LBB3_48-.Ltmp41, $1  }
0x2bd: {  	_ =	sdelay $0x3  }
0x2be: {  	p1 =	slt.s32 s2, $0x1  }
.Ltmp42:
0x2bf: {  	_ = 	snop;
	(pc) =	sbr.rel @p1 .LBB3_47-.Ltmp42, $1  }
0x2c0: {  	_ =	sdelay $0x3  }
0x2c1: {  	s5 =	simm.s32 $0xF218;
	p1 =	por $0x0, $0x0  }
0x2c2: {  	v1 =	vld.msk @!p1 [tilespmem:s5+$0x0], $0x1;
	_ =	sdelay $0x4  }
0x2c3: {  	(v2sf) =	vpush @!p1 v1, $0x0;
	_ =	sdelay $0xd  }
0x2c4: {  	p3 =	sne.s32 s2, $0x1  }
.Ltmp43:
0x2c5: {  	s0 =	spop @!p1 (v2sf);
	(pc) =	sbr.rel @!p3 .LBB3_45-.Ltmp43, $4  }
0x2c6: {  	p2 =	seq.s32 @!p1 s4, s0  }
0x2c7: {  	s6 =	simm.s32 $0x0;
	p2 =	por !p2, p1  }
0x2c8: {  	s7 =	simm.s32 $0xFFFFFFFF;
	s6 =	simm.s32 @p2 $0xFFFFFFFF  }
0x2c9: {  	s0 =	simm.s32 $0x1;
	s6 =	smov.u32 @p1 s7  }
.LBB3_44:
0x2ca: {  	s7 =	smov.u32 s6;
	p1 =	sne.s32 s6, $0xFFFFFFFF  }
0x2cb: {  	s5 =	sadd.s32 $0x1, s5;
	s6 =	smov.u32 s0;
	s0 =	sadd.s32 $0x1, s0  }
0x2cc: {  	p2 =	sne.s32 s2, s0;
	v1 =	vld.msk @!p1 [tilespmem:s5+$0x0], $0x1;
	_ =	sdelay $0x4  }
0x2cd: {  	(v2sf) =	vpush @!p1 v1, $0x0;
	_ =	sdelay $0xe  }
.Ltmp44:
0x2ce: {  	s8 =	spop @!p1 (v2sf);
	(pc) =	sbr.rel @p2 .LBB3_44-.Ltmp44, $4  }
0x2cf: {  	p3 =	seq.s32 @!p1 s4, s8  }
0x2d0: {  	p3 =	por !p3, p1  }
0x2d1: {  	s6 =	simm.s32 @p3 $0xFFFFFFFF  }
0x2d2: {  	s6 =	smov.u32 @p1 s7  }
.LBB3_45:
0x2d3: {  	p1 =	seq.s32 s6, $0xFFFFFFFF  }
.Ltmp45:
0x2d4: {  	_ = 	snop;
	(pc) =	sbr.rel @p1 .LBB3_47-.Ltmp45, $1  }
0x2d5: {  	_ =	sdelay $0x3  }
0x2d6: {  	s0 =	sshll.u32 s3, $0x7  }
0x2d7: {  	s0 =	sand.u32 $0x3FFFFF80, s0  }
0x2d8: {  	v0 =	vld [tilespmem:s0+$0xF238];
	_ =	sdelay $0x2  }
0x2d9: {  	s4 =	sshll.u32 s6, $0x9  }
0x2da: {  	s4 =	sshra.s32 s4, $0x2  }
0x2db: {  	[tilespmem:s4+$0xF238] =	vst.add.f32.msk $0xffff, v0  }
0x2dc: {  	v0 =	vld [tilespmem:s0+$0xF248];
	_ =	sdelay $0x4  }
0x2dd: {  	[tilespmem:s4+$0xF248] =	vst.add.f32.msk $0xffff, v0  }
0x2de: {  	v0 =	vld [tilespmem:s0+$0xF258];
	_ =	sdelay $0x4  }
0x2df: {  	[tilespmem:s4+$0xF258] =	vst.add.f32.msk $0xffff, v0  }
0x2e0: {  	v0 =	vld [tilespmem:s0+$0xF268];
	_ =	sdelay $0x4  }
0x2e1: {  	[tilespmem:s4+$0xF268] =	vst.add.f32.msk $0xffff, v0  }
0x2e2: {  	v0 =	vld [tilespmem:s0+$0xF278];
	_ =	sdelay $0x4  }
0x2e3: {  	[tilespmem:s4+$0xF278] =	vst.add.f32.msk $0xffff, v0  }
0x2e4: {  	v0 =	vld [tilespmem:s0+$0xF288];
	_ =	sdelay $0x4  }
0x2e5: {  	[tilespmem:s4+$0xF288] =	vst.add.f32.msk $0xffff, v0  }
0x2e6: {  	v0 =	vld [tilespmem:s0+$0xF298];
	_ =	sdelay $0x4  }
0x2e7: {  	[tilespmem:s4+$0xF298] =	vst.add.f32.msk $0xffff, v0  }
0x2e8: {  	v0 =	vld [tilespmem:s0+$0xF2A8]  }
.Ltmp46:
0x2e9: {  	_ = 	snop;
	(pc) =	sbr.rel .LBB3_48-.Ltmp46, $2  }
0x2ea: {  	_ =	sdelay $0x2  }
0x2eb: {  	[tilespmem:s4+$0xF2A8] =	vst.add.f32.msk $0xffff, v0  }
.LBB3_49:
0x2ec: {  	p1 =	slt.s32 s2, $0x1  }
.Ltmp47:
0x2ed: {  	_ = 	snop;
	(pc) =	sbr.rel @p1 .LBB3_53-.Ltmp47, $3  }
0x2ee: {  	_ =	sdelay $0x1  }
0x2ef: {  	s0 =	simm.s32 $0x8  }
0x2f0: {  	s3 =	simm.s32 $0x0;
	[sflag:s0] =	ssyncpa.u1 $0x1  }
0x2f1: {  	s0 =	simm.s32 $0xF218  }
0x2f2: {  	v0 =	vld.msk [tilespmem:s0+$0x0], $0x1;
	_ =	sdelay $0x4  }
0x2f3: {  	(v2sf) =	vpush v0, $0x0;
	_ =	sdelay $0xe  }
0x2f4: {  	s0 =	sadd.s32 $0xFFFFFFFF, s2;
	s5 =	spop (v2sf)  }
0x2f5: {  	p2 =	sne.s32 s0, $0x0;
	p1 =	sgt.u32 s5, $0x270F0  }
.Ltmp48:
0x2f6: {  	s6 =	sand.u32 @!p1 $0x3FFF8, s5;
	(pc) =	sbr.rel @!p2 .LBB3_52-.Ltmp48, $4  }
0x2f7: {  	s4 =	simm.s32 $0xF238;
	s5 =	sand.u32 @!p1 $0x7, s5;
	s2 =	sadd.s32 @!p1 s1, s6  }
0x2f8: {  	[hbm4b:s2+s5] =	stream.linear.scatter @!p1 [tilespmem:s4], [sflag:$0x7], $0x80, $0x38;
	[tilespmem:$0x1F6F8] =	vst v63  }
0x2f9: {  	s5 =	simm.s32 $0x0  }
0x2fa: {  	s2 =	simm.s32 $0xF219;
	s5 =	simm.s32 @!p1 $0x200  }
.LBB3_51:
0x2fb: {  	v0 =	vld.msk [tilespmem:s2+$0x0], $0x1;
	s0 =	sadd.s32 $0xFFFFFFFF, s0;
	s3 =	sadd.s32 s3, s5  }
0x2fc: {  	p1 =	sne.s32 s0, $0x0;
	_ =	sdelay $0x3  }
0x2fd: {  	(v2sf) =	vpush v0, $0x0;
	_ =	sdelay $0xe  }
.Ltmp49:
0x2fe: {  	s6 =	spop (v2sf);
	(pc) =	sbr.rel @p1 .LBB3_51-.Ltmp49, $4  }
0x2ff: {  	s5 =	simm.s32 $0x0;
	p2 =	sgt.u32 s6, $0x270F0  }
0x300: {  	s4 =	sadd.s32 $0x80, s4;
	s5 =	simm.s32 @!p2 $0x200;
	s7 =	sand.u32 @!p2 $0x3FFF8, s6  }
0x301: {  	s2 =	sadd.s32 $0x1, s2;
	s6 =	sand.u32 @!p2 $0x7, s6;
	s7 =	sadd.s32 @!p2 s1, s7  }
0x302: {  	[hbm4b:s7+s6] =	stream.linear.scatter @!p2 [tilespmem:s4], [sflag:$0x7], $0x80, $0x38;
	[tilespmem:$0x1F6F8] =	vst v63  }
.LBB3_52:
0x303: {  	s0 =	sadd.s32 s3, s5  }
0x304: {  	s3 =	sshrl.u32 s0, $0x2  }
.LBB3_53:
0x305: {  	s0 =	simm.s32 $0x7  }
0x306: {  	_ =	swait.ge [sflag:s0], s3  }
0x307: {  	s1 =	ssub.s32 $0x0, s3;
	[sflag:s0] =	ssyncset.done $0x0  }
0x308: {  	[sflag:s0] =	ssyncadd.s32 s1  }
0x309: {  	[sflag:s0] =	ssyncpa.u1 $0x1  }
.LBB3_54:
0x30a: {  	_ =	sfence;
	s0 =	simm.s32 $0x1  }
0x30b: {  	[sflag:s0] =	ssyncpa.u1 $0x1  }
0x30c: {  	_ =	strace $0x90000050  }
0x30d: {  	[bflag:$0x2] =	sbarrier.arrive $0xFFFF  }
0x30e: {  	s0 =	rddreg [dreg:$0x3]  }
0x30f: {  	s0 =	sadd.s32 @!p0 $0x100000, s0  }
0x310: {  	[sflag:s0] =	ssyncadd.tile.s32 @!p0 $0x1;
	_ =	shalt  }
.Lfunc_end3:
_tile_overlayer_lowered:
.L_overlay_start_3:
0x311: {  	(tag) =	ssettag $0x3  }
0x312: {  	s0 =	rddreg [dreg:$0x0];
	s2 =	stileid.u32  }
0x313: {  	s1 =	rddreg [dreg:$0x1];
	p0 =	sne.s32 s2, $0x0  }
0x314: {  	s3 =	rddreg [dreg:$0x2];
	[bflag:$0x3] =	sbarrier.arrive $0xFFFF;
	s2 =	simm.s32 @!p0 $0x1C01  }
0x315: {  	[timem:s3], [sflag:s2] =	dma.local @!p0 [hbm:s0], s1  }
0x316: {  	s0 =	simm.s32 @!p0 $0x1  }
0x317: {  	_ =	swait.ge @!p0 [sflag:s0], s1  }
0x318: {  	s1 =	ssub.s32 @!p0 $0x0, s1;
	[sflag:s0] =	ssyncset.done @!p0 $0x0  }
0x319: {  	[sflag:s0] =	ssyncadd.s32 @!p0 s1  }
0x31a: {  	[bflag:$0x3] =	sbarrier.arrive $0xFFFF  }
0x31b: {  	_ =	shalt  }

</sc_bundles>
